<compile_context>
chip_gen: v7x
topology: tpu7x:2x2x1
jax: 0.10.2.dev20260603
libtpu: 0.0.44.dev20260713+nightly
codegen_flags: <defaults>
</compile_context>

<pallas_src>
import jax
import jax.numpy as jnp
from jax import lax
from jax.experimental import pallas as pl
from jax.experimental.pallas import tpu as pltpu
from jax.experimental.pallas import tpu_sc as plsc

N = 10000
E = 320000
D = 128
NC = 2
NS = 16
NW = NC * NS
CHUNK = 128
NCH = 80
EPT = NCH * CHUNK
EPAD = NW * EPT
NPAD = 10240
ZROWS = NPAD // NS


_MESH = plsc.VectorSubcoreMesh(core_axis_name="c", subcore_axis_name="s")


def _zero_fill(buf, width):
  z16 = jnp.zeros((16,), jnp.float32)

  def zrow(i, _):
    for k in range(width // 16):
      buf[i, pl.ds(k * 16, 16)] = z16
    return 0

  lax.fori_loop(0, CHUNK, zrow, 0)


def _unpack(pk, sidx, didx, j, t):
  m = jnp.full((16,), 0xFFFF, jnp.int32)
  for k in range(CHUNK // 16):
    v = pk[j, pl.ds(k * 16, 16)]
    sidx[t, pl.ds(k * 16, 16)] = v & m
    didx[t, pl.ds(k * 16, 16)] = lax.shift_right_logical(v, 16)


def _zero_acc(src_rows, acc, s):
  _zero_fill(src_rows, D)
  for k in range(ZROWS // CHUNK):
    pltpu.sync_copy(src_rows, acc.at[pl.ds(s * ZROWS + k * CHUNK, CHUNK)])
  plsc.subcore_barrier()


def _spmm_body(pk_h, x_h, s_out, pk, sidx, didx, rows0, rows1, acc, gsem, ssem):
  c = lax.axis_index("c")
  s = lax.axis_index("s")
  tid = c * NS + s

  pltpu.sync_copy(pk_h.at[tid], pk)
  _zero_acc(rows0, acc, s)

  _unpack(pk, sidx, didx, 0, 0)
  pltpu.async_copy(x_h.at[sidx.at[0]], rows0, gsem)
  bufs = (rows0, rows1)

  def pair(g, _):
    for t in range(2):
      j = 2 * g + t
      rb = bufs[t]
      ob = bufs[1 - t]
      pltpu.make_async_copy(x_h.at[sidx.at[t]], rb, gsem).wait()

      @pl.when(j >= 1)
      def _wait_prev():
        pltpu.make_async_copy(ob, acc.at[didx.at[1 - t]], ssem).wait()

      pltpu.async_copy(rb, acc.at[didx.at[t]], ssem, add=True)

      @pl.when(j + 1 < NCH)
      def _next_gather():
        _unpack(pk, sidx, didx, j + 1, 1 - t)
        pltpu.async_copy(x_h.at[sidx.at[1 - t]], ob, gsem)
    return 0

  lax.fori_loop(0, NCH // 2, pair, 0)
  pltpu.make_async_copy(rows1, acc.at[didx.at[1]], ssem).wait()
  plsc.subcore_barrier()

  pltpu.sync_copy(acc.at[pl.ds(s * ZROWS, ZROWS)],
                  s_out.at[c, pl.ds(s * ZROWS, ZROWS)])


_spmm = pl.kernel(
    _spmm_body, mesh=_MESH,
    out_type=[jax.ShapeDtypeStruct((NC, NPAD, D), jnp.float32)],
    scratch_types=[
        pltpu.VMEM((NCH, CHUNK), jnp.int32),
        pltpu.VMEM((2, CHUNK), jnp.int32),
        pltpu.VMEM((2, CHUNK), jnp.int32),
        pltpu.VMEM((CHUNK, D), jnp.float32),
        pltpu.VMEM((CHUNK, D), jnp.float32),
        pltpu.VMEM_SHARED((NPAD, D), jnp.float32),
        pltpu.SemaphoreType.DMA,
        pltpu.SemaphoreType.DMA,
    ])


def _unpack_d(pk, didx, j, t):
  for k in range(CHUNK // 16):
    v = pk[j, pl.ds(k * 16, 16)]
    didx[t, pl.ds(k * 16, 16)] = lax.shift_right_logical(v, 16)


ECH = E // CHUNK


def _l0_body(pk_h, x_h, ea_h, s_out, ea_out,
             pk, sidx, didx, eb0, eb1, rows0, rows1, acc, gsem, ssem):
  c = lax.axis_index("c")
  s = lax.axis_index("s")
  tid = c * NS + s

  pltpu.sync_copy(pk_h.at[tid], pk)

  _zero_acc(rows0, acc, s)
  _zero_fill(rows1, D)
  one0 = jnp.where(lax.iota(jnp.int32, 16) == 0,
                   jnp.float32(1), jnp.float32(0))

  def fill_tail(i, _):
    rows0[i, pl.ds(16, 16)] = one0
    rows1[i, pl.ds(16, 16)] = one0
    return 0

  lax.fori_loop(0, CHUNK, fill_tail, 0)

  nj = jnp.minimum(ECH - tid * NCH, NCH)
  _unpack_d(pk, didx, 0, 0)
  pltpu.async_copy(ea_h.at[tid * NCH], eb0, gsem)
  ebufs = (eb0, eb1)
  rbufs = (rows0, rows1)

  def ea_pair(g, _):
    for t in range(2):
      j = 2 * g + t
      eb = ebufs[t]
      rb = rbufs[t]
      pltpu.make_async_copy(ea_h.at[tid * NCH + j], eb, gsem).wait()

      @pl.when(j >= 2)
      def _wait_prev():
        pltpu.make_async_copy(rb, acc.at[didx.at[t]], ssem).wait()

      @pl.when(j + 1 < nj)
      def _next_load():
        pltpu.async_copy(ea_h.at[tid * NCH + j + 1], ebufs[1 - t], gsem)

      _unpack_d(pk, didx, j, t)

      def expand(r, _):
        for q in range(8):
          rb[r * 8 + q, pl.ds(0, 16)] = eb[r, pl.ds(q * 16, 16)]
        return 0

      lax.fori_loop(0, 16, expand, 0)
      pltpu.async_copy(rb, acc.at[didx.at[t]], ssem, add=True)
    return 0

  lax.fori_loop(0, nj // 2, ea_pair, 0)
  pltpu.make_async_copy(rows0, acc.at[didx.at[0]], ssem).wait()
  pltpu.make_async_copy(rows1, acc.at[didx.at[1]], ssem).wait()
  plsc.subcore_barrier()
  pltpu.sync_copy(acc.at[pl.ds(s * ZROWS, ZROWS)],
                  ea_out.at[c, pl.ds(s * ZROWS, ZROWS)])

  _zero_acc(rows0, acc, s)
  _unpack(pk, sidx, didx, 0, 0)
  pltpu.async_copy(x_h.at[sidx.at[0]], rows0, gsem)

  def pair(g, _):
    for t in range(2):
      j = 2 * g + t
      rb = rbufs[t]
      ob = rbufs[1 - t]
      pltpu.make_async_copy(x_h.at[sidx.at[t]], rb, gsem).wait()

      @pl.when(j >= 1)
      def _wait_prev():
        pltpu.make_async_copy(ob, acc.at[didx.at[1 - t]], ssem).wait()

      pltpu.async_copy(rb, acc.at[didx.at[t]], ssem, add=True)

      @pl.when(j + 1 < NCH)
      def _next_gather():
        _unpack(pk, sidx, didx, j + 1, 1 - t)
        pltpu.async_copy(x_h.at[sidx.at[1 - t]], ob, gsem)
    return 0

  lax.fori_loop(0, NCH // 2, pair, 0)
  pltpu.make_async_copy(rows1, acc.at[didx.at[1]], ssem).wait()
  plsc.subcore_barrier()
  pltpu.sync_copy(acc.at[pl.ds(s * ZROWS, ZROWS)],
                  s_out.at[c, pl.ds(s * ZROWS, ZROWS)])


_spmm_l0 = pl.kernel(
    _l0_body, mesh=_MESH,
    out_type=[jax.ShapeDtypeStruct((NC, NPAD, D), jnp.float32),
              jax.ShapeDtypeStruct((NC, NPAD, D), jnp.float32)],
    scratch_types=[
        pltpu.VMEM((NCH, CHUNK), jnp.int32),
        pltpu.VMEM((2, CHUNK), jnp.int32),
        pltpu.VMEM((2, CHUNK), jnp.int32),
        pltpu.VMEM((16, CHUNK), jnp.float32),
        pltpu.VMEM((16, CHUNK), jnp.float32),
        pltpu.VMEM((CHUNK, D), jnp.float32),
        pltpu.VMEM((CHUNK, D), jnp.float32),
        pltpu.VMEM_SHARED((NPAD, D), jnp.float32),
        pltpu.SemaphoreType.DMA,
        pltpu.SemaphoreType.DMA,
    ])


_BLK = 1000
_GRID = N // _BLK


def _dense_mid_body(h, s0, s1, e0, e1, wm, bm, wu, bu, out):
  sp = s0[0] + s1[0]
  eas = e0[0] + e1[0]
  agg = (jnp.dot(sp, wm[:D, :], preferred_element_type=jnp.float32)
         + jnp.dot(eas[:, :16], wm[D:, :], preferred_element_type=jnp.float32)
         + eas[:, 16:17] * bm[...])
  upd = (jnp.dot(h[...], wu[:D, :], preferred_element_type=jnp.float32)
         + jnp.dot(agg, wu[D:, :], preferred_element_type=jnp.float32)
         + bu[...])
  out[...] = jnp.maximum(upd, 0.0)


def _dense_final_body(h, s0, s1, e0, e1, wm, bm, wu, bu, wp1, bp1, wp2, bp2,
                      z_out, gr_out, accum):
  i = pl.program_id(0)

  @pl.when(i == 0)
  def _init():
    accum[...] = jnp.zeros_like(accum)

  sp = s0[0] + s1[0]
  eas = e0[0] + e1[0]
  agg = (jnp.dot(sp, wm[:D, :], preferred_element_type=jnp.float32)
         + jnp.dot(eas[:, :16], wm[D:, :], preferred_element_type=jnp.float32)
         + eas[:, 16:17] * bm[...])
  upd = (jnp.dot(h[...], wu[:D, :], preferred_element_type=jnp.float32)
         + jnp.dot(agg, wu[D:, :], preferred_element_type=jnp.float32)
         + bu[...])
  hb = jnp.maximum(upd, 0.0)
  accum[...] += jnp.sum(hb, axis=0, keepdims=True)

  @pl.when(i == _GRID - 1)
  def _readout():
    gr = accum[...] * (1.0 / N)
    gr_out[...] = gr
    t = jnp.maximum(
        jnp.dot(gr, wp1[...], preferred_element_type=jnp.float32) + bp1[...],
        0.0)
    z_out[...] = jnp.dot(t, wp2[...], preferred_element_type=jnp.float32) + bp2[...]


def _row_spec(width):
  return pl.BlockSpec((_BLK, width), lambda i: (i, 0))


def _full_spec(shape):
  return pl.BlockSpec(shape, lambda i: tuple(0 for _ in shape))


def _dense_mid(h, s_parts, ea_parts, wm, bm, wu, bu):
  return pl.pallas_call(
      _dense_mid_body,
      grid=(_GRID,),
      in_specs=[
          _row_spec(D),
          pl.BlockSpec((1, _BLK, D), lambda i: (0, i, 0)),
          pl.BlockSpec((1, _BLK, D), lambda i: (1, i, 0)),
          pl.BlockSpec((1, _BLK, D), lambda i: (0, i, 0)),
          pl.BlockSpec((1, _BLK, D), lambda i: (1, i, 0)),
          _full_spec((D + 16, D)),
          _full_spec((1, D)),
          _full_spec((2 * D, D)),
          _full_spec((1, D)),
      ],
      out_specs=_row_spec(D),
      out_shape=jax.ShapeDtypeStruct((N, D), jnp.float32),
  )(h, s_parts, s_parts, ea_parts, ea_parts, wm, bm, wu, bu)


def _dense_final(h, s_parts, ea_parts, wm, bm, wu, bu, wp1, bp1, wp2, bp2):
  return pl.pallas_call(
      _dense_final_body,
      grid=(_GRID,),
      in_specs=[
          _row_spec(D),
          pl.BlockSpec((1, _BLK, D), lambda i: (0, i, 0)),
          pl.BlockSpec((1, _BLK, D), lambda i: (1, i, 0)),
          pl.BlockSpec((1, _BLK, D), lambda i: (0, i, 0)),
          pl.BlockSpec((1, _BLK, D), lambda i: (1, i, 0)),
          _full_spec((D + 16, D)),
          _full_spec((1, D)),
          _full_spec((2 * D, D)),
          _full_spec((1, D)),
          _full_spec((D, D)),
          _full_spec((1, D)),
          _full_spec((D, D)),
          _full_spec((1, D)),
      ],
      out_specs=[_full_spec((1, D)), _full_spec((1, D))],
      out_shape=[jax.ShapeDtypeStruct((1, D), jnp.float32),
                 jax.ShapeDtypeStruct((1, D), jnp.float32)],
      scratch_shapes=[pltpu.VMEM((1, D), jnp.float32)],
  )(h, s_parts, s_parts, ea_parts, ea_parts, wm, bm, wu, bu,
    wp1, bp1, wp2, bp2)


def kernel(x, edge_index, edge_attr,
           W_msg0, b_msg0, W_upd0, b_upd0,
           W_msg1, b_msg1, W_upd1, b_upd1,
           W_msg2, b_msg2, W_upd2, b_upd2,
           W_p1, b_p1, W_p2, b_p2):
  src = edge_index[0].astype(jnp.int32)
  dst = edge_index[1].astype(jnp.int32)
  pad = EPAD - E
  ar = lax.iota(jnp.int32, pad)
  src_p = jnp.concatenate([src, ar % N])
  dst_p = jnp.concatenate([dst, N + ar % (NPAD - N)])
  packed3 = (src_p | (dst_p << 16)).reshape(NW, NCH, CHUNK)
  ea3 = edge_attr.reshape(ECH, 16, CHUNK)

  bm0 = b_msg0.reshape(1, D); bu0 = b_upd0.reshape(1, D)
  bm1 = b_msg1.reshape(1, D); bu1 = b_upd1.reshape(1, D)
  bm2 = b_msg2.reshape(1, D); bu2 = b_upd2.reshape(1, D)
  bp1 = b_p1.reshape(1, D); bp2 = b_p2.reshape(1, D)

  s_parts, ea_parts = _spmm_l0(packed3, x, ea3)
  h = _dense_mid(x, s_parts, ea_parts, W_msg0, bm0, W_upd0, bu0)
  (s_parts2,) = _spmm(packed3, h)
  h = _dense_mid(h, s_parts2, ea_parts, W_msg1, bm1, W_upd1, bu1)
  (s_parts3,) = _spmm(packed3, h)
  z, gr = _dense_final(h, s_parts3, ea_parts, W_msg2, bm2, W_upd2, bu2,
                       W_p1, bp1, W_p2, bp2)
  return (z.reshape(D), gr.reshape(D))

# --- scband reference (transcript-rebuilt; emitter-appended) ---
"""Pipeline reference for scband-log-trace-guard-90091234001461 (READ-ONLY COPY).

The authoritative reference and input builder live on the scoring server;
editing this copy changes nothing except your own understanding.
"""

import jax, jax.numpy as jnp
import numpy as np

N = 10000
E = 320000
D = 128
ED = 16
H = 128
NUM_LAYERS = 3


def setup_inputs(seed: int = 0) -> dict:
    key = jax.random.key(seed)
    ks = jax.random.split(key, 16)
    inp = {}
    inp['x'] = jax.random.normal(ks[0], (N, D), dtype=jnp.float32)
    inp['edge_index'] = jax.random.randint(ks[1], (2, E), 0, N, dtype=jnp.int64)
    inp['edge_attr'] = jax.random.normal(ks[2], (E, ED), dtype=jnp.float32)
    ki = 3
    for i in range(NUM_LAYERS):
        in_dim = D if i == 0 else H
        inp[f'W_msg{i}'] = jax.random.normal(ks[ki], (in_dim + ED, H), dtype=jnp.float32) * 0.05; ki += 1
        inp[f'b_msg{i}'] = jnp.zeros((H,), dtype=jnp.float32)
        inp[f'W_upd{i}'] = jax.random.normal(ks[ki], (in_dim + H, H), dtype=jnp.float32) * 0.05; ki += 1
        inp[f'b_upd{i}'] = jnp.zeros((H,), dtype=jnp.float32)
    inp['W_p1'] = jax.random.normal(ks[ki], (H, H), dtype=jnp.float32) * 0.05; ki += 1
    inp['b_p1'] = jnp.zeros((H,), dtype=jnp.float32)
    inp['W_p2'] = jax.random.normal(ks[ki], (H, H), dtype=jnp.float32) * 0.05; ki += 1
    inp['b_p2'] = jnp.zeros((H,), dtype=jnp.float32)
    return inp


def _gnn_layer(x, edge_index, edge_attr, W_msg, b_msg, W_upd, b_upd):
    src = edge_index[0]
    dst = edge_index[1]
    # gather source node features, concat edge features, message MLP
    m_in = jnp.concatenate([jnp.take(x, src, axis=0), edge_attr], axis=1)
    m = m_in @ W_msg + b_msg
    # scatter-add aggregation to destination nodes
    agg = jax.ops.segment_sum(m, dst, num_segments=N)
    # node update (dropout is identity in eval mode)
    h = jnp.concatenate([x, agg], axis=1) @ W_upd + b_upd
    return h


def reference(x, edge_index, edge_attr,
              W_msg0, b_msg0, W_upd0, b_upd0,
              W_msg1, b_msg1, W_upd1, b_upd1,
              W_msg2, b_msg2, W_upd2, b_upd2,
              W_p1, b_p1, W_p2, b_p2):
    layer_params = [
        (W_msg0, b_msg0, W_upd0, b_upd0),
        (W_msg1, b_msg1, W_upd1, b_upd1),
        (W_msg2, b_msg2, W_upd2, b_upd2),
    ]
    h = x
    for (Wm, bm, Wu, bu) in layer_params:
        h = _gnn_layer(h, edge_index, edge_attr, Wm, bm, Wu, bu)
        h = jax.nn.relu(h)
    graph_repr = jnp.mean(h, axis=0)
    z = jax.nn.relu(graph_repr @ W_p1 + b_p1) @ W_p2 + b_p2
    return (z, graph_repr)

if __name__ == "__main__":
    import jax
    _d = setup_inputs()
    print(jax.jit(kernel)(*tuple(_d.values())))

</pallas_src>

<mosaic_0001>
#map = affine_map<(d0, d1) -> (0, 0, 0)>
#map1 = affine_map<(d0, d1) -> (0, 0)>
module attributes {stable_mosaic.version = 14 : i64} {
  func.func @_spmm_body(%arg0: i32, %arg1: i32, %arg2: memref<32x80x128xi32, #tpu.memory_space<hbm>>, %arg3: memref<10000x128xf32, #tpu.memory_space<hbm>>, %arg4: memref<2x10240x128xf32, #tpu.memory_space<hbm>>, %arg5: memref<80x128xi32, #tpu.memory_space<vmem>>, %arg6: memref<2x128xi32, #tpu.memory_space<vmem>>, %arg7: memref<2x128xi32, #tpu.memory_space<vmem>>, %arg8: memref<128x128xf32, #tpu.memory_space<vmem>>, %arg9: memref<128x128xf32, #tpu.memory_space<vmem>>, %arg10: memref<10240x128xf32, #tpu.memory_space<vmem_shared>>, %arg11: memref<!tpu.dma_semaphore, #tpu.memory_space<semaphore_mem>>, %arg12: memref<!tpu.dma_semaphore, #tpu.memory_space<semaphore_mem>>) attributes {dimension_semantics = [#tpu.dimension_semantics<core_parallel>, #tpu.dimension_semantics<subcore_parallel>], iteration_bounds = array<i64: 2, 16>, scalar_prefetch = 0 : i64, scratch_operands = 8 : i64, tpu.core_type = #tpu.core_type<sc_vector_subcore>, window_params = [{transform_indices = #map}, {transform_indices = #map1}, {transform_indices = #map}]} {
    %mul3A = arith.constant 16 : i32
    %mul3A_0 = arith.muli %arg0, %mul3A : i32
    %add3A = arith.addi %mul3A_0, %arg1 : i32
    "tpu.region"() ({
      %run_scoped3A = tpu.sem_alloc : memref<!tpu.dma_semaphore, #tpu.memory_space<semaphore_mem>>
      %dma_start3A_218 = arith.constant 0 : i32
      %dma_start3A_219 = arith.constant 0 : i32
      %dma_start3A_220 = tpu.memref_slice %arg2[%add3A, %dma_start3A_218, %dma_start3A_219] : memref<32x80x128xi32, #tpu.memory_space<hbm>> -> memref<1x80x128xi32, #tpu.memory_space<hbm>>
      %dma_start3A_221 = tpu.memref_squeeze %dma_start3A_220 : memref<1x80x128xi32, #tpu.memory_space<hbm>> -> memref<80x128xi32, #tpu.memory_space<hbm>>
      %dma_start3A_222 = arith.constant 0 : i32
      %dma_start3A_223 = arith.constant 0 : i32
      %dma_start3A_224 = tpu.memref_slice %arg2[%add3A, %dma_start3A_222, %dma_start3A_223] : memref<32x80x128xi32, #tpu.memory_space<hbm>> -> memref<1x80x128xi32, #tpu.memory_space<hbm>>
      %dma_start3A_225 = tpu.memref_squeeze %dma_start3A_224 : memref<1x80x128xi32, #tpu.memory_space<hbm>> -> memref<80x128xi32, #tpu.memory_space<hbm>>
      tpu.enqueue_dma source(%dma_start3A_225 : memref<80x128xi32, #tpu.memory_space<hbm>>) target(%arg5 : memref<80x128xi32, #tpu.memory_space<vmem>>) target_semaphore(%run_scoped3A : memref<!tpu.dma_semaphore, #tpu.memory_space<semaphore_mem>>)
      %dma_wait3A_226 = arith.constant 0 : i32
      %dma_wait3A_227 = arith.constant 0 : i32
      %dma_wait3A_228 = tpu.memref_slice %arg2[%add3A, %dma_wait3A_226, %dma_wait3A_227] : memref<32x80x128xi32, #tpu.memory_space<hbm>> -> memref<1x80x128xi32, #tpu.memory_space<hbm>>
      %dma_wait3A_229 = tpu.memref_squeeze %dma_wait3A_228 : memref<1x80x128xi32, #tpu.memory_space<hbm>> -> memref<80x128xi32, #tpu.memory_space<hbm>>
      %dma_wait3A_230 = arith.constant 0 : i32
      %dma_wait3A_231 = arith.constant 0 : i32
      %dma_wait3A_232 = tpu.memref_slice %arg2[%add3A, %dma_wait3A_230, %dma_wait3A_231] : memref<32x80x128xi32, #tpu.memory_space<hbm>> -> memref<1x80x128xi32, #tpu.memory_space<hbm>>
      %dma_wait3A_233 = tpu.memref_squeeze %dma_wait3A_232 : memref<1x80x128xi32, #tpu.memory_space<hbm>> -> memref<80x128xi32, #tpu.memory_space<hbm>>
      tpu.wait_dma2 semaphore(%run_scoped3A : memref<!tpu.dma_semaphore, #tpu.memory_space<semaphore_mem>>) src(%dma_wait3A_233 : memref<80x128xi32, #tpu.memory_space<hbm>>) dst(%arg5 : memref<80x128xi32, #tpu.memory_space<vmem>>)
      tpu.yield
    }) : () -> ()
    %broadcast_in_dim3A = arith.constant 0.000000e+00 : f32
    %broadcast_in_dim3A_1 = vector.broadcast %broadcast_in_dim3A : f32 to vector<16xf32>
    %scan3A = arith.constant 0 : i32
    %scan3A_2 = arith.constant 0 : i32
    %scan3A_3 = arith.constant 128 : i32
    %scan3A_4 = arith.addi %scan3A_2, %scan3A_3 : i32
    %scan3A_5 = arith.constant 1 : i32
    %scan3A_6 = scf.for %scan3A_218 = %scan3A_2 to %scan3A_4 step %scan3A_5 iter_args(%scan3A_219 = %scan3A) -> (i32)  : i32 {
      %swap3A_220 = arith.index_cast %scan3A_218 : i32 to index
      %swap3A_221 = arith.constant 0 : index
      %swap3A_222 = tpu.vector_load %arg8[%swap3A_220, %swap3A_221] {strides = array<i32>} : memref<128x128xf32, #tpu.memory_space<vmem>>, vector<1x16xf32>,
      %swap3A_223 = vector.shape_cast %swap3A_222 : vector<1x16xf32> to vector<16xf32>
      %swap3A_224 = vector.shape_cast %broadcast_in_dim3A_1 : vector<16xf32> to vector<1x16xf32>
      tpu.vector_store %arg8[%swap3A_220, %swap3A_221], %swap3A_224 {strides = array<i32>} : memref<128x128xf32, #tpu.memory_space<vmem>>, vector<1x16xf32>,
      %swap3A_225 = arith.index_cast %scan3A_218 : i32 to index
      %swap3A_226 = arith.constant 16 : index
      %swap3A_227 = tpu.vector_load %arg8[%swap3A_225, %swap3A_226] {strides = array<i32>} : memref<128x128xf32, #tpu.memory_space<vmem>>, vector<1x16xf32>,
      %swap3A_228 = vector.shape_cast %swap3A_227 : vector<1x16xf32> to vector<16xf32>
      %swap3A_229 = vector.shape_cast %broadcast_in_dim3A_1 : vector<16xf32> to vector<1x16xf32>
      tpu.vector_store %arg8[%swap3A_225, %swap3A_226], %swap3A_229 {strides = array<i32>} : memref<128x128xf32, #tpu.memory_space<vmem>>, vector<1x16xf32>,
      %swap3A_230 = arith.index_cast %scan3A_218 : i32 to index
      %swap3A_231 = arith.constant 32 : index
      %swap3A_232 = tpu.vector_load %arg8[%swap3A_230, %swap3A_231] {strides = array<i32>} : memref<128x128xf32, #tpu.memory_space<vmem>>, vector<1x16xf32>,
      %swap3A_233 = vector.shape_cast %swap3A_232 : vector<1x16xf32> to vector<16xf32>
      %swap3A_234 = vector.shape_cast %broadcast_in_dim3A_1 : vector<16xf32> to vector<1x16xf32>
      tpu.vector_store %arg8[%swap3A_230, %swap3A_231], %swap3A_234 {strides = array<i32>} : memref<128x128xf32, #tpu.memory_space<vmem>>, vector<1x16xf32>,
      %swap3A_235 = arith.index_cast %scan3A_218 : i32 to index
      %swap3A_236 = arith.constant 48 : index
      %swap3A_237 = tpu.vector_load %arg8[%swap3A_235, %swap3A_236] {strides = array<i32>} : memref<128x128xf32, #tpu.memory_space<vmem>>, vector<1x16xf32>,
      %swap3A_238 = vector.shape_cast %swap3A_237 : vector<1x16xf32> to vector<16xf32>
      %swap3A_239 = vector.shape_cast %broadcast_in_dim3A_1 : vector<16xf32> to vector<1x16xf32>
      tpu.vector_store %arg8[%swap3A_235, %swap3A_236], %swap3A_239 {strides = array<i32>} : memref<128x128xf32, #tpu.memory_space<vmem>>, vector<1x16xf32>,
      %swap3A_240 = arith.index_cast %scan3A_218 : i32 to index
      %swap3A_241 = arith.constant 64 : index
      %swap3A_242 = tpu.vector_load %arg8[%swap3A_240, %swap3A_241] {strides = array<i32>} : memref<128x128xf32, #tpu.memory_space<vmem>>, vector<1x16xf32>,
      %swap3A_243 = vector.shape_cast %swap3A_242 : vector<1x16xf32> to vector<16xf32>
      %swap3A_244 = vector.shape_cast %broadcast_in_dim3A_1 : vector<16xf32> to vector<1x16xf32>
      tpu.vector_store %arg8[%swap3A_240, %swap3A_241], %swap3A_244 {strides = array<i32>} : memref<128x128xf32, #tpu.memory_space<vmem>>, vector<1x16xf32>,
      %swap3A_245 = arith.index_cast %scan3A_218 : i32 to index
      %swap3A_246 = arith.constant 80 : index
      %swap3A_247 = tpu.vector_load %arg8[%swap3A_245, %swap3A_246] {strides = array<i32>} : memref<128x128xf32, #tpu.memory_space<vmem>>, vector<1x16xf32>,
      %swap3A_248 = vector.shape_cast %swap3A_247 : vector<1x16xf32> to vector<16xf32>
      %swap3A_249 = vector.shape_cast %broadcast_in_dim3A_1 : vector<16xf32> to vector<1x16xf32>
      tpu.vector_store %arg8[%swap3A_245, %swap3A_246], %swap3A_249 {strides = array<i32>} : memref<128x128xf32, #tpu.memory_space<vmem>>, vector<1x16xf32>,
      %swap3A_250 = arith.index_cast %scan3A_218 : i32 to index
      %swap3A_251 = arith.constant 96 : index
      %swap3A_252 = tpu.vector_load %arg8[%swap3A_250, %swap3A_251] {strides = array<i32>} : memref<128x128xf32, #tpu.memory_space<vmem>>, vector<1x16xf32>,
      %swap3A_253 = vector.shape_cast %swap3A_252 : vector<1x16xf32> to vector<16xf32>
      %swap3A_254 = vector.shape_cast %broadcast_in_dim3A_1 : vector<16xf32> to vector<1x16xf32>
      tpu.vector_store %arg8[%swap3A_250, %swap3A_251], %swap3A_254 {strides = array<i32>} : memref<128x128xf32, #tpu.memory_space<vmem>>, vector<1x16xf32>,
      %swap3A_255 = arith.index_cast %scan3A_218 : i32 to index
      %swap3A_256 = arith.constant 112 : index
      %swap3A_257 = tpu.vector_load %arg8[%swap3A_255, %swap3A_256] {strides = array<i32>} : memref<128x128xf32, #tpu.memory_space<vmem>>, vector<1x16xf32>,
      %swap3A_258 = vector.shape_cast %swap3A_257 : vector<1x16xf32> to vector<16xf32>
      %swap3A_259 = vector.shape_cast %broadcast_in_dim3A_1 : vector<16xf32> to vector<1x16xf32>
      tpu.vector_store %arg8[%swap3A_255, %swap3A_256], %swap3A_259 {strides = array<i32>} : memref<128x128xf32, #tpu.memory_space<vmem>>, vector<1x16xf32>,
      %scan3A_260 = arith.constant 0 : i32
      scf.yield %scan3A_260 : i32
    }
    %scan3A_7 = arith.constant 128 : i32
    %mul3A_8 = arith.constant 640 : i32
    %mul3A_9 = arith.muli %arg1, %mul3A_8 : i32
    %add3A_10 = arith.constant 0 : i32
    %add3A_11 = arith.addi %mul3A_9, %add3A_10 : i32
    "tpu.region"() ({
      %run_scoped3A = tpu.sem_alloc : memref<!tpu.dma_semaphore, #tpu.memory_space<semaphore_mem>>
      %dma_start3A_218 = arith.constant 0 : i32
      %dma_start3A_219 = tpu.memref_slice %arg10[%add3A_11, %dma_start3A_218] : memref<10240x128xf32, #tpu.memory_space<vmem_shared>> -> memref<128x128xf32, #tpu.memory_space<vmem_shared>>
      %dma_start3A_220 = arith.constant 0 : i32
      %dma_start3A_221 = tpu.memref_slice %arg10[%add3A_11, %dma_start3A_220] : memref<10240x128xf32, #tpu.memory_space<vmem_shared>> -> memref<128x128xf32, #tpu.memory_space<vmem_shared>>
      tpu.enqueue_dma source(%arg8 : memref<128x128xf32, #tpu.memory_space<vmem>>) target(%dma_start3A_221 : memref<128x128xf32, #tpu.memory_space<vmem_shared>>) target_semaphore(%run_scoped3A : memref<!tpu.dma_semaphore, #tpu.memory_space<semaphore_mem>>)
      %dma_wait3A_222 = arith.constant 0 : i32
      %dma_wait3A_223 = tpu.memref_slice %arg10[%add3A_11, %dma_wait3A_222] : memref<10240x128xf32, #tpu.memory_space<vmem_shared>> -> memref<128x128xf32, #tpu.memory_space<vmem_shared>>
      %dma_wait3A_224 = arith.constant 0 : i32
      %dma_wait3A_225 = tpu.memref_slice %arg10[%add3A_11, %dma_wait3A_224] : memref<10240x128xf32, #tpu.memory_space<vmem_shared>> -> memref<128x128xf32, #tpu.memory_space<vmem_shared>>
      tpu.wait_dma2 semaphore(%run_scoped3A : memref<!tpu.dma_semaphore, #tpu.memory_space<semaphore_mem>>) src(%arg8 : memref<128x128xf32, #tpu.memory_space<vmem>>) dst(%dma_wait3A_225 : memref<128x128xf32, #tpu.memory_space<vmem_shared>>)
      tpu.yield
    }) : () -> ()
    %mul3A_12 = arith.constant 640 : i32
    %mul3A_13 = arith.muli %arg1, %mul3A_12 : i32
    %add3A_14 = arith.constant 128 : i32
    %add3A_15 = arith.addi %mul3A_13, %add3A_14 : i32
    "tpu.region"() ({
      %run_scoped3A = tpu.sem_alloc : memref<!tpu.dma_semaphore, #tpu.memory_space<semaphore_mem>>
      %dma_start3A_218 = arith.constant 0 : i32
      %dma_start3A_219 = tpu.memref_slice %arg10[%add3A_15, %dma_start3A_218] : memref<10240x128xf32, #tpu.memory_space<vmem_shared>> -> memref<128x128xf32, #tpu.memory_space<vmem_shared>>
      %dma_start3A_220 = arith.constant 0 : i32
      %dma_start3A_221 = tpu.memref_slice %arg10[%add3A_15, %dma_start3A_220] : memref<10240x128xf32, #tpu.memory_space<vmem_shared>> -> memref<128x128xf32, #tpu.memory_space<vmem_shared>>
      tpu.enqueue_dma source(%arg8 : memref<128x128xf32, #tpu.memory_space<vmem>>) target(%dma_start3A_221 : memref<128x128xf32, #tpu.memory_space<vmem_shared>>) target_semaphore(%run_scoped3A : memref<!tpu.dma_semaphore, #tpu.memory_space<semaphore_mem>>)
      %dma_wait3A_222 = arith.constant 0 : i32
      %dma_wait3A_223 = tpu.memref_slice %arg10[%add3A_15, %dma_wait3A_222] : memref<10240x128xf32, #tpu.memory_space<vmem_shared>> -> memref<128x128xf32, #tpu.memory_space<vmem_shared>>
      %dma_wait3A_224 = arith.constant 0 : i32
      %dma_wait3A_225 = tpu.memref_slice %arg10[%add3A_15, %dma_wait3A_224] : memref<10240x128xf32, #tpu.memory_space<vmem_shared>> -> memref<128x128xf32, #tpu.memory_space<vmem_shared>>
      tpu.wait_dma2 semaphore(%run_scoped3A : memref<!tpu.dma_semaphore, #tpu.memory_space<semaphore_mem>>) src(%arg8 : memref<128x128xf32, #tpu.memory_space<vmem>>) dst(%dma_wait3A_225 : memref<128x128xf32, #tpu.memory_space<vmem_shared>>)
      tpu.yield
    }) : () -> ()
    %mul3A_16 = arith.constant 640 : i32
    %mul3A_17 = arith.muli %arg1, %mul3A_16 : i32
    %add3A_18 = arith.constant 256 : i32
    %add3A_19 = arith.addi %mul3A_17, %add3A_18 : i32
    "tpu.region"() ({
      %run_scoped3A = tpu.sem_alloc : memref<!tpu.dma_semaphore, #tpu.memory_space<semaphore_mem>>
      %dma_start3A_218 = arith.constant 0 : i32
      %dma_start3A_219 = tpu.memref_slice %arg10[%add3A_19, %dma_start3A_218] : memref<10240x128xf32, #tpu.memory_space<vmem_shared>> -> memref<128x128xf32, #tpu.memory_space<vmem_shared>>
      %dma_start3A_220 = arith.constant 0 : i32
      %dma_start3A_221 = tpu.memref_slice %arg10[%add3A_19, %dma_start3A_220] : memref<10240x128xf32, #tpu.memory_space<vmem_shared>> -> memref<128x128xf32, #tpu.memory_space<vmem_shared>>
      tpu.enqueue_dma source(%arg8 : memref<128x128xf32, #tpu.memory_space<vmem>>) target(%dma_start3A_221 : memref<128x128xf32, #tpu.memory_space<vmem_shared>>) target_semaphore(%run_scoped3A : memref<!tpu.dma_semaphore, #tpu.memory_space<semaphore_mem>>)
      %dma_wait3A_222 = arith.constant 0 : i32
      %dma_wait3A_223 = tpu.memref_slice %arg10[%add3A_19, %dma_wait3A_222] : memref<10240x128xf32, #tpu.memory_space<vmem_shared>> -> memref<128x128xf32, #tpu.memory_space<vmem_shared>>
      %dma_wait3A_224 = arith.constant 0 : i32
      %dma_wait3A_225 = tpu.memref_slice %arg10[%add3A_19, %dma_wait3A_224] : memref<10240x128xf32, #tpu.memory_space<vmem_shared>> -> memref<128x128xf32, #tpu.memory_space<vmem_shared>>
      tpu.wait_dma2 semaphore(%run_scoped3A : memref<!tpu.dma_semaphore, #tpu.memory_space<semaphore_mem>>) src(%arg8 : memref<128x128xf32, #tpu.memory_space<vmem>>) dst(%dma_wait3A_225 : memref<128x128xf32, #tpu.memory_space<vmem_shared>>)
      tpu.yield
    }) : () -> ()
    %mul3A_20 = arith.constant 640 : i32
    %mul3A_21 = arith.muli %arg1, %mul3A_20 : i32
    %add3A_22 = arith.constant 384 : i32
    %add3A_23 = arith.addi %mul3A_21, %add3A_22 : i32
    "tpu.region"() ({
      %run_scoped3A = tpu.sem_alloc : memref<!tpu.dma_semaphore, #tpu.memory_space<semaphore_mem>>
      %dma_start3A_218 = arith.constant 0 : i32
      %dma_start3A_219 = tpu.memref_slice %arg10[%add3A_23, %dma_start3A_218] : memref<10240x128xf32, #tpu.memory_space<vmem_shared>> -> memref<128x128xf32, #tpu.memory_space<vmem_shared>>
      %dma_start3A_220 = arith.constant 0 : i32
      %dma_start3A_221 = tpu.memref_slice %arg10[%add3A_23, %dma_start3A_220] : memref<10240x128xf32, #tpu.memory_space<vmem_shared>> -> memref<128x128xf32, #tpu.memory_space<vmem_shared>>
      tpu.enqueue_dma source(%arg8 : memref<128x128xf32, #tpu.memory_space<vmem>>) target(%dma_start3A_221 : memref<128x128xf32, #tpu.memory_space<vmem_shared>>) target_semaphore(%run_scoped3A : memref<!tpu.dma_semaphore, #tpu.memory_space<semaphore_mem>>)
      %dma_wait3A_222 = arith.constant 0 : i32
      %dma_wait3A_223 = tpu.memref_slice %arg10[%add3A_23, %dma_wait3A_222] : memref<10240x128xf32, #tpu.memory_space<vmem_shared>> -> memref<128x128xf32, #tpu.memory_space<vmem_shared>>
      %dma_wait3A_224 = arith.constant 0 : i32
      %dma_wait3A_225 = tpu.memref_slice %arg10[%add3A_23, %dma_wait3A_224] : memref<10240x128xf32, #tpu.memory_space<vmem_shared>> -> memref<128x128xf32, #tpu.memory_space<vmem_shared>>
      tpu.wait_dma2 semaphore(%run_scoped3A : memref<!tpu.dma_semaphore, #tpu.memory_space<semaphore_mem>>) src(%arg8 : memref<128x128xf32, #tpu.memory_space<vmem>>) dst(%dma_wait3A_225 : memref<128x128xf32, #tpu.memory_space<vmem_shared>>)
      tpu.yield
    }) : () -> ()
    %mul3A_24 = arith.constant 640 : i32
    %mul3A_25 = arith.muli %arg1, %mul3A_24 : i32
    %add3A_26 = arith.constant 512 : i32
    %add3A_27 = arith.addi %mul3A_25, %add3A_26 : i32
    "tpu.region"() ({
      %run_scoped3A = tpu.sem_alloc : memref<!tpu.dma_semaphore, #tpu.memory_space<semaphore_mem>>
      %dma_start3A_218 = arith.constant 0 : i32
      %dma_start3A_219 = tpu.memref_slice %arg10[%add3A_27, %dma_start3A_218] : memref<10240x128xf32, #tpu.memory_space<vmem_shared>> -> memref<128x128xf32, #tpu.memory_space<vmem_shared>>
      %dma_start3A_220 = arith.constant 0 : i32
      %dma_start3A_221 = tpu.memref_slice %arg10[%add3A_27, %dma_start3A_220] : memref<10240x128xf32, #tpu.memory_space<vmem_shared>> -> memref<128x128xf32, #tpu.memory_space<vmem_shared>>
      tpu.enqueue_dma source(%arg8 : memref<128x128xf32, #tpu.memory_space<vmem>>) target(%dma_start3A_221 : memref<128x128xf32, #tpu.memory_space<vmem_shared>>) target_semaphore(%run_scoped3A : memref<!tpu.dma_semaphore, #tpu.memory_space<semaphore_mem>>)
      %dma_wait3A_222 = arith.constant 0 : i32
      %dma_wait3A_223 = tpu.memref_slice %arg10[%add3A_27, %dma_wait3A_222] : memref<10240x128xf32, #tpu.memory_space<vmem_shared>> -> memref<128x128xf32, #tpu.memory_space<vmem_shared>>
      %dma_wait3A_224 = arith.constant 0 : i32
      %dma_wait3A_225 = tpu.memref_slice %arg10[%add3A_27, %dma_wait3A_224] : memref<10240x128xf32, #tpu.memory_space<vmem_shared>> -> memref<128x128xf32, #tpu.memory_space<vmem_shared>>
      tpu.wait_dma2 semaphore(%run_scoped3A : memref<!tpu.dma_semaphore, #tpu.memory_space<semaphore_mem>>) src(%arg8 : memref<128x128xf32, #tpu.memory_space<vmem>>) dst(%dma_wait3A_225 : memref<128x128xf32, #tpu.memory_space<vmem_shared>>)
      tpu.yield
    }) : () -> ()
    %barrier3A = arith.constant 0 : index
    tpu.barrier barrier_id(%barrier3A)
    %broadcast_in_dim3A_28 = arith.constant 65535 : i32
    %broadcast_in_dim3A_29 = vector.broadcast %broadcast_in_dim3A_28 : i32 to vector<16xi32>
    %get3A = arith.constant 0 : i32
    %get3A_30 = arith.index_cast %get3A : i32 to index
    %get3A_31 = arith.constant 0 : index
    %get3A_32 = tpu.vector_load %arg5[%get3A_30, %get3A_31] {strides = array<i32>} : memref<80x128xi32, #tpu.memory_space<vmem>>, vector<1x16xi32>,
    %get3A_33 = vector.shape_cast %get3A_32 : vector<1x16xi32> to vector<16xi32>
    %and3A = arith.andi %get3A_33, %broadcast_in_dim3A_29 : vector<16xi32>
    %swap3A = arith.constant 0 : i32
    %swap3A_34 = arith.index_cast %swap3A : i32 to index
    %swap3A_35 = arith.constant 0 : index
    %swap3A_36 = tpu.vector_load %arg6[%swap3A_34, %swap3A_35] {strides = array<i32>} : memref<2x128xi32, #tpu.memory_space<vmem>>, vector<1x16xi32>,
    %swap3A_37 = vector.shape_cast %swap3A_36 : vector<1x16xi32> to vector<16xi32>
    %swap3A_38 = vector.shape_cast %and3A : vector<16xi32> to vector<1x16xi32>
    tpu.vector_store %arg6[%swap3A_34, %swap3A_35], %swap3A_38 {strides = array<i32>} : memref<2x128xi32, #tpu.memory_space<vmem>>, vector<1x16xi32>,
    %shift_right_logical3A = arith.constant 16 : i32
    %shift_right_logical3A_39 = vector.broadcast %shift_right_logical3A : i32 to vector<16xi32>
    %shift_right_logical3A_40 = arith.shrui %get3A_33, %shift_right_logical3A_39 : vector<16xi32>
    %swap3A_41 = arith.constant 0 : i32
    %swap3A_42 = arith.index_cast %swap3A_41 : i32 to index
    %swap3A_43 = arith.constant 0 : index
    %swap3A_44 = tpu.vector_load %arg7[%swap3A_42, %swap3A_43] {strides = array<i32>} : memref<2x128xi32, #tpu.memory_space<vmem>>, vector<1x16xi32>,
    %swap3A_45 = vector.shape_cast %swap3A_44 : vector<1x16xi32> to vector<16xi32>
    %swap3A_46 = vector.shape_cast %shift_right_logical3A_40 : vector<16xi32> to vector<1x16xi32>
    tpu.vector_store %arg7[%swap3A_42, %swap3A_43], %swap3A_46 {strides = array<i32>} : memref<2x128xi32, #tpu.memory_space<vmem>>, vector<1x16xi32>,
    %get3A_47 = arith.constant 0 : i32
    %get3A_48 = arith.index_cast %get3A_47 : i32 to index
    %get3A_49 = arith.constant 16 : index
    %get3A_50 = tpu.vector_load %arg5[%get3A_48, %get3A_49] {strides = array<i32>} : memref<80x128xi32, #tpu.memory_space<vmem>>, vector<1x16xi32>,
    %get3A_51 = vector.shape_cast %get3A_50 : vector<1x16xi32> to vector<16xi32>
    %and3A_52 = arith.andi %get3A_51, %broadcast_in_dim3A_29 : vector<16xi32>
    %swap3A_53 = arith.constant 0 : i32
    %swap3A_54 = arith.index_cast %swap3A_53 : i32 to index
    %swap3A_55 = arith.constant 16 : index
    %swap3A_56 = tpu.vector_load %arg6[%swap3A_54, %swap3A_55] {strides = array<i32>} : memref<2x128xi32, #tpu.memory_space<vmem>>, vector<1x16xi32>,
    %swap3A_57 = vector.shape_cast %swap3A_56 : vector<1x16xi32> to vector<16xi32>
    %swap3A_58 = vector.shape_cast %and3A_52 : vector<16xi32> to vector<1x16xi32>
    tpu.vector_store %arg6[%swap3A_54, %swap3A_55], %swap3A_58 {strides = array<i32>} : memref<2x128xi32, #tpu.memory_space<vmem>>, vector<1x16xi32>,
    %shift_right_logical3A_59 = arith.constant 16 : i32
    %shift_right_logical3A_60 = vector.broadcast %shift_right_logical3A_59 : i32 to vector<16xi32>
    %shift_right_logical3A_61 = arith.shrui %get3A_51, %shift_right_logical3A_60 : vector<16xi32>
    %swap3A_62 = arith.constant 0 : i32
    %swap3A_63 = arith.index_cast %swap3A_62 : i32 to index
    %swap3A_64 = arith.constant 16 : index
    %swap3A_65 = tpu.vector_load %arg7[%swap3A_63, %swap3A_64] {strides = array<i32>} : memref<2x128xi32, #tpu.memory_space<vmem>>, vector<1x16xi32>,
    %swap3A_66 = vector.shape_cast %swap3A_65 : vector<1x16xi32> to vector<16xi32>
    %swap3A_67 = vector.shape_cast %shift_right_logical3A_61 : vector<16xi32> to vector<1x16xi32>
    tpu.vector_store %arg7[%swap3A_63, %swap3A_64], %swap3A_67 {strides = array<i32>} : memref<2x128xi32, #tpu.memory_space<vmem>>, vector<1x16xi32>,
    %get3A_68 = arith.constant 0 : i32
    %get3A_69 = arith.index_cast %get3A_68 : i32 to index
    %get3A_70 = arith.constant 32 : index
    %get3A_71 = tpu.vector_load %arg5[%get3A_69, %get3A_70] {strides = array<i32>} : memref<80x128xi32, #tpu.memory_space<vmem>>, vector<1x16xi32>,
    %get3A_72 = vector.shape_cast %get3A_71 : vector<1x16xi32> to vector<16xi32>
    %and3A_73 = arith.andi %get3A_72, %broadcast_in_dim3A_29 : vector<16xi32>
    %swap3A_74 = arith.constant 0 : i32
    %swap3A_75 = arith.index_cast %swap3A_74 : i32 to index
    %swap3A_76 = arith.constant 32 : index
    %swap3A_77 = tpu.vector_load %arg6[%swap3A_75, %swap3A_76] {strides = array<i32>} : memref<2x128xi32, #tpu.memory_space<vmem>>, vector<1x16xi32>,
    %swap3A_78 = vector.shape_cast %swap3A_77 : vector<1x16xi32> to vector<16xi32>
    %swap3A_79 = vector.shape_cast %and3A_73 : vector<16xi32> to vector<1x16xi32>
    tpu.vector_store %arg6[%swap3A_75, %swap3A_76], %swap3A_79 {strides = array<i32>} : memref<2x128xi32, #tpu.memory_space<vmem>>, vector<1x16xi32>,
    %shift_right_logical3A_80 = arith.constant 16 : i32
    %shift_right_logical3A_81 = vector.broadcast %shift_right_logical3A_80 : i32 to vector<16xi32>
    %shift_right_logical3A_82 = arith.shrui %get3A_72, %shift_right_logical3A_81 : vector<16xi32>
    %swap3A_83 = arith.constant 0 : i32
    %swap3A_84 = arith.index_cast %swap3A_83 : i32 to index
    %swap3A_85 = arith.constant 32 : index
    %swap3A_86 = tpu.vector_load %arg7[%swap3A_84, %swap3A_85] {strides = array<i32>} : memref<2x128xi32, #tpu.memory_space<vmem>>, vector<1x16xi32>,
    %swap3A_87 = vector.shape_cast %swap3A_86 : vector<1x16xi32> to vector<16xi32>
    %swap3A_88 = vector.shape_cast %shift_right_logical3A_82 : vector<16xi32> to vector<1x16xi32>
    tpu.vector_store %arg7[%swap3A_84, %swap3A_85], %swap3A_88 {strides = array<i32>} : memref<2x128xi32, #tpu.memory_space<vmem>>, vector<1x16xi32>,
    %get3A_89 = arith.constant 0 : i32
    %get3A_90 = arith.index_cast %get3A_89 : i32 to index
    %get3A_91 = arith.constant 48 : index
    %get3A_92 = tpu.vector_load %arg5[%get3A_90, %get3A_91] {strides = array<i32>} : memref<80x128xi32, #tpu.memory_space<vmem>>, vector<1x16xi32>,
    %get3A_93 = vector.shape_cast %get3A_92 : vector<1x16xi32> to vector<16xi32>
    %and3A_94 = arith.andi %get3A_93, %broadcast_in_dim3A_29 : vector<16xi32>
    %swap3A_95 = arith.constant 0 : i32
    %swap3A_96 = arith.index_cast %swap3A_95 : i32 to index
    %swap3A_97 = arith.constant 48 : index
    %swap3A_98 = tpu.vector_load %arg6[%swap3A_96, %swap3A_97] {strides = array<i32>} : memref<2x128xi32, #tpu.memory_space<vmem>>, vector<1x16xi32>,
    %swap3A_99 = vector.shape_cast %swap3A_98 : vector<1x16xi32> to vector<16xi32>
    %swap3A_100 = vector.shape_cast %and3A_94 : vector<16xi32> to vector<1x16xi32>
    tpu.vector_store %arg6[%swap3A_96, %swap3A_97], %swap3A_100 {strides = array<i32>} : memref<2x128xi32, #tpu.memory_space<vmem>>, vector<1x16xi32>,
    %shift_right_logical3A_101 = arith.constant 16 : i32
    %shift_right_logical3A_102 = vector.broadcast %shift_right_logical3A_101 : i32 to vector<16xi32>
    %shift_right_logical3A_103 = arith.shrui %get3A_93, %shift_right_logical3A_102 : vector<16xi32>
    %swap3A_104 = arith.constant 0 : i32
    %swap3A_105 = arith.index_cast %swap3A_104 : i32 to index
    %swap3A_106 = arith.constant 48 : index
    %swap3A_107 = tpu.vector_load %arg7[%swap3A_105, %swap3A_106] {strides = array<i32>} : memref<2x128xi32, #tpu.memory_space<vmem>>, vector<1x16xi32>,
    %swap3A_108 = vector.shape_cast %swap3A_107 : vector<1x16xi32> to vector<16xi32>
    %swap3A_109 = vector.shape_cast %shift_right_logical3A_103 : vector<16xi32> to vector<1x16xi32>
    tpu.vector_store %arg7[%swap3A_105, %swap3A_106], %swap3A_109 {strides = array<i32>} : memref<2x128xi32, #tpu.memory_space<vmem>>, vector<1x16xi32>,
    %get3A_110 = arith.constant 0 : i32
    %get3A_111 = arith.index_cast %get3A_110 : i32 to index
    %get3A_112 = arith.constant 64 : index
    %get3A_113 = tpu.vector_load %arg5[%get3A_111, %get3A_112] {strides = array<i32>} : memref<80x128xi32, #tpu.memory_space<vmem>>, vector<1x16xi32>,
    %get3A_114 = vector.shape_cast %get3A_113 : vector<1x16xi32> to vector<16xi32>
    %and3A_115 = arith.andi %get3A_114, %broadcast_in_dim3A_29 : vector<16xi32>
    %swap3A_116 = arith.constant 0 : i32
    %swap3A_117 = arith.index_cast %swap3A_116 : i32 to index
    %swap3A_118 = arith.constant 64 : index
    %swap3A_119 = tpu.vector_load %arg6[%swap3A_117, %swap3A_118] {strides = array<i32>} : memref<2x128xi32, #tpu.memory_space<vmem>>, vector<1x16xi32>,
    %swap3A_120 = vector.shape_cast %swap3A_119 : vector<1x16xi32> to vector<16xi32>
    %swap3A_121 = vector.shape_cast %and3A_115 : vector<16xi32> to vector<1x16xi32>
    tpu.vector_store %arg6[%swap3A_117, %swap3A_118], %swap3A_121 {strides = array<i32>} : memref<2x128xi32, #tpu.memory_space<vmem>>, vector<1x16xi32>,
    %shift_right_logical3A_122 = arith.constant 16 : i32
    %shift_right_logical3A_123 = vector.broadcast %shift_right_logical3A_122 : i32 to vector<16xi32>
    %shift_right_logical3A_124 = arith.shrui %get3A_114, %shift_right_logical3A_123 : vector<16xi32>
    %swap3A_125 = arith.constant 0 : i32
    %swap3A_126 = arith.index_cast %swap3A_125 : i32 to index
    %swap3A_127 = arith.constant 64 : index
    %swap3A_128 = tpu.vector_load %arg7[%swap3A_126, %swap3A_127] {strides = array<i32>} : memref<2x128xi32, #tpu.memory_space<vmem>>, vector<1x16xi32>,
    %swap3A_129 = vector.shape_cast %swap3A_128 : vector<1x16xi32> to vector<16xi32>
    %swap3A_130 = vector.shape_cast %shift_right_logical3A_124 : vector<16xi32> to vector<1x16xi32>
    tpu.vector_store %arg7[%swap3A_126, %swap3A_127], %swap3A_130 {strides = array<i32>} : memref<2x128xi32, #tpu.memory_space<vmem>>, vector<1x16xi32>,
    %get3A_131 = arith.constant 0 : i32
    %get3A_132 = arith.index_cast %get3A_131 : i32 to index
    %get3A_133 = arith.constant 80 : index
    %get3A_134 = tpu.vector_load %arg5[%get3A_132, %get3A_133] {strides = array<i32>} : memref<80x128xi32, #tpu.memory_space<vmem>>, vector<1x16xi32>,
    %get3A_135 = vector.shape_cast %get3A_134 : vector<1x16xi32> to vector<16xi32>
    %and3A_136 = arith.andi %get3A_135, %broadcast_in_dim3A_29 : vector<16xi32>
    %swap3A_137 = arith.constant 0 : i32
    %swap3A_138 = arith.index_cast %swap3A_137 : i32 to index
    %swap3A_139 = arith.constant 80 : index
    %swap3A_140 = tpu.vector_load %arg6[%swap3A_138, %swap3A_139] {strides = array<i32>} : memref<2x128xi32, #tpu.memory_space<vmem>>, vector<1x16xi32>,
    %swap3A_141 = vector.shape_cast %swap3A_140 : vector<1x16xi32> to vector<16xi32>
    %swap3A_142 = vector.shape_cast %and3A_136 : vector<16xi32> to vector<1x16xi32>
    tpu.vector_store %arg6[%swap3A_138, %swap3A_139], %swap3A_142 {strides = array<i32>} : memref<2x128xi32, #tpu.memory_space<vmem>>, vector<1x16xi32>,
    %shift_right_logical3A_143 = arith.constant 16 : i32
    %shift_right_logical3A_144 = vector.broadcast %shift_right_logical3A_143 : i32 to vector<16xi32>
    %shift_right_logical3A_145 = arith.shrui %get3A_135, %shift_right_logical3A_144 : vector<16xi32>
    %swap3A_146 = arith.constant 0 : i32
    %swap3A_147 = arith.index_cast %swap3A_146 : i32 to index
    %swap3A_148 = arith.constant 80 : index
    %swap3A_149 = tpu.vector_load %arg7[%swap3A_147, %swap3A_148] {strides = array<i32>} : memref<2x128xi32, #tpu.memory_space<vmem>>, vector<1x16xi32>,
    %swap3A_150 = vector.shape_cast %swap3A_149 : vector<1x16xi32> to vector<16xi32>
    %swap3A_151 = vector.shape_cast %shift_right_logical3A_145 : vector<16xi32> to vector<1x16xi32>
    tpu.vector_store %arg7[%swap3A_147, %swap3A_148], %swap3A_151 {strides = array<i32>} : memref<2x128xi32, #tpu.memory_space<vmem>>, vector<1x16xi32>,
    %get3A_152 = arith.constant 0 : i32
    %get3A_153 = arith.index_cast %get3A_152 : i32 to index
    %get3A_154 = arith.constant 96 : index
    %get3A_155 = tpu.vector_load %arg5[%get3A_153, %get3A_154] {strides = array<i32>} : memref<80x128xi32, #tpu.memory_space<vmem>>, vector<1x16xi32>,
    %get3A_156 = vector.shape_cast %get3A_155 : vector<1x16xi32> to vector<16xi32>
    %and3A_157 = arith.andi %get3A_156, %broadcast_in_dim3A_29 : vector<16xi32>
    %swap3A_158 = arith.constant 0 : i32
    %swap3A_159 = arith.index_cast %swap3A_158 : i32 to index
    %swap3A_160 = arith.constant 96 : index
    %swap3A_161 = tpu.vector_load %arg6[%swap3A_159, %swap3A_160] {strides = array<i32>} : memref<2x128xi32, #tpu.memory_space<vmem>>, vector<1x16xi32>,
    %swap3A_162 = vector.shape_cast %swap3A_161 : vector<1x16xi32> to vector<16xi32>
    %swap3A_163 = vector.shape_cast %and3A_157 : vector<16xi32> to vector<1x16xi32>
    tpu.vector_store %arg6[%swap3A_159, %swap3A_160], %swap3A_163 {strides = array<i32>} : memref<2x128xi32, #tpu.memory_space<vmem>>, vector<1x16xi32>,
    %shift_right_logical3A_164 = arith.constant 16 : i32
    %shift_right_logical3A_165 = vector.broadcast %shift_right_logical3A_164 : i32 to vector<16xi32>
    %shift_right_logical3A_166 = arith.shrui %get3A_156, %shift_right_logical3A_165 : vector<16xi32>
    %swap3A_167 = arith.constant 0 : i32
    %swap3A_168 = arith.index_cast %swap3A_167 : i32 to index
    %swap3A_169 = arith.constant 96 : index
    %swap3A_170 = tpu.vector_load %arg7[%swap3A_168, %swap3A_169] {strides = array<i32>} : memref<2x128xi32, #tpu.memory_space<vmem>>, vector<1x16xi32>,
    %swap3A_171 = vector.shape_cast %swap3A_170 : vector<1x16xi32> to vector<16xi32>
    %swap3A_172 = vector.shape_cast %shift_right_logical3A_166 : vector<16xi32> to vector<1x16xi32>
    tpu.vector_store %arg7[%swap3A_168, %swap3A_169], %swap3A_172 {strides = array<i32>} : memref<2x128xi32, #tpu.memory_space<vmem>>, vector<1x16xi32>,
    %get3A_173 = arith.constant 0 : i32
    %get3A_174 = arith.index_cast %get3A_173 : i32 to index
    %get3A_175 = arith.constant 112 : index
    %get3A_176 = tpu.vector_load %arg5[%get3A_174, %get3A_175] {strides = array<i32>} : memref<80x128xi32, #tpu.memory_space<vmem>>, vector<1x16xi32>,
    %get3A_177 = vector.shape_cast %get3A_176 : vector<1x16xi32> to vector<16xi32>
    %and3A_178 = arith.andi %get3A_177, %broadcast_in_dim3A_29 : vector<16xi32>
    %swap3A_179 = arith.constant 0 : i32
    %swap3A_180 = arith.index_cast %swap3A_179 : i32 to index
    %swap3A_181 = arith.constant 112 : index
    %swap3A_182 = tpu.vector_load %arg6[%swap3A_180, %swap3A_181] {strides = array<i32>} : memref<2x128xi32, #tpu.memory_space<vmem>>, vector<1x16xi32>,
    %swap3A_183 = vector.shape_cast %swap3A_182 : vector<1x16xi32> to vector<16xi32>
    %swap3A_184 = vector.shape_cast %and3A_178 : vector<16xi32> to vector<1x16xi32>
    tpu.vector_store %arg6[%swap3A_180, %swap3A_181], %swap3A_184 {strides = array<i32>} : memref<2x128xi32, #tpu.memory_space<vmem>>, vector<1x16xi32>,
    %shift_right_logical3A_185 = arith.constant 16 : i32
    %shift_right_logical3A_186 = vector.broadcast %shift_right_logical3A_185 : i32 to vector<16xi32>
    %shift_right_logical3A_187 = arith.shrui %get3A_177, %shift_right_logical3A_186 : vector<16xi32>
    %swap3A_188 = arith.constant 0 : i32
    %swap3A_189 = arith.index_cast %swap3A_188 : i32 to index
    %swap3A_190 = arith.constant 112 : index
    %swap3A_191 = tpu.vector_load %arg7[%swap3A_189, %swap3A_190] {strides = array<i32>} : memref<2x128xi32, #tpu.memory_space<vmem>>, vector<1x16xi32>,
    %swap3A_192 = vector.shape_cast %swap3A_191 : vector<1x16xi32> to vector<16xi32>
    %swap3A_193 = vector.shape_cast %shift_right_logical3A_187 : vector<16xi32> to vector<1x16xi32>
    tpu.vector_store %arg7[%swap3A_189, %swap3A_190], %swap3A_193 {strides = array<i32>} : memref<2x128xi32, #tpu.memory_space<vmem>>, vector<1x16xi32>,
    %dma_start3A = arith.constant 0 : i32
    %dma_start3A_194 = arith.constant 0 : i32
    %dma_start3A_195 = tpu.memref_slice %arg6[%dma_start3A, %dma_start3A_194] : memref<2x128xi32, #tpu.memory_space<vmem>> -> memref<1x128xi32, #tpu.memory_space<vmem>>
    %dma_start3A_196 = tpu.memref_squeeze %dma_start3A_195 : memref<1x128xi32, #tpu.memory_space<vmem>> -> memref<128xi32, #tpu.memory_space<vmem>>
    %dma_start3A_197 = arith.constant 0 : i32
    %dma_start3A_198 = arith.constant 0 : i32
    %dma_start3A_199 = tpu.memref_slice %arg3[%dma_start3A_197, %dma_start3A_198] : memref<10000x128xf32, #tpu.memory_space<hbm>> -> memref<10000x128xf32, #tpu.memory_space<hbm>>
    tpu.enqueue_indirect_dma source(%dma_start3A_199 : memref<10000x128xf32, #tpu.memory_space<hbm>>) target(%arg8 : memref<128x128xf32, #tpu.memory_space<vmem>>) offsets(%dma_start3A_196 : memref<128xi32, #tpu.memory_space<vmem>>) semaphore(%arg11 : memref<!tpu.dma_semaphore, #tpu.memory_space<semaphore_mem>>)
    %scan3A_200 = arith.constant 0 : i32
    %scan3A_201 = arith.constant 0 : i32
    %scan3A_202 = arith.constant 40 : i32
    %scan3A_203 = arith.addi %scan3A_201, %scan3A_202 : i32
    %scan3A_204 = arith.constant 1 : i32
    %scan3A_205 = scf.for %scan3A_218 = %scan3A_201 to %scan3A_203 step %scan3A_204 iter_args(%scan3A_219 = %scan3A_200) -> (i32)  : i32 {
      %mul3A_220 = arith.constant 2 : i32
      %mul3A_221 = arith.muli %mul3A_220, %scan3A_218 : i32
      %add3A_222 = arith.constant 0 : i32
      %add3A_223 = arith.addi %mul3A_221, %add3A_222 : i32
      %dma_wait3A_224 = arith.constant 0 : i32
      %dma_wait3A_225 = arith.constant 0 : i32
      %dma_wait3A_226 = tpu.memref_slice %arg6[%dma_wait3A_224, %dma_wait3A_225] : memref<2x128xi32, #tpu.memory_space<vmem>> -> memref<1x128xi32, #tpu.memory_space<vmem>>
      %dma_wait3A_227 = tpu.memref_squeeze %dma_wait3A_226 : memref<1x128xi32, #tpu.memory_space<vmem>> -> memref<128xi32, #tpu.memory_space<vmem>>
      %dma_wait3A_228 = arith.constant 0 : i32
      %dma_wait3A_229 = arith.constant 0 : i32
      %dma_wait3A_230 = tpu.memref_slice %arg3[%dma_wait3A_228, %dma_wait3A_229] : memref<10000x128xf32, #tpu.memory_space<hbm>> -> memref<10000x128xf32, #tpu.memory_space<hbm>>
      tpu.wait_indirect_dma semaphore(%arg11 : memref<!tpu.dma_semaphore, #tpu.memory_space<semaphore_mem>>) src(%dma_wait3A_230 : memref<10000x128xf32, #tpu.memory_space<hbm>>) dst(%arg8 : memref<128x128xf32, #tpu.memory_space<vmem>>)
      %ge3A = arith.constant 1 : i32
      %ge3A_231 = arith.cmpi sge, %add3A_223, %ge3A : i32
      %convert_element_type3A = arith.extui %ge3A_231 : i1 to i32
      %cond3A = arith.constant 0 : i32
      %cond3A_232 = arith.cmpi ne, %convert_element_type3A, %cond3A : i32
      scf.if %cond3A_232 {
        %dma_wait3A_277 = arith.constant 1 : i32
        %dma_wait3A_278 = arith.constant 0 : i32
        %dma_wait3A_279 = tpu.memref_slice %arg7[%dma_wait3A_277, %dma_wait3A_278] : memref<2x128xi32, #tpu.memory_space<vmem>> -> memref<1x128xi32, #tpu.memory_space<vmem>>
        %dma_wait3A_280 = tpu.memref_squeeze %dma_wait3A_279 : memref<1x128xi32, #tpu.memory_space<vmem>> -> memref<128xi32, #tpu.memory_space<vmem>>
        %dma_wait3A_281 = arith.constant 0 : i32
        %dma_wait3A_282 = arith.constant 0 : i32
        %dma_wait3A_283 = tpu.memref_slice %arg10[%dma_wait3A_281, %dma_wait3A_282] : memref<10240x128xf32, #tpu.memory_space<vmem_shared>> -> memref<10240x128xf32, #tpu.memory_space<vmem_shared>>
        tpu.wait_indirect_dma semaphore(%arg12 : memref<!tpu.dma_semaphore, #tpu.memory_space<semaphore_mem>>) src(%arg9 : memref<128x128xf32, #tpu.memory_space<vmem>>) dst(%dma_wait3A_283 : memref<10240x128xf32, #tpu.memory_space<vmem_shared>>)
      } else {
      }
      %dma_start3A_233 = arith.constant 0 : i32
      %dma_start3A_234 = arith.constant 0 : i32
      %dma_start3A_235 = tpu.memref_slice %arg7[%dma_start3A_233, %dma_start3A_234] : memref<2x128xi32, #tpu.memory_space<vmem>> -> memref<1x128xi32, #tpu.memory_space<vmem>>
      %dma_start3A_236 = tpu.memref_squeeze %dma_start3A_235 : memref<1x128xi32, #tpu.memory_space<vmem>> -> memref<128xi32, #tpu.memory_space<vmem>>
      %dma_start3A_237 = arith.constant 0 : i32
      %dma_start3A_238 = arith.constant 0 : i32
      %dma_start3A_239 = tpu.memref_slice %arg10[%dma_start3A_237, %dma_start3A_238] : memref<10240x128xf32, #tpu.memory_space<vmem_shared>> -> memref<10240x128xf32, #tpu.memory_space<vmem_shared>>
      tpu.enqueue_indirect_dma source(%arg8 : memref<128x128xf32, #tpu.memory_space<vmem>>) target(%dma_start3A_239 : memref<10240x128xf32, #tpu.memory_space<vmem_shared>>) offsets(%dma_start3A_236 : memref<128xi32, #tpu.memory_space<vmem>>) semaphore(%arg12 : memref<!tpu.dma_semaphore, #tpu.memory_space<semaphore_mem>>) {add = true}
      %add3A_240 = arith.constant 1 : i32
      %add3A_241 = arith.addi %add3A_223, %add3A_240 : i32
      %lt3A = arith.constant 80 : i32
      %lt3A_242 = arith.cmpi slt, %add3A_241, %lt3A : i32
      %convert_element_type3A_243 = arith.extui %lt3A_242 : i1 to i32
      %cond3A_244 = arith.constant 0 : i32
      %cond3A_245 = arith.cmpi ne, %convert_element_type3A_243, %cond3A_244 : i32
      scf.if %cond3A_245 {
        %add3A_277 = arith.constant 1 : i32
        %add3A_278 = arith.addi %add3A_223, %add3A_277 : i32
        %broadcast_in_dim3A_279 = arith.constant 65535 : i32
        %broadcast_in_dim3A_280 = vector.broadcast %broadcast_in_dim3A_279 : i32 to vector<16xi32>
        %get3A_281 = arith.index_cast %add3A_278 : i32 to index
        %get3A_282 = arith.constant 0 : index
        %get3A_283 = tpu.vector_load %arg5[%get3A_281, %get3A_282] {strides = array<i32>} : memref<80x128xi32, #tpu.memory_space<vmem>>, vector<1x16xi32>,
        %get3A_284 = vector.shape_cast %get3A_283 : vector<1x16xi32> to vector<16xi32>
        %and3A_285 = arith.andi %get3A_284, %broadcast_in_dim3A_280 : vector<16xi32>
        %swap3A_286 = arith.constant 1 : i32
        %swap3A_287 = arith.index_cast %swap3A_286 : i32 to index
        %swap3A_288 = arith.constant 0 : index
        %swap3A_289 = tpu.vector_load %arg6[%swap3A_287, %swap3A_288] {strides = array<i32>} : memref<2x128xi32, #tpu.memory_space<vmem>>, vector<1x16xi32>,
        %swap3A_290 = vector.shape_cast %swap3A_289 : vector<1x16xi32> to vector<16xi32>
        %swap3A_291 = vector.shape_cast %and3A_285 : vector<16xi32> to vector<1x16xi32>
        tpu.vector_store %arg6[%swap3A_287, %swap3A_288], %swap3A_291 {strides = array<i32>} : memref<2x128xi32, #tpu.memory_space<vmem>>, vector<1x16xi32>,
        %shift_right_logical3A_292 = arith.constant 16 : i32
        %shift_right_logical3A_293 = vector.broadcast %shift_right_logical3A_292 : i32 to vector<16xi32>
        %shift_right_logical3A_294 = arith.shrui %get3A_284, %shift_right_logical3A_293 : vector<16xi32>
        %swap3A_295 = arith.constant 1 : i32
        %swap3A_296 = arith.index_cast %swap3A_295 : i32 to index
        %swap3A_297 = arith.constant 0 : index
        %swap3A_298 = tpu.vector_load %arg7[%swap3A_296, %swap3A_297] {strides = array<i32>} : memref<2x128xi32, #tpu.memory_space<vmem>>, vector<1x16xi32>,
        %swap3A_299 = vector.shape_cast %swap3A_298 : vector<1x16xi32> to vector<16xi32>
        %swap3A_300 = vector.shape_cast %shift_right_logical3A_294 : vector<16xi32> to vector<1x16xi32>
        tpu.vector_store %arg7[%swap3A_296, %swap3A_297], %swap3A_300 {strides = array<i32>} : memref<2x128xi32, #tpu.memory_space<vmem>>, vector<1x16xi32>,
        %get3A_301 = arith.index_cast %add3A_278 : i32 to index
        %get3A_302 = arith.constant 16 : index
        %get3A_303 = tpu.vector_load %arg5[%get3A_301, %get3A_302] {strides = array<i32>} : memref<80x128xi32, #tpu.memory_space<vmem>>, vector<1x16xi32>,
        %get3A_304 = vector.shape_cast %get3A_303 : vector<1x16xi32> to vector<16xi32>
        %and3A_305 = arith.andi %get3A_304, %broadcast_in_dim3A_280 : vector<16xi32>
        %swap3A_306 = arith.constant 1 : i32
        %swap3A_307 = arith.index_cast %swap3A_306 : i32 to index
        %swap3A_308 = arith.constant 16 : index
        %swap3A_309 = tpu.vector_load %arg6[%swap3A_307, %swap3A_308] {strides = array<i32>} : memref<2x128xi32, #tpu.memory_space<vmem>>, vector<1x16xi32>,
        %swap3A_310 = vector.shape_cast %swap3A_309 : vector<1x16xi32> to vector<16xi32>
        %swap3A_311 = vector.shape_cast %and3A_305 : vector<16xi32> to vector<1x16xi32>
        tpu.vector_store %arg6[%swap3A_307, %swap3A_308], %swap3A_311 {strides = array<i32>} : memref<2x128xi32, #tpu.memory_space<vmem>>, vector<1x16xi32>,
        %shift_right_logical3A_312 = arith.constant 16 : i32
        %shift_right_logical3A_313 = vector.broadcast %shift_right_logical3A_312 : i32 to vector<16xi32>
        %shift_right_logical3A_314 = arith.shrui %get3A_304, %shift_right_logical3A_313 : vector<16xi32>
        %swap3A_315 = arith.constant 1 : i32
        %swap3A_316 = arith.index_cast %swap3A_315 : i32 to index
        %swap3A_317 = arith.constant 16 : index
        %swap3A_318 = tpu.vector_load %arg7[%swap3A_316, %swap3A_317] {strides = array<i32>} : memref<2x128xi32, #tpu.memory_space<vmem>>, vector<1x16xi32>,
        %swap3A_319 = vector.shape_cast %swap3A_318 : vector<1x16xi32> to vector<16xi32>
        %swap3A_320 = vector.shape_cast %shift_right_logical3A_314 : vector<16xi32> to vector<1x16xi32>
        tpu.vector_store %arg7[%swap3A_316, %swap3A_317], %swap3A_320 {strides = array<i32>} : memref<2x128xi32, #tpu.memory_space<vmem>>, vector<1x16xi32>,
        %get3A_321 = arith.index_cast %add3A_278 : i32 to index
        %get3A_322 = arith.constant 32 : index
        %get3A_323 = tpu.vector_load %arg5[%get3A_321, %get3A_322] {strides = array<i32>} : memref<80x128xi32, #tpu.memory_space<vmem>>, vector<1x16xi32>,
        %get3A_324 = vector.shape_cast %get3A_323 : vector<1x16xi32> to vector<16xi32>
        %and3A_325 = arith.andi %get3A_324, %broadcast_in_dim3A_280 : vector<16xi32>
        %swap3A_326 = arith.constant 1 : i32
        %swap3A_327 = arith.index_cast %swap3A_326 : i32 to index
        %swap3A_328 = arith.constant 32 : index
        %swap3A_329 = tpu.vector_load %arg6[%swap3A_327, %swap3A_328] {strides = array<i32>} : memref<2x128xi32, #tpu.memory_space<vmem>>, vector<1x16xi32>,
        %swap3A_330 = vector.shape_cast %swap3A_329 : vector<1x16xi32> to vector<16xi32>
        %swap3A_331 = vector.shape_cast %and3A_325 : vector<16xi32> to vector<1x16xi32>
        tpu.vector_store %arg6[%swap3A_327, %swap3A_328], %swap3A_331 {strides = array<i32>} : memref<2x128xi32, #tpu.memory_space<vmem>>, vector<1x16xi32>,
        %shift_right_logical3A_332 = arith.constant 16 : i32
        %shift_right_logical3A_333 = vector.broadcast %shift_right_logical3A_332 : i32 to vector<16xi32>
        %shift_right_logical3A_334 = arith.shrui %get3A_324, %shift_right_logical3A_333 : vector<16xi32>
        %swap3A_335 = arith.constant 1 : i32
        %swap3A_336 = arith.index_cast %swap3A_335 : i32 to index
        %swap3A_337 = arith.constant 32 : index
        %swap3A_338 = tpu.vector_load %arg7[%swap3A_336, %swap3A_337] {strides = array<i32>} : memref<2x128xi32, #tpu.memory_space<vmem>>, vector<1x16xi32>,
        %swap3A_339 = vector.shape_cast %swap3A_338 : vector<1x16xi32> to vector<16xi32>
        %swap3A_340 = vector.shape_cast %shift_right_logical3A_334 : vector<16xi32> to vector<1x16xi32>
        tpu.vector_store %arg7[%swap3A_336, %swap3A_337], %swap3A_340 {strides = array<i32>} : memref<2x128xi32, #tpu.memory_space<vmem>>, vector<1x16xi32>,
        %get3A_341 = arith.index_cast %add3A_278 : i32 to index
        %get3A_342 = arith.constant 48 : index
        %get3A_343 = tpu.vector_load %arg5[%get3A_341, %get3A_342] {strides = array<i32>} : memref<80x128xi32, #tpu.memory_space<vmem>>, vector<1x16xi32>,
        %get3A_344 = vector.shape_cast %get3A_343 : vector<1x16xi32> to vector<16xi32>
        %and3A_345 = arith.andi %get3A_344, %broadcast_in_dim3A_280 : vector<16xi32>
        %swap3A_346 = arith.constant 1 : i32
        %swap3A_347 = arith.index_cast %swap3A_346 : i32 to index
        %swap3A_348 = arith.constant 48 : index
        %swap3A_349 = tpu.vector_load %arg6[%swap3A_347, %swap3A_348] {strides = array<i32>} : memref<2x128xi32, #tpu.memory_space<vmem>>, vector<1x16xi32>,
        %swap3A_350 = vector.shape_cast %swap3A_349 : vector<1x16xi32> to vector<16xi32>
        %swap3A_351 = vector.shape_cast %and3A_345 : vector<16xi32> to vector<1x16xi32>
        tpu.vector_store %arg6[%swap3A_347, %swap3A_348], %swap3A_351 {strides = array<i32>} : memref<2x128xi32, #tpu.memory_space<vmem>>, vector<1x16xi32>,
        %shift_right_logical3A_352 = arith.constant 16 : i32
        %shift_right_logical3A_353 = vector.broadcast %shift_right_logical3A_352 : i32 to vector<16xi32>
        %shift_right_logical3A_354 = arith.shrui %get3A_344, %shift_right_logical3A_353 : vector<16xi32>
        %swap3A_355 = arith.constant 1 : i32
        %swap3A_356 = arith.index_cast %swap3A_355 : i32 to index
        %swap3A_357 = arith.constant 48 : index
        %swap3A_358 = tpu.vector_load %arg7[%swap3A_356, %swap3A_357] {strides = array<i32>} : memref<2x128xi32, #tpu.memory_space<vmem>>, vector<1x16xi32>,
        %swap3A_359 = vector.shape_cast %swap3A_358 : vector<1x16xi32> to vector<16xi32>
        %swap3A_360 = vector.shape_cast %shift_right_logical3A_354 : vector<16xi32> to vector<1x16xi32>
        tpu.vector_store %arg7[%swap3A_356, %swap3A_357], %swap3A_360 {strides = array<i32>} : memref<2x128xi32, #tpu.memory_space<vmem>>, vector<1x16xi32>,
        %get3A_361 = arith.index_cast %add3A_278 : i32 to index
        %get3A_362 = arith.constant 64 : index
        %get3A_363 = tpu.vector_load %arg5[%get3A_361, %get3A_362] {strides = array<i32>} : memref<80x128xi32, #tpu.memory_space<vmem>>, vector<1x16xi32>,
        %get3A_364 = vector.shape_cast %get3A_363 : vector<1x16xi32> to vector<16xi32>
        %and3A_365 = arith.andi %get3A_364, %broadcast_in_dim3A_280 : vector<16xi32>
        %swap3A_366 = arith.constant 1 : i32
        %swap3A_367 = arith.index_cast %swap3A_366 : i32 to index
        %swap3A_368 = arith.constant 64 : index
        %swap3A_369 = tpu.vector_load %arg6[%swap3A_367, %swap3A_368] {strides = array<i32>} : memref<2x128xi32, #tpu.memory_space<vmem>>, vector<1x16xi32>,
        %swap3A_370 = vector.shape_cast %swap3A_369 : vector<1x16xi32> to vector<16xi32>
        %swap3A_371 = vector.shape_cast %and3A_365 : vector<16xi32> to vector<1x16xi32>
        tpu.vector_store %arg6[%swap3A_367, %swap3A_368], %swap3A_371 {strides = array<i32>} : memref<2x128xi32, #tpu.memory_space<vmem>>, vector<1x16xi32>,
        %shift_right_logical3A_372 = arith.constant 16 : i32
        %shift_right_logical3A_373 = vector.broadcast %shift_right_logical3A_372 : i32 to vector<16xi32>
        %shift_right_logical3A_374 = arith.shrui %get3A_364, %shift_right_logical3A_373 : vector<16xi32>
        %swap3A_375 = arith.constant 1 : i32
        %swap3A_376 = arith.index_cast %swap3A_375 : i32 to index
        %swap3A_377 = arith.constant 64 : index
        %swap3A_378 = tpu.vector_load %arg7[%swap3A_376, %swap3A_377] {strides = array<i32>} : memref<2x128xi32, #tpu.memory_space<vmem>>, vector<1x16xi32>,
        %swap3A_379 = vector.shape_cast %swap3A_378 : vector<1x16xi32> to vector<16xi32>
        %swap3A_380 = vector.shape_cast %shift_right_logical3A_374 : vector<16xi32> to vector<1x16xi32>
        tpu.vector_store %arg7[%swap3A_376, %swap3A_377], %swap3A_380 {strides = array<i32>} : memref<2x128xi32, #tpu.memory_space<vmem>>, vector<1x16xi32>,
        %get3A_381 = arith.index_cast %add3A_278 : i32 to index
        %get3A_382 = arith.constant 80 : index
        %get3A_383 = tpu.vector_load %arg5[%get3A_381, %get3A_382] {strides = array<i32>} : memref<80x128xi32, #tpu.memory_space<vmem>>, vector<1x16xi32>,
        %get3A_384 = vector.shape_cast %get3A_383 : vector<1x16xi32> to vector<16xi32>
        %and3A_385 = arith.andi %get3A_384, %broadcast_in_dim3A_280 : vector<16xi32>
        %swap3A_386 = arith.constant 1 : i32
        %swap3A_387 = arith.index_cast %swap3A_386 : i32 to index
        %swap3A_388 = arith.constant 80 : index
        %swap3A_389 = tpu.vector_load %arg6[%swap3A_387, %swap3A_388] {strides = array<i32>} : memref<2x128xi32, #tpu.memory_space<vmem>>, vector<1x16xi32>,
        %swap3A_390 = vector.shape_cast %swap3A_389 : vector<1x16xi32> to vector<16xi32>
        %swap3A_391 = vector.shape_cast %and3A_385 : vector<16xi32> to vector<1x16xi32>
        tpu.vector_store %arg6[%swap3A_387, %swap3A_388], %swap3A_391 {strides = array<i32>} : memref<2x128xi32, #tpu.memory_space<vmem>>, vector<1x16xi32>,
        %shift_right_logical3A_392 = arith.constant 16 : i32
        %shift_right_logical3A_393 = vector.broadcast %shift_right_logical3A_392 : i32 to vector<16xi32>
        %shift_right_logical3A_394 = arith.shrui %get3A_384, %shift_right_logical3A_393 : vector<16xi32>
        %swap3A_395 = arith.constant 1 : i32
        %swap3A_396 = arith.index_cast %swap3A_395 : i32 to index
        %swap3A_397 = arith.constant 80 : index
        %swap3A_398 = tpu.vector_load %arg7[%swap3A_396, %swap3A_397] {strides = array<i32>} : memref<2x128xi32, #tpu.memory_space<vmem>>, vector<1x16xi32>,
        %swap3A_399 = vector.shape_cast %swap3A_398 : vector<1x16xi32> to vector<16xi32>
        %swap3A_400 = vector.shape_cast %shift_right_logical3A_394 : vector<16xi32> to vector<1x16xi32>
        tpu.vector_store %arg7[%swap3A_396, %swap3A_397], %swap3A_400 {strides = array<i32>} : memref<2x128xi32, #tpu.memory_space<vmem>>, vector<1x16xi32>,
        %get3A_401 = arith.index_cast %add3A_278 : i32 to index
        %get3A_402 = arith.constant 96 : index
        %get3A_403 = tpu.vector_load %arg5[%get3A_401, %get3A_402] {strides = array<i32>} : memref<80x128xi32, #tpu.memory_space<vmem>>, vector<1x16xi32>,
        %get3A_404 = vector.shape_cast %get3A_403 : vector<1x16xi32> to vector<16xi32>
        %and3A_405 = arith.andi %get3A_404, %broadcast_in_dim3A_280 : vector<16xi32>
        %swap3A_406 = arith.constant 1 : i32
        %swap3A_407 = arith.index_cast %swap3A_406 : i32 to index
        %swap3A_408 = arith.constant 96 : index
        %swap3A_409 = tpu.vector_load %arg6[%swap3A_407, %swap3A_408] {strides = array<i32>} : memref<2x128xi32, #tpu.memory_space<vmem>>, vector<1x16xi32>,
        %swap3A_410 = vector.shape_cast %swap3A_409 : vector<1x16xi32> to vector<16xi32>
        %swap3A_411 = vector.shape_cast %and3A_405 : vector<16xi32> to vector<1x16xi32>
        tpu.vector_store %arg6[%swap3A_407, %swap3A_408], %swap3A_411 {strides = array<i32>} : memref<2x128xi32, #tpu.memory_space<vmem>>, vector<1x16xi32>,
        %shift_right_logical3A_412 = arith.constant 16 : i32
        %shift_right_logical3A_413 = vector.broadcast %shift_right_logical3A_412 : i32 to vector<16xi32>
        %shift_right_logical3A_414 = arith.shrui %get3A_404, %shift_right_logical3A_413 : vector<16xi32>
        %swap3A_415 = arith.constant 1 : i32
        %swap3A_416 = arith.index_cast %swap3A_415 : i32 to index
        %swap3A_417 = arith.constant 96 : index
        %swap3A_418 = tpu.vector_load %arg7[%swap3A_416, %swap3A_417] {strides = array<i32>} : memref<2x128xi32, #tpu.memory_space<vmem>>, vector<1x16xi32>,
        %swap3A_419 = vector.shape_cast %swap3A_418 : vector<1x16xi32> to vector<16xi32>
        %swap3A_420 = vector.shape_cast %shift_right_logical3A_414 : vector<16xi32> to vector<1x16xi32>
        tpu.vector_store %arg7[%swap3A_416, %swap3A_417], %swap3A_420 {strides = array<i32>} : memref<2x128xi32, #tpu.memory_space<vmem>>, vector<1x16xi32>,
        %get3A_421 = arith.index_cast %add3A_278 : i32 to index
        %get3A_422 = arith.constant 112 : index
        %get3A_423 = tpu.vector_load %arg5[%get3A_421, %get3A_422] {strides = array<i32>} : memref<80x128xi32, #tpu.memory_space<vmem>>, vector<1x16xi32>,
        %get3A_424 = vector.shape_cast %get3A_423 : vector<1x16xi32> to vector<16xi32>
        %and3A_425 = arith.andi %get3A_424, %broadcast_in_dim3A_280 : vector<16xi32>
        %swap3A_426 = arith.constant 1 : i32
        %swap3A_427 = arith.index_cast %swap3A_426 : i32 to index
        %swap3A_428 = arith.constant 112 : index
        %swap3A_429 = tpu.vector_load %arg6[%swap3A_427, %swap3A_428] {strides = array<i32>} : memref<2x128xi32, #tpu.memory_space<vmem>>, vector<1x16xi32>,
        %swap3A_430 = vector.shape_cast %swap3A_429 : vector<1x16xi32> to vector<16xi32>
        %swap3A_431 = vector.shape_cast %and3A_425 : vector<16xi32> to vector<1x16xi32>
        tpu.vector_store %arg6[%swap3A_427, %swap3A_428], %swap3A_431 {strides = array<i32>} : memref<2x128xi32, #tpu.memory_space<vmem>>, vector<1x16xi32>,
        %shift_right_logical3A_432 = arith.constant 16 : i32
        %shift_right_logical3A_433 = vector.broadcast %shift_right_logical3A_432 : i32 to vector<16xi32>
        %shift_right_logical3A_434 = arith.shrui %get3A_424, %shift_right_logical3A_433 : vector<16xi32>
        %swap3A_435 = arith.constant 1 : i32
        %swap3A_436 = arith.index_cast %swap3A_435 : i32 to index
        %swap3A_437 = arith.constant 112 : index
        %swap3A_438 = tpu.vector_load %arg7[%swap3A_436, %swap3A_437] {strides = array<i32>} : memref<2x128xi32, #tpu.memory_space<vmem>>, vector<1x16xi32>,
        %swap3A_439 = vector.shape_cast %swap3A_438 : vector<1x16xi32> to vector<16xi32>
        %swap3A_440 = vector.shape_cast %shift_right_logical3A_434 : vector<16xi32> to vector<1x16xi32>
        tpu.vector_store %arg7[%swap3A_436, %swap3A_437], %swap3A_440 {strides = array<i32>} : memref<2x128xi32, #tpu.memory_space<vmem>>, vector<1x16xi32>,
        %dma_start3A_441 = arith.constant 1 : i32
        %dma_start3A_442 = arith.constant 0 : i32
        %dma_start3A_443 = tpu.memref_slice %arg6[%dma_start3A_441, %dma_start3A_442] : memref<2x128xi32, #tpu.memory_space<vmem>> -> memref<1x128xi32, #tpu.memory_space<vmem>>
        %dma_start3A_444 = tpu.memref_squeeze %dma_start3A_443 : memref<1x128xi32, #tpu.memory_space<vmem>> -> memref<128xi32, #tpu.memory_space<vmem>>
        %dma_start3A_445 = arith.constant 0 : i32
        %dma_start3A_446 = arith.constant 0 : i32
        %dma_start3A_447 = tpu.memref_slice %arg3[%dma_start3A_445, %dma_start3A_446] : memref<10000x128xf32, #tpu.memory_space<hbm>> -> memref<10000x128xf32, #tpu.memory_space<hbm>>
        tpu.enqueue_indirect_dma source(%dma_start3A_447 : memref<10000x128xf32, #tpu.memory_space<hbm>>) target(%arg9 : memref<128x128xf32, #tpu.memory_space<vmem>>) offsets(%dma_start3A_444 : memref<128xi32, #tpu.memory_space<vmem>>) semaphore(%arg11 : memref<!tpu.dma_semaphore, #tpu.memory_space<semaphore_mem>>)
      } else {
      }
      %mul3A_246 = arith.constant 2 : i32
      %mul3A_247 = arith.muli %mul3A_246, %scan3A_218 : i32
      %add3A_248 = arith.constant 1 : i32
      %add3A_249 = arith.addi %mul3A_247, %add3A_248 : i32
      %dma_wait3A_250 = arith.constant 1 : i32
      %dma_wait3A_251 = arith.constant 0 : i32
      %dma_wait3A_252 = tpu.memref_slice %arg6[%dma_wait3A_250, %dma_wait3A_251] : memref<2x128xi32, #tpu.memory_space<vmem>> -> memref<1x128xi32, #tpu.memory_space<vmem>>
      %dma_wait3A_253 = tpu.memref_squeeze %dma_wait3A_252 : memref<1x128xi32, #tpu.memory_space<vmem>> -> memref<128xi32, #tpu.memory_space<vmem>>
      %dma_wait3A_254 = arith.constant 0 : i32
      %dma_wait3A_255 = arith.constant 0 : i32
      %dma_wait3A_256 = tpu.memref_slice %arg3[%dma_wait3A_254, %dma_wait3A_255] : memref<10000x128xf32, #tpu.memory_space<hbm>> -> memref<10000x128xf32, #tpu.memory_space<hbm>>
      tpu.wait_indirect_dma semaphore(%arg11 : memref<!tpu.dma_semaphore, #tpu.memory_space<semaphore_mem>>) src(%dma_wait3A_256 : memref<10000x128xf32, #tpu.memory_space<hbm>>) dst(%arg9 : memref<128x128xf32, #tpu.memory_space<vmem>>)
      %ge3A_257 = arith.constant 1 : i32
      %ge3A_258 = arith.cmpi sge, %add3A_249, %ge3A_257 : i32
      %convert_element_type3A_259 = arith.extui %ge3A_258 : i1 to i32
      %cond3A_260 = arith.constant 0 : i32
      %cond3A_261 = arith.cmpi ne, %convert_element_type3A_259, %cond3A_260 : i32
      scf.if %cond3A_261 {
        %dma_wait3A_277 = arith.constant 0 : i32
        %dma_wait3A_278 = arith.constant 0 : i32
        %dma_wait3A_279 = tpu.memref_slice %arg7[%dma_wait3A_277, %dma_wait3A_278] : memref<2x128xi32, #tpu.memory_space<vmem>> -> memref<1x128xi32, #tpu.memory_space<vmem>>
        %dma_wait3A_280 = tpu.memref_squeeze %dma_wait3A_279 : memref<1x128xi32, #tpu.memory_space<vmem>> -> memref<128xi32, #tpu.memory_space<vmem>>
        %dma_wait3A_281 = arith.constant 0 : i32
        %dma_wait3A_282 = arith.constant 0 : i32
        %dma_wait3A_283 = tpu.memref_slice %arg10[%dma_wait3A_281, %dma_wait3A_282] : memref<10240x128xf32, #tpu.memory_space<vmem_shared>> -> memref<10240x128xf32, #tpu.memory_space<vmem_shared>>
        tpu.wait_indirect_dma semaphore(%arg12 : memref<!tpu.dma_semaphore, #tpu.memory_space<semaphore_mem>>) src(%arg8 : memref<128x128xf32, #tpu.memory_space<vmem>>) dst(%dma_wait3A_283 : memref<10240x128xf32, #tpu.memory_space<vmem_shared>>)
      } else {
      }
      %dma_start3A_262 = arith.constant 1 : i32
      %dma_start3A_263 = arith.constant 0 : i32
      %dma_start3A_264 = tpu.memref_slice %arg7[%dma_start3A_262, %dma_start3A_263] : memref<2x128xi32, #tpu.memory_space<vmem>> -> memref<1x128xi32, #tpu.memory_space<vmem>>
      %dma_start3A_265 = tpu.memref_squeeze %dma_start3A_264 : memref<1x128xi32, #tpu.memory_space<vmem>> -> memref<128xi32, #tpu.memory_space<vmem>>
      %dma_start3A_266 = arith.constant 0 : i32
      %dma_start3A_267 = arith.constant 0 : i32
      %dma_start3A_268 = tpu.memref_slice %arg10[%dma_start3A_266, %dma_start3A_267] : memref<10240x128xf32, #tpu.memory_space<vmem_shared>> -> memref<10240x128xf32, #tpu.memory_space<vmem_shared>>
      tpu.enqueue_indirect_dma source(%arg9 : memref<128x128xf32, #tpu.memory_space<vmem>>) target(%dma_start3A_268 : memref<10240x128xf32, #tpu.memory_space<vmem_shared>>) offsets(%dma_start3A_265 : memref<128xi32, #tpu.memory_space<vmem>>) semaphore(%arg12 : memref<!tpu.dma_semaphore, #tpu.memory_space<semaphore_mem>>) {add = true}
      %add3A_269 = arith.constant 1 : i32
      %add3A_270 = arith.addi %add3A_249, %add3A_269 : i32
      %lt3A_271 = arith.constant 80 : i32
      %lt3A_272 = arith.cmpi slt, %add3A_270, %lt3A_271 : i32
      %convert_element_type3A_273 = arith.extui %lt3A_272 : i1 to i32
      %cond3A_274 = arith.constant 0 : i32
      %cond3A_275 = arith.cmpi ne, %convert_element_type3A_273, %cond3A_274 : i32
      scf.if %cond3A_275 {
        %add3A_277 = arith.constant 1 : i32
        %add3A_278 = arith.addi %add3A_249, %add3A_277 : i32
        %broadcast_in_dim3A_279 = arith.constant 65535 : i32
        %broadcast_in_dim3A_280 = vector.broadcast %broadcast_in_dim3A_279 : i32 to vector<16xi32>
        %get3A_281 = arith.index_cast %add3A_278 : i32 to index
        %get3A_282 = arith.constant 0 : index
        %get3A_283 = tpu.vector_load %arg5[%get3A_281, %get3A_282] {strides = array<i32>} : memref<80x128xi32, #tpu.memory_space<vmem>>, vector<1x16xi32>,
        %get3A_284 = vector.shape_cast %get3A_283 : vector<1x16xi32> to vector<16xi32>
        %and3A_285 = arith.andi %get3A_284, %broadcast_in_dim3A_280 : vector<16xi32>
        %swap3A_286 = arith.constant 0 : i32
        %swap3A_287 = arith.index_cast %swap3A_286 : i32 to index
        %swap3A_288 = arith.constant 0 : index
        %swap3A_289 = tpu.vector_load %arg6[%swap3A_287, %swap3A_288] {strides = array<i32>} : memref<2x128xi32, #tpu.memory_space<vmem>>, vector<1x16xi32>,
        %swap3A_290 = vector.shape_cast %swap3A_289 : vector<1x16xi32> to vector<16xi32>
        %swap3A_291 = vector.shape_cast %and3A_285 : vector<16xi32> to vector<1x16xi32>
        tpu.vector_store %arg6[%swap3A_287, %swap3A_288], %swap3A_291 {strides = array<i32>} : memref<2x128xi32, #tpu.memory_space<vmem>>, vector<1x16xi32>,
        %shift_right_logical3A_292 = arith.constant 16 : i32
        %shift_right_logical3A_293 = vector.broadcast %shift_right_logical3A_292 : i32 to vector<16xi32>
        %shift_right_logical3A_294 = arith.shrui %get3A_284, %shift_right_logical3A_293 : vector<16xi32>
        %swap3A_295 = arith.constant 0 : i32
        %swap3A_296 = arith.index_cast %swap3A_295 : i32 to index
        %swap3A_297 = arith.constant 0 : index
        %swap3A_298 = tpu.vector_load %arg7[%swap3A_296, %swap3A_297] {strides = array<i32>} : memref<2x128xi32, #tpu.memory_space<vmem>>, vector<1x16xi32>,
        %swap3A_299 = vector.shape_cast %swap3A_298 : vector<1x16xi32> to vector<16xi32>
        %swap3A_300 = vector.shape_cast %shift_right_logical3A_294 : vector<16xi32> to vector<1x16xi32>
        tpu.vector_store %arg7[%swap3A_296, %swap3A_297], %swap3A_300 {strides = array<i32>} : memref<2x128xi32, #tpu.memory_space<vmem>>, vector<1x16xi32>,
        %get3A_301 = arith.index_cast %add3A_278 : i32 to index
        %get3A_302 = arith.constant 16 : index
        %get3A_303 = tpu.vector_load %arg5[%get3A_301, %get3A_302] {strides = array<i32>} : memref<80x128xi32, #tpu.memory_space<vmem>>, vector<1x16xi32>,
        %get3A_304 = vector.shape_cast %get3A_303 : vector<1x16xi32> to vector<16xi32>
        %and3A_305 = arith.andi %get3A_304, %broadcast_in_dim3A_280 : vector<16xi32>
        %swap3A_306 = arith.constant 0 : i32
        %swap3A_307 = arith.index_cast %swap3A_306 : i32 to index
        %swap3A_308 = arith.constant 16 : index
        %swap3A_309 = tpu.vector_load %arg6[%swap3A_307, %swap3A_308] {strides = array<i32>} : memref<2x128xi32, #tpu.memory_space<vmem>>, vector<1x16xi32>,
        %swap3A_310 = vector.shape_cast %swap3A_309 : vector<1x16xi32> to vector<16xi32>
        %swap3A_311 = vector.shape_cast %and3A_305 : vector<16xi32> to vector<1x16xi32>
        tpu.vector_store %arg6[%swap3A_307, %swap3A_308], %swap3A_311 {strides = array<i32>} : memref<2x128xi32, #tpu.memory_space<vmem>>, vector<1x16xi32>,
        %shift_right_logical3A_312 = arith.constant 16 : i32
        %shift_right_logical3A_313 = vector.broadcast %shift_right_logical3A_312 : i32 to vector<16xi32>
        %shift_right_logical3A_314 = arith.shrui %get3A_304, %shift_right_logical3A_313 : vector<16xi32>
        %swap3A_315 = arith.constant 0 : i32
        %swap3A_316 = arith.index_cast %swap3A_315 : i32 to index
        %swap3A_317 = arith.constant 16 : index
        %swap3A_318 = tpu.vector_load %arg7[%swap3A_316, %swap3A_317] {strides = array<i32>} : memref<2x128xi32, #tpu.memory_space<vmem>>, vector<1x16xi32>,
        %swap3A_319 = vector.shape_cast %swap3A_318 : vector<1x16xi32> to vector<16xi32>
        %swap3A_320 = vector.shape_cast %shift_right_logical3A_314 : vector<16xi32> to vector<1x16xi32>
        tpu.vector_store %arg7[%swap3A_316, %swap3A_317], %swap3A_320 {strides = array<i32>} : memref<2x128xi32, #tpu.memory_space<vmem>>, vector<1x16xi32>,
        %get3A_321 = arith.index_cast %add3A_278 : i32 to index
        %get3A_322 = arith.constant 32 : index
        %get3A_323 = tpu.vector_load %arg5[%get3A_321, %get3A_322] {strides = array<i32>} : memref<80x128xi32, #tpu.memory_space<vmem>>, vector<1x16xi32>,
        %get3A_324 = vector.shape_cast %get3A_323 : vector<1x16xi32> to vector<16xi32>
        %and3A_325 = arith.andi %get3A_324, %broadcast_in_dim3A_280 : vector<16xi32>
        %swap3A_326 = arith.constant 0 : i32
        %swap3A_327 = arith.index_cast %swap3A_326 : i32 to index
        %swap3A_328 = arith.constant 32 : index
        %swap3A_329 = tpu.vector_load %arg6[%swap3A_327, %swap3A_328] {strides = array<i32>} : memref<2x128xi32, #tpu.memory_space<vmem>>, vector<1x16xi32>,
        %swap3A_330 = vector.shape_cast %swap3A_329 : vector<1x16xi32> to vector<16xi32>
        %swap3A_331 = vector.shape_cast %and3A_325 : vector<16xi32> to vector<1x16xi32>
        tpu.vector_store %arg6[%swap3A_327, %swap3A_328], %swap3A_331 {strides = array<i32>} : memref<2x128xi32, #tpu.memory_space<vmem>>, vector<1x16xi32>,
        %shift_right_logical3A_332 = arith.constant 16 : i32
        %shift_right_logical3A_333 = vector.broadcast %shift_right_logical3A_332 : i32 to vector<16xi32>
        %shift_right_logical3A_334 = arith.shrui %get3A_324, %shift_right_logical3A_333 : vector<16xi32>
        %swap3A_335 = arith.constant 0 : i32
        %swap3A_336 = arith.index_cast %swap3A_335 : i32 to index
        %swap3A_337 = arith.constant 32 : index
        %swap3A_338 = tpu.vector_load %arg7[%swap3A_336, %swap3A_337] {strides = array<i32>} : memref<2x128xi32, #tpu.memory_space<vmem>>, vector<1x16xi32>,
        %swap3A_339 = vector.shape_cast %swap3A_338 : vector<1x16xi32> to vector<16xi32>
        %swap3A_340 = vector.shape_cast %shift_right_logical3A_334 : vector<16xi32> to vector<1x16xi32>
        tpu.vector_store %arg7[%swap3A_336, %swap3A_337], %swap3A_340 {strides = array<i32>} : memref<2x128xi32, #tpu.memory_space<vmem>>, vector<1x16xi32>,
        %get3A_341 = arith.index_cast %add3A_278 : i32 to index
        %get3A_342 = arith.constant 48 : index
        %get3A_343 = tpu.vector_load %arg5[%get3A_341, %get3A_342] {strides = array<i32>} : memref<80x128xi32, #tpu.memory_space<vmem>>, vector<1x16xi32>,
        %get3A_344 = vector.shape_cast %get3A_343 : vector<1x16xi32> to vector<16xi32>
        %and3A_345 = arith.andi %get3A_344, %broadcast_in_dim3A_280 : vector<16xi32>
        %swap3A_346 = arith.constant 0 : i32
        %swap3A_347 = arith.index_cast %swap3A_346 : i32 to index
        %swap3A_348 = arith.constant 48 : index
        %swap3A_349 = tpu.vector_load %arg6[%swap3A_347, %swap3A_348] {strides = array<i32>} : memref<2x128xi32, #tpu.memory_space<vmem>>, vector<1x16xi32>,
        %swap3A_350 = vector.shape_cast %swap3A_349 : vector<1x16xi32> to vector<16xi32>
        %swap3A_351 = vector.shape_cast %and3A_345 : vector<16xi32> to vector<1x16xi32>
        tpu.vector_store %arg6[%swap3A_347, %swap3A_348], %swap3A_351 {strides = array<i32>} : memref<2x128xi32, #tpu.memory_space<vmem>>, vector<1x16xi32>,
        %shift_right_logical3A_352 = arith.constant 16 : i32
        %shift_right_logical3A_353 = vector.broadcast %shift_right_logical3A_352 : i32 to vector<16xi32>
        %shift_right_logical3A_354 = arith.shrui %get3A_344, %shift_right_logical3A_353 : vector<16xi32>
        %swap3A_355 = arith.constant 0 : i32
        %swap3A_356 = arith.index_cast %swap3A_355 : i32 to index
        %swap3A_357 = arith.constant 48 : index
        %swap3A_358 = tpu.vector_load %arg7[%swap3A_356, %swap3A_357] {strides = array<i32>} : memref<2x128xi32, #tpu.memory_space<vmem>>, vector<1x16xi32>,
        %swap3A_359 = vector.shape_cast %swap3A_358 : vector<1x16xi32> to vector<16xi32>
        %swap3A_360 = vector.shape_cast %shift_right_logical3A_354 : vector<16xi32> to vector<1x16xi32>
        tpu.vector_store %arg7[%swap3A_356, %swap3A_357], %swap3A_360 {strides = array<i32>} : memref<2x128xi32, #tpu.memory_space<vmem>>, vector<1x16xi32>,
        %get3A_361 = arith.index_cast %add3A_278 : i32 to index
        %get3A_362 = arith.constant 64 : index
        %get3A_363 = tpu.vector_load %arg5[%get3A_361, %get3A_362] {strides = array<i32>} : memref<80x128xi32, #tpu.memory_space<vmem>>, vector<1x16xi32>,
        %get3A_364 = vector.shape_cast %get3A_363 : vector<1x16xi32> to vector<16xi32>
        %and3A_365 = arith.andi %get3A_364, %broadcast_in_dim3A_280 : vector<16xi32>
        %swap3A_366 = arith.constant 0 : i32
        %swap3A_367 = arith.index_cast %swap3A_366 : i32 to index
        %swap3A_368 = arith.constant 64 : index
        %swap3A_369 = tpu.vector_load %arg6[%swap3A_367, %swap3A_368] {strides = array<i32>} : memref<2x128xi32, #tpu.memory_space<vmem>>, vector<1x16xi32>,
        %swap3A_370 = vector.shape_cast %swap3A_369 : vector<1x16xi32> to vector<16xi32>
        %swap3A_371 = vector.shape_cast %and3A_365 : vector<16xi32> to vector<1x16xi32>
        tpu.vector_store %arg6[%swap3A_367, %swap3A_368], %swap3A_371 {strides = array<i32>} : memref<2x128xi32, #tpu.memory_space<vmem>>, vector<1x16xi32>,
        %shift_right_logical3A_372 = arith.constant 16 : i32
        %shift_right_logical3A_373 = vector.broadcast %shift_right_logical3A_372 : i32 to vector<16xi32>
        %shift_right_logical3A_374 = arith.shrui %get3A_364, %shift_right_logical3A_373 : vector<16xi32>
        %swap3A_375 = arith.constant 0 : i32
        %swap3A_376 = arith.index_cast %swap3A_375 : i32 to index
        %swap3A_377 = arith.constant 64 : index
        %swap3A_378 = tpu.vector_load %arg7[%swap3A_376, %swap3A_377] {strides = array<i32>} : memref<2x128xi32, #tpu.memory_space<vmem>>, vector<1x16xi32>,
        %swap3A_379 = vector.shape_cast %swap3A_378 : vector<1x16xi32> to vector<16xi32>
        %swap3A_380 = vector.shape_cast %shift_right_logical3A_374 : vector<16xi32> to vector<1x16xi32>
        tpu.vector_store %arg7[%swap3A_376, %swap3A_377], %swap3A_380 {strides = array<i32>} : memref<2x128xi32, #tpu.memory_space<vmem>>, vector<1x16xi32>,
        %get3A_381 = arith.index_cast %add3A_278 : i32 to index
        %get3A_382 = arith.constant 80 : index
        %get3A_383 = tpu.vector_load %arg5[%get3A_381, %get3A_382] {strides = array<i32>} : memref<80x128xi32, #tpu.memory_space<vmem>>, vector<1x16xi32>,
        %get3A_384 = vector.shape_cast %get3A_383 : vector<1x16xi32> to vector<16xi32>
        %and3A_385 = arith.andi %get3A_384, %broadcast_in_dim3A_280 : vector<16xi32>
        %swap3A_386 = arith.constant 0 : i32
        %swap3A_387 = arith.index_cast %swap3A_386 : i32 to index
        %swap3A_388 = arith.constant 80 : index
        %swap3A_389 = tpu.vector_load %arg6[%swap3A_387, %swap3A_388] {strides = array<i32>} : memref<2x128xi32, #tpu.memory_space<vmem>>, vector<1x16xi32>,
        %swap3A_390 = vector.shape_cast %swap3A_389 : vector<1x16xi32> to vector<16xi32>
        %swap3A_391 = vector.shape_cast %and3A_385 : vector<16xi32> to vector<1x16xi32>
        tpu.vector_store %arg6[%swap3A_387, %swap3A_388], %swap3A_391 {strides = array<i32>} : memref<2x128xi32, #tpu.memory_space<vmem>>, vector<1x16xi32>,
        %shift_right_logical3A_392 = arith.constant 16 : i32
        %shift_right_logical3A_393 = vector.broadcast %shift_right_logical3A_392 : i32 to vector<16xi32>
        %shift_right_logical3A_394 = arith.shrui %get3A_384, %shift_right_logical3A_393 : vector<16xi32>
        %swap3A_395 = arith.constant 0 : i32
        %swap3A_396 = arith.index_cast %swap3A_395 : i32 to index
        %swap3A_397 = arith.constant 80 : index
        %swap3A_398 = tpu.vector_load %arg7[%swap3A_396, %swap3A_397] {strides = array<i32>} : memref<2x128xi32, #tpu.memory_space<vmem>>, vector<1x16xi32>,
        %swap3A_399 = vector.shape_cast %swap3A_398 : vector<1x16xi32> to vector<16xi32>
        %swap3A_400 = vector.shape_cast %shift_right_logical3A_394 : vector<16xi32> to vector<1x16xi32>
        tpu.vector_store %arg7[%swap3A_396, %swap3A_397], %swap3A_400 {strides = array<i32>} : memref<2x128xi32, #tpu.memory_space<vmem>>, vector<1x16xi32>,
        %get3A_401 = arith.index_cast %add3A_278 : i32 to index
        %get3A_402 = arith.constant 96 : index
        %get3A_403 = tpu.vector_load %arg5[%get3A_401, %get3A_402] {strides = array<i32>} : memref<80x128xi32, #tpu.memory_space<vmem>>, vector<1x16xi32>,
        %get3A_404 = vector.shape_cast %get3A_403 : vector<1x16xi32> to vector<16xi32>
        %and3A_405 = arith.andi %get3A_404, %broadcast_in_dim3A_280 : vector<16xi32>
        %swap3A_406 = arith.constant 0 : i32
        %swap3A_407 = arith.index_cast %swap3A_406 : i32 to index
        %swap3A_408 = arith.constant 96 : index
        %swap3A_409 = tpu.vector_load %arg6[%swap3A_407, %swap3A_408] {strides = array<i32>} : memref<2x128xi32, #tpu.memory_space<vmem>>, vector<1x16xi32>,
        %swap3A_410 = vector.shape_cast %swap3A_409 : vector<1x16xi32> to vector<16xi32>
        %swap3A_411 = vector.shape_cast %and3A_405 : vector<16xi32> to vector<1x16xi32>
        tpu.vector_store %arg6[%swap3A_407, %swap3A_408], %swap3A_411 {strides = array<i32>} : memref<2x128xi32, #tpu.memory_space<vmem>>, vector<1x16xi32>,
        %shift_right_logical3A_412 = arith.constant 16 : i32
        %shift_right_logical3A_413 = vector.broadcast %shift_right_logical3A_412 : i32 to vector<16xi32>
        %shift_right_logical3A_414 = arith.shrui %get3A_404, %shift_right_logical3A_413 : vector<16xi32>
        %swap3A_415 = arith.constant 0 : i32
        %swap3A_416 = arith.index_cast %swap3A_415 : i32 to index
        %swap3A_417 = arith.constant 96 : index
        %swap3A_418 = tpu.vector_load %arg7[%swap3A_416, %swap3A_417] {strides = array<i32>} : memref<2x128xi32, #tpu.memory_space<vmem>>, vector<1x16xi32>,
        %swap3A_419 = vector.shape_cast %swap3A_418 : vector<1x16xi32> to vector<16xi32>
        %swap3A_420 = vector.shape_cast %shift_right_logical3A_414 : vector<16xi32> to vector<1x16xi32>
        tpu.vector_store %arg7[%swap3A_416, %swap3A_417], %swap3A_420 {strides = array<i32>} : memref<2x128xi32, #tpu.memory_space<vmem>>, vector<1x16xi32>,
        %get3A_421 = arith.index_cast %add3A_278 : i32 to index
        %get3A_422 = arith.constant 112 : index
        %get3A_423 = tpu.vector_load %arg5[%get3A_421, %get3A_422] {strides = array<i32>} : memref<80x128xi32, #tpu.memory_space<vmem>>, vector<1x16xi32>,
        %get3A_424 = vector.shape_cast %get3A_423 : vector<1x16xi32> to vector<16xi32>
        %and3A_425 = arith.andi %get3A_424, %broadcast_in_dim3A_280 : vector<16xi32>
        %swap3A_426 = arith.constant 0 : i32
        %swap3A_427 = arith.index_cast %swap3A_426 : i32 to index
        %swap3A_428 = arith.constant 112 : index
        %swap3A_429 = tpu.vector_load %arg6[%swap3A_427, %swap3A_428] {strides = array<i32>} : memref<2x128xi32, #tpu.memory_space<vmem>>, vector<1x16xi32>,
        %swap3A_430 = vector.shape_cast %swap3A_429 : vector<1x16xi32> to vector<16xi32>
        %swap3A_431 = vector.shape_cast %and3A_425 : vector<16xi32> to vector<1x16xi32>
        tpu.vector_store %arg6[%swap3A_427, %swap3A_428], %swap3A_431 {strides = array<i32>} : memref<2x128xi32, #tpu.memory_space<vmem>>, vector<1x16xi32>,
        %shift_right_logical3A_432 = arith.constant 16 : i32
        %shift_right_logical3A_433 = vector.broadcast %shift_right_logical3A_432 : i32 to vector<16xi32>
        %shift_right_logical3A_434 = arith.shrui %get3A_424, %shift_right_logical3A_433 : vector<16xi32>
        %swap3A_435 = arith.constant 0 : i32
        %swap3A_436 = arith.index_cast %swap3A_435 : i32 to index
        %swap3A_437 = arith.constant 112 : index
        %swap3A_438 = tpu.vector_load %arg7[%swap3A_436, %swap3A_437] {strides = array<i32>} : memref<2x128xi32, #tpu.memory_space<vmem>>, vector<1x16xi32>,
        %swap3A_439 = vector.shape_cast %swap3A_438 : vector<1x16xi32> to vector<16xi32>
        %swap3A_440 = vector.shape_cast %shift_right_logical3A_434 : vector<16xi32> to vector<1x16xi32>
        tpu.vector_store %arg7[%swap3A_436, %swap3A_437], %swap3A_440 {strides = array<i32>} : memref<2x128xi32, #tpu.memory_space<vmem>>, vector<1x16xi32>,
        %dma_start3A_441 = arith.constant 0 : i32
        %dma_start3A_442 = arith.constant 0 : i32
        %dma_start3A_443 = tpu.memref_slice %arg6[%dma_start3A_441, %dma_start3A_442] : memref<2x128xi32, #tpu.memory_space<vmem>> -> memref<1x128xi32, #tpu.memory_space<vmem>>
        %dma_start3A_444 = tpu.memref_squeeze %dma_start3A_443 : memref<1x128xi32, #tpu.memory_space<vmem>> -> memref<128xi32, #tpu.memory_space<vmem>>
        %dma_start3A_445 = arith.constant 0 : i32
        %dma_start3A_446 = arith.constant 0 : i32
        %dma_start3A_447 = tpu.memref_slice %arg3[%dma_start3A_445, %dma_start3A_446] : memref<10000x128xf32, #tpu.memory_space<hbm>> -> memref<10000x128xf32, #tpu.memory_space<hbm>>
        tpu.enqueue_indirect_dma source(%dma_start3A_447 : memref<10000x128xf32, #tpu.memory_space<hbm>>) target(%arg8 : memref<128x128xf32, #tpu.memory_space<vmem>>) offsets(%dma_start3A_444 : memref<128xi32, #tpu.memory_space<vmem>>) semaphore(%arg11 : memref<!tpu.dma_semaphore, #tpu.memory_space<semaphore_mem>>)
      } else {
      }
      %scan3A_276 = arith.constant 0 : i32
      scf.yield %scan3A_276 : i32
    }
    %scan3A_206 = arith.constant 40 : i32
    %dma_wait3A = arith.constant 1 : i32
    %dma_wait3A_207 = arith.constant 0 : i32
    %dma_wait3A_208 = tpu.memref_slice %arg7[%dma_wait3A, %dma_wait3A_207] : memref<2x128xi32, #tpu.memory_space<vmem>> -> memref<1x128xi32, #tpu.memory_space<vmem>>
    %dma_wait3A_209 = tpu.memref_squeeze %dma_wait3A_208 : memref<1x128xi32, #tpu.memory_space<vmem>> -> memref<128xi32, #tpu.memory_space<vmem>>
    %dma_wait3A_210 = arith.constant 0 : i32
    %dma_wait3A_211 = arith.constant 0 : i32
    %dma_wait3A_212 = tpu.memref_slice %arg10[%dma_wait3A_210, %dma_wait3A_211] : memref<10240x128xf32, #tpu.memory_space<vmem_shared>> -> memref<10240x128xf32, #tpu.memory_space<vmem_shared>>
    tpu.wait_indirect_dma semaphore(%arg12 : memref<!tpu.dma_semaphore, #tpu.memory_space<semaphore_mem>>) src(%arg9 : memref<128x128xf32, #tpu.memory_space<vmem>>) dst(%dma_wait3A_212 : memref<10240x128xf32, #tpu.memory_space<vmem_shared>>)
    %barrier3A_213 = arith.constant 0 : index
    tpu.barrier barrier_id(%barrier3A_213)
    %mul3A_214 = arith.constant 640 : i32
    %mul3A_215 = arith.muli %arg1, %mul3A_214 : i32
    %mul3A_216 = arith.constant 640 : i32
    %mul3A_217 = arith.muli %arg1, %mul3A_216 : i32
    "tpu.region"() ({
      %run_scoped3A = tpu.sem_alloc : memref<!tpu.dma_semaphore, #tpu.memory_space<semaphore_mem>>
      %dma_start3A_218 = arith.constant 0 : i32
      %dma_start3A_219 = tpu.memref_slice %arg4[%arg0, %mul3A_217, %dma_start3A_218] : memref<2x10240x128xf32, #tpu.memory_space<hbm>> -> memref<1x640x128xf32, #tpu.memory_space<hbm>>
      %dma_start3A_220 = tpu.memref_squeeze %dma_start3A_219 : memref<1x640x128xf32, #tpu.memory_space<hbm>> -> memref<640x128xf32, #tpu.memory_space<hbm>>
      %dma_start3A_221 = arith.constant 0 : i32
      %dma_start3A_222 = tpu.memref_slice %arg10[%mul3A_215, %dma_start3A_221] : memref<10240x128xf32, #tpu.memory_space<vmem_shared>> -> memref<640x128xf32, #tpu.memory_space<vmem_shared>>
      tpu.enqueue_dma source(%dma_start3A_222 : memref<640x128xf32, #tpu.memory_space<vmem_shared>>) target(%dma_start3A_220 : memref<640x128xf32, #tpu.memory_space<hbm>>) target_semaphore(%run_scoped3A : memref<!tpu.dma_semaphore, #tpu.memory_space<semaphore_mem>>)
      %dma_wait3A_223 = arith.constant 0 : i32
      %dma_wait3A_224 = tpu.memref_slice %arg4[%arg0, %mul3A_217, %dma_wait3A_223] : memref<2x10240x128xf32, #tpu.memory_space<hbm>> -> memref<1x640x128xf32, #tpu.memory_space<hbm>>
      %dma_wait3A_225 = tpu.memref_squeeze %dma_wait3A_224 : memref<1x640x128xf32, #tpu.memory_space<hbm>> -> memref<640x128xf32, #tpu.memory_space<hbm>>
      %dma_wait3A_226 = arith.constant 0 : i32
      %dma_wait3A_227 = tpu.memref_slice %arg10[%mul3A_215, %dma_wait3A_226] : memref<10240x128xf32, #tpu.memory_space<vmem_shared>> -> memref<640x128xf32, #tpu.memory_space<vmem_shared>>
      tpu.wait_dma2 semaphore(%run_scoped3A : memref<!tpu.dma_semaphore, #tpu.memory_space<semaphore_mem>>) src(%dma_wait3A_227 : memref<640x128xf32, #tpu.memory_space<vmem_shared>>) dst(%dma_wait3A_225 : memref<640x128xf32, #tpu.memory_space<hbm>>)
      tpu.yield
    }) : () -> ()
    return
  }
}

#map = affine_map<(d0, d1) -> (0, 0, 0)>
#map1 = affine_map<(d0, d1) -> (0, 0)>
module attributes {stable_mosaic.version = 14 : i64} {
  func.func @_l0_body(%arg0: i32, %arg1: i32, %arg2: memref<32x80x128xi32, #tpu.memory_space<hbm>>, %arg3: memref<10000x128xf32, #tpu.memory_space<hbm>>, %arg4: memref<2500x16x128xf32, #tpu.memory_space<hbm>>, %arg5: memref<2x10240x128xf32, #tpu.memory_space<hbm>>, %arg6: memref<2x10240x128xf32, #tpu.memory_space<hbm>>, %arg7: memref<80x128xi32, #tpu.memory_space<vmem>>, %arg8: memref<2x128xi32, #tpu.memory_space<vmem>>, %arg9: memref<2x128xi32, #tpu.memory_space<vmem>>, %arg10: memref<16x128xf32, #tpu.memory_space<vmem>>, %arg11: memref<16x128xf32, #tpu.memory_space<vmem>>, %arg12: memref<128x128xf32, #tpu.memory_space<vmem>>, %arg13: memref<128x128xf32, #tpu.memory_space<vmem>>, %arg14: memref<10240x128xf32, #tpu.memory_space<vmem_shared>>, %arg15: memref<!tpu.dma_semaphore, #tpu.memory_space<semaphore_mem>>, %arg16: memref<!tpu.dma_semaphore, #tpu.memory_space<semaphore_mem>>) attributes {dimension_semantics = [#tpu.dimension_semantics<core_parallel>, #tpu.dimension_semantics<subcore_parallel>], iteration_bounds = array<i64: 2, 16>, scalar_prefetch = 0 : i64, scratch_operands = 10 : i64, tpu.core_type = #tpu.core_type<sc_vector_subcore>, window_params = [{transform_indices = #map}, {transform_indices = #map1}, {transform_indices = #map}, {transform_indices = #map}, {transform_indices = #map}]} {
    %mul3A = arith.constant 16 : i32
    %mul3A_0 = arith.muli %arg0, %mul3A : i32
    %add3A = arith.addi %mul3A_0, %arg1 : i32
    "tpu.region"() ({
      %run_scoped3A = tpu.sem_alloc : memref<!tpu.dma_semaphore, #tpu.memory_space<semaphore_mem>>
      %dma_start3A_445 = arith.constant 0 : i32
      %dma_start3A_446 = arith.constant 0 : i32
      %dma_start3A_447 = tpu.memref_slice %arg2[%add3A, %dma_start3A_445, %dma_start3A_446] : memref<32x80x128xi32, #tpu.memory_space<hbm>> -> memref<1x80x128xi32, #tpu.memory_space<hbm>>
      %dma_start3A_448 = tpu.memref_squeeze %dma_start3A_447 : memref<1x80x128xi32, #tpu.memory_space<hbm>> -> memref<80x128xi32, #tpu.memory_space<hbm>>
      %dma_start3A_449 = arith.constant 0 : i32
      %dma_start3A_450 = arith.constant 0 : i32
      %dma_start3A_451 = tpu.memref_slice %arg2[%add3A, %dma_start3A_449, %dma_start3A_450] : memref<32x80x128xi32, #tpu.memory_space<hbm>> -> memref<1x80x128xi32, #tpu.memory_space<hbm>>
      %dma_start3A_452 = tpu.memref_squeeze %dma_start3A_451 : memref<1x80x128xi32, #tpu.memory_space<hbm>> -> memref<80x128xi32, #tpu.memory_space<hbm>>
      tpu.enqueue_dma source(%dma_start3A_452 : memref<80x128xi32, #tpu.memory_space<hbm>>) target(%arg7 : memref<80x128xi32, #tpu.memory_space<vmem>>) target_semaphore(%run_scoped3A : memref<!tpu.dma_semaphore, #tpu.memory_space<semaphore_mem>>)
      %dma_wait3A_453 = arith.constant 0 : i32
      %dma_wait3A_454 = arith.constant 0 : i32
      %dma_wait3A_455 = tpu.memref_slice %arg2[%add3A, %dma_wait3A_453, %dma_wait3A_454] : memref<32x80x128xi32, #tpu.memory_space<hbm>> -> memref<1x80x128xi32, #tpu.memory_space<hbm>>
      %dma_wait3A_456 = tpu.memref_squeeze %dma_wait3A_455 : memref<1x80x128xi32, #tpu.memory_space<hbm>> -> memref<80x128xi32, #tpu.memory_space<hbm>>
      %dma_wait3A_457 = arith.constant 0 : i32
      %dma_wait3A_458 = arith.constant 0 : i32
      %dma_wait3A_459 = tpu.memref_slice %arg2[%add3A, %dma_wait3A_457, %dma_wait3A_458] : memref<32x80x128xi32, #tpu.memory_space<hbm>> -> memref<1x80x128xi32, #tpu.memory_space<hbm>>
      %dma_wait3A_460 = tpu.memref_squeeze %dma_wait3A_459 : memref<1x80x128xi32, #tpu.memory_space<hbm>> -> memref<80x128xi32, #tpu.memory_space<hbm>>
      tpu.wait_dma2 semaphore(%run_scoped3A : memref<!tpu.dma_semaphore, #tpu.memory_space<semaphore_mem>>) src(%dma_wait3A_460 : memref<80x128xi32, #tpu.memory_space<hbm>>) dst(%arg7 : memref<80x128xi32, #tpu.memory_space<vmem>>)
      tpu.yield
    }) : () -> ()
    %broadcast_in_dim3A = arith.constant 0.000000e+00 : f32
    %broadcast_in_dim3A_1 = vector.broadcast %broadcast_in_dim3A : f32 to vector<16xf32>
    %scan3A = arith.constant 0 : i32
    %scan3A_2 = arith.constant 0 : i32
    %scan3A_3 = arith.constant 128 : i32
    %scan3A_4 = arith.addi %scan3A_2, %scan3A_3 : i32
    %scan3A_5 = arith.constant 1 : i32
    %scan3A_6 = scf.for %scan3A_445 = %scan3A_2 to %scan3A_4 step %scan3A_5 iter_args(%scan3A_446 = %scan3A) -> (i32)  : i32 {
      %swap3A_447 = arith.index_cast %scan3A_445 : i32 to index
      %swap3A_448 = arith.constant 0 : index
      %swap3A_449 = tpu.vector_load %arg12[%swap3A_447, %swap3A_448] {strides = array<i32>} : memref<128x128xf32, #tpu.memory_space<vmem>>, vector<1x16xf32>,
      %swap3A_450 = vector.shape_cast %swap3A_449 : vector<1x16xf32> to vector<16xf32>
      %swap3A_451 = vector.shape_cast %broadcast_in_dim3A_1 : vector<16xf32> to vector<1x16xf32>
      tpu.vector_store %arg12[%swap3A_447, %swap3A_448], %swap3A_451 {strides = array<i32>} : memref<128x128xf32, #tpu.memory_space<vmem>>, vector<1x16xf32>,
      %swap3A_452 = arith.index_cast %scan3A_445 : i32 to index
      %swap3A_453 = arith.constant 16 : index
      %swap3A_454 = tpu.vector_load %arg12[%swap3A_452, %swap3A_453] {strides = array<i32>} : memref<128x128xf32, #tpu.memory_space<vmem>>, vector<1x16xf32>,
      %swap3A_455 = vector.shape_cast %swap3A_454 : vector<1x16xf32> to vector<16xf32>
      %swap3A_456 = vector.shape_cast %broadcast_in_dim3A_1 : vector<16xf32> to vector<1x16xf32>
      tpu.vector_store %arg12[%swap3A_452, %swap3A_453], %swap3A_456 {strides = array<i32>} : memref<128x128xf32, #tpu.memory_space<vmem>>, vector<1x16xf32>,
      %swap3A_457 = arith.index_cast %scan3A_445 : i32 to index
      %swap3A_458 = arith.constant 32 : index
      %swap3A_459 = tpu.vector_load %arg12[%swap3A_457, %swap3A_458] {strides = array<i32>} : memref<128x128xf32, #tpu.memory_space<vmem>>, vector<1x16xf32>,
      %swap3A_460 = vector.shape_cast %swap3A_459 : vector<1x16xf32> to vector<16xf32>
      %swap3A_461 = vector.shape_cast %broadcast_in_dim3A_1 : vector<16xf32> to vector<1x16xf32>
      tpu.vector_store %arg12[%swap3A_457, %swap3A_458], %swap3A_461 {strides = array<i32>} : memref<128x128xf32, #tpu.memory_space<vmem>>, vector<1x16xf32>,
      %swap3A_462 = arith.index_cast %scan3A_445 : i32 to index
      %swap3A_463 = arith.constant 48 : index
      %swap3A_464 = tpu.vector_load %arg12[%swap3A_462, %swap3A_463] {strides = array<i32>} : memref<128x128xf32, #tpu.memory_space<vmem>>, vector<1x16xf32>,
      %swap3A_465 = vector.shape_cast %swap3A_464 : vector<1x16xf32> to vector<16xf32>
      %swap3A_466 = vector.shape_cast %broadcast_in_dim3A_1 : vector<16xf32> to vector<1x16xf32>
      tpu.vector_store %arg12[%swap3A_462, %swap3A_463], %swap3A_466 {strides = array<i32>} : memref<128x128xf32, #tpu.memory_space<vmem>>, vector<1x16xf32>,
      %swap3A_467 = arith.index_cast %scan3A_445 : i32 to index
      %swap3A_468 = arith.constant 64 : index
      %swap3A_469 = tpu.vector_load %arg12[%swap3A_467, %swap3A_468] {strides = array<i32>} : memref<128x128xf32, #tpu.memory_space<vmem>>, vector<1x16xf32>,
      %swap3A_470 = vector.shape_cast %swap3A_469 : vector<1x16xf32> to vector<16xf32>
      %swap3A_471 = vector.shape_cast %broadcast_in_dim3A_1 : vector<16xf32> to vector<1x16xf32>
      tpu.vector_store %arg12[%swap3A_467, %swap3A_468], %swap3A_471 {strides = array<i32>} : memref<128x128xf32, #tpu.memory_space<vmem>>, vector<1x16xf32>,
      %swap3A_472 = arith.index_cast %scan3A_445 : i32 to index
      %swap3A_473 = arith.constant 80 : index
      %swap3A_474 = tpu.vector_load %arg12[%swap3A_472, %swap3A_473] {strides = array<i32>} : memref<128x128xf32, #tpu.memory_space<vmem>>, vector<1x16xf32>,
      %swap3A_475 = vector.shape_cast %swap3A_474 : vector<1x16xf32> to vector<16xf32>
      %swap3A_476 = vector.shape_cast %broadcast_in_dim3A_1 : vector<16xf32> to vector<1x16xf32>
      tpu.vector_store %arg12[%swap3A_472, %swap3A_473], %swap3A_476 {strides = array<i32>} : memref<128x128xf32, #tpu.memory_space<vmem>>, vector<1x16xf32>,
      %swap3A_477 = arith.index_cast %scan3A_445 : i32 to index
      %swap3A_478 = arith.constant 96 : index
      %swap3A_479 = tpu.vector_load %arg12[%swap3A_477, %swap3A_478] {strides = array<i32>} : memref<128x128xf32, #tpu.memory_space<vmem>>, vector<1x16xf32>,
      %swap3A_480 = vector.shape_cast %swap3A_479 : vector<1x16xf32> to vector<16xf32>
      %swap3A_481 = vector.shape_cast %broadcast_in_dim3A_1 : vector<16xf32> to vector<1x16xf32>
      tpu.vector_store %arg12[%swap3A_477, %swap3A_478], %swap3A_481 {strides = array<i32>} : memref<128x128xf32, #tpu.memory_space<vmem>>, vector<1x16xf32>,
      %swap3A_482 = arith.index_cast %scan3A_445 : i32 to index
      %swap3A_483 = arith.constant 112 : index
      %swap3A_484 = tpu.vector_load %arg12[%swap3A_482, %swap3A_483] {strides = array<i32>} : memref<128x128xf32, #tpu.memory_space<vmem>>, vector<1x16xf32>,
      %swap3A_485 = vector.shape_cast %swap3A_484 : vector<1x16xf32> to vector<16xf32>
      %swap3A_486 = vector.shape_cast %broadcast_in_dim3A_1 : vector<16xf32> to vector<1x16xf32>
      tpu.vector_store %arg12[%swap3A_482, %swap3A_483], %swap3A_486 {strides = array<i32>} : memref<128x128xf32, #tpu.memory_space<vmem>>, vector<1x16xf32>,
      %scan3A_487 = arith.constant 0 : i32
      scf.yield %scan3A_487 : i32
    }
    %scan3A_7 = arith.constant 128 : i32
    %mul3A_8 = arith.constant 640 : i32
    %mul3A_9 = arith.muli %arg1, %mul3A_8 : i32
    %add3A_10 = arith.constant 0 : i32
    %add3A_11 = arith.addi %mul3A_9, %add3A_10 : i32
    "tpu.region"() ({
      %run_scoped3A = tpu.sem_alloc : memref<!tpu.dma_semaphore, #tpu.memory_space<semaphore_mem>>
      %dma_start3A_445 = arith.constant 0 : i32
      %dma_start3A_446 = tpu.memref_slice %arg14[%add3A_11, %dma_start3A_445] : memref<10240x128xf32, #tpu.memory_space<vmem_shared>> -> memref<128x128xf32, #tpu.memory_space<vmem_shared>>
      %dma_start3A_447 = arith.constant 0 : i32
      %dma_start3A_448 = tpu.memref_slice %arg14[%add3A_11, %dma_start3A_447] : memref<10240x128xf32, #tpu.memory_space<vmem_shared>> -> memref<128x128xf32, #tpu.memory_space<vmem_shared>>
      tpu.enqueue_dma source(%arg12 : memref<128x128xf32, #tpu.memory_space<vmem>>) target(%dma_start3A_448 : memref<128x128xf32, #tpu.memory_space<vmem_shared>>) target_semaphore(%run_scoped3A : memref<!tpu.dma_semaphore, #tpu.memory_space<semaphore_mem>>)
      %dma_wait3A_449 = arith.constant 0 : i32
      %dma_wait3A_450 = tpu.memref_slice %arg14[%add3A_11, %dma_wait3A_449] : memref<10240x128xf32, #tpu.memory_space<vmem_shared>> -> memref<128x128xf32, #tpu.memory_space<vmem_shared>>
      %dma_wait3A_451 = arith.constant 0 : i32
      %dma_wait3A_452 = tpu.memref_slice %arg14[%add3A_11, %dma_wait3A_451] : memref<10240x128xf32, #tpu.memory_space<vmem_shared>> -> memref<128x128xf32, #tpu.memory_space<vmem_shared>>
      tpu.wait_dma2 semaphore(%run_scoped3A : memref<!tpu.dma_semaphore, #tpu.memory_space<semaphore_mem>>) src(%arg12 : memref<128x128xf32, #tpu.memory_space<vmem>>) dst(%dma_wait3A_452 : memref<128x128xf32, #tpu.memory_space<vmem_shared>>)
      tpu.yield
    }) : () -> ()
    %mul3A_12 = arith.constant 640 : i32
    %mul3A_13 = arith.muli %arg1, %mul3A_12 : i32
    %add3A_14 = arith.constant 128 : i32
    %add3A_15 = arith.addi %mul3A_13, %add3A_14 : i32
    "tpu.region"() ({
      %run_scoped3A = tpu.sem_alloc : memref<!tpu.dma_semaphore, #tpu.memory_space<semaphore_mem>>
      %dma_start3A_445 = arith.constant 0 : i32
      %dma_start3A_446 = tpu.memref_slice %arg14[%add3A_15, %dma_start3A_445] : memref<10240x128xf32, #tpu.memory_space<vmem_shared>> -> memref<128x128xf32, #tpu.memory_space<vmem_shared>>
      %dma_start3A_447 = arith.constant 0 : i32
      %dma_start3A_448 = tpu.memref_slice %arg14[%add3A_15, %dma_start3A_447] : memref<10240x128xf32, #tpu.memory_space<vmem_shared>> -> memref<128x128xf32, #tpu.memory_space<vmem_shared>>
      tpu.enqueue_dma source(%arg12 : memref<128x128xf32, #tpu.memory_space<vmem>>) target(%dma_start3A_448 : memref<128x128xf32, #tpu.memory_space<vmem_shared>>) target_semaphore(%run_scoped3A : memref<!tpu.dma_semaphore, #tpu.memory_space<semaphore_mem>>)
      %dma_wait3A_449 = arith.constant 0 : i32
      %dma_wait3A_450 = tpu.memref_slice %arg14[%add3A_15, %dma_wait3A_449] : memref<10240x128xf32, #tpu.memory_space<vmem_shared>> -> memref<128x128xf32, #tpu.memory_space<vmem_shared>>
      %dma_wait3A_451 = arith.constant 0 : i32
      %dma_wait3A_452 = tpu.memref_slice %arg14[%add3A_15, %dma_wait3A_451] : memref<10240x128xf32, #tpu.memory_space<vmem_shared>> -> memref<128x128xf32, #tpu.memory_space<vmem_shared>>
      tpu.wait_dma2 semaphore(%run_scoped3A : memref<!tpu.dma_semaphore, #tpu.memory_space<semaphore_mem>>) src(%arg12 : memref<128x128xf32, #tpu.memory_space<vmem>>) dst(%dma_wait3A_452 : memref<128x128xf32, #tpu.memory_space<vmem_shared>>)
      tpu.yield
    }) : () -> ()
    %mul3A_16 = arith.constant 640 : i32
    %mul3A_17 = arith.muli %arg1, %mul3A_16 : i32
    %add3A_18 = arith.constant 256 : i32
    %add3A_19 = arith.addi %mul3A_17, %add3A_18 : i32
    "tpu.region"() ({
      %run_scoped3A = tpu.sem_alloc : memref<!tpu.dma_semaphore, #tpu.memory_space<semaphore_mem>>
      %dma_start3A_445 = arith.constant 0 : i32
      %dma_start3A_446 = tpu.memref_slice %arg14[%add3A_19, %dma_start3A_445] : memref<10240x128xf32, #tpu.memory_space<vmem_shared>> -> memref<128x128xf32, #tpu.memory_space<vmem_shared>>
      %dma_start3A_447 = arith.constant 0 : i32
      %dma_start3A_448 = tpu.memref_slice %arg14[%add3A_19, %dma_start3A_447] : memref<10240x128xf32, #tpu.memory_space<vmem_shared>> -> memref<128x128xf32, #tpu.memory_space<vmem_shared>>
      tpu.enqueue_dma source(%arg12 : memref<128x128xf32, #tpu.memory_space<vmem>>) target(%dma_start3A_448 : memref<128x128xf32, #tpu.memory_space<vmem_shared>>) target_semaphore(%run_scoped3A : memref<!tpu.dma_semaphore, #tpu.memory_space<semaphore_mem>>)
      %dma_wait3A_449 = arith.constant 0 : i32
      %dma_wait3A_450 = tpu.memref_slice %arg14[%add3A_19, %dma_wait3A_449] : memref<10240x128xf32, #tpu.memory_space<vmem_shared>> -> memref<128x128xf32, #tpu.memory_space<vmem_shared>>
      %dma_wait3A_451 = arith.constant 0 : i32
      %dma_wait3A_452 = tpu.memref_slice %arg14[%add3A_19, %dma_wait3A_451] : memref<10240x128xf32, #tpu.memory_space<vmem_shared>> -> memref<128x128xf32, #tpu.memory_space<vmem_shared>>
      tpu.wait_dma2 semaphore(%run_scoped3A : memref<!tpu.dma_semaphore, #tpu.memory_space<semaphore_mem>>) src(%arg12 : memref<128x128xf32, #tpu.memory_space<vmem>>) dst(%dma_wait3A_452 : memref<128x128xf32, #tpu.memory_space<vmem_shared>>)
      tpu.yield
    }) : () -> ()
    %mul3A_20 = arith.constant 640 : i32
    %mul3A_21 = arith.muli %arg1, %mul3A_20 : i32
    %add3A_22 = arith.constant 384 : i32
    %add3A_23 = arith.addi %mul3A_21, %add3A_22 : i32
    "tpu.region"() ({
      %run_scoped3A = tpu.sem_alloc : memref<!tpu.dma_semaphore, #tpu.memory_space<semaphore_mem>>
      %dma_start3A_445 = arith.constant 0 : i32
      %dma_start3A_446 = tpu.memref_slice %arg14[%add3A_23, %dma_start3A_445] : memref<10240x128xf32, #tpu.memory_space<vmem_shared>> -> memref<128x128xf32, #tpu.memory_space<vmem_shared>>
      %dma_start3A_447 = arith.constant 0 : i32
      %dma_start3A_448 = tpu.memref_slice %arg14[%add3A_23, %dma_start3A_447] : memref<10240x128xf32, #tpu.memory_space<vmem_shared>> -> memref<128x128xf32, #tpu.memory_space<vmem_shared>>
      tpu.enqueue_dma source(%arg12 : memref<128x128xf32, #tpu.memory_space<vmem>>) target(%dma_start3A_448 : memref<128x128xf32, #tpu.memory_space<vmem_shared>>) target_semaphore(%run_scoped3A : memref<!tpu.dma_semaphore, #tpu.memory_space<semaphore_mem>>)
      %dma_wait3A_449 = arith.constant 0 : i32
      %dma_wait3A_450 = tpu.memref_slice %arg14[%add3A_23, %dma_wait3A_449] : memref<10240x128xf32, #tpu.memory_space<vmem_shared>> -> memref<128x128xf32, #tpu.memory_space<vmem_shared>>
      %dma_wait3A_451 = arith.constant 0 : i32
      %dma_wait3A_452 = tpu.memref_slice %arg14[%add3A_23, %dma_wait3A_451] : memref<10240x128xf32, #tpu.memory_space<vmem_shared>> -> memref<128x128xf32, #tpu.memory_space<vmem_shared>>
      tpu.wait_dma2 semaphore(%run_scoped3A : memref<!tpu.dma_semaphore, #tpu.memory_space<semaphore_mem>>) src(%arg12 : memref<128x128xf32, #tpu.memory_space<vmem>>) dst(%dma_wait3A_452 : memref<128x128xf32, #tpu.memory_space<vmem_shared>>)
      tpu.yield
    }) : () -> ()
    %mul3A_24 = arith.constant 640 : i32
    %mul3A_25 = arith.muli %arg1, %mul3A_24 : i32
    %add3A_26 = arith.constant 512 : i32
    %add3A_27 = arith.addi %mul3A_25, %add3A_26 : i32
    "tpu.region"() ({
      %run_scoped3A = tpu.sem_alloc : memref<!tpu.dma_semaphore, #tpu.memory_space<semaphore_mem>>
      %dma_start3A_445 = arith.constant 0 : i32
      %dma_start3A_446 = tpu.memref_slice %arg14[%add3A_27, %dma_start3A_445] : memref<10240x128xf32, #tpu.memory_space<vmem_shared>> -> memref<128x128xf32, #tpu.memory_space<vmem_shared>>
      %dma_start3A_447 = arith.constant 0 : i32
      %dma_start3A_448 = tpu.memref_slice %arg14[%add3A_27, %dma_start3A_447] : memref<10240x128xf32, #tpu.memory_space<vmem_shared>> -> memref<128x128xf32, #tpu.memory_space<vmem_shared>>
      tpu.enqueue_dma source(%arg12 : memref<128x128xf32, #tpu.memory_space<vmem>>) target(%dma_start3A_448 : memref<128x128xf32, #tpu.memory_space<vmem_shared>>) target_semaphore(%run_scoped3A : memref<!tpu.dma_semaphore, #tpu.memory_space<semaphore_mem>>)
      %dma_wait3A_449 = arith.constant 0 : i32
      %dma_wait3A_450 = tpu.memref_slice %arg14[%add3A_27, %dma_wait3A_449] : memref<10240x128xf32, #tpu.memory_space<vmem_shared>> -> memref<128x128xf32, #tpu.memory_space<vmem_shared>>
      %dma_wait3A_451 = arith.constant 0 : i32
      %dma_wait3A_452 = tpu.memref_slice %arg14[%add3A_27, %dma_wait3A_451] : memref<10240x128xf32, #tpu.memory_space<vmem_shared>> -> memref<128x128xf32, #tpu.memory_space<vmem_shared>>
      tpu.wait_dma2 semaphore(%run_scoped3A : memref<!tpu.dma_semaphore, #tpu.memory_space<semaphore_mem>>) src(%arg12 : memref<128x128xf32, #tpu.memory_space<vmem>>) dst(%dma_wait3A_452 : memref<128x128xf32, #tpu.memory_space<vmem_shared>>)
      tpu.yield
    }) : () -> ()
    %barrier3A = arith.constant 0 : index
    tpu.barrier barrier_id(%barrier3A)
    %broadcast_in_dim3A_28 = arith.constant 0.000000e+00 : f32
    %broadcast_in_dim3A_29 = vector.broadcast %broadcast_in_dim3A_28 : f32 to vector<16xf32>
    %scan3A_30 = arith.constant 0 : i32
    %scan3A_31 = arith.constant 0 : i32
    %scan3A_32 = arith.constant 128 : i32
    %scan3A_33 = arith.addi %scan3A_31, %scan3A_32 : i32
    %scan3A_34 = arith.constant 1 : i32
    %scan3A_35 = scf.for %scan3A_445 = %scan3A_31 to %scan3A_33 step %scan3A_34 iter_args(%scan3A_446 = %scan3A_30) -> (i32)  : i32 {
      %swap3A_447 = arith.index_cast %scan3A_445 : i32 to index
      %swap3A_448 = arith.constant 0 : index
      %swap3A_449 = tpu.vector_load %arg13[%swap3A_447, %swap3A_448] {strides = array<i32>} : memref<128x128xf32, #tpu.memory_space<vmem>>, vector<1x16xf32>,
      %swap3A_450 = vector.shape_cast %swap3A_449 : vector<1x16xf32> to vector<16xf32>
      %swap3A_451 = vector.shape_cast %broadcast_in_dim3A_29 : vector<16xf32> to vector<1x16xf32>
      tpu.vector_store %arg13[%swap3A_447, %swap3A_448], %swap3A_451 {strides = array<i32>} : memref<128x128xf32, #tpu.memory_space<vmem>>, vector<1x16xf32>,
      %swap3A_452 = arith.index_cast %scan3A_445 : i32 to index
      %swap3A_453 = arith.constant 16 : index
      %swap3A_454 = tpu.vector_load %arg13[%swap3A_452, %swap3A_453] {strides = array<i32>} : memref<128x128xf32, #tpu.memory_space<vmem>>, vector<1x16xf32>,
      %swap3A_455 = vector.shape_cast %swap3A_454 : vector<1x16xf32> to vector<16xf32>
      %swap3A_456 = vector.shape_cast %broadcast_in_dim3A_29 : vector<16xf32> to vector<1x16xf32>
      tpu.vector_store %arg13[%swap3A_452, %swap3A_453], %swap3A_456 {strides = array<i32>} : memref<128x128xf32, #tpu.memory_space<vmem>>, vector<1x16xf32>,
      %swap3A_457 = arith.index_cast %scan3A_445 : i32 to index
      %swap3A_458 = arith.constant 32 : index
      %swap3A_459 = tpu.vector_load %arg13[%swap3A_457, %swap3A_458] {strides = array<i32>} : memref<128x128xf32, #tpu.memory_space<vmem>>, vector<1x16xf32>,
      %swap3A_460 = vector.shape_cast %swap3A_459 : vector<1x16xf32> to vector<16xf32>
      %swap3A_461 = vector.shape_cast %broadcast_in_dim3A_29 : vector<16xf32> to vector<1x16xf32>
      tpu.vector_store %arg13[%swap3A_457, %swap3A_458], %swap3A_461 {strides = array<i32>} : memref<128x128xf32, #tpu.memory_space<vmem>>, vector<1x16xf32>,
      %swap3A_462 = arith.index_cast %scan3A_445 : i32 to index
      %swap3A_463 = arith.constant 48 : index
      %swap3A_464 = tpu.vector_load %arg13[%swap3A_462, %swap3A_463] {strides = array<i32>} : memref<128x128xf32, #tpu.memory_space<vmem>>, vector<1x16xf32>,
      %swap3A_465 = vector.shape_cast %swap3A_464 : vector<1x16xf32> to vector<16xf32>
      %swap3A_466 = vector.shape_cast %broadcast_in_dim3A_29 : vector<16xf32> to vector<1x16xf32>
      tpu.vector_store %arg13[%swap3A_462, %swap3A_463], %swap3A_466 {strides = array<i32>} : memref<128x128xf32, #tpu.memory_space<vmem>>, vector<1x16xf32>,
      %swap3A_467 = arith.index_cast %scan3A_445 : i32 to index
      %swap3A_468 = arith.constant 64 : index
      %swap3A_469 = tpu.vector_load %arg13[%swap3A_467, %swap3A_468] {strides = array<i32>} : memref<128x128xf32, #tpu.memory_space<vmem>>, vector<1x16xf32>,
      %swap3A_470 = vector.shape_cast %swap3A_469 : vector<1x16xf32> to vector<16xf32>
      %swap3A_471 = vector.shape_cast %broadcast_in_dim3A_29 : vector<16xf32> to vector<1x16xf32>
      tpu.vector_store %arg13[%swap3A_467, %swap3A_468], %swap3A_471 {strides = array<i32>} : memref<128x128xf32, #tpu.memory_space<vmem>>, vector<1x16xf32>,
      %swap3A_472 = arith.index_cast %scan3A_445 : i32 to index
      %swap3A_473 = arith.constant 80 : index
      %swap3A_474 = tpu.vector_load %arg13[%swap3A_472, %swap3A_473] {strides = array<i32>} : memref<128x128xf32, #tpu.memory_space<vmem>>, vector<1x16xf32>,
      %swap3A_475 = vector.shape_cast %swap3A_474 : vector<1x16xf32> to vector<16xf32>
      %swap3A_476 = vector.shape_cast %broadcast_in_dim3A_29 : vector<16xf32> to vector<1x16xf32>
      tpu.vector_store %arg13[%swap3A_472, %swap3A_473], %swap3A_476 {strides = array<i32>} : memref<128x128xf32, #tpu.memory_space<vmem>>, vector<1x16xf32>,
      %swap3A_477 = arith.index_cast %scan3A_445 : i32 to index
      %swap3A_478 = arith.constant 96 : index
      %swap3A_479 = tpu.vector_load %arg13[%swap3A_477, %swap3A_478] {strides = array<i32>} : memref<128x128xf32, #tpu.memory_space<vmem>>, vector<1x16xf32>,
      %swap3A_480 = vector.shape_cast %swap3A_479 : vector<1x16xf32> to vector<16xf32>
      %swap3A_481 = vector.shape_cast %broadcast_in_dim3A_29 : vector<16xf32> to vector<1x16xf32>
      tpu.vector_store %arg13[%swap3A_477, %swap3A_478], %swap3A_481 {strides = array<i32>} : memref<128x128xf32, #tpu.memory_space<vmem>>, vector<1x16xf32>,
      %swap3A_482 = arith.index_cast %scan3A_445 : i32 to index
      %swap3A_483 = arith.constant 112 : index
      %swap3A_484 = tpu.vector_load %arg13[%swap3A_482, %swap3A_483] {strides = array<i32>} : memref<128x128xf32, #tpu.memory_space<vmem>>, vector<1x16xf32>,
      %swap3A_485 = vector.shape_cast %swap3A_484 : vector<1x16xf32> to vector<16xf32>
      %swap3A_486 = vector.shape_cast %broadcast_in_dim3A_29 : vector<16xf32> to vector<1x16xf32>
      tpu.vector_store %arg13[%swap3A_482, %swap3A_483], %swap3A_486 {strides = array<i32>} : memref<128x128xf32, #tpu.memory_space<vmem>>, vector<1x16xf32>,
      %scan3A_487 = arith.constant 0 : i32
      scf.yield %scan3A_487 : i32
    }
    %scan3A_36 = arith.constant 128 : i32
    %iota3A = tpu.iota {dimensions = array<i32: 0>} : vector<16xi32>
    %eq3A = arith.constant 0 : i32
    %eq3A_37 = vector.broadcast %eq3A : i32 to vector<16xi32>
    %eq3A_38 = arith.cmpi eq, %iota3A, %eq3A_37 : vector<16xi32>
    %jit3A = arith.constant 1.000000e+00 : f32
    %jit3A_39 = arith.constant 0.000000e+00 : f32
    %broadcast_in_dim3A_40 = vector.broadcast %jit3A : f32 to vector<16xf32>
    %broadcast_in_dim3A_41 = vector.broadcast %jit3A_39 : f32 to vector<16xf32>
    %select_n3A = arith.select %eq3A_38, %broadcast_in_dim3A_40, %broadcast_in_dim3A_41 : vector<16xi1>, vector<16xf32>
    %scan3A_42 = arith.constant 0 : i32
    %scan3A_43 = arith.constant 0 : i32
    %scan3A_44 = arith.constant 128 : i32
    %scan3A_45 = arith.addi %scan3A_43, %scan3A_44 : i32
    %scan3A_46 = arith.constant 1 : i32
    %scan3A_47 = scf.for %scan3A_445 = %scan3A_43 to %scan3A_45 step %scan3A_46 iter_args(%scan3A_446 = %scan3A_42) -> (i32)  : i32 {
      %swap3A_447 = arith.index_cast %scan3A_445 : i32 to index
      %swap3A_448 = arith.constant 16 : index
      %swap3A_449 = tpu.vector_load %arg12[%swap3A_447, %swap3A_448] {strides = array<i32>} : memref<128x128xf32, #tpu.memory_space<vmem>>, vector<1x16xf32>,
      %swap3A_450 = vector.shape_cast %swap3A_449 : vector<1x16xf32> to vector<16xf32>
      %swap3A_451 = vector.shape_cast %select_n3A : vector<16xf32> to vector<1x16xf32>
      tpu.vector_store %arg12[%swap3A_447, %swap3A_448], %swap3A_451 {strides = array<i32>} : memref<128x128xf32, #tpu.memory_space<vmem>>, vector<1x16xf32>,
      %swap3A_452 = arith.index_cast %scan3A_445 : i32 to index
      %swap3A_453 = arith.constant 16 : index
      %swap3A_454 = tpu.vector_load %arg13[%swap3A_452, %swap3A_453] {strides = array<i32>} : memref<128x128xf32, #tpu.memory_space<vmem>>, vector<1x16xf32>,
      %swap3A_455 = vector.shape_cast %swap3A_454 : vector<1x16xf32> to vector<16xf32>
      %swap3A_456 = vector.shape_cast %select_n3A : vector<16xf32> to vector<1x16xf32>
      tpu.vector_store %arg13[%swap3A_452, %swap3A_453], %swap3A_456 {strides = array<i32>} : memref<128x128xf32, #tpu.memory_space<vmem>>, vector<1x16xf32>,
      %scan3A_457 = arith.constant 0 : i32
      scf.yield %scan3A_457 : i32
    }
    %scan3A_48 = arith.constant 128 : i32
    %mul3A_49 = arith.constant 80 : i32
    %mul3A_50 = arith.muli %add3A, %mul3A_49 : i32
    %sub3A = arith.constant 2500 : i32
    %sub3A_51 = arith.subi %sub3A, %mul3A_50 : i32
    %min3A = arith.constant 80 : i32
    %min3A_52 = arith.minsi %sub3A_51, %min3A : i32
    %get3A = arith.constant 0 : i32
    %get3A_53 = arith.index_cast %get3A : i32 to index
    %get3A_54 = arith.constant 0 : index
    %get3A_55 = tpu.vector_load %arg7[%get3A_53, %get3A_54] {strides = array<i32>} : memref<80x128xi32, #tpu.memory_space<vmem>>, vector<1x16xi32>,
    %get3A_56 = vector.shape_cast %get3A_55 : vector<1x16xi32> to vector<16xi32>
    %shift_right_logical3A = arith.constant 16 : i32
    %shift_right_logical3A_57 = vector.broadcast %shift_right_logical3A : i32 to vector<16xi32>
    %shift_right_logical3A_58 = arith.shrui %get3A_56, %shift_right_logical3A_57 : vector<16xi32>
    %swap3A = arith.constant 0 : i32
    %swap3A_59 = arith.index_cast %swap3A : i32 to index
    %swap3A_60 = arith.constant 0 : index
    %swap3A_61 = tpu.vector_load %arg9[%swap3A_59, %swap3A_60] {strides = array<i32>} : memref<2x128xi32, #tpu.memory_space<vmem>>, vector<1x16xi32>,
    %swap3A_62 = vector.shape_cast %swap3A_61 : vector<1x16xi32> to vector<16xi32>
    %swap3A_63 = vector.shape_cast %shift_right_logical3A_58 : vector<16xi32> to vector<1x16xi32>
    tpu.vector_store %arg9[%swap3A_59, %swap3A_60], %swap3A_63 {strides = array<i32>} : memref<2x128xi32, #tpu.memory_space<vmem>>, vector<1x16xi32>,
    %get3A_64 = arith.constant 0 : i32
    %get3A_65 = arith.index_cast %get3A_64 : i32 to index
    %get3A_66 = arith.constant 16 : index
    %get3A_67 = tpu.vector_load %arg7[%get3A_65, %get3A_66] {strides = array<i32>} : memref<80x128xi32, #tpu.memory_space<vmem>>, vector<1x16xi32>,
    %get3A_68 = vector.shape_cast %get3A_67 : vector<1x16xi32> to vector<16xi32>
    %shift_right_logical3A_69 = arith.constant 16 : i32
    %shift_right_logical3A_70 = vector.broadcast %shift_right_logical3A_69 : i32 to vector<16xi32>
    %shift_right_logical3A_71 = arith.shrui %get3A_68, %shift_right_logical3A_70 : vector<16xi32>
    %swap3A_72 = arith.constant 0 : i32
    %swap3A_73 = arith.index_cast %swap3A_72 : i32 to index
    %swap3A_74 = arith.constant 16 : index
    %swap3A_75 = tpu.vector_load %arg9[%swap3A_73, %swap3A_74] {strides = array<i32>} : memref<2x128xi32, #tpu.memory_space<vmem>>, vector<1x16xi32>,
    %swap3A_76 = vector.shape_cast %swap3A_75 : vector<1x16xi32> to vector<16xi32>
    %swap3A_77 = vector.shape_cast %shift_right_logical3A_71 : vector<16xi32> to vector<1x16xi32>
    tpu.vector_store %arg9[%swap3A_73, %swap3A_74], %swap3A_77 {strides = array<i32>} : memref<2x128xi32, #tpu.memory_space<vmem>>, vector<1x16xi32>,
    %get3A_78 = arith.constant 0 : i32
    %get3A_79 = arith.index_cast %get3A_78 : i32 to index
    %get3A_80 = arith.constant 32 : index
    %get3A_81 = tpu.vector_load %arg7[%get3A_79, %get3A_80] {strides = array<i32>} : memref<80x128xi32, #tpu.memory_space<vmem>>, vector<1x16xi32>,
    %get3A_82 = vector.shape_cast %get3A_81 : vector<1x16xi32> to vector<16xi32>
    %shift_right_logical3A_83 = arith.constant 16 : i32
    %shift_right_logical3A_84 = vector.broadcast %shift_right_logical3A_83 : i32 to vector<16xi32>
    %shift_right_logical3A_85 = arith.shrui %get3A_82, %shift_right_logical3A_84 : vector<16xi32>
    %swap3A_86 = arith.constant 0 : i32
    %swap3A_87 = arith.index_cast %swap3A_86 : i32 to index
    %swap3A_88 = arith.constant 32 : index
    %swap3A_89 = tpu.vector_load %arg9[%swap3A_87, %swap3A_88] {strides = array<i32>} : memref<2x128xi32, #tpu.memory_space<vmem>>, vector<1x16xi32>,
    %swap3A_90 = vector.shape_cast %swap3A_89 : vector<1x16xi32> to vector<16xi32>
    %swap3A_91 = vector.shape_cast %shift_right_logical3A_85 : vector<16xi32> to vector<1x16xi32>
    tpu.vector_store %arg9[%swap3A_87, %swap3A_88], %swap3A_91 {strides = array<i32>} : memref<2x128xi32, #tpu.memory_space<vmem>>, vector<1x16xi32>,
    %get3A_92 = arith.constant 0 : i32
    %get3A_93 = arith.index_cast %get3A_92 : i32 to index
    %get3A_94 = arith.constant 48 : index
    %get3A_95 = tpu.vector_load %arg7[%get3A_93, %get3A_94] {strides = array<i32>} : memref<80x128xi32, #tpu.memory_space<vmem>>, vector<1x16xi32>,
    %get3A_96 = vector.shape_cast %get3A_95 : vector<1x16xi32> to vector<16xi32>
    %shift_right_logical3A_97 = arith.constant 16 : i32
    %shift_right_logical3A_98 = vector.broadcast %shift_right_logical3A_97 : i32 to vector<16xi32>
    %shift_right_logical3A_99 = arith.shrui %get3A_96, %shift_right_logical3A_98 : vector<16xi32>
    %swap3A_100 = arith.constant 0 : i32
    %swap3A_101 = arith.index_cast %swap3A_100 : i32 to index
    %swap3A_102 = arith.constant 48 : index
    %swap3A_103 = tpu.vector_load %arg9[%swap3A_101, %swap3A_102] {strides = array<i32>} : memref<2x128xi32, #tpu.memory_space<vmem>>, vector<1x16xi32>,
    %swap3A_104 = vector.shape_cast %swap3A_103 : vector<1x16xi32> to vector<16xi32>
    %swap3A_105 = vector.shape_cast %shift_right_logical3A_99 : vector<16xi32> to vector<1x16xi32>
    tpu.vector_store %arg9[%swap3A_101, %swap3A_102], %swap3A_105 {strides = array<i32>} : memref<2x128xi32, #tpu.memory_space<vmem>>, vector<1x16xi32>,
    %get3A_106 = arith.constant 0 : i32
    %get3A_107 = arith.index_cast %get3A_106 : i32 to index
    %get3A_108 = arith.constant 64 : index
    %get3A_109 = tpu.vector_load %arg7[%get3A_107, %get3A_108] {strides = array<i32>} : memref<80x128xi32, #tpu.memory_space<vmem>>, vector<1x16xi32>,
    %get3A_110 = vector.shape_cast %get3A_109 : vector<1x16xi32> to vector<16xi32>
    %shift_right_logical3A_111 = arith.constant 16 : i32
    %shift_right_logical3A_112 = vector.broadcast %shift_right_logical3A_111 : i32 to vector<16xi32>
    %shift_right_logical3A_113 = arith.shrui %get3A_110, %shift_right_logical3A_112 : vector<16xi32>
    %swap3A_114 = arith.constant 0 : i32
    %swap3A_115 = arith.index_cast %swap3A_114 : i32 to index
    %swap3A_116 = arith.constant 64 : index
    %swap3A_117 = tpu.vector_load %arg9[%swap3A_115, %swap3A_116] {strides = array<i32>} : memref<2x128xi32, #tpu.memory_space<vmem>>, vector<1x16xi32>,
    %swap3A_118 = vector.shape_cast %swap3A_117 : vector<1x16xi32> to vector<16xi32>
    %swap3A_119 = vector.shape_cast %shift_right_logical3A_113 : vector<16xi32> to vector<1x16xi32>
    tpu.vector_store %arg9[%swap3A_115, %swap3A_116], %swap3A_119 {strides = array<i32>} : memref<2x128xi32, #tpu.memory_space<vmem>>, vector<1x16xi32>,
    %get3A_120 = arith.constant 0 : i32
    %get3A_121 = arith.index_cast %get3A_120 : i32 to index
    %get3A_122 = arith.constant 80 : index
    %get3A_123 = tpu.vector_load %arg7[%get3A_121, %get3A_122] {strides = array<i32>} : memref<80x128xi32, #tpu.memory_space<vmem>>, vector<1x16xi32>,
    %get3A_124 = vector.shape_cast %get3A_123 : vector<1x16xi32> to vector<16xi32>
    %shift_right_logical3A_125 = arith.constant 16 : i32
    %shift_right_logical3A_126 = vector.broadcast %shift_right_logical3A_125 : i32 to vector<16xi32>
    %shift_right_logical3A_127 = arith.shrui %get3A_124, %shift_right_logical3A_126 : vector<16xi32>
    %swap3A_128 = arith.constant 0 : i32
    %swap3A_129 = arith.index_cast %swap3A_128 : i32 to index
    %swap3A_130 = arith.constant 80 : index
    %swap3A_131 = tpu.vector_load %arg9[%swap3A_129, %swap3A_130] {strides = array<i32>} : memref<2x128xi32, #tpu.memory_space<vmem>>, vector<1x16xi32>,
    %swap3A_132 = vector.shape_cast %swap3A_131 : vector<1x16xi32> to vector<16xi32>
    %swap3A_133 = vector.shape_cast %shift_right_logical3A_127 : vector<16xi32> to vector<1x16xi32>
    tpu.vector_store %arg9[%swap3A_129, %swap3A_130], %swap3A_133 {strides = array<i32>} : memref<2x128xi32, #tpu.memory_space<vmem>>, vector<1x16xi32>,
    %get3A_134 = arith.constant 0 : i32
    %get3A_135 = arith.index_cast %get3A_134 : i32 to index
    %get3A_136 = arith.constant 96 : index
    %get3A_137 = tpu.vector_load %arg7[%get3A_135, %get3A_136] {strides = array<i32>} : memref<80x128xi32, #tpu.memory_space<vmem>>, vector<1x16xi32>,
    %get3A_138 = vector.shape_cast %get3A_137 : vector<1x16xi32> to vector<16xi32>
    %shift_right_logical3A_139 = arith.constant 16 : i32
    %shift_right_logical3A_140 = vector.broadcast %shift_right_logical3A_139 : i32 to vector<16xi32>
    %shift_right_logical3A_141 = arith.shrui %get3A_138, %shift_right_logical3A_140 : vector<16xi32>
    %swap3A_142 = arith.constant 0 : i32
    %swap3A_143 = arith.index_cast %swap3A_142 : i32 to index
    %swap3A_144 = arith.constant 96 : index
    %swap3A_145 = tpu.vector_load %arg9[%swap3A_143, %swap3A_144] {strides = array<i32>} : memref<2x128xi32, #tpu.memory_space<vmem>>, vector<1x16xi32>,
    %swap3A_146 = vector.shape_cast %swap3A_145 : vector<1x16xi32> to vector<16xi32>
    %swap3A_147 = vector.shape_cast %shift_right_logical3A_141 : vector<16xi32> to vector<1x16xi32>
    tpu.vector_store %arg9[%swap3A_143, %swap3A_144], %swap3A_147 {strides = array<i32>} : memref<2x128xi32, #tpu.memory_space<vmem>>, vector<1x16xi32>,
    %get3A_148 = arith.constant 0 : i32
    %get3A_149 = arith.index_cast %get3A_148 : i32 to index
    %get3A_150 = arith.constant 112 : index
    %get3A_151 = tpu.vector_load %arg7[%get3A_149, %get3A_150] {strides = array<i32>} : memref<80x128xi32, #tpu.memory_space<vmem>>, vector<1x16xi32>,
    %get3A_152 = vector.shape_cast %get3A_151 : vector<1x16xi32> to vector<16xi32>
    %shift_right_logical3A_153 = arith.constant 16 : i32
    %shift_right_logical3A_154 = vector.broadcast %shift_right_logical3A_153 : i32 to vector<16xi32>
    %shift_right_logical3A_155 = arith.shrui %get3A_152, %shift_right_logical3A_154 : vector<16xi32>
    %swap3A_156 = arith.constant 0 : i32
    %swap3A_157 = arith.index_cast %swap3A_156 : i32 to index
    %swap3A_158 = arith.constant 112 : index
    %swap3A_159 = tpu.vector_load %arg9[%swap3A_157, %swap3A_158] {strides = array<i32>} : memref<2x128xi32, #tpu.memory_space<vmem>>, vector<1x16xi32>,
    %swap3A_160 = vector.shape_cast %swap3A_159 : vector<1x16xi32> to vector<16xi32>
    %swap3A_161 = vector.shape_cast %shift_right_logical3A_155 : vector<16xi32> to vector<1x16xi32>
    tpu.vector_store %arg9[%swap3A_157, %swap3A_158], %swap3A_161 {strides = array<i32>} : memref<2x128xi32, #tpu.memory_space<vmem>>, vector<1x16xi32>,
    %mul3A_162 = arith.constant 80 : i32
    %mul3A_163 = arith.muli %add3A, %mul3A_162 : i32
    %dma_start3A = arith.constant 0 : i32
    %dma_start3A_164 = arith.constant 0 : i32
    %dma_start3A_165 = tpu.memref_slice %arg4[%mul3A_163, %dma_start3A, %dma_start3A_164] : memref<2500x16x128xf32, #tpu.memory_space<hbm>> -> memref<1x16x128xf32, #tpu.memory_space<hbm>>
    %dma_start3A_166 = tpu.memref_squeeze %dma_start3A_165 : memref<1x16x128xf32, #tpu.memory_space<hbm>> -> memref<16x128xf32, #tpu.memory_space<hbm>>
    %dma_start3A_167 = arith.constant 0 : i32
    %dma_start3A_168 = arith.constant 0 : i32
    %dma_start3A_169 = tpu.memref_slice %arg4[%mul3A_163, %dma_start3A_167, %dma_start3A_168] : memref<2500x16x128xf32, #tpu.memory_space<hbm>> -> memref<1x16x128xf32, #tpu.memory_space<hbm>>
    %dma_start3A_170 = tpu.memref_squeeze %dma_start3A_169 : memref<1x16x128xf32, #tpu.memory_space<hbm>> -> memref<16x128xf32, #tpu.memory_space<hbm>>
    tpu.enqueue_dma source(%dma_start3A_170 : memref<16x128xf32, #tpu.memory_space<hbm>>) target(%arg10 : memref<16x128xf32, #tpu.memory_space<vmem>>) target_semaphore(%arg15 : memref<!tpu.dma_semaphore, #tpu.memory_space<semaphore_mem>>)
    %jit3A_171 = arith.constant 2 : i32
    %div3A = arith.divsi %min3A_52, %jit3A_171 : i32
    %sign3A = arith.constant 0 : i32
    %sign3A_172 = arith.cmpi sgt, %min3A_52, %sign3A : i32
    %sign3A_173 = arith.extui %sign3A_172 : i1 to i32
    %sign3A_174 = arith.constant 0 : i32
    %sign3A_175 = arith.cmpi slt, %min3A_52, %sign3A_174 : i32
    %sign3A_176 = arith.extui %sign3A_175 : i1 to i32
    %sign3A_177 = arith.subi %sign3A_173, %sign3A_176 : i32
    %sign3A_178 = arith.constant 0 : i32
    %sign3A_179 = arith.cmpi sgt, %jit3A_171, %sign3A_178 : i32
    %sign3A_180 = arith.extui %sign3A_179 : i1 to i32
    %sign3A_181 = arith.constant 0 : i32
    %sign3A_182 = arith.cmpi slt, %jit3A_171, %sign3A_181 : i32
    %sign3A_183 = arith.extui %sign3A_182 : i1 to i32
    %sign3A_184 = arith.subi %sign3A_180, %sign3A_183 : i32
    %ne3A = arith.cmpi ne, %sign3A_177, %sign3A_184 : i32
    %rem3A = arith.remsi %min3A_52, %jit3A_171 : i32
    %ne3A_185 = arith.constant 0 : i32
    %ne3A_186 = arith.cmpi ne, %rem3A, %ne3A_185 : i32
    %and3A = arith.andi %ne3A, %ne3A_186 : i1
    %sub3A_187 = arith.constant 1 : i32
    %sub3A_188 = arith.subi %div3A, %sub3A_187 : i32
    %select_n3A_189 = arith.select %and3A, %sub3A_188, %div3A : i32
    %while3A = arith.constant 0 : i32
    %while3A_190 = arith.constant 0 : i32
    %while3A_191 = arith.subi %select_n3A_189, %while3A : i32
    %while3A_192 = arith.addi %while3A, %while3A_191 : i32
    %while3A_193 = arith.constant 1 : i32
    %while3A_194 = arith.divsi %while3A_191, %while3A_193 : i32
    %while3A_195 = arith.muli %while3A_194, %while3A_193 : i32
    %while3A_196 = arith.addi %while3A, %while3A_195 : i32
    %while3A_197 = arith.constant 1 : i32
    %while3A_198 = scf.for %while3A_445 = %while3A to %while3A_196 step %while3A_197 iter_args(%while3A_446 = %while3A_190) -> (i32)  : i32 {
      %mul3A_447 = arith.constant 2 : i32
      %mul3A_448 = arith.muli %mul3A_447, %while3A_445 : i32
      %add3A_449 = arith.constant 0 : i32
      %add3A_450 = arith.addi %mul3A_448, %add3A_449 : i32
      %mul3A_451 = arith.constant 80 : i32
      %mul3A_452 = arith.muli %add3A, %mul3A_451 : i32
      %add3A_453 = arith.addi %mul3A_452, %add3A_450 : i32
      %dma_wait3A_454 = arith.constant 0 : i32
      %dma_wait3A_455 = arith.constant 0 : i32
      %dma_wait3A_456 = tpu.memref_slice %arg4[%add3A_453, %dma_wait3A_454, %dma_wait3A_455] : memref<2500x16x128xf32, #tpu.memory_space<hbm>> -> memref<1x16x128xf32, #tpu.memory_space<hbm>>
      %dma_wait3A_457 = tpu.memref_squeeze %dma_wait3A_456 : memref<1x16x128xf32, #tpu.memory_space<hbm>> -> memref<16x128xf32, #tpu.memory_space<hbm>>
      %dma_wait3A_458 = arith.constant 0 : i32
      %dma_wait3A_459 = arith.constant 0 : i32
      %dma_wait3A_460 = tpu.memref_slice %arg4[%add3A_453, %dma_wait3A_458, %dma_wait3A_459] : memref<2500x16x128xf32, #tpu.memory_space<hbm>> -> memref<1x16x128xf32, #tpu.memory_space<hbm>>
      %dma_wait3A_461 = tpu.memref_squeeze %dma_wait3A_460 : memref<1x16x128xf32, #tpu.memory_space<hbm>> -> memref<16x128xf32, #tpu.memory_space<hbm>>
      tpu.wait_dma2 semaphore(%arg15 : memref<!tpu.dma_semaphore, #tpu.memory_space<semaphore_mem>>) src(%dma_wait3A_461 : memref<16x128xf32, #tpu.memory_space<hbm>>) dst(%arg10 : memref<16x128xf32, #tpu.memory_space<vmem>>)
      %ge3A = arith.constant 2 : i32
      %ge3A_462 = arith.cmpi sge, %add3A_450, %ge3A : i32
      %convert_element_type3A = arith.extui %ge3A_462 : i1 to i32
      %cond3A = arith.constant 0 : i32
      %cond3A_463 = arith.cmpi ne, %convert_element_type3A, %cond3A : i32
      scf.if %cond3A_463 {
        %dma_wait3A_732 = arith.constant 0 : i32
        %dma_wait3A_733 = arith.constant 0 : i32
        %dma_wait3A_734 = tpu.memref_slice %arg9[%dma_wait3A_732, %dma_wait3A_733] : memref<2x128xi32, #tpu.memory_space<vmem>> -> memref<1x128xi32, #tpu.memory_space<vmem>>
        %dma_wait3A_735 = tpu.memref_squeeze %dma_wait3A_734 : memref<1x128xi32, #tpu.memory_space<vmem>> -> memref<128xi32, #tpu.memory_space<vmem>>
        %dma_wait3A_736 = arith.constant 0 : i32
        %dma_wait3A_737 = arith.constant 0 : i32
        %dma_wait3A_738 = tpu.memref_slice %arg14[%dma_wait3A_736, %dma_wait3A_737] : memref<10240x128xf32, #tpu.memory_space<vmem_shared>> -> memref<10240x128xf32, #tpu.memory_space<vmem_shared>>
        tpu.wait_indirect_dma semaphore(%arg16 : memref<!tpu.dma_semaphore, #tpu.memory_space<semaphore_mem>>) src(%arg12 : memref<128x128xf32, #tpu.memory_space<vmem>>) dst(%dma_wait3A_738 : memref<10240x128xf32, #tpu.memory_space<vmem_shared>>)
      } else {
      }
      %add3A_464 = arith.constant 1 : i32
      %add3A_465 = arith.addi %add3A_450, %add3A_464 : i32
      %lt3A = arith.cmpi slt, %add3A_465, %min3A_52 : i32
      %convert_element_type3A_466 = arith.extui %lt3A : i1 to i32
      %cond3A_467 = arith.constant 0 : i32
      %cond3A_468 = arith.cmpi ne, %convert_element_type3A_466, %cond3A_467 : i32
      scf.if %cond3A_468 {
        %mul3A_732 = arith.constant 80 : i32
        %mul3A_733 = arith.muli %add3A, %mul3A_732 : i32
        %add3A_734 = arith.addi %mul3A_733, %add3A_450 : i32
        %add3A_735 = arith.constant 1 : i32
        %add3A_736 = arith.addi %add3A_734, %add3A_735 : i32
        %dma_start3A_737 = arith.constant 0 : i32
        %dma_start3A_738 = arith.constant 0 : i32
        %dma_start3A_739 = tpu.memref_slice %arg4[%add3A_736, %dma_start3A_737, %dma_start3A_738] : memref<2500x16x128xf32, #tpu.memory_space<hbm>> -> memref<1x16x128xf32, #tpu.memory_space<hbm>>
        %dma_start3A_740 = tpu.memref_squeeze %dma_start3A_739 : memref<1x16x128xf32, #tpu.memory_space<hbm>> -> memref<16x128xf32, #tpu.memory_space<hbm>>
        %dma_start3A_741 = arith.constant 0 : i32
        %dma_start3A_742 = arith.constant 0 : i32
        %dma_start3A_743 = tpu.memref_slice %arg4[%add3A_736, %dma_start3A_741, %dma_start3A_742] : memref<2500x16x128xf32, #tpu.memory_space<hbm>> -> memref<1x16x128xf32, #tpu.memory_space<hbm>>
        %dma_start3A_744 = tpu.memref_squeeze %dma_start3A_743 : memref<1x16x128xf32, #tpu.memory_space<hbm>> -> memref<16x128xf32, #tpu.memory_space<hbm>>
        tpu.enqueue_dma source(%dma_start3A_744 : memref<16x128xf32, #tpu.memory_space<hbm>>) target(%arg11 : memref<16x128xf32, #tpu.memory_space<vmem>>) target_semaphore(%arg15 : memref<!tpu.dma_semaphore, #tpu.memory_space<semaphore_mem>>)
      } else {
      }
      %get3A_469 = arith.index_cast %add3A_450 : i32 to index
      %get3A_470 = arith.constant 0 : index
      %get3A_471 = tpu.vector_load %arg7[%get3A_469, %get3A_470] {strides = array<i32>} : memref<80x128xi32, #tpu.memory_space<vmem>>, vector<1x16xi32>,
      %get3A_472 = vector.shape_cast %get3A_471 : vector<1x16xi32> to vector<16xi32>
      %shift_right_logical3A_473 = arith.constant 16 : i32
      %shift_right_logical3A_474 = vector.broadcast %shift_right_logical3A_473 : i32 to vector<16xi32>
      %shift_right_logical3A_475 = arith.shrui %get3A_472, %shift_right_logical3A_474 : vector<16xi32>
      %swap3A_476 = arith.constant 0 : i32
      %swap3A_477 = arith.index_cast %swap3A_476 : i32 to index
      %swap3A_478 = arith.constant 0 : index
      %swap3A_479 = tpu.vector_load %arg9[%swap3A_477, %swap3A_478] {strides = array<i32>} : memref<2x128xi32, #tpu.memory_space<vmem>>, vector<1x16xi32>,
      %swap3A_480 = vector.shape_cast %swap3A_479 : vector<1x16xi32> to vector<16xi32>
      %swap3A_481 = vector.shape_cast %shift_right_logical3A_475 : vector<16xi32> to vector<1x16xi32>
      tpu.vector_store %arg9[%swap3A_477, %swap3A_478], %swap3A_481 {strides = array<i32>} : memref<2x128xi32, #tpu.memory_space<vmem>>, vector<1x16xi32>,
      %get3A_482 = arith.index_cast %add3A_450 : i32 to index
      %get3A_483 = arith.constant 16 : index
      %get3A_484 = tpu.vector_load %arg7[%get3A_482, %get3A_483] {strides = array<i32>} : memref<80x128xi32, #tpu.memory_space<vmem>>, vector<1x16xi32>,
      %get3A_485 = vector.shape_cast %get3A_484 : vector<1x16xi32> to vector<16xi32>
      %shift_right_logical3A_486 = arith.constant 16 : i32
      %shift_right_logical3A_487 = vector.broadcast %shift_right_logical3A_486 : i32 to vector<16xi32>
      %shift_right_logical3A_488 = arith.shrui %get3A_485, %shift_right_logical3A_487 : vector<16xi32>
      %swap3A_489 = arith.constant 0 : i32
      %swap3A_490 = arith.index_cast %swap3A_489 : i32 to index
      %swap3A_491 = arith.constant 16 : index
      %swap3A_492 = tpu.vector_load %arg9[%swap3A_490, %swap3A_491] {strides = array<i32>} : memref<2x128xi32, #tpu.memory_space<vmem>>, vector<1x16xi32>,
      %swap3A_493 = vector.shape_cast %swap3A_492 : vector<1x16xi32> to vector<16xi32>
      %swap3A_494 = vector.shape_cast %shift_right_logical3A_488 : vector<16xi32> to vector<1x16xi32>
      tpu.vector_store %arg9[%swap3A_490, %swap3A_491], %swap3A_494 {strides = array<i32>} : memref<2x128xi32, #tpu.memory_space<vmem>>, vector<1x16xi32>,
      %get3A_495 = arith.index_cast %add3A_450 : i32 to index
      %get3A_496 = arith.constant 32 : index
      %get3A_497 = tpu.vector_load %arg7[%get3A_495, %get3A_496] {strides = array<i32>} : memref<80x128xi32, #tpu.memory_space<vmem>>, vector<1x16xi32>,
      %get3A_498 = vector.shape_cast %get3A_497 : vector<1x16xi32> to vector<16xi32>
      %shift_right_logical3A_499 = arith.constant 16 : i32
      %shift_right_logical3A_500 = vector.broadcast %shift_right_logical3A_499 : i32 to vector<16xi32>
      %shift_right_logical3A_501 = arith.shrui %get3A_498, %shift_right_logical3A_500 : vector<16xi32>
      %swap3A_502 = arith.constant 0 : i32
      %swap3A_503 = arith.index_cast %swap3A_502 : i32 to index
      %swap3A_504 = arith.constant 32 : index
      %swap3A_505 = tpu.vector_load %arg9[%swap3A_503, %swap3A_504] {strides = array<i32>} : memref<2x128xi32, #tpu.memory_space<vmem>>, vector<1x16xi32>,
      %swap3A_506 = vector.shape_cast %swap3A_505 : vector<1x16xi32> to vector<16xi32>
      %swap3A_507 = vector.shape_cast %shift_right_logical3A_501 : vector<16xi32> to vector<1x16xi32>
      tpu.vector_store %arg9[%swap3A_503, %swap3A_504], %swap3A_507 {strides = array<i32>} : memref<2x128xi32, #tpu.memory_space<vmem>>, vector<1x16xi32>,
      %get3A_508 = arith.index_cast %add3A_450 : i32 to index
      %get3A_509 = arith.constant 48 : index
      %get3A_510 = tpu.vector_load %arg7[%get3A_508, %get3A_509] {strides = array<i32>} : memref<80x128xi32, #tpu.memory_space<vmem>>, vector<1x16xi32>,
      %get3A_511 = vector.shape_cast %get3A_510 : vector<1x16xi32> to vector<16xi32>
      %shift_right_logical3A_512 = arith.constant 16 : i32
      %shift_right_logical3A_513 = vector.broadcast %shift_right_logical3A_512 : i32 to vector<16xi32>
      %shift_right_logical3A_514 = arith.shrui %get3A_511, %shift_right_logical3A_513 : vector<16xi32>
      %swap3A_515 = arith.constant 0 : i32
      %swap3A_516 = arith.index_cast %swap3A_515 : i32 to index
      %swap3A_517 = arith.constant 48 : index
      %swap3A_518 = tpu.vector_load %arg9[%swap3A_516, %swap3A_517] {strides = array<i32>} : memref<2x128xi32, #tpu.memory_space<vmem>>, vector<1x16xi32>,
      %swap3A_519 = vector.shape_cast %swap3A_518 : vector<1x16xi32> to vector<16xi32>
      %swap3A_520 = vector.shape_cast %shift_right_logical3A_514 : vector<16xi32> to vector<1x16xi32>
      tpu.vector_store %arg9[%swap3A_516, %swap3A_517], %swap3A_520 {strides = array<i32>} : memref<2x128xi32, #tpu.memory_space<vmem>>, vector<1x16xi32>,
      %get3A_521 = arith.index_cast %add3A_450 : i32 to index
      %get3A_522 = arith.constant 64 : index
      %get3A_523 = tpu.vector_load %arg7[%get3A_521, %get3A_522] {strides = array<i32>} : memref<80x128xi32, #tpu.memory_space<vmem>>, vector<1x16xi32>,
      %get3A_524 = vector.shape_cast %get3A_523 : vector<1x16xi32> to vector<16xi32>
      %shift_right_logical3A_525 = arith.constant 16 : i32
      %shift_right_logical3A_526 = vector.broadcast %shift_right_logical3A_525 : i32 to vector<16xi32>
      %shift_right_logical3A_527 = arith.shrui %get3A_524, %shift_right_logical3A_526 : vector<16xi32>
      %swap3A_528 = arith.constant 0 : i32
      %swap3A_529 = arith.index_cast %swap3A_528 : i32 to index
      %swap3A_530 = arith.constant 64 : index
      %swap3A_531 = tpu.vector_load %arg9[%swap3A_529, %swap3A_530] {strides = array<i32>} : memref<2x128xi32, #tpu.memory_space<vmem>>, vector<1x16xi32>,
      %swap3A_532 = vector.shape_cast %swap3A_531 : vector<1x16xi32> to vector<16xi32>
      %swap3A_533 = vector.shape_cast %shift_right_logical3A_527 : vector<16xi32> to vector<1x16xi32>
      tpu.vector_store %arg9[%swap3A_529, %swap3A_530], %swap3A_533 {strides = array<i32>} : memref<2x128xi32, #tpu.memory_space<vmem>>, vector<1x16xi32>,
      %get3A_534 = arith.index_cast %add3A_450 : i32 to index
      %get3A_535 = arith.constant 80 : index
      %get3A_536 = tpu.vector_load %arg7[%get3A_534, %get3A_535] {strides = array<i32>} : memref<80x128xi32, #tpu.memory_space<vmem>>, vector<1x16xi32>,
      %get3A_537 = vector.shape_cast %get3A_536 : vector<1x16xi32> to vector<16xi32>
      %shift_right_logical3A_538 = arith.constant 16 : i32
      %shift_right_logical3A_539 = vector.broadcast %shift_right_logical3A_538 : i32 to vector<16xi32>
      %shift_right_logical3A_540 = arith.shrui %get3A_537, %shift_right_logical3A_539 : vector<16xi32>
      %swap3A_541 = arith.constant 0 : i32
      %swap3A_542 = arith.index_cast %swap3A_541 : i32 to index
      %swap3A_543 = arith.constant 80 : index
      %swap3A_544 = tpu.vector_load %arg9[%swap3A_542, %swap3A_543] {strides = array<i32>} : memref<2x128xi32, #tpu.memory_space<vmem>>, vector<1x16xi32>,
      %swap3A_545 = vector.shape_cast %swap3A_544 : vector<1x16xi32> to vector<16xi32>
      %swap3A_546 = vector.shape_cast %shift_right_logical3A_540 : vector<16xi32> to vector<1x16xi32>
      tpu.vector_store %arg9[%swap3A_542, %swap3A_543], %swap3A_546 {strides = array<i32>} : memref<2x128xi32, #tpu.memory_space<vmem>>, vector<1x16xi32>,
      %get3A_547 = arith.index_cast %add3A_450 : i32 to index
      %get3A_548 = arith.constant 96 : index
      %get3A_549 = tpu.vector_load %arg7[%get3A_547, %get3A_548] {strides = array<i32>} : memref<80x128xi32, #tpu.memory_space<vmem>>, vector<1x16xi32>,
      %get3A_550 = vector.shape_cast %get3A_549 : vector<1x16xi32> to vector<16xi32>
      %shift_right_logical3A_551 = arith.constant 16 : i32
      %shift_right_logical3A_552 = vector.broadcast %shift_right_logical3A_551 : i32 to vector<16xi32>
      %shift_right_logical3A_553 = arith.shrui %get3A_550, %shift_right_logical3A_552 : vector<16xi32>
      %swap3A_554 = arith.constant 0 : i32
      %swap3A_555 = arith.index_cast %swap3A_554 : i32 to index
      %swap3A_556 = arith.constant 96 : index
      %swap3A_557 = tpu.vector_load %arg9[%swap3A_555, %swap3A_556] {strides = array<i32>} : memref<2x128xi32, #tpu.memory_space<vmem>>, vector<1x16xi32>,
      %swap3A_558 = vector.shape_cast %swap3A_557 : vector<1x16xi32> to vector<16xi32>
      %swap3A_559 = vector.shape_cast %shift_right_logical3A_553 : vector<16xi32> to vector<1x16xi32>
      tpu.vector_store %arg9[%swap3A_555, %swap3A_556], %swap3A_559 {strides = array<i32>} : memref<2x128xi32, #tpu.memory_space<vmem>>, vector<1x16xi32>,
      %get3A_560 = arith.index_cast %add3A_450 : i32 to index
      %get3A_561 = arith.constant 112 : index
      %get3A_562 = tpu.vector_load %arg7[%get3A_560, %get3A_561] {strides = array<i32>} : memref<80x128xi32, #tpu.memory_space<vmem>>, vector<1x16xi32>,
      %get3A_563 = vector.shape_cast %get3A_562 : vector<1x16xi32> to vector<16xi32>
      %shift_right_logical3A_564 = arith.constant 16 : i32
      %shift_right_logical3A_565 = vector.broadcast %shift_right_logical3A_564 : i32 to vector<16xi32>
      %shift_right_logical3A_566 = arith.shrui %get3A_563, %shift_right_logical3A_565 : vector<16xi32>
      %swap3A_567 = arith.constant 0 : i32
      %swap3A_568 = arith.index_cast %swap3A_567 : i32 to index
      %swap3A_569 = arith.constant 112 : index
      %swap3A_570 = tpu.vector_load %arg9[%swap3A_568, %swap3A_569] {strides = array<i32>} : memref<2x128xi32, #tpu.memory_space<vmem>>, vector<1x16xi32>,
      %swap3A_571 = vector.shape_cast %swap3A_570 : vector<1x16xi32> to vector<16xi32>
      %swap3A_572 = vector.shape_cast %shift_right_logical3A_566 : vector<16xi32> to vector<1x16xi32>
      tpu.vector_store %arg9[%swap3A_568, %swap3A_569], %swap3A_572 {strides = array<i32>} : memref<2x128xi32, #tpu.memory_space<vmem>>, vector<1x16xi32>,
      %scan3A_573 = arith.constant 0 : i32
      %scan3A_574 = arith.constant 0 : i32
      %scan3A_575 = arith.constant 16 : i32
      %scan3A_576 = arith.addi %scan3A_574, %scan3A_575 : i32
      %scan3A_577 = arith.constant 1 : i32
      %scan3A_578 = scf.for %scan3A_732 = %scan3A_574 to %scan3A_576 step %scan3A_577 iter_args(%scan3A_733 = %scan3A_573) -> (i32)  : i32 {
        %get3A_734 = arith.index_cast %scan3A_732 : i32 to index
        %get3A_735 = arith.constant 0 : index
        %get3A_736 = tpu.vector_load %arg10[%get3A_734, %get3A_735] {strides = array<i32>} : memref<16x128xf32, #tpu.memory_space<vmem>>, vector<1x16xf32>,
        %get3A_737 = vector.shape_cast %get3A_736 : vector<1x16xf32> to vector<16xf32>
        %mul3A_738 = arith.constant 8 : i32
        %mul3A_739 = arith.muli %scan3A_732, %mul3A_738 : i32
        %add3A_740 = arith.constant 0 : i32
        %add3A_741 = arith.addi %mul3A_739, %add3A_740 : i32
        %swap3A_742 = arith.index_cast %add3A_741 : i32 to index
        %swap3A_743 = arith.constant 0 : index
        %swap3A_744 = tpu.vector_load %arg12[%swap3A_742, %swap3A_743] {strides = array<i32>} : memref<128x128xf32, #tpu.memory_space<vmem>>, vector<1x16xf32>,
        %swap3A_745 = vector.shape_cast %swap3A_744 : vector<1x16xf32> to vector<16xf32>
        %swap3A_746 = vector.shape_cast %get3A_737 : vector<16xf32> to vector<1x16xf32>
        tpu.vector_store %arg12[%swap3A_742, %swap3A_743], %swap3A_746 {strides = array<i32>} : memref<128x128xf32, #tpu.memory_space<vmem>>, vector<1x16xf32>,
        %get3A_747 = arith.index_cast %scan3A_732 : i32 to index
        %get3A_748 = arith.constant 16 : index
        %get3A_749 = tpu.vector_load %arg10[%get3A_747, %get3A_748] {strides = array<i32>} : memref<16x128xf32, #tpu.memory_space<vmem>>, vector<1x16xf32>,
        %get3A_750 = vector.shape_cast %get3A_749 : vector<1x16xf32> to vector<16xf32>
        %mul3A_751 = arith.constant 8 : i32
        %mul3A_752 = arith.muli %scan3A_732, %mul3A_751 : i32
        %add3A_753 = arith.constant 1 : i32
        %add3A_754 = arith.addi %mul3A_752, %add3A_753 : i32
        %swap3A_755 = arith.index_cast %add3A_754 : i32 to index
        %swap3A_756 = arith.constant 0 : index
        %swap3A_757 = tpu.vector_load %arg12[%swap3A_755, %swap3A_756] {strides = array<i32>} : memref<128x128xf32, #tpu.memory_space<vmem>>, vector<1x16xf32>,
        %swap3A_758 = vector.shape_cast %swap3A_757 : vector<1x16xf32> to vector<16xf32>
        %swap3A_759 = vector.shape_cast %get3A_750 : vector<16xf32> to vector<1x16xf32>
        tpu.vector_store %arg12[%swap3A_755, %swap3A_756], %swap3A_759 {strides = array<i32>} : memref<128x128xf32, #tpu.memory_space<vmem>>, vector<1x16xf32>,
        %get3A_760 = arith.index_cast %scan3A_732 : i32 to index
        %get3A_761 = arith.constant 32 : index
        %get3A_762 = tpu.vector_load %arg10[%get3A_760, %get3A_761] {strides = array<i32>} : memref<16x128xf32, #tpu.memory_space<vmem>>, vector<1x16xf32>,
        %get3A_763 = vector.shape_cast %get3A_762 : vector<1x16xf32> to vector<16xf32>
        %mul3A_764 = arith.constant 8 : i32
        %mul3A_765 = arith.muli %scan3A_732, %mul3A_764 : i32
        %add3A_766 = arith.constant 2 : i32
        %add3A_767 = arith.addi %mul3A_765, %add3A_766 : i32
        %swap3A_768 = arith.index_cast %add3A_767 : i32 to index
        %swap3A_769 = arith.constant 0 : index
        %swap3A_770 = tpu.vector_load %arg12[%swap3A_768, %swap3A_769] {strides = array<i32>} : memref<128x128xf32, #tpu.memory_space<vmem>>, vector<1x16xf32>,
        %swap3A_771 = vector.shape_cast %swap3A_770 : vector<1x16xf32> to vector<16xf32>
        %swap3A_772 = vector.shape_cast %get3A_763 : vector<16xf32> to vector<1x16xf32>
        tpu.vector_store %arg12[%swap3A_768, %swap3A_769], %swap3A_772 {strides = array<i32>} : memref<128x128xf32, #tpu.memory_space<vmem>>, vector<1x16xf32>,
        %get3A_773 = arith.index_cast %scan3A_732 : i32 to index
        %get3A_774 = arith.constant 48 : index
        %get3A_775 = tpu.vector_load %arg10[%get3A_773, %get3A_774] {strides = array<i32>} : memref<16x128xf32, #tpu.memory_space<vmem>>, vector<1x16xf32>,
        %get3A_776 = vector.shape_cast %get3A_775 : vector<1x16xf32> to vector<16xf32>
        %mul3A_777 = arith.constant 8 : i32
        %mul3A_778 = arith.muli %scan3A_732, %mul3A_777 : i32
        %add3A_779 = arith.constant 3 : i32
        %add3A_780 = arith.addi %mul3A_778, %add3A_779 : i32
        %swap3A_781 = arith.index_cast %add3A_780 : i32 to index
        %swap3A_782 = arith.constant 0 : index
        %swap3A_783 = tpu.vector_load %arg12[%swap3A_781, %swap3A_782] {strides = array<i32>} : memref<128x128xf32, #tpu.memory_space<vmem>>, vector<1x16xf32>,
        %swap3A_784 = vector.shape_cast %swap3A_783 : vector<1x16xf32> to vector<16xf32>
        %swap3A_785 = vector.shape_cast %get3A_776 : vector<16xf32> to vector<1x16xf32>
        tpu.vector_store %arg12[%swap3A_781, %swap3A_782], %swap3A_785 {strides = array<i32>} : memref<128x128xf32, #tpu.memory_space<vmem>>, vector<1x16xf32>,
        %get3A_786 = arith.index_cast %scan3A_732 : i32 to index
        %get3A_787 = arith.constant 64 : index
        %get3A_788 = tpu.vector_load %arg10[%get3A_786, %get3A_787] {strides = array<i32>} : memref<16x128xf32, #tpu.memory_space<vmem>>, vector<1x16xf32>,
        %get3A_789 = vector.shape_cast %get3A_788 : vector<1x16xf32> to vector<16xf32>
        %mul3A_790 = arith.constant 8 : i32
        %mul3A_791 = arith.muli %scan3A_732, %mul3A_790 : i32
        %add3A_792 = arith.constant 4 : i32
        %add3A_793 = arith.addi %mul3A_791, %add3A_792 : i32
        %swap3A_794 = arith.index_cast %add3A_793 : i32 to index
        %swap3A_795 = arith.constant 0 : index
        %swap3A_796 = tpu.vector_load %arg12[%swap3A_794, %swap3A_795] {strides = array<i32>} : memref<128x128xf32, #tpu.memory_space<vmem>>, vector<1x16xf32>,
        %swap3A_797 = vector.shape_cast %swap3A_796 : vector<1x16xf32> to vector<16xf32>
        %swap3A_798 = vector.shape_cast %get3A_789 : vector<16xf32> to vector<1x16xf32>
        tpu.vector_store %arg12[%swap3A_794, %swap3A_795], %swap3A_798 {strides = array<i32>} : memref<128x128xf32, #tpu.memory_space<vmem>>, vector<1x16xf32>,
        %get3A_799 = arith.index_cast %scan3A_732 : i32 to index
        %get3A_800 = arith.constant 80 : index
        %get3A_801 = tpu.vector_load %arg10[%get3A_799, %get3A_800] {strides = array<i32>} : memref<16x128xf32, #tpu.memory_space<vmem>>, vector<1x16xf32>,
        %get3A_802 = vector.shape_cast %get3A_801 : vector<1x16xf32> to vector<16xf32>
        %mul3A_803 = arith.constant 8 : i32
        %mul3A_804 = arith.muli %scan3A_732, %mul3A_803 : i32
        %add3A_805 = arith.constant 5 : i32
        %add3A_806 = arith.addi %mul3A_804, %add3A_805 : i32
        %swap3A_807 = arith.index_cast %add3A_806 : i32 to index
        %swap3A_808 = arith.constant 0 : index
        %swap3A_809 = tpu.vector_load %arg12[%swap3A_807, %swap3A_808] {strides = array<i32>} : memref<128x128xf32, #tpu.memory_space<vmem>>, vector<1x16xf32>,
        %swap3A_810 = vector.shape_cast %swap3A_809 : vector<1x16xf32> to vector<16xf32>
        %swap3A_811 = vector.shape_cast %get3A_802 : vector<16xf32> to vector<1x16xf32>
        tpu.vector_store %arg12[%swap3A_807, %swap3A_808], %swap3A_811 {strides = array<i32>} : memref<128x128xf32, #tpu.memory_space<vmem>>, vector<1x16xf32>,
        %get3A_812 = arith.index_cast %scan3A_732 : i32 to index
        %get3A_813 = arith.constant 96 : index
        %get3A_814 = tpu.vector_load %arg10[%get3A_812, %get3A_813] {strides = array<i32>} : memref<16x128xf32, #tpu.memory_space<vmem>>, vector<1x16xf32>,
        %get3A_815 = vector.shape_cast %get3A_814 : vector<1x16xf32> to vector<16xf32>
        %mul3A_816 = arith.constant 8 : i32
        %mul3A_817 = arith.muli %scan3A_732, %mul3A_816 : i32
        %add3A_818 = arith.constant 6 : i32
        %add3A_819 = arith.addi %mul3A_817, %add3A_818 : i32
        %swap3A_820 = arith.index_cast %add3A_819 : i32 to index
        %swap3A_821 = arith.constant 0 : index
        %swap3A_822 = tpu.vector_load %arg12[%swap3A_820, %swap3A_821] {strides = array<i32>} : memref<128x128xf32, #tpu.memory_space<vmem>>, vector<1x16xf32>,
        %swap3A_823 = vector.shape_cast %swap3A_822 : vector<1x16xf32> to vector<16xf32>
        %swap3A_824 = vector.shape_cast %get3A_815 : vector<16xf32> to vector<1x16xf32>
        tpu.vector_store %arg12[%swap3A_820, %swap3A_821], %swap3A_824 {strides = array<i32>} : memref<128x128xf32, #tpu.memory_space<vmem>>, vector<1x16xf32>,
        %get3A_825 = arith.index_cast %scan3A_732 : i32 to index
        %get3A_826 = arith.constant 112 : index
        %get3A_827 = tpu.vector_load %arg10[%get3A_825, %get3A_826] {strides = array<i32>} : memref<16x128xf32, #tpu.memory_space<vmem>>, vector<1x16xf32>,
        %get3A_828 = vector.shape_cast %get3A_827 : vector<1x16xf32> to vector<16xf32>
        %mul3A_829 = arith.constant 8 : i32
        %mul3A_830 = arith.muli %scan3A_732, %mul3A_829 : i32
        %add3A_831 = arith.constant 7 : i32
        %add3A_832 = arith.addi %mul3A_830, %add3A_831 : i32
        %swap3A_833 = arith.index_cast %add3A_832 : i32 to index
        %swap3A_834 = arith.constant 0 : index
        %swap3A_835 = tpu.vector_load %arg12[%swap3A_833, %swap3A_834] {strides = array<i32>} : memref<128x128xf32, #tpu.memory_space<vmem>>, vector<1x16xf32>,
        %swap3A_836 = vector.shape_cast %swap3A_835 : vector<1x16xf32> to vector<16xf32>
        %swap3A_837 = vector.shape_cast %get3A_828 : vector<16xf32> to vector<1x16xf32>
        tpu.vector_store %arg12[%swap3A_833, %swap3A_834], %swap3A_837 {strides = array<i32>} : memref<128x128xf32, #tpu.memory_space<vmem>>, vector<1x16xf32>,
        %scan3A_838 = arith.constant 0 : i32
        scf.yield %scan3A_838 : i32
      }
      %scan3A_579 = arith.constant 16 : i32
      %dma_start3A_580 = arith.constant 0 : i32
      %dma_start3A_581 = arith.constant 0 : i32
      %dma_start3A_582 = tpu.memref_slice %arg9[%dma_start3A_580, %dma_start3A_581] : memref<2x128xi32, #tpu.memory_space<vmem>> -> memref<1x128xi32, #tpu.memory_space<vmem>>
      %dma_start3A_583 = tpu.memref_squeeze %dma_start3A_582 : memref<1x128xi32, #tpu.memory_space<vmem>> -> memref<128xi32, #tpu.memory_space<vmem>>
      %dma_start3A_584 = arith.constant 0 : i32
      %dma_start3A_585 = arith.constant 0 : i32
      %dma_start3A_586 = tpu.memref_slice %arg14[%dma_start3A_584, %dma_start3A_585] : memref<10240x128xf32, #tpu.memory_space<vmem_shared>> -> memref<10240x128xf32, #tpu.memory_space<vmem_shared>>
      tpu.enqueue_indirect_dma source(%arg12 : memref<128x128xf32, #tpu.memory_space<vmem>>) target(%dma_start3A_586 : memref<10240x128xf32, #tpu.memory_space<vmem_shared>>) offsets(%dma_start3A_583 : memref<128xi32, #tpu.memory_space<vmem>>) semaphore(%arg16 : memref<!tpu.dma_semaphore, #tpu.memory_space<semaphore_mem>>) {add = true}
      %mul3A_587 = arith.constant 2 : i32
      %mul3A_588 = arith.muli %mul3A_587, %while3A_445 : i32
      %add3A_589 = arith.constant 1 : i32
      %add3A_590 = arith.addi %mul3A_588, %add3A_589 : i32
      %mul3A_591 = arith.constant 80 : i32
      %mul3A_592 = arith.muli %add3A, %mul3A_591 : i32
      %add3A_593 = arith.addi %mul3A_592, %add3A_590 : i32
      %dma_wait3A_594 = arith.constant 0 : i32
      %dma_wait3A_595 = arith.constant 0 : i32
      %dma_wait3A_596 = tpu.memref_slice %arg4[%add3A_593, %dma_wait3A_594, %dma_wait3A_595] : memref<2500x16x128xf32, #tpu.memory_space<hbm>> -> memref<1x16x128xf32, #tpu.memory_space<hbm>>
      %dma_wait3A_597 = tpu.memref_squeeze %dma_wait3A_596 : memref<1x16x128xf32, #tpu.memory_space<hbm>> -> memref<16x128xf32, #tpu.memory_space<hbm>>
      %dma_wait3A_598 = arith.constant 0 : i32
      %dma_wait3A_599 = arith.constant 0 : i32
      %dma_wait3A_600 = tpu.memref_slice %arg4[%add3A_593, %dma_wait3A_598, %dma_wait3A_599] : memref<2500x16x128xf32, #tpu.memory_space<hbm>> -> memref<1x16x128xf32, #tpu.memory_space<hbm>>
      %dma_wait3A_601 = tpu.memref_squeeze %dma_wait3A_600 : memref<1x16x128xf32, #tpu.memory_space<hbm>> -> memref<16x128xf32, #tpu.memory_space<hbm>>
      tpu.wait_dma2 semaphore(%arg15 : memref<!tpu.dma_semaphore, #tpu.memory_space<semaphore_mem>>) src(%dma_wait3A_601 : memref<16x128xf32, #tpu.memory_space<hbm>>) dst(%arg11 : memref<16x128xf32, #tpu.memory_space<vmem>>)
      %ge3A_602 = arith.constant 2 : i32
      %ge3A_603 = arith.cmpi sge, %add3A_590, %ge3A_602 : i32
      %convert_element_type3A_604 = arith.extui %ge3A_603 : i1 to i32
      %cond3A_605 = arith.constant 0 : i32
      %cond3A_606 = arith.cmpi ne, %convert_element_type3A_604, %cond3A_605 : i32
      scf.if %cond3A_606 {
        %dma_wait3A_732 = arith.constant 1 : i32
        %dma_wait3A_733 = arith.constant 0 : i32
        %dma_wait3A_734 = tpu.memref_slice %arg9[%dma_wait3A_732, %dma_wait3A_733] : memref<2x128xi32, #tpu.memory_space<vmem>> -> memref<1x128xi32, #tpu.memory_space<vmem>>
        %dma_wait3A_735 = tpu.memref_squeeze %dma_wait3A_734 : memref<1x128xi32, #tpu.memory_space<vmem>> -> memref<128xi32, #tpu.memory_space<vmem>>
        %dma_wait3A_736 = arith.constant 0 : i32
        %dma_wait3A_737 = arith.constant 0 : i32
        %dma_wait3A_738 = tpu.memref_slice %arg14[%dma_wait3A_736, %dma_wait3A_737] : memref<10240x128xf32, #tpu.memory_space<vmem_shared>> -> memref<10240x128xf32, #tpu.memory_space<vmem_shared>>
        tpu.wait_indirect_dma semaphore(%arg16 : memref<!tpu.dma_semaphore, #tpu.memory_space<semaphore_mem>>) src(%arg13 : memref<128x128xf32, #tpu.memory_space<vmem>>) dst(%dma_wait3A_738 : memref<10240x128xf32, #tpu.memory_space<vmem_shared>>)
      } else {
      }
      %add3A_607 = arith.constant 1 : i32
      %add3A_608 = arith.addi %add3A_590, %add3A_607 : i32
      %lt3A_609 = arith.cmpi slt, %add3A_608, %min3A_52 : i32
      %convert_element_type3A_610 = arith.extui %lt3A_609 : i1 to i32
      %cond3A_611 = arith.constant 0 : i32
      %cond3A_612 = arith.cmpi ne, %convert_element_type3A_610, %cond3A_611 : i32
      scf.if %cond3A_612 {
        %mul3A_732 = arith.constant 80 : i32
        %mul3A_733 = arith.muli %add3A, %mul3A_732 : i32
        %add3A_734 = arith.addi %mul3A_733, %add3A_590 : i32
        %add3A_735 = arith.constant 1 : i32
        %add3A_736 = arith.addi %add3A_734, %add3A_735 : i32
        %dma_start3A_737 = arith.constant 0 : i32
        %dma_start3A_738 = arith.constant 0 : i32
        %dma_start3A_739 = tpu.memref_slice %arg4[%add3A_736, %dma_start3A_737, %dma_start3A_738] : memref<2500x16x128xf32, #tpu.memory_space<hbm>> -> memref<1x16x128xf32, #tpu.memory_space<hbm>>
        %dma_start3A_740 = tpu.memref_squeeze %dma_start3A_739 : memref<1x16x128xf32, #tpu.memory_space<hbm>> -> memref<16x128xf32, #tpu.memory_space<hbm>>
        %dma_start3A_741 = arith.constant 0 : i32
        %dma_start3A_742 = arith.constant 0 : i32
        %dma_start3A_743 = tpu.memref_slice %arg4[%add3A_736, %dma_start3A_741, %dma_start3A_742] : memref<2500x16x128xf32, #tpu.memory_space<hbm>> -> memref<1x16x128xf32, #tpu.memory_space<hbm>>
        %dma_start3A_744 = tpu.memref_squeeze %dma_start3A_743 : memref<1x16x128xf32, #tpu.memory_space<hbm>> -> memref<16x128xf32, #tpu.memory_space<hbm>>
        tpu.enqueue_dma source(%dma_start3A_744 : memref<16x128xf32, #tpu.memory_space<hbm>>) target(%arg10 : memref<16x128xf32, #tpu.memory_space<vmem>>) target_semaphore(%arg15 : memref<!tpu.dma_semaphore, #tpu.memory_space<semaphore_mem>>)
      } else {
      }
      %get3A_613 = arith.index_cast %add3A_590 : i32 to index
      %get3A_614 = arith.constant 0 : index
      %get3A_615 = tpu.vector_load %arg7[%get3A_613, %get3A_614] {strides = array<i32>} : memref<80x128xi32, #tpu.memory_space<vmem>>, vector<1x16xi32>,
      %get3A_616 = vector.shape_cast %get3A_615 : vector<1x16xi32> to vector<16xi32>
      %shift_right_logical3A_617 = arith.constant 16 : i32
      %shift_right_logical3A_618 = vector.broadcast %shift_right_logical3A_617 : i32 to vector<16xi32>
      %shift_right_logical3A_619 = arith.shrui %get3A_616, %shift_right_logical3A_618 : vector<16xi32>
      %swap3A_620 = arith.constant 1 : i32
      %swap3A_621 = arith.index_cast %swap3A_620 : i32 to index
      %swap3A_622 = arith.constant 0 : index
      %swap3A_623 = tpu.vector_load %arg9[%swap3A_621, %swap3A_622] {strides = array<i32>} : memref<2x128xi32, #tpu.memory_space<vmem>>, vector<1x16xi32>,
      %swap3A_624 = vector.shape_cast %swap3A_623 : vector<1x16xi32> to vector<16xi32>
      %swap3A_625 = vector.shape_cast %shift_right_logical3A_619 : vector<16xi32> to vector<1x16xi32>
      tpu.vector_store %arg9[%swap3A_621, %swap3A_622], %swap3A_625 {strides = array<i32>} : memref<2x128xi32, #tpu.memory_space<vmem>>, vector<1x16xi32>,
      %get3A_626 = arith.index_cast %add3A_590 : i32 to index
      %get3A_627 = arith.constant 16 : index
      %get3A_628 = tpu.vector_load %arg7[%get3A_626, %get3A_627] {strides = array<i32>} : memref<80x128xi32, #tpu.memory_space<vmem>>, vector<1x16xi32>,
      %get3A_629 = vector.shape_cast %get3A_628 : vector<1x16xi32> to vector<16xi32>
      %shift_right_logical3A_630 = arith.constant 16 : i32
      %shift_right_logical3A_631 = vector.broadcast %shift_right_logical3A_630 : i32 to vector<16xi32>
      %shift_right_logical3A_632 = arith.shrui %get3A_629, %shift_right_logical3A_631 : vector<16xi32>
      %swap3A_633 = arith.constant 1 : i32
      %swap3A_634 = arith.index_cast %swap3A_633 : i32 to index
      %swap3A_635 = arith.constant 16 : index
      %swap3A_636 = tpu.vector_load %arg9[%swap3A_634, %swap3A_635] {strides = array<i32>} : memref<2x128xi32, #tpu.memory_space<vmem>>, vector<1x16xi32>,
      %swap3A_637 = vector.shape_cast %swap3A_636 : vector<1x16xi32> to vector<16xi32>
      %swap3A_638 = vector.shape_cast %shift_right_logical3A_632 : vector<16xi32> to vector<1x16xi32>
      tpu.vector_store %arg9[%swap3A_634, %swap3A_635], %swap3A_638 {strides = array<i32>} : memref<2x128xi32, #tpu.memory_space<vmem>>, vector<1x16xi32>,
      %get3A_639 = arith.index_cast %add3A_590 : i32 to index
      %get3A_640 = arith.constant 32 : index
      %get3A_641 = tpu.vector_load %arg7[%get3A_639, %get3A_640] {strides = array<i32>} : memref<80x128xi32, #tpu.memory_space<vmem>>, vector<1x16xi32>,
      %get3A_642 = vector.shape_cast %get3A_641 : vector<1x16xi32> to vector<16xi32>
      %shift_right_logical3A_643 = arith.constant 16 : i32
      %shift_right_logical3A_644 = vector.broadcast %shift_right_logical3A_643 : i32 to vector<16xi32>
      %shift_right_logical3A_645 = arith.shrui %get3A_642, %shift_right_logical3A_644 : vector<16xi32>
      %swap3A_646 = arith.constant 1 : i32
      %swap3A_647 = arith.index_cast %swap3A_646 : i32 to index
      %swap3A_648 = arith.constant 32 : index
      %swap3A_649 = tpu.vector_load %arg9[%swap3A_647, %swap3A_648] {strides = array<i32>} : memref<2x128xi32, #tpu.memory_space<vmem>>, vector<1x16xi32>,
      %swap3A_650 = vector.shape_cast %swap3A_649 : vector<1x16xi32> to vector<16xi32>
      %swap3A_651 = vector.shape_cast %shift_right_logical3A_645 : vector<16xi32> to vector<1x16xi32>
      tpu.vector_store %arg9[%swap3A_647, %swap3A_648], %swap3A_651 {strides = array<i32>} : memref<2x128xi32, #tpu.memory_space<vmem>>, vector<1x16xi32>,
      %get3A_652 = arith.index_cast %add3A_590 : i32 to index
      %get3A_653 = arith.constant 48 : index
      %get3A_654 = tpu.vector_load %arg7[%get3A_652, %get3A_653] {strides = array<i32>} : memref<80x128xi32, #tpu.memory_space<vmem>>, vector<1x16xi32>,
      %get3A_655 = vector.shape_cast %get3A_654 : vector<1x16xi32> to vector<16xi32>
      %shift_right_logical3A_656 = arith.constant 16 : i32
      %shift_right_logical3A_657 = vector.broadcast %shift_right_logical3A_656 : i32 to vector<16xi32>
      %shift_right_logical3A_658 = arith.shrui %get3A_655, %shift_right_logical3A_657 : vector<16xi32>
      %swap3A_659 = arith.constant 1 : i32
      %swap3A_660 = arith.index_cast %swap3A_659 : i32 to index
      %swap3A_661 = arith.constant 48 : index
      %swap3A_662 = tpu.vector_load %arg9[%swap3A_660, %swap3A_661] {strides = array<i32>} : memref<2x128xi32, #tpu.memory_space<vmem>>, vector<1x16xi32>,
      %swap3A_663 = vector.shape_cast %swap3A_662 : vector<1x16xi32> to vector<16xi32>
      %swap3A_664 = vector.shape_cast %shift_right_logical3A_658 : vector<16xi32> to vector<1x16xi32>
      tpu.vector_store %arg9[%swap3A_660, %swap3A_661], %swap3A_664 {strides = array<i32>} : memref<2x128xi32, #tpu.memory_space<vmem>>, vector<1x16xi32>,
      %get3A_665 = arith.index_cast %add3A_590 : i32 to index
      %get3A_666 = arith.constant 64 : index
      %get3A_667 = tpu.vector_load %arg7[%get3A_665, %get3A_666] {strides = array<i32>} : memref<80x128xi32, #tpu.memory_space<vmem>>, vector<1x16xi32>,
      %get3A_668 = vector.shape_cast %get3A_667 : vector<1x16xi32> to vector<16xi32>
      %shift_right_logical3A_669 = arith.constant 16 : i32
      %shift_right_logical3A_670 = vector.broadcast %shift_right_logical3A_669 : i32 to vector<16xi32>
      %shift_right_logical3A_671 = arith.shrui %get3A_668, %shift_right_logical3A_670 : vector<16xi32>
      %swap3A_672 = arith.constant 1 : i32
      %swap3A_673 = arith.index_cast %swap3A_672 : i32 to index
      %swap3A_674 = arith.constant 64 : index
      %swap3A_675 = tpu.vector_load %arg9[%swap3A_673, %swap3A_674] {strides = array<i32>} : memref<2x128xi32, #tpu.memory_space<vmem>>, vector<1x16xi32>,
      %swap3A_676 = vector.shape_cast %swap3A_675 : vector<1x16xi32> to vector<16xi32>
      %swap3A_677 = vector.shape_cast %shift_right_logical3A_671 : vector<16xi32> to vector<1x16xi32>
      tpu.vector_store %arg9[%swap3A_673, %swap3A_674], %swap3A_677 {strides = array<i32>} : memref<2x128xi32, #tpu.memory_space<vmem>>, vector<1x16xi32>,
      %get3A_678 = arith.index_cast %add3A_590 : i32 to index
      %get3A_679 = arith.constant 80 : index
      %get3A_680 = tpu.vector_load %arg7[%get3A_678, %get3A_679] {strides = array<i32>} : memref<80x128xi32, #tpu.memory_space<vmem>>, vector<1x16xi32>,
      %get3A_681 = vector.shape_cast %get3A_680 : vector<1x16xi32> to vector<16xi32>
      %shift_right_logical3A_682 = arith.constant 16 : i32
      %shift_right_logical3A_683 = vector.broadcast %shift_right_logical3A_682 : i32 to vector<16xi32>
      %shift_right_logical3A_684 = arith.shrui %get3A_681, %shift_right_logical3A_683 : vector<16xi32>
      %swap3A_685 = arith.constant 1 : i32
      %swap3A_686 = arith.index_cast %swap3A_685 : i32 to index
      %swap3A_687 = arith.constant 80 : index
      %swap3A_688 = tpu.vector_load %arg9[%swap3A_686, %swap3A_687] {strides = array<i32>} : memref<2x128xi32, #tpu.memory_space<vmem>>, vector<1x16xi32>,
      %swap3A_689 = vector.shape_cast %swap3A_688 : vector<1x16xi32> to vector<16xi32>
      %swap3A_690 = vector.shape_cast %shift_right_logical3A_684 : vector<16xi32> to vector<1x16xi32>
      tpu.vector_store %arg9[%swap3A_686, %swap3A_687], %swap3A_690 {strides = array<i32>} : memref<2x128xi32, #tpu.memory_space<vmem>>, vector<1x16xi32>,
      %get3A_691 = arith.index_cast %add3A_590 : i32 to index
      %get3A_692 = arith.constant 96 : index
      %get3A_693 = tpu.vector_load %arg7[%get3A_691, %get3A_692] {strides = array<i32>} : memref<80x128xi32, #tpu.memory_space<vmem>>, vector<1x16xi32>,
      %get3A_694 = vector.shape_cast %get3A_693 : vector<1x16xi32> to vector<16xi32>
      %shift_right_logical3A_695 = arith.constant 16 : i32
      %shift_right_logical3A_696 = vector.broadcast %shift_right_logical3A_695 : i32 to vector<16xi32>
      %shift_right_logical3A_697 = arith.shrui %get3A_694, %shift_right_logical3A_696 : vector<16xi32>
      %swap3A_698 = arith.constant 1 : i32
      %swap3A_699 = arith.index_cast %swap3A_698 : i32 to index
      %swap3A_700 = arith.constant 96 : index
      %swap3A_701 = tpu.vector_load %arg9[%swap3A_699, %swap3A_700] {strides = array<i32>} : memref<2x128xi32, #tpu.memory_space<vmem>>, vector<1x16xi32>,
      %swap3A_702 = vector.shape_cast %swap3A_701 : vector<1x16xi32> to vector<16xi32>
      %swap3A_703 = vector.shape_cast %shift_right_logical3A_697 : vector<16xi32> to vector<1x16xi32>
      tpu.vector_store %arg9[%swap3A_699, %swap3A_700], %swap3A_703 {strides = array<i32>} : memref<2x128xi32, #tpu.memory_space<vmem>>, vector<1x16xi32>,
      %get3A_704 = arith.index_cast %add3A_590 : i32 to index
      %get3A_705 = arith.constant 112 : index
      %get3A_706 = tpu.vector_load %arg7[%get3A_704, %get3A_705] {strides = array<i32>} : memref<80x128xi32, #tpu.memory_space<vmem>>, vector<1x16xi32>,
      %get3A_707 = vector.shape_cast %get3A_706 : vector<1x16xi32> to vector<16xi32>
      %shift_right_logical3A_708 = arith.constant 16 : i32
      %shift_right_logical3A_709 = vector.broadcast %shift_right_logical3A_708 : i32 to vector<16xi32>
      %shift_right_logical3A_710 = arith.shrui %get3A_707, %shift_right_logical3A_709 : vector<16xi32>
      %swap3A_711 = arith.constant 1 : i32
      %swap3A_712 = arith.index_cast %swap3A_711 : i32 to index
      %swap3A_713 = arith.constant 112 : index
      %swap3A_714 = tpu.vector_load %arg9[%swap3A_712, %swap3A_713] {strides = array<i32>} : memref<2x128xi32, #tpu.memory_space<vmem>>, vector<1x16xi32>,
      %swap3A_715 = vector.shape_cast %swap3A_714 : vector<1x16xi32> to vector<16xi32>
      %swap3A_716 = vector.shape_cast %shift_right_logical3A_710 : vector<16xi32> to vector<1x16xi32>
      tpu.vector_store %arg9[%swap3A_712, %swap3A_713], %swap3A_716 {strides = array<i32>} : memref<2x128xi32, #tpu.memory_space<vmem>>, vector<1x16xi32>,
      %scan3A_717 = arith.constant 0 : i32
      %scan3A_718 = arith.constant 0 : i32
      %scan3A_719 = arith.constant 16 : i32
      %scan3A_720 = arith.addi %scan3A_718, %scan3A_719 : i32
      %scan3A_721 = arith.constant 1 : i32
      %scan3A_722 = scf.for %scan3A_732 = %scan3A_718 to %scan3A_720 step %scan3A_721 iter_args(%scan3A_733 = %scan3A_717) -> (i32)  : i32 {
        %get3A_734 = arith.index_cast %scan3A_732 : i32 to index
        %get3A_735 = arith.constant 0 : index
        %get3A_736 = tpu.vector_load %arg11[%get3A_734, %get3A_735] {strides = array<i32>} : memref<16x128xf32, #tpu.memory_space<vmem>>, vector<1x16xf32>,
        %get3A_737 = vector.shape_cast %get3A_736 : vector<1x16xf32> to vector<16xf32>
        %mul3A_738 = arith.constant 8 : i32
        %mul3A_739 = arith.muli %scan3A_732, %mul3A_738 : i32
        %add3A_740 = arith.constant 0 : i32
        %add3A_741 = arith.addi %mul3A_739, %add3A_740 : i32
        %swap3A_742 = arith.index_cast %add3A_741 : i32 to index
        %swap3A_743 = arith.constant 0 : index
        %swap3A_744 = tpu.vector_load %arg13[%swap3A_742, %swap3A_743] {strides = array<i32>} : memref<128x128xf32, #tpu.memory_space<vmem>>, vector<1x16xf32>,
        %swap3A_745 = vector.shape_cast %swap3A_744 : vector<1x16xf32> to vector<16xf32>
        %swap3A_746 = vector.shape_cast %get3A_737 : vector<16xf32> to vector<1x16xf32>
        tpu.vector_store %arg13[%swap3A_742, %swap3A_743], %swap3A_746 {strides = array<i32>} : memref<128x128xf32, #tpu.memory_space<vmem>>, vector<1x16xf32>,
        %get3A_747 = arith.index_cast %scan3A_732 : i32 to index
        %get3A_748 = arith.constant 16 : index
        %get3A_749 = tpu.vector_load %arg11[%get3A_747, %get3A_748] {strides = array<i32>} : memref<16x128xf32, #tpu.memory_space<vmem>>, vector<1x16xf32>,
        %get3A_750 = vector.shape_cast %get3A_749 : vector<1x16xf32> to vector<16xf32>
        %mul3A_751 = arith.constant 8 : i32
        %mul3A_752 = arith.muli %scan3A_732, %mul3A_751 : i32
        %add3A_753 = arith.constant 1 : i32
        %add3A_754 = arith.addi %mul3A_752, %add3A_753 : i32
        %swap3A_755 = arith.index_cast %add3A_754 : i32 to index
        %swap3A_756 = arith.constant 0 : index
        %swap3A_757 = tpu.vector_load %arg13[%swap3A_755, %swap3A_756] {strides = array<i32>} : memref<128x128xf32, #tpu.memory_space<vmem>>, vector<1x16xf32>,
        %swap3A_758 = vector.shape_cast %swap3A_757 : vector<1x16xf32> to vector<16xf32>
        %swap3A_759 = vector.shape_cast %get3A_750 : vector<16xf32> to vector<1x16xf32>
        tpu.vector_store %arg13[%swap3A_755, %swap3A_756], %swap3A_759 {strides = array<i32>} : memref<128x128xf32, #tpu.memory_space<vmem>>, vector<1x16xf32>,
        %get3A_760 = arith.index_cast %scan3A_732 : i32 to index
        %get3A_761 = arith.constant 32 : index
        %get3A_762 = tpu.vector_load %arg11[%get3A_760, %get3A_761] {strides = array<i32>} : memref<16x128xf32, #tpu.memory_space<vmem>>, vector<1x16xf32>,
        %get3A_763 = vector.shape_cast %get3A_762 : vector<1x16xf32> to vector<16xf32>
        %mul3A_764 = arith.constant 8 : i32
        %mul3A_765 = arith.muli %scan3A_732, %mul3A_764 : i32
        %add3A_766 = arith.constant 2 : i32
        %add3A_767 = arith.addi %mul3A_765, %add3A_766 : i32
        %swap3A_768 = arith.index_cast %add3A_767 : i32 to index
        %swap3A_769 = arith.constant 0 : index
        %swap3A_770 = tpu.vector_load %arg13[%swap3A_768, %swap3A_769] {strides = array<i32>} : memref<128x128xf32, #tpu.memory_space<vmem>>, vector<1x16xf32>,
        %swap3A_771 = vector.shape_cast %swap3A_770 : vector<1x16xf32> to vector<16xf32>
        %swap3A_772 = vector.shape_cast %get3A_763 : vector<16xf32> to vector<1x16xf32>
        tpu.vector_store %arg13[%swap3A_768, %swap3A_769], %swap3A_772 {strides = array<i32>} : memref<128x128xf32, #tpu.memory_space<vmem>>, vector<1x16xf32>,
        %get3A_773 = arith.index_cast %scan3A_732 : i32 to index
        %get3A_774 = arith.constant 48 : index
        %get3A_775 = tpu.vector_load %arg11[%get3A_773, %get3A_774] {strides = array<i32>} : memref<16x128xf32, #tpu.memory_space<vmem>>, vector<1x16xf32>,
        %get3A_776 = vector.shape_cast %get3A_775 : vector<1x16xf32> to vector<16xf32>
        %mul3A_777 = arith.constant 8 : i32
        %mul3A_778 = arith.muli %scan3A_732, %mul3A_777 : i32
        %add3A_779 = arith.constant 3 : i32
        %add3A_780 = arith.addi %mul3A_778, %add3A_779 : i32
        %swap3A_781 = arith.index_cast %add3A_780 : i32 to index
        %swap3A_782 = arith.constant 0 : index
        %swap3A_783 = tpu.vector_load %arg13[%swap3A_781, %swap3A_782] {strides = array<i32>} : memref<128x128xf32, #tpu.memory_space<vmem>>, vector<1x16xf32>,
        %swap3A_784 = vector.shape_cast %swap3A_783 : vector<1x16xf32> to vector<16xf32>
        %swap3A_785 = vector.shape_cast %get3A_776 : vector<16xf32> to vector<1x16xf32>
        tpu.vector_store %arg13[%swap3A_781, %swap3A_782], %swap3A_785 {strides = array<i32>} : memref<128x128xf32, #tpu.memory_space<vmem>>, vector<1x16xf32>,
        %get3A_786 = arith.index_cast %scan3A_732 : i32 to index
        %get3A_787 = arith.constant 64 : index
        %get3A_788 = tpu.vector_load %arg11[%get3A_786, %get3A_787] {strides = array<i32>} : memref<16x128xf32, #tpu.memory_space<vmem>>, vector<1x16xf32>,
        %get3A_789 = vector.shape_cast %get3A_788 : vector<1x16xf32> to vector<16xf32>
        %mul3A_790 = arith.constant 8 : i32
        %mul3A_791 = arith.muli %scan3A_732, %mul3A_790 : i32
        %add3A_792 = arith.constant 4 : i32
        %add3A_793 = arith.addi %mul3A_791, %add3A_792 : i32
        %swap3A_794 = arith.index_cast %add3A_793 : i32 to index
        %swap3A_795 = arith.constant 0 : index
        %swap3A_796 = tpu.vector_load %arg13[%swap3A_794, %swap3A_795] {strides = array<i32>} : memref<128x128xf32, #tpu.memory_space<vmem>>, vector<1x16xf32>,
        %swap3A_797 = vector.shape_cast %swap3A_796 : vector<1x16xf32> to vector<16xf32>
        %swap3A_798 = vector.shape_cast %get3A_789 : vector<16xf32> to vector<1x16xf32>
        tpu.vector_store %arg13[%swap3A_794, %swap3A_795], %swap3A_798 {strides = array<i32>} : memref<128x128xf32, #tpu.memory_space<vmem>>, vector<1x16xf32>,
        %get3A_799 = arith.index_cast %scan3A_732 : i32 to index
        %get3A_800 = arith.constant 80 : index
        %get3A_801 = tpu.vector_load %arg11[%get3A_799, %get3A_800] {strides = array<i32>} : memref<16x128xf32, #tpu.memory_space<vmem>>, vector<1x16xf32>,
        %get3A_802 = vector.shape_cast %get3A_801 : vector<1x16xf32> to vector<16xf32>
        %mul3A_803 = arith.constant 8 : i32
        %mul3A_804 = arith.muli %scan3A_732, %mul3A_803 : i32
        %add3A_805 = arith.constant 5 : i32
        %add3A_806 = arith.addi %mul3A_804, %add3A_805 : i32
        %swap3A_807 = arith.index_cast %add3A_806 : i32 to index
        %swap3A_808 = arith.constant 0 : index
        %swap3A_809 = tpu.vector_load %arg13[%swap3A_807, %swap3A_808] {strides = array<i32>} : memref<128x128xf32, #tpu.memory_space<vmem>>, vector<1x16xf32>,
        %swap3A_810 = vector.shape_cast %swap3A_809 : vector<1x16xf32> to vector<16xf32>
        %swap3A_811 = vector.shape_cast %get3A_802 : vector<16xf32> to vector<1x16xf32>
        tpu.vector_store %arg13[%swap3A_807, %swap3A_808], %swap3A_811 {strides = array<i32>} : memref<128x128xf32, #tpu.memory_space<vmem>>, vector<1x16xf32>,
        %get3A_812 = arith.index_cast %scan3A_732 : i32 to index
        %get3A_813 = arith.constant 96 : index
        %get3A_814 = tpu.vector_load %arg11[%get3A_812, %get3A_813] {strides = array<i32>} : memref<16x128xf32, #tpu.memory_space<vmem>>, vector<1x16xf32>,
        %get3A_815 = vector.shape_cast %get3A_814 : vector<1x16xf32> to vector<16xf32>
        %mul3A_816 = arith.constant 8 : i32
        %mul3A_817 = arith.muli %scan3A_732, %mul3A_816 : i32
        %add3A_818 = arith.constant 6 : i32
        %add3A_819 = arith.addi %mul3A_817, %add3A_818 : i32
        %swap3A_820 = arith.index_cast %add3A_819 : i32 to index
        %swap3A_821 = arith.constant 0 : index
        %swap3A_822 = tpu.vector_load %arg13[%swap3A_820, %swap3A_821] {strides = array<i32>} : memref<128x128xf32, #tpu.memory_space<vmem>>, vector<1x16xf32>,
        %swap3A_823 = vector.shape_cast %swap3A_822 : vector<1x16xf32> to vector<16xf32>
        %swap3A_824 = vector.shape_cast %get3A_815 : vector<16xf32> to vector<1x16xf32>
        tpu.vector_store %arg13[%swap3A_820, %swap3A_821], %swap3A_824 {strides = array<i32>} : memref<128x128xf32, #tpu.memory_space<vmem>>, vector<1x16xf32>,
        %get3A_825 = arith.index_cast %scan3A_732 : i32 to index
        %get3A_826 = arith.constant 112 : index
        %get3A_827 = tpu.vector_load %arg11[%get3A_825, %get3A_826] {strides = array<i32>} : memref<16x128xf32, #tpu.memory_space<vmem>>, vector<1x16xf32>,
        %get3A_828 = vector.shape_cast %get3A_827 : vector<1x16xf32> to vector<16xf32>
        %mul3A_829 = arith.constant 8 : i32
        %mul3A_830 = arith.muli %scan3A_732, %mul3A_829 : i32
        %add3A_831 = arith.constant 7 : i32
        %add3A_832 = arith.addi %mul3A_830, %add3A_831 : i32
        %swap3A_833 = arith.index_cast %add3A_832 : i32 to index
        %swap3A_834 = arith.constant 0 : index
        %swap3A_835 = tpu.vector_load %arg13[%swap3A_833, %swap3A_834] {strides = array<i32>} : memref<128x128xf32, #tpu.memory_space<vmem>>, vector<1x16xf32>,
        %swap3A_836 = vector.shape_cast %swap3A_835 : vector<1x16xf32> to vector<16xf32>
        %swap3A_837 = vector.shape_cast %get3A_828 : vector<16xf32> to vector<1x16xf32>
        tpu.vector_store %arg13[%swap3A_833, %swap3A_834], %swap3A_837 {strides = array<i32>} : memref<128x128xf32, #tpu.memory_space<vmem>>, vector<1x16xf32>,
        %scan3A_838 = arith.constant 0 : i32
        scf.yield %scan3A_838 : i32
      }
      %scan3A_723 = arith.constant 16 : i32
      %dma_start3A_724 = arith.constant 1 : i32
      %dma_start3A_725 = arith.constant 0 : i32
      %dma_start3A_726 = tpu.memref_slice %arg9[%dma_start3A_724, %dma_start3A_725] : memref<2x128xi32, #tpu.memory_space<vmem>> -> memref<1x128xi32, #tpu.memory_space<vmem>>
      %dma_start3A_727 = tpu.memref_squeeze %dma_start3A_726 : memref<1x128xi32, #tpu.memory_space<vmem>> -> memref<128xi32, #tpu.memory_space<vmem>>
      %dma_start3A_728 = arith.constant 0 : i32
      %dma_start3A_729 = arith.constant 0 : i32
      %dma_start3A_730 = tpu.memref_slice %arg14[%dma_start3A_728, %dma_start3A_729] : memref<10240x128xf32, #tpu.memory_space<vmem_shared>> -> memref<10240x128xf32, #tpu.memory_space<vmem_shared>>
      tpu.enqueue_indirect_dma source(%arg13 : memref<128x128xf32, #tpu.memory_space<vmem>>) target(%dma_start3A_730 : memref<10240x128xf32, #tpu.memory_space<vmem_shared>>) offsets(%dma_start3A_727 : memref<128xi32, #tpu.memory_space<vmem>>) semaphore(%arg16 : memref<!tpu.dma_semaphore, #tpu.memory_space<semaphore_mem>>) {add = true}
      %while3A_731 = arith.constant 0 : i32
      scf.yield %while3A_731 : i32
    }
    %while3A_199 = arith.constant 1 : i32
    %while3A_200 = scf.for %while3A_445 = %while3A_196 to %while3A_192 step %while3A_199 iter_args(%while3A_446 = %while3A_198) -> (i32)  : i32 {
      %mul3A_447 = arith.constant 2 : i32
      %mul3A_448 = arith.muli %mul3A_447, %while3A_445 : i32
      %add3A_449 = arith.constant 0 : i32
      %add3A_450 = arith.addi %mul3A_448, %add3A_449 : i32
      %mul3A_451 = arith.constant 80 : i32
      %mul3A_452 = arith.muli %add3A, %mul3A_451 : i32
      %add3A_453 = arith.addi %mul3A_452, %add3A_450 : i32
      %dma_wait3A_454 = arith.constant 0 : i32
      %dma_wait3A_455 = arith.constant 0 : i32
      %dma_wait3A_456 = tpu.memref_slice %arg4[%add3A_453, %dma_wait3A_454, %dma_wait3A_455] : memref<2500x16x128xf32, #tpu.memory_space<hbm>> -> memref<1x16x128xf32, #tpu.memory_space<hbm>>
      %dma_wait3A_457 = tpu.memref_squeeze %dma_wait3A_456 : memref<1x16x128xf32, #tpu.memory_space<hbm>> -> memref<16x128xf32, #tpu.memory_space<hbm>>
      %dma_wait3A_458 = arith.constant 0 : i32
      %dma_wait3A_459 = arith.constant 0 : i32
      %dma_wait3A_460 = tpu.memref_slice %arg4[%add3A_453, %dma_wait3A_458, %dma_wait3A_459] : memref<2500x16x128xf32, #tpu.memory_space<hbm>> -> memref<1x16x128xf32, #tpu.memory_space<hbm>>
      %dma_wait3A_461 = tpu.memref_squeeze %dma_wait3A_460 : memref<1x16x128xf32, #tpu.memory_space<hbm>> -> memref<16x128xf32, #tpu.memory_space<hbm>>
      tpu.wait_dma2 semaphore(%arg15 : memref<!tpu.dma_semaphore, #tpu.memory_space<semaphore_mem>>) src(%dma_wait3A_461 : memref<16x128xf32, #tpu.memory_space<hbm>>) dst(%arg10 : memref<16x128xf32, #tpu.memory_space<vmem>>)
      %ge3A = arith.constant 2 : i32
      %ge3A_462 = arith.cmpi sge, %add3A_450, %ge3A : i32
      %convert_element_type3A = arith.extui %ge3A_462 : i1 to i32
      %cond3A = arith.constant 0 : i32
      %cond3A_463 = arith.cmpi ne, %convert_element_type3A, %cond3A : i32
      scf.if %cond3A_463 {
        %dma_wait3A_732 = arith.constant 0 : i32
        %dma_wait3A_733 = arith.constant 0 : i32
        %dma_wait3A_734 = tpu.memref_slice %arg9[%dma_wait3A_732, %dma_wait3A_733] : memref<2x128xi32, #tpu.memory_space<vmem>> -> memref<1x128xi32, #tpu.memory_space<vmem>>
        %dma_wait3A_735 = tpu.memref_squeeze %dma_wait3A_734 : memref<1x128xi32, #tpu.memory_space<vmem>> -> memref<128xi32, #tpu.memory_space<vmem>>
        %dma_wait3A_736 = arith.constant 0 : i32
        %dma_wait3A_737 = arith.constant 0 : i32
        %dma_wait3A_738 = tpu.memref_slice %arg14[%dma_wait3A_736, %dma_wait3A_737] : memref<10240x128xf32, #tpu.memory_space<vmem_shared>> -> memref<10240x128xf32, #tpu.memory_space<vmem_shared>>
        tpu.wait_indirect_dma semaphore(%arg16 : memref<!tpu.dma_semaphore, #tpu.memory_space<semaphore_mem>>) src(%arg12 : memref<128x128xf32, #tpu.memory_space<vmem>>) dst(%dma_wait3A_738 : memref<10240x128xf32, #tpu.memory_space<vmem_shared>>)
      } else {
      }
      %add3A_464 = arith.constant 1 : i32
      %add3A_465 = arith.addi %add3A_450, %add3A_464 : i32
      %lt3A = arith.cmpi slt, %add3A_465, %min3A_52 : i32
      %convert_element_type3A_466 = arith.extui %lt3A : i1 to i32
      %cond3A_467 = arith.constant 0 : i32
      %cond3A_468 = arith.cmpi ne, %convert_element_type3A_466, %cond3A_467 : i32
      scf.if %cond3A_468 {
        %mul3A_732 = arith.constant 80 : i32
        %mul3A_733 = arith.muli %add3A, %mul3A_732 : i32
        %add3A_734 = arith.addi %mul3A_733, %add3A_450 : i32
        %add3A_735 = arith.constant 1 : i32
        %add3A_736 = arith.addi %add3A_734, %add3A_735 : i32
        %dma_start3A_737 = arith.constant 0 : i32
        %dma_start3A_738 = arith.constant 0 : i32
        %dma_start3A_739 = tpu.memref_slice %arg4[%add3A_736, %dma_start3A_737, %dma_start3A_738] : memref<2500x16x128xf32, #tpu.memory_space<hbm>> -> memref<1x16x128xf32, #tpu.memory_space<hbm>>
        %dma_start3A_740 = tpu.memref_squeeze %dma_start3A_739 : memref<1x16x128xf32, #tpu.memory_space<hbm>> -> memref<16x128xf32, #tpu.memory_space<hbm>>
        %dma_start3A_741 = arith.constant 0 : i32
        %dma_start3A_742 = arith.constant 0 : i32
        %dma_start3A_743 = tpu.memref_slice %arg4[%add3A_736, %dma_start3A_741, %dma_start3A_742] : memref<2500x16x128xf32, #tpu.memory_space<hbm>> -> memref<1x16x128xf32, #tpu.memory_space<hbm>>
        %dma_start3A_744 = tpu.memref_squeeze %dma_start3A_743 : memref<1x16x128xf32, #tpu.memory_space<hbm>> -> memref<16x128xf32, #tpu.memory_space<hbm>>
        tpu.enqueue_dma source(%dma_start3A_744 : memref<16x128xf32, #tpu.memory_space<hbm>>) target(%arg11 : memref<16x128xf32, #tpu.memory_space<vmem>>) target_semaphore(%arg15 : memref<!tpu.dma_semaphore, #tpu.memory_space<semaphore_mem>>)
      } else {
      }
      %get3A_469 = arith.index_cast %add3A_450 : i32 to index
      %get3A_470 = arith.constant 0 : index
      %get3A_471 = tpu.vector_load %arg7[%get3A_469, %get3A_470] {strides = array<i32>} : memref<80x128xi32, #tpu.memory_space<vmem>>, vector<1x16xi32>,
      %get3A_472 = vector.shape_cast %get3A_471 : vector<1x16xi32> to vector<16xi32>
      %shift_right_logical3A_473 = arith.constant 16 : i32
      %shift_right_logical3A_474 = vector.broadcast %shift_right_logical3A_473 : i32 to vector<16xi32>
      %shift_right_logical3A_475 = arith.shrui %get3A_472, %shift_right_logical3A_474 : vector<16xi32>
      %swap3A_476 = arith.constant 0 : i32
      %swap3A_477 = arith.index_cast %swap3A_476 : i32 to index
      %swap3A_478 = arith.constant 0 : index
      %swap3A_479 = tpu.vector_load %arg9[%swap3A_477, %swap3A_478] {strides = array<i32>} : memref<2x128xi32, #tpu.memory_space<vmem>>, vector<1x16xi32>,
      %swap3A_480 = vector.shape_cast %swap3A_479 : vector<1x16xi32> to vector<16xi32>
      %swap3A_481 = vector.shape_cast %shift_right_logical3A_475 : vector<16xi32> to vector<1x16xi32>
      tpu.vector_store %arg9[%swap3A_477, %swap3A_478], %swap3A_481 {strides = array<i32>} : memref<2x128xi32, #tpu.memory_space<vmem>>, vector<1x16xi32>,
      %get3A_482 = arith.index_cast %add3A_450 : i32 to index
      %get3A_483 = arith.constant 16 : index
      %get3A_484 = tpu.vector_load %arg7[%get3A_482, %get3A_483] {strides = array<i32>} : memref<80x128xi32, #tpu.memory_space<vmem>>, vector<1x16xi32>,
      %get3A_485 = vector.shape_cast %get3A_484 : vector<1x16xi32> to vector<16xi32>
      %shift_right_logical3A_486 = arith.constant 16 : i32
      %shift_right_logical3A_487 = vector.broadcast %shift_right_logical3A_486 : i32 to vector<16xi32>
      %shift_right_logical3A_488 = arith.shrui %get3A_485, %shift_right_logical3A_487 : vector<16xi32>
      %swap3A_489 = arith.constant 0 : i32
      %swap3A_490 = arith.index_cast %swap3A_489 : i32 to index
      %swap3A_491 = arith.constant 16 : index
      %swap3A_492 = tpu.vector_load %arg9[%swap3A_490, %swap3A_491] {strides = array<i32>} : memref<2x128xi32, #tpu.memory_space<vmem>>, vector<1x16xi32>,
      %swap3A_493 = vector.shape_cast %swap3A_492 : vector<1x16xi32> to vector<16xi32>
      %swap3A_494 = vector.shape_cast %shift_right_logical3A_488 : vector<16xi32> to vector<1x16xi32>
      tpu.vector_store %arg9[%swap3A_490, %swap3A_491], %swap3A_494 {strides = array<i32>} : memref<2x128xi32, #tpu.memory_space<vmem>>, vector<1x16xi32>,
      %get3A_495 = arith.index_cast %add3A_450 : i32 to index
      %get3A_496 = arith.constant 32 : index
      %get3A_497 = tpu.vector_load %arg7[%get3A_495, %get3A_496] {strides = array<i32>} : memref<80x128xi32, #tpu.memory_space<vmem>>, vector<1x16xi32>,
      %get3A_498 = vector.shape_cast %get3A_497 : vector<1x16xi32> to vector<16xi32>
      %shift_right_logical3A_499 = arith.constant 16 : i32
      %shift_right_logical3A_500 = vector.broadcast %shift_right_logical3A_499 : i32 to vector<16xi32>
      %shift_right_logical3A_501 = arith.shrui %get3A_498, %shift_right_logical3A_500 : vector<16xi32>
      %swap3A_502 = arith.constant 0 : i32
      %swap3A_503 = arith.index_cast %swap3A_502 : i32 to index
      %swap3A_504 = arith.constant 32 : index
      %swap3A_505 = tpu.vector_load %arg9[%swap3A_503, %swap3A_504] {strides = array<i32>} : memref<2x128xi32, #tpu.memory_space<vmem>>, vector<1x16xi32>,
      %swap3A_506 = vector.shape_cast %swap3A_505 : vector<1x16xi32> to vector<16xi32>
      %swap3A_507 = vector.shape_cast %shift_right_logical3A_501 : vector<16xi32> to vector<1x16xi32>
      tpu.vector_store %arg9[%swap3A_503, %swap3A_504], %swap3A_507 {strides = array<i32>} : memref<2x128xi32, #tpu.memory_space<vmem>>, vector<1x16xi32>,
      %get3A_508 = arith.index_cast %add3A_450 : i32 to index
      %get3A_509 = arith.constant 48 : index
      %get3A_510 = tpu.vector_load %arg7[%get3A_508, %get3A_509] {strides = array<i32>} : memref<80x128xi32, #tpu.memory_space<vmem>>, vector<1x16xi32>,
      %get3A_511 = vector.shape_cast %get3A_510 : vector<1x16xi32> to vector<16xi32>
      %shift_right_logical3A_512 = arith.constant 16 : i32
      %shift_right_logical3A_513 = vector.broadcast %shift_right_logical3A_512 : i32 to vector<16xi32>
      %shift_right_logical3A_514 = arith.shrui %get3A_511, %shift_right_logical3A_513 : vector<16xi32>
      %swap3A_515 = arith.constant 0 : i32
      %swap3A_516 = arith.index_cast %swap3A_515 : i32 to index
      %swap3A_517 = arith.constant 48 : index
      %swap3A_518 = tpu.vector_load %arg9[%swap3A_516, %swap3A_517] {strides = array<i32>} : memref<2x128xi32, #tpu.memory_space<vmem>>, vector<1x16xi32>,
      %swap3A_519 = vector.shape_cast %swap3A_518 : vector<1x16xi32> to vector<16xi32>
      %swap3A_520 = vector.shape_cast %shift_right_logical3A_514 : vector<16xi32> to vector<1x16xi32>
      tpu.vector_store %arg9[%swap3A_516, %swap3A_517], %swap3A_520 {strides = array<i32>} : memref<2x128xi32, #tpu.memory_space<vmem>>, vector<1x16xi32>,
      %get3A_521 = arith.index_cast %add3A_450 : i32 to index
      %get3A_522 = arith.constant 64 : index
      %get3A_523 = tpu.vector_load %arg7[%get3A_521, %get3A_522] {strides = array<i32>} : memref<80x128xi32, #tpu.memory_space<vmem>>, vector<1x16xi32>,
      %get3A_524 = vector.shape_cast %get3A_523 : vector<1x16xi32> to vector<16xi32>
      %shift_right_logical3A_525 = arith.constant 16 : i32
      %shift_right_logical3A_526 = vector.broadcast %shift_right_logical3A_525 : i32 to vector<16xi32>
      %shift_right_logical3A_527 = arith.shrui %get3A_524, %shift_right_logical3A_526 : vector<16xi32>
      %swap3A_528 = arith.constant 0 : i32
      %swap3A_529 = arith.index_cast %swap3A_528 : i32 to index
      %swap3A_530 = arith.constant 64 : index
      %swap3A_531 = tpu.vector_load %arg9[%swap3A_529, %swap3A_530] {strides = array<i32>} : memref<2x128xi32, #tpu.memory_space<vmem>>, vector<1x16xi32>,
      %swap3A_532 = vector.shape_cast %swap3A_531 : vector<1x16xi32> to vector<16xi32>
      %swap3A_533 = vector.shape_cast %shift_right_logical3A_527 : vector<16xi32> to vector<1x16xi32>
      tpu.vector_store %arg9[%swap3A_529, %swap3A_530], %swap3A_533 {strides = array<i32>} : memref<2x128xi32, #tpu.memory_space<vmem>>, vector<1x16xi32>,
      %get3A_534 = arith.index_cast %add3A_450 : i32 to index
      %get3A_535 = arith.constant 80 : index
      %get3A_536 = tpu.vector_load %arg7[%get3A_534, %get3A_535] {strides = array<i32>} : memref<80x128xi32, #tpu.memory_space<vmem>>, vector<1x16xi32>,
      %get3A_537 = vector.shape_cast %get3A_536 : vector<1x16xi32> to vector<16xi32>
      %shift_right_logical3A_538 = arith.constant 16 : i32
      %shift_right_logical3A_539 = vector.broadcast %shift_right_logical3A_538 : i32 to vector<16xi32>
      %shift_right_logical3A_540 = arith.shrui %get3A_537, %shift_right_logical3A_539 : vector<16xi32>
      %swap3A_541 = arith.constant 0 : i32
      %swap3A_542 = arith.index_cast %swap3A_541 : i32 to index
      %swap3A_543 = arith.constant 80 : index
      %swap3A_544 = tpu.vector_load %arg9[%swap3A_542, %swap3A_543] {strides = array<i32>} : memref<2x128xi32, #tpu.memory_space<vmem>>, vector<1x16xi32>,
      %swap3A_545 = vector.shape_cast %swap3A_544 : vector<1x16xi32> to vector<16xi32>
      %swap3A_546 = vector.shape_cast %shift_right_logical3A_540 : vector<16xi32> to vector<1x16xi32>
      tpu.vector_store %arg9[%swap3A_542, %swap3A_543], %swap3A_546 {strides = array<i32>} : memref<2x128xi32, #tpu.memory_space<vmem>>, vector<1x16xi32>,
      %get3A_547 = arith.index_cast %add3A_450 : i32 to index
      %get3A_548 = arith.constant 96 : index
      %get3A_549 = tpu.vector_load %arg7[%get3A_547, %get3A_548] {strides = array<i32>} : memref<80x128xi32, #tpu.memory_space<vmem>>, vector<1x16xi32>,
      %get3A_550 = vector.shape_cast %get3A_549 : vector<1x16xi32> to vector<16xi32>
      %shift_right_logical3A_551 = arith.constant 16 : i32
      %shift_right_logical3A_552 = vector.broadcast %shift_right_logical3A_551 : i32 to vector<16xi32>
      %shift_right_logical3A_553 = arith.shrui %get3A_550, %shift_right_logical3A_552 : vector<16xi32>
      %swap3A_554 = arith.constant 0 : i32
      %swap3A_555 = arith.index_cast %swap3A_554 : i32 to index
      %swap3A_556 = arith.constant 96 : index
      %swap3A_557 = tpu.vector_load %arg9[%swap3A_555, %swap3A_556] {strides = array<i32>} : memref<2x128xi32, #tpu.memory_space<vmem>>, vector<1x16xi32>,
      %swap3A_558 = vector.shape_cast %swap3A_557 : vector<1x16xi32> to vector<16xi32>
      %swap3A_559 = vector.shape_cast %shift_right_logical3A_553 : vector<16xi32> to vector<1x16xi32>
      tpu.vector_store %arg9[%swap3A_555, %swap3A_556], %swap3A_559 {strides = array<i32>} : memref<2x128xi32, #tpu.memory_space<vmem>>, vector<1x16xi32>,
      %get3A_560 = arith.index_cast %add3A_450 : i32 to index
      %get3A_561 = arith.constant 112 : index
      %get3A_562 = tpu.vector_load %arg7[%get3A_560, %get3A_561] {strides = array<i32>} : memref<80x128xi32, #tpu.memory_space<vmem>>, vector<1x16xi32>,
      %get3A_563 = vector.shape_cast %get3A_562 : vector<1x16xi32> to vector<16xi32>
      %shift_right_logical3A_564 = arith.constant 16 : i32
      %shift_right_logical3A_565 = vector.broadcast %shift_right_logical3A_564 : i32 to vector<16xi32>
      %shift_right_logical3A_566 = arith.shrui %get3A_563, %shift_right_logical3A_565 : vector<16xi32>
      %swap3A_567 = arith.constant 0 : i32
      %swap3A_568 = arith.index_cast %swap3A_567 : i32 to index
      %swap3A_569 = arith.constant 112 : index
      %swap3A_570 = tpu.vector_load %arg9[%swap3A_568, %swap3A_569] {strides = array<i32>} : memref<2x128xi32, #tpu.memory_space<vmem>>, vector<1x16xi32>,
      %swap3A_571 = vector.shape_cast %swap3A_570 : vector<1x16xi32> to vector<16xi32>
      %swap3A_572 = vector.shape_cast %shift_right_logical3A_566 : vector<16xi32> to vector<1x16xi32>
      tpu.vector_store %arg9[%swap3A_568, %swap3A_569], %swap3A_572 {strides = array<i32>} : memref<2x128xi32, #tpu.memory_space<vmem>>, vector<1x16xi32>,
      %scan3A_573 = arith.constant 0 : i32
      %scan3A_574 = arith.constant 0 : i32
      %scan3A_575 = arith.constant 16 : i32
      %scan3A_576 = arith.addi %scan3A_574, %scan3A_575 : i32
      %scan3A_577 = arith.constant 1 : i32
      %scan3A_578 = scf.for %scan3A_732 = %scan3A_574 to %scan3A_576 step %scan3A_577 iter_args(%scan3A_733 = %scan3A_573) -> (i32)  : i32 {
        %get3A_734 = arith.index_cast %scan3A_732 : i32 to index
        %get3A_735 = arith.constant 0 : index
        %get3A_736 = tpu.vector_load %arg10[%get3A_734, %get3A_735] {strides = array<i32>} : memref<16x128xf32, #tpu.memory_space<vmem>>, vector<1x16xf32>,
        %get3A_737 = vector.shape_cast %get3A_736 : vector<1x16xf32> to vector<16xf32>
        %mul3A_738 = arith.constant 8 : i32
        %mul3A_739 = arith.muli %scan3A_732, %mul3A_738 : i32
        %add3A_740 = arith.constant 0 : i32
        %add3A_741 = arith.addi %mul3A_739, %add3A_740 : i32
        %swap3A_742 = arith.index_cast %add3A_741 : i32 to index
        %swap3A_743 = arith.constant 0 : index
        %swap3A_744 = tpu.vector_load %arg12[%swap3A_742, %swap3A_743] {strides = array<i32>} : memref<128x128xf32, #tpu.memory_space<vmem>>, vector<1x16xf32>,
        %swap3A_745 = vector.shape_cast %swap3A_744 : vector<1x16xf32> to vector<16xf32>
        %swap3A_746 = vector.shape_cast %get3A_737 : vector<16xf32> to vector<1x16xf32>
        tpu.vector_store %arg12[%swap3A_742, %swap3A_743], %swap3A_746 {strides = array<i32>} : memref<128x128xf32, #tpu.memory_space<vmem>>, vector<1x16xf32>,
        %get3A_747 = arith.index_cast %scan3A_732 : i32 to index
        %get3A_748 = arith.constant 16 : index
        %get3A_749 = tpu.vector_load %arg10[%get3A_747, %get3A_748] {strides = array<i32>} : memref<16x128xf32, #tpu.memory_space<vmem>>, vector<1x16xf32>,
        %get3A_750 = vector.shape_cast %get3A_749 : vector<1x16xf32> to vector<16xf32>
        %mul3A_751 = arith.constant 8 : i32
        %mul3A_752 = arith.muli %scan3A_732, %mul3A_751 : i32
        %add3A_753 = arith.constant 1 : i32
        %add3A_754 = arith.addi %mul3A_752, %add3A_753 : i32
        %swap3A_755 = arith.index_cast %add3A_754 : i32 to index
        %swap3A_756 = arith.constant 0 : index
        %swap3A_757 = tpu.vector_load %arg12[%swap3A_755, %swap3A_756] {strides = array<i32>} : memref<128x128xf32, #tpu.memory_space<vmem>>, vector<1x16xf32>,
        %swap3A_758 = vector.shape_cast %swap3A_757 : vector<1x16xf32> to vector<16xf32>
        %swap3A_759 = vector.shape_cast %get3A_750 : vector<16xf32> to vector<1x16xf32>
        tpu.vector_store %arg12[%swap3A_755, %swap3A_756], %swap3A_759 {strides = array<i32>} : memref<128x128xf32, #tpu.memory_space<vmem>>, vector<1x16xf32>,
        %get3A_760 = arith.index_cast %scan3A_732 : i32 to index
        %get3A_761 = arith.constant 32 : index
        %get3A_762 = tpu.vector_load %arg10[%get3A_760, %get3A_761] {strides = array<i32>} : memref<16x128xf32, #tpu.memory_space<vmem>>, vector<1x16xf32>,
        %get3A_763 = vector.shape_cast %get3A_762 : vector<1x16xf32> to vector<16xf32>
        %mul3A_764 = arith.constant 8 : i32
        %mul3A_765 = arith.muli %scan3A_732, %mul3A_764 : i32
        %add3A_766 = arith.constant 2 : i32
        %add3A_767 = arith.addi %mul3A_765, %add3A_766 : i32
        %swap3A_768 = arith.index_cast %add3A_767 : i32 to index
        %swap3A_769 = arith.constant 0 : index
        %swap3A_770 = tpu.vector_load %arg12[%swap3A_768, %swap3A_769] {strides = array<i32>} : memref<128x128xf32, #tpu.memory_space<vmem>>, vector<1x16xf32>,
        %swap3A_771 = vector.shape_cast %swap3A_770 : vector<1x16xf32> to vector<16xf32>
        %swap3A_772 = vector.shape_cast %get3A_763 : vector<16xf32> to vector<1x16xf32>
        tpu.vector_store %arg12[%swap3A_768, %swap3A_769], %swap3A_772 {strides = array<i32>} : memref<128x128xf32, #tpu.memory_space<vmem>>, vector<1x16xf32>,
        %get3A_773 = arith.index_cast %scan3A_732 : i32 to index
        %get3A_774 = arith.constant 48 : index
        %get3A_775 = tpu.vector_load %arg10[%get3A_773, %get3A_774] {strides = array<i32>} : memref<16x128xf32, #tpu.memory_space<vmem>>, vector<1x16xf32>,
        %get3A_776 = vector.shape_cast %get3A_775 : vector<1x16xf32> to vector<16xf32>
        %mul3A_777 = arith.constant 8 : i32
        %mul3A_778 = arith.muli %scan3A_732, %mul3A_777 : i32
        %add3A_779 = arith.constant 3 : i32
        %add3A_780 = arith.addi %mul3A_778, %add3A_779 : i32
        %swap3A_781 = arith.index_cast %add3A_780 : i32 to index
        %swap3A_782 = arith.constant 0 : index
        %swap3A_783 = tpu.vector_load %arg12[%swap3A_781, %swap3A_782] {strides = array<i32>} : memref<128x128xf32, #tpu.memory_space<vmem>>, vector<1x16xf32>,
        %swap3A_784 = vector.shape_cast %swap3A_783 : vector<1x16xf32> to vector<16xf32>
        %swap3A_785 = vector.shape_cast %get3A_776 : vector<16xf32> to vector<1x16xf32>
        tpu.vector_store %arg12[%swap3A_781, %swap3A_782], %swap3A_785 {strides = array<i32>} : memref<128x128xf32, #tpu.memory_space<vmem>>, vector<1x16xf32>,
        %get3A_786 = arith.index_cast %scan3A_732 : i32 to index
        %get3A_787 = arith.constant 64 : index
        %get3A_788 = tpu.vector_load %arg10[%get3A_786, %get3A_787] {strides = array<i32>} : memref<16x128xf32, #tpu.memory_space<vmem>>, vector<1x16xf32>,
        %get3A_789 = vector.shape_cast %get3A_788 : vector<1x16xf32> to vector<16xf32>
        %mul3A_790 = arith.constant 8 : i32
        %mul3A_791 = arith.muli %scan3A_732, %mul3A_790 : i32
        %add3A_792 = arith.constant 4 : i32
        %add3A_793 = arith.addi %mul3A_791, %add3A_792 : i32
        %swap3A_794 = arith.index_cast %add3A_793 : i32 to index
        %swap3A_795 = arith.constant 0 : index
        %swap3A_796 = tpu.vector_load %arg12[%swap3A_794, %swap3A_795] {strides = array<i32>} : memref<128x128xf32, #tpu.memory_space<vmem>>, vector<1x16xf32>,
        %swap3A_797 = vector.shape_cast %swap3A_796 : vector<1x16xf32> to vector<16xf32>
        %swap3A_798 = vector.shape_cast %get3A_789 : vector<16xf32> to vector<1x16xf32>
        tpu.vector_store %arg12[%swap3A_794, %swap3A_795], %swap3A_798 {strides = array<i32>} : memref<128x128xf32, #tpu.memory_space<vmem>>, vector<1x16xf32>,
        %get3A_799 = arith.index_cast %scan3A_732 : i32 to index
        %get3A_800 = arith.constant 80 : index
        %get3A_801 = tpu.vector_load %arg10[%get3A_799, %get3A_800] {strides = array<i32>} : memref<16x128xf32, #tpu.memory_space<vmem>>, vector<1x16xf32>,
        %get3A_802 = vector.shape_cast %get3A_801 : vector<1x16xf32> to vector<16xf32>
        %mul3A_803 = arith.constant 8 : i32
        %mul3A_804 = arith.muli %scan3A_732, %mul3A_803 : i32
        %add3A_805 = arith.constant 5 : i32
        %add3A_806 = arith.addi %mul3A_804, %add3A_805 : i32
        %swap3A_807 = arith.index_cast %add3A_806 : i32 to index
        %swap3A_808 = arith.constant 0 : index
        %swap3A_809 = tpu.vector_load %arg12[%swap3A_807, %swap3A_808] {strides = array<i32>} : memref<128x128xf32, #tpu.memory_space<vmem>>, vector<1x16xf32>,
        %swap3A_810 = vector.shape_cast %swap3A_809 : vector<1x16xf32> to vector<16xf32>
        %swap3A_811 = vector.shape_cast %get3A_802 : vector<16xf32> to vector<1x16xf32>
        tpu.vector_store %arg12[%swap3A_807, %swap3A_808], %swap3A_811 {strides = array<i32>} : memref<128x128xf32, #tpu.memory_space<vmem>>, vector<1x16xf32>,
        %get3A_812 = arith.index_cast %scan3A_732 : i32 to index
        %get3A_813 = arith.constant 96 : index
        %get3A_814 = tpu.vector_load %arg10[%get3A_812, %get3A_813] {strides = array<i32>} : memref<16x128xf32, #tpu.memory_space<vmem>>, vector<1x16xf32>,
        %get3A_815 = vector.shape_cast %get3A_814 : vector<1x16xf32> to vector<16xf32>
        %mul3A_816 = arith.constant 8 : i32
        %mul3A_817 = arith.muli %scan3A_732, %mul3A_816 : i32
        %add3A_818 = arith.constant 6 : i32
        %add3A_819 = arith.addi %mul3A_817, %add3A_818 : i32
        %swap3A_820 = arith.index_cast %add3A_819 : i32 to index
        %swap3A_821 = arith.constant 0 : index
        %swap3A_822 = tpu.vector_load %arg12[%swap3A_820, %swap3A_821] {strides = array<i32>} : memref<128x128xf32, #tpu.memory_space<vmem>>, vector<1x16xf32>,
        %swap3A_823 = vector.shape_cast %swap3A_822 : vector<1x16xf32> to vector<16xf32>
        %swap3A_824 = vector.shape_cast %get3A_815 : vector<16xf32> to vector<1x16xf32>
        tpu.vector_store %arg12[%swap3A_820, %swap3A_821], %swap3A_824 {strides = array<i32>} : memref<128x128xf32, #tpu.memory_space<vmem>>, vector<1x16xf32>,
        %get3A_825 = arith.index_cast %scan3A_732 : i32 to index
        %get3A_826 = arith.constant 112 : index
        %get3A_827 = tpu.vector_load %arg10[%get3A_825, %get3A_826] {strides = array<i32>} : memref<16x128xf32, #tpu.memory_space<vmem>>, vector<1x16xf32>,
        %get3A_828 = vector.shape_cast %get3A_827 : vector<1x16xf32> to vector<16xf32>
        %mul3A_829 = arith.constant 8 : i32
        %mul3A_830 = arith.muli %scan3A_732, %mul3A_829 : i32
        %add3A_831 = arith.constant 7 : i32
        %add3A_832 = arith.addi %mul3A_830, %add3A_831 : i32
        %swap3A_833 = arith.index_cast %add3A_832 : i32 to index
        %swap3A_834 = arith.constant 0 : index
        %swap3A_835 = tpu.vector_load %arg12[%swap3A_833, %swap3A_834] {strides = array<i32>} : memref<128x128xf32, #tpu.memory_space<vmem>>, vector<1x16xf32>,
        %swap3A_836 = vector.shape_cast %swap3A_835 : vector<1x16xf32> to vector<16xf32>
        %swap3A_837 = vector.shape_cast %get3A_828 : vector<16xf32> to vector<1x16xf32>
        tpu.vector_store %arg12[%swap3A_833, %swap3A_834], %swap3A_837 {strides = array<i32>} : memref<128x128xf32, #tpu.memory_space<vmem>>, vector<1x16xf32>,
        %scan3A_838 = arith.constant 0 : i32
        scf.yield %scan3A_838 : i32
      }
      %scan3A_579 = arith.constant 16 : i32
      %dma_start3A_580 = arith.constant 0 : i32
      %dma_start3A_581 = arith.constant 0 : i32
      %dma_start3A_582 = tpu.memref_slice %arg9[%dma_start3A_580, %dma_start3A_581] : memref<2x128xi32, #tpu.memory_space<vmem>> -> memref<1x128xi32, #tpu.memory_space<vmem>>
      %dma_start3A_583 = tpu.memref_squeeze %dma_start3A_582 : memref<1x128xi32, #tpu.memory_space<vmem>> -> memref<128xi32, #tpu.memory_space<vmem>>
      %dma_start3A_584 = arith.constant 0 : i32
      %dma_start3A_585 = arith.constant 0 : i32
      %dma_start3A_586 = tpu.memref_slice %arg14[%dma_start3A_584, %dma_start3A_585] : memref<10240x128xf32, #tpu.memory_space<vmem_shared>> -> memref<10240x128xf32, #tpu.memory_space<vmem_shared>>
      tpu.enqueue_indirect_dma source(%arg12 : memref<128x128xf32, #tpu.memory_space<vmem>>) target(%dma_start3A_586 : memref<10240x128xf32, #tpu.memory_space<vmem_shared>>) offsets(%dma_start3A_583 : memref<128xi32, #tpu.memory_space<vmem>>) semaphore(%arg16 : memref<!tpu.dma_semaphore, #tpu.memory_space<semaphore_mem>>) {add = true}
      %mul3A_587 = arith.constant 2 : i32
      %mul3A_588 = arith.muli %mul3A_587, %while3A_445 : i32
      %add3A_589 = arith.constant 1 : i32
      %add3A_590 = arith.addi %mul3A_588, %add3A_589 : i32
      %mul3A_591 = arith.constant 80 : i32
      %mul3A_592 = arith.muli %add3A, %mul3A_591 : i32
      %add3A_593 = arith.addi %mul3A_592, %add3A_590 : i32
      %dma_wait3A_594 = arith.constant 0 : i32
      %dma_wait3A_595 = arith.constant 0 : i32
      %dma_wait3A_596 = tpu.memref_slice %arg4[%add3A_593, %dma_wait3A_594, %dma_wait3A_595] : memref<2500x16x128xf32, #tpu.memory_space<hbm>> -> memref<1x16x128xf32, #tpu.memory_space<hbm>>
      %dma_wait3A_597 = tpu.memref_squeeze %dma_wait3A_596 : memref<1x16x128xf32, #tpu.memory_space<hbm>> -> memref<16x128xf32, #tpu.memory_space<hbm>>
      %dma_wait3A_598 = arith.constant 0 : i32
      %dma_wait3A_599 = arith.constant 0 : i32
      %dma_wait3A_600 = tpu.memref_slice %arg4[%add3A_593, %dma_wait3A_598, %dma_wait3A_599] : memref<2500x16x128xf32, #tpu.memory_space<hbm>> -> memref<1x16x128xf32, #tpu.memory_space<hbm>>
      %dma_wait3A_601 = tpu.memref_squeeze %dma_wait3A_600 : memref<1x16x128xf32, #tpu.memory_space<hbm>> -> memref<16x128xf32, #tpu.memory_space<hbm>>
      tpu.wait_dma2 semaphore(%arg15 : memref<!tpu.dma_semaphore, #tpu.memory_space<semaphore_mem>>) src(%dma_wait3A_601 : memref<16x128xf32, #tpu.memory_space<hbm>>) dst(%arg11 : memref<16x128xf32, #tpu.memory_space<vmem>>)
      %ge3A_602 = arith.constant 2 : i32
      %ge3A_603 = arith.cmpi sge, %add3A_590, %ge3A_602 : i32
      %convert_element_type3A_604 = arith.extui %ge3A_603 : i1 to i32
      %cond3A_605 = arith.constant 0 : i32
      %cond3A_606 = arith.cmpi ne, %convert_element_type3A_604, %cond3A_605 : i32
      scf.if %cond3A_606 {
        %dma_wait3A_732 = arith.constant 1 : i32
        %dma_wait3A_733 = arith.constant 0 : i32
        %dma_wait3A_734 = tpu.memref_slice %arg9[%dma_wait3A_732, %dma_wait3A_733] : memref<2x128xi32, #tpu.memory_space<vmem>> -> memref<1x128xi32, #tpu.memory_space<vmem>>
        %dma_wait3A_735 = tpu.memref_squeeze %dma_wait3A_734 : memref<1x128xi32, #tpu.memory_space<vmem>> -> memref<128xi32, #tpu.memory_space<vmem>>
        %dma_wait3A_736 = arith.constant 0 : i32
        %dma_wait3A_737 = arith.constant 0 : i32
        %dma_wait3A_738 = tpu.memref_slice %arg14[%dma_wait3A_736, %dma_wait3A_737] : memref<10240x128xf32, #tpu.memory_space<vmem_shared>> -> memref<10240x128xf32, #tpu.memory_space<vmem_shared>>
        tpu.wait_indirect_dma semaphore(%arg16 : memref<!tpu.dma_semaphore, #tpu.memory_space<semaphore_mem>>) src(%arg13 : memref<128x128xf32, #tpu.memory_space<vmem>>) dst(%dma_wait3A_738 : memref<10240x128xf32, #tpu.memory_space<vmem_shared>>)
      } else {
      }
      %add3A_607 = arith.constant 1 : i32
      %add3A_608 = arith.addi %add3A_590, %add3A_607 : i32
      %lt3A_609 = arith.cmpi slt, %add3A_608, %min3A_52 : i32
      %convert_element_type3A_610 = arith.extui %lt3A_609 : i1 to i32
      %cond3A_611 = arith.constant 0 : i32
      %cond3A_612 = arith.cmpi ne, %convert_element_type3A_610, %cond3A_611 : i32
      scf.if %cond3A_612 {
        %mul3A_732 = arith.constant 80 : i32
        %mul3A_733 = arith.muli %add3A, %mul3A_732 : i32
        %add3A_734 = arith.addi %mul3A_733, %add3A_590 : i32
        %add3A_735 = arith.constant 1 : i32
        %add3A_736 = arith.addi %add3A_734, %add3A_735 : i32
        %dma_start3A_737 = arith.constant 0 : i32
        %dma_start3A_738 = arith.constant 0 : i32
        %dma_start3A_739 = tpu.memref_slice %arg4[%add3A_736, %dma_start3A_737, %dma_start3A_738] : memref<2500x16x128xf32, #tpu.memory_space<hbm>> -> memref<1x16x128xf32, #tpu.memory_space<hbm>>
        %dma_start3A_740 = tpu.memref_squeeze %dma_start3A_739 : memref<1x16x128xf32, #tpu.memory_space<hbm>> -> memref<16x128xf32, #tpu.memory_space<hbm>>
        %dma_start3A_741 = arith.constant 0 : i32
        %dma_start3A_742 = arith.constant 0 : i32
        %dma_start3A_743 = tpu.memref_slice %arg4[%add3A_736, %dma_start3A_741, %dma_start3A_742] : memref<2500x16x128xf32, #tpu.memory_space<hbm>> -> memref<1x16x128xf32, #tpu.memory_space<hbm>>
        %dma_start3A_744 = tpu.memref_squeeze %dma_start3A_743 : memref<1x16x128xf32, #tpu.memory_space<hbm>> -> memref<16x128xf32, #tpu.memory_space<hbm>>
        tpu.enqueue_dma source(%dma_start3A_744 : memref<16x128xf32, #tpu.memory_space<hbm>>) target(%arg10 : memref<16x128xf32, #tpu.memory_space<vmem>>) target_semaphore(%arg15 : memref<!tpu.dma_semaphore, #tpu.memory_space<semaphore_mem>>)
      } else {
      }
      %get3A_613 = arith.index_cast %add3A_590 : i32 to index
      %get3A_614 = arith.constant 0 : index
      %get3A_615 = tpu.vector_load %arg7[%get3A_613, %get3A_614] {strides = array<i32>} : memref<80x128xi32, #tpu.memory_space<vmem>>, vector<1x16xi32>,
      %get3A_616 = vector.shape_cast %get3A_615 : vector<1x16xi32> to vector<16xi32>
      %shift_right_logical3A_617 = arith.constant 16 : i32
      %shift_right_logical3A_618 = vector.broadcast %shift_right_logical3A_617 : i32 to vector<16xi32>
      %shift_right_logical3A_619 = arith.shrui %get3A_616, %shift_right_logical3A_618 : vector<16xi32>
      %swap3A_620 = arith.constant 1 : i32
      %swap3A_621 = arith.index_cast %swap3A_620 : i32 to index
      %swap3A_622 = arith.constant 0 : index
      %swap3A_623 = tpu.vector_load %arg9[%swap3A_621, %swap3A_622] {strides = array<i32>} : memref<2x128xi32, #tpu.memory_space<vmem>>, vector<1x16xi32>,
      %swap3A_624 = vector.shape_cast %swap3A_623 : vector<1x16xi32> to vector<16xi32>
      %swap3A_625 = vector.shape_cast %shift_right_logical3A_619 : vector<16xi32> to vector<1x16xi32>
      tpu.vector_store %arg9[%swap3A_621, %swap3A_622], %swap3A_625 {strides = array<i32>} : memref<2x128xi32, #tpu.memory_space<vmem>>, vector<1x16xi32>,
      %get3A_626 = arith.index_cast %add3A_590 : i32 to index
      %get3A_627 = arith.constant 16 : index
      %get3A_628 = tpu.vector_load %arg7[%get3A_626, %get3A_627] {strides = array<i32>} : memref<80x128xi32, #tpu.memory_space<vmem>>, vector<1x16xi32>,
      %get3A_629 = vector.shape_cast %get3A_628 : vector<1x16xi32> to vector<16xi32>
      %shift_right_logical3A_630 = arith.constant 16 : i32
      %shift_right_logical3A_631 = vector.broadcast %shift_right_logical3A_630 : i32 to vector<16xi32>
      %shift_right_logical3A_632 = arith.shrui %get3A_629, %shift_right_logical3A_631 : vector<16xi32>
      %swap3A_633 = arith.constant 1 : i32
      %swap3A_634 = arith.index_cast %swap3A_633 : i32 to index
      %swap3A_635 = arith.constant 16 : index
      %swap3A_636 = tpu.vector_load %arg9[%swap3A_634, %swap3A_635] {strides = array<i32>} : memref<2x128xi32, #tpu.memory_space<vmem>>, vector<1x16xi32>,
      %swap3A_637 = vector.shape_cast %swap3A_636 : vector<1x16xi32> to vector<16xi32>
      %swap3A_638 = vector.shape_cast %shift_right_logical3A_632 : vector<16xi32> to vector<1x16xi32>
      tpu.vector_store %arg9[%swap3A_634, %swap3A_635], %swap3A_638 {strides = array<i32>} : memref<2x128xi32, #tpu.memory_space<vmem>>, vector<1x16xi32>,
      %get3A_639 = arith.index_cast %add3A_590 : i32 to index
      %get3A_640 = arith.constant 32 : index
      %get3A_641 = tpu.vector_load %arg7[%get3A_639, %get3A_640] {strides = array<i32>} : memref<80x128xi32, #tpu.memory_space<vmem>>, vector<1x16xi32>,
      %get3A_642 = vector.shape_cast %get3A_641 : vector<1x16xi32> to vector<16xi32>
      %shift_right_logical3A_643 = arith.constant 16 : i32
      %shift_right_logical3A_644 = vector.broadcast %shift_right_logical3A_643 : i32 to vector<16xi32>
      %shift_right_logical3A_645 = arith.shrui %get3A_642, %shift_right_logical3A_644 : vector<16xi32>
      %swap3A_646 = arith.constant 1 : i32
      %swap3A_647 = arith.index_cast %swap3A_646 : i32 to index
      %swap3A_648 = arith.constant 32 : index
      %swap3A_649 = tpu.vector_load %arg9[%swap3A_647, %swap3A_648] {strides = array<i32>} : memref<2x128xi32, #tpu.memory_space<vmem>>, vector<1x16xi32>,
      %swap3A_650 = vector.shape_cast %swap3A_649 : vector<1x16xi32> to vector<16xi32>
      %swap3A_651 = vector.shape_cast %shift_right_logical3A_645 : vector<16xi32> to vector<1x16xi32>
      tpu.vector_store %arg9[%swap3A_647, %swap3A_648], %swap3A_651 {strides = array<i32>} : memref<2x128xi32, #tpu.memory_space<vmem>>, vector<1x16xi32>,
      %get3A_652 = arith.index_cast %add3A_590 : i32 to index
      %get3A_653 = arith.constant 48 : index
      %get3A_654 = tpu.vector_load %arg7[%get3A_652, %get3A_653] {strides = array<i32>} : memref<80x128xi32, #tpu.memory_space<vmem>>, vector<1x16xi32>,
      %get3A_655 = vector.shape_cast %get3A_654 : vector<1x16xi32> to vector<16xi32>
      %shift_right_logical3A_656 = arith.constant 16 : i32
      %shift_right_logical3A_657 = vector.broadcast %shift_right_logical3A_656 : i32 to vector<16xi32>
      %shift_right_logical3A_658 = arith.shrui %get3A_655, %shift_right_logical3A_657 : vector<16xi32>
      %swap3A_659 = arith.constant 1 : i32
      %swap3A_660 = arith.index_cast %swap3A_659 : i32 to index
      %swap3A_661 = arith.constant 48 : index
      %swap3A_662 = tpu.vector_load %arg9[%swap3A_660, %swap3A_661] {strides = array<i32>} : memref<2x128xi32, #tpu.memory_space<vmem>>, vector<1x16xi32>,
      %swap3A_663 = vector.shape_cast %swap3A_662 : vector<1x16xi32> to vector<16xi32>
      %swap3A_664 = vector.shape_cast %shift_right_logical3A_658 : vector<16xi32> to vector<1x16xi32>
      tpu.vector_store %arg9[%swap3A_660, %swap3A_661], %swap3A_664 {strides = array<i32>} : memref<2x128xi32, #tpu.memory_space<vmem>>, vector<1x16xi32>,
      %get3A_665 = arith.index_cast %add3A_590 : i32 to index
      %get3A_666 = arith.constant 64 : index
      %get3A_667 = tpu.vector_load %arg7[%get3A_665, %get3A_666] {strides = array<i32>} : memref<80x128xi32, #tpu.memory_space<vmem>>, vector<1x16xi32>,
      %get3A_668 = vector.shape_cast %get3A_667 : vector<1x16xi32> to vector<16xi32>
      %shift_right_logical3A_669 = arith.constant 16 : i32
      %shift_right_logical3A_670 = vector.broadcast %shift_right_logical3A_669 : i32 to vector<16xi32>
      %shift_right_logical3A_671 = arith.shrui %get3A_668, %shift_right_logical3A_670 : vector<16xi32>
      %swap3A_672 = arith.constant 1 : i32
      %swap3A_673 = arith.index_cast %swap3A_672 : i32 to index
      %swap3A_674 = arith.constant 64 : index
      %swap3A_675 = tpu.vector_load %arg9[%swap3A_673, %swap3A_674] {strides = array<i32>} : memref<2x128xi32, #tpu.memory_space<vmem>>, vector<1x16xi32>,
      %swap3A_676 = vector.shape_cast %swap3A_675 : vector<1x16xi32> to vector<16xi32>
      %swap3A_677 = vector.shape_cast %shift_right_logical3A_671 : vector<16xi32> to vector<1x16xi32>
      tpu.vector_store %arg9[%swap3A_673, %swap3A_674], %swap3A_677 {strides = array<i32>} : memref<2x128xi32, #tpu.memory_space<vmem>>, vector<1x16xi32>,
      %get3A_678 = arith.index_cast %add3A_590 : i32 to index
      %get3A_679 = arith.constant 80 : index
      %get3A_680 = tpu.vector_load %arg7[%get3A_678, %get3A_679] {strides = array<i32>} : memref<80x128xi32, #tpu.memory_space<vmem>>, vector<1x16xi32>,
      %get3A_681 = vector.shape_cast %get3A_680 : vector<1x16xi32> to vector<16xi32>
      %shift_right_logical3A_682 = arith.constant 16 : i32
      %shift_right_logical3A_683 = vector.broadcast %shift_right_logical3A_682 : i32 to vector<16xi32>
      %shift_right_logical3A_684 = arith.shrui %get3A_681, %shift_right_logical3A_683 : vector<16xi32>
      %swap3A_685 = arith.constant 1 : i32
      %swap3A_686 = arith.index_cast %swap3A_685 : i32 to index
      %swap3A_687 = arith.constant 80 : index
      %swap3A_688 = tpu.vector_load %arg9[%swap3A_686, %swap3A_687] {strides = array<i32>} : memref<2x128xi32, #tpu.memory_space<vmem>>, vector<1x16xi32>,
      %swap3A_689 = vector.shape_cast %swap3A_688 : vector<1x16xi32> to vector<16xi32>
      %swap3A_690 = vector.shape_cast %shift_right_logical3A_684 : vector<16xi32> to vector<1x16xi32>
      tpu.vector_store %arg9[%swap3A_686, %swap3A_687], %swap3A_690 {strides = array<i32>} : memref<2x128xi32, #tpu.memory_space<vmem>>, vector<1x16xi32>,
      %get3A_691 = arith.index_cast %add3A_590 : i32 to index
      %get3A_692 = arith.constant 96 : index
      %get3A_693 = tpu.vector_load %arg7[%get3A_691, %get3A_692] {strides = array<i32>} : memref<80x128xi32, #tpu.memory_space<vmem>>, vector<1x16xi32>,
      %get3A_694 = vector.shape_cast %get3A_693 : vector<1x16xi32> to vector<16xi32>
      %shift_right_logical3A_695 = arith.constant 16 : i32
      %shift_right_logical3A_696 = vector.broadcast %shift_right_logical3A_695 : i32 to vector<16xi32>
      %shift_right_logical3A_697 = arith.shrui %get3A_694, %shift_right_logical3A_696 : vector<16xi32>
      %swap3A_698 = arith.constant 1 : i32
      %swap3A_699 = arith.index_cast %swap3A_698 : i32 to index
      %swap3A_700 = arith.constant 96 : index
      %swap3A_701 = tpu.vector_load %arg9[%swap3A_699, %swap3A_700] {strides = array<i32>} : memref<2x128xi32, #tpu.memory_space<vmem>>, vector<1x16xi32>,
      %swap3A_702 = vector.shape_cast %swap3A_701 : vector<1x16xi32> to vector<16xi32>
      %swap3A_703 = vector.shape_cast %shift_right_logical3A_697 : vector<16xi32> to vector<1x16xi32>
      tpu.vector_store %arg9[%swap3A_699, %swap3A_700], %swap3A_703 {strides = array<i32>} : memref<2x128xi32, #tpu.memory_space<vmem>>, vector<1x16xi32>,
      %get3A_704 = arith.index_cast %add3A_590 : i32 to index
      %get3A_705 = arith.constant 112 : index
      %get3A_706 = tpu.vector_load %arg7[%get3A_704, %get3A_705] {strides = array<i32>} : memref<80x128xi32, #tpu.memory_space<vmem>>, vector<1x16xi32>,
      %get3A_707 = vector.shape_cast %get3A_706 : vector<1x16xi32> to vector<16xi32>
      %shift_right_logical3A_708 = arith.constant 16 : i32
      %shift_right_logical3A_709 = vector.broadcast %shift_right_logical3A_708 : i32 to vector<16xi32>
      %shift_right_logical3A_710 = arith.shrui %get3A_707, %shift_right_logical3A_709 : vector<16xi32>
      %swap3A_711 = arith.constant 1 : i32
      %swap3A_712 = arith.index_cast %swap3A_711 : i32 to index
      %swap3A_713 = arith.constant 112 : index
      %swap3A_714 = tpu.vector_load %arg9[%swap3A_712, %swap3A_713] {strides = array<i32>} : memref<2x128xi32, #tpu.memory_space<vmem>>, vector<1x16xi32>,
      %swap3A_715 = vector.shape_cast %swap3A_714 : vector<1x16xi32> to vector<16xi32>
      %swap3A_716 = vector.shape_cast %shift_right_logical3A_710 : vector<16xi32> to vector<1x16xi32>
      tpu.vector_store %arg9[%swap3A_712, %swap3A_713], %swap3A_716 {strides = array<i32>} : memref<2x128xi32, #tpu.memory_space<vmem>>, vector<1x16xi32>,
      %scan3A_717 = arith.constant 0 : i32
      %scan3A_718 = arith.constant 0 : i32
      %scan3A_719 = arith.constant 16 : i32
      %scan3A_720 = arith.addi %scan3A_718, %scan3A_719 : i32
      %scan3A_721 = arith.constant 1 : i32
      %scan3A_722 = scf.for %scan3A_732 = %scan3A_718 to %scan3A_720 step %scan3A_721 iter_args(%scan3A_733 = %scan3A_717) -> (i32)  : i32 {
        %get3A_734 = arith.index_cast %scan3A_732 : i32 to index
        %get3A_735 = arith.constant 0 : index
        %get3A_736 = tpu.vector_load %arg11[%get3A_734, %get3A_735] {strides = array<i32>} : memref<16x128xf32, #tpu.memory_space<vmem>>, vector<1x16xf32>,
        %get3A_737 = vector.shape_cast %get3A_736 : vector<1x16xf32> to vector<16xf32>
        %mul3A_738 = arith.constant 8 : i32
        %mul3A_739 = arith.muli %scan3A_732, %mul3A_738 : i32
        %add3A_740 = arith.constant 0 : i32
        %add3A_741 = arith.addi %mul3A_739, %add3A_740 : i32
        %swap3A_742 = arith.index_cast %add3A_741 : i32 to index
        %swap3A_743 = arith.constant 0 : index
        %swap3A_744 = tpu.vector_load %arg13[%swap3A_742, %swap3A_743] {strides = array<i32>} : memref<128x128xf32, #tpu.memory_space<vmem>>, vector<1x16xf32>,
        %swap3A_745 = vector.shape_cast %swap3A_744 : vector<1x16xf32> to vector<16xf32>
        %swap3A_746 = vector.shape_cast %get3A_737 : vector<16xf32> to vector<1x16xf32>
        tpu.vector_store %arg13[%swap3A_742, %swap3A_743], %swap3A_746 {strides = array<i32>} : memref<128x128xf32, #tpu.memory_space<vmem>>, vector<1x16xf32>,
        %get3A_747 = arith.index_cast %scan3A_732 : i32 to index
        %get3A_748 = arith.constant 16 : index
        %get3A_749 = tpu.vector_load %arg11[%get3A_747, %get3A_748] {strides = array<i32>} : memref<16x128xf32, #tpu.memory_space<vmem>>, vector<1x16xf32>,
        %get3A_750 = vector.shape_cast %get3A_749 : vector<1x16xf32> to vector<16xf32>
        %mul3A_751 = arith.constant 8 : i32
        %mul3A_752 = arith.muli %scan3A_732, %mul3A_751 : i32
        %add3A_753 = arith.constant 1 : i32
        %add3A_754 = arith.addi %mul3A_752, %add3A_753 : i32
        %swap3A_755 = arith.index_cast %add3A_754 : i32 to index
        %swap3A_756 = arith.constant 0 : index
        %swap3A_757 = tpu.vector_load %arg13[%swap3A_755, %swap3A_756] {strides = array<i32>} : memref<128x128xf32, #tpu.memory_space<vmem>>, vector<1x16xf32>,
        %swap3A_758 = vector.shape_cast %swap3A_757 : vector<1x16xf32> to vector<16xf32>
        %swap3A_759 = vector.shape_cast %get3A_750 : vector<16xf32> to vector<1x16xf32>
        tpu.vector_store %arg13[%swap3A_755, %swap3A_756], %swap3A_759 {strides = array<i32>} : memref<128x128xf32, #tpu.memory_space<vmem>>, vector<1x16xf32>,
        %get3A_760 = arith.index_cast %scan3A_732 : i32 to index
        %get3A_761 = arith.constant 32 : index
        %get3A_762 = tpu.vector_load %arg11[%get3A_760, %get3A_761] {strides = array<i32>} : memref<16x128xf32, #tpu.memory_space<vmem>>, vector<1x16xf32>,
        %get3A_763 = vector.shape_cast %get3A_762 : vector<1x16xf32> to vector<16xf32>
        %mul3A_764 = arith.constant 8 : i32
        %mul3A_765 = arith.muli %scan3A_732, %mul3A_764 : i32
        %add3A_766 = arith.constant 2 : i32
        %add3A_767 = arith.addi %mul3A_765, %add3A_766 : i32
        %swap3A_768 = arith.index_cast %add3A_767 : i32 to index
        %swap3A_769 = arith.constant 0 : index
        %swap3A_770 = tpu.vector_load %arg13[%swap3A_768, %swap3A_769] {strides = array<i32>} : memref<128x128xf32, #tpu.memory_space<vmem>>, vector<1x16xf32>,
        %swap3A_771 = vector.shape_cast %swap3A_770 : vector<1x16xf32> to vector<16xf32>
        %swap3A_772 = vector.shape_cast %get3A_763 : vector<16xf32> to vector<1x16xf32>
        tpu.vector_store %arg13[%swap3A_768, %swap3A_769], %swap3A_772 {strides = array<i32>} : memref<128x128xf32, #tpu.memory_space<vmem>>, vector<1x16xf32>,
        %get3A_773 = arith.index_cast %scan3A_732 : i32 to index
        %get3A_774 = arith.constant 48 : index
        %get3A_775 = tpu.vector_load %arg11[%get3A_773, %get3A_774] {strides = array<i32>} : memref<16x128xf32, #tpu.memory_space<vmem>>, vector<1x16xf32>,
        %get3A_776 = vector.shape_cast %get3A_775 : vector<1x16xf32> to vector<16xf32>
        %mul3A_777 = arith.constant 8 : i32
        %mul3A_778 = arith.muli %scan3A_732, %mul3A_777 : i32
        %add3A_779 = arith.constant 3 : i32
        %add3A_780 = arith.addi %mul3A_778, %add3A_779 : i32
        %swap3A_781 = arith.index_cast %add3A_780 : i32 to index
        %swap3A_782 = arith.constant 0 : index
        %swap3A_783 = tpu.vector_load %arg13[%swap3A_781, %swap3A_782] {strides = array<i32>} : memref<128x128xf32, #tpu.memory_space<vmem>>, vector<1x16xf32>,
        %swap3A_784 = vector.shape_cast %swap3A_783 : vector<1x16xf32> to vector<16xf32>
        %swap3A_785 = vector.shape_cast %get3A_776 : vector<16xf32> to vector<1x16xf32>
        tpu.vector_store %arg13[%swap3A_781, %swap3A_782], %swap3A_785 {strides = array<i32>} : memref<128x128xf32, #tpu.memory_space<vmem>>, vector<1x16xf32>,
        %get3A_786 = arith.index_cast %scan3A_732 : i32 to index
        %get3A_787 = arith.constant 64 : index
        %get3A_788 = tpu.vector_load %arg11[%get3A_786, %get3A_787] {strides = array<i32>} : memref<16x128xf32, #tpu.memory_space<vmem>>, vector<1x16xf32>,
        %get3A_789 = vector.shape_cast %get3A_788 : vector<1x16xf32> to vector<16xf32>
        %mul3A_790 = arith.constant 8 : i32
        %mul3A_791 = arith.muli %scan3A_732, %mul3A_790 : i32
        %add3A_792 = arith.constant 4 : i32
        %add3A_793 = arith.addi %mul3A_791, %add3A_792 : i32
        %swap3A_794 = arith.index_cast %add3A_793 : i32 to index
        %swap3A_795 = arith.constant 0 : index
        %swap3A_796 = tpu.vector_load %arg13[%swap3A_794, %swap3A_795] {strides = array<i32>} : memref<128x128xf32, #tpu.memory_space<vmem>>, vector<1x16xf32>,
        %swap3A_797 = vector.shape_cast %swap3A_796 : vector<1x16xf32> to vector<16xf32>
        %swap3A_798 = vector.shape_cast %get3A_789 : vector<16xf32> to vector<1x16xf32>
        tpu.vector_store %arg13[%swap3A_794, %swap3A_795], %swap3A_798 {strides = array<i32>} : memref<128x128xf32, #tpu.memory_space<vmem>>, vector<1x16xf32>,
        %get3A_799 = arith.index_cast %scan3A_732 : i32 to index
        %get3A_800 = arith.constant 80 : index
        %get3A_801 = tpu.vector_load %arg11[%get3A_799, %get3A_800] {strides = array<i32>} : memref<16x128xf32, #tpu.memory_space<vmem>>, vector<1x16xf32>,
        %get3A_802 = vector.shape_cast %get3A_801 : vector<1x16xf32> to vector<16xf32>
        %mul3A_803 = arith.constant 8 : i32
        %mul3A_804 = arith.muli %scan3A_732, %mul3A_803 : i32
        %add3A_805 = arith.constant 5 : i32
        %add3A_806 = arith.addi %mul3A_804, %add3A_805 : i32
        %swap3A_807 = arith.index_cast %add3A_806 : i32 to index
        %swap3A_808 = arith.constant 0 : index
        %swap3A_809 = tpu.vector_load %arg13[%swap3A_807, %swap3A_808] {strides = array<i32>} : memref<128x128xf32, #tpu.memory_space<vmem>>, vector<1x16xf32>,
        %swap3A_810 = vector.shape_cast %swap3A_809 : vector<1x16xf32> to vector<16xf32>
        %swap3A_811 = vector.shape_cast %get3A_802 : vector<16xf32> to vector<1x16xf32>
        tpu.vector_store %arg13[%swap3A_807, %swap3A_808], %swap3A_811 {strides = array<i32>} : memref<128x128xf32, #tpu.memory_space<vmem>>, vector<1x16xf32>,
        %get3A_812 = arith.index_cast %scan3A_732 : i32 to index
        %get3A_813 = arith.constant 96 : index
        %get3A_814 = tpu.vector_load %arg11[%get3A_812, %get3A_813] {strides = array<i32>} : memref<16x128xf32, #tpu.memory_space<vmem>>, vector<1x16xf32>,
        %get3A_815 = vector.shape_cast %get3A_814 : vector<1x16xf32> to vector<16xf32>
        %mul3A_816 = arith.constant 8 : i32
        %mul3A_817 = arith.muli %scan3A_732, %mul3A_816 : i32
        %add3A_818 = arith.constant 6 : i32
        %add3A_819 = arith.addi %mul3A_817, %add3A_818 : i32
        %swap3A_820 = arith.index_cast %add3A_819 : i32 to index
        %swap3A_821 = arith.constant 0 : index
        %swap3A_822 = tpu.vector_load %arg13[%swap3A_820, %swap3A_821] {strides = array<i32>} : memref<128x128xf32, #tpu.memory_space<vmem>>, vector<1x16xf32>,
        %swap3A_823 = vector.shape_cast %swap3A_822 : vector<1x16xf32> to vector<16xf32>
        %swap3A_824 = vector.shape_cast %get3A_815 : vector<16xf32> to vector<1x16xf32>
        tpu.vector_store %arg13[%swap3A_820, %swap3A_821], %swap3A_824 {strides = array<i32>} : memref<128x128xf32, #tpu.memory_space<vmem>>, vector<1x16xf32>,
        %get3A_825 = arith.index_cast %scan3A_732 : i32 to index
        %get3A_826 = arith.constant 112 : index
        %get3A_827 = tpu.vector_load %arg11[%get3A_825, %get3A_826] {strides = array<i32>} : memref<16x128xf32, #tpu.memory_space<vmem>>, vector<1x16xf32>,
        %get3A_828 = vector.shape_cast %get3A_827 : vector<1x16xf32> to vector<16xf32>
        %mul3A_829 = arith.constant 8 : i32
        %mul3A_830 = arith.muli %scan3A_732, %mul3A_829 : i32
        %add3A_831 = arith.constant 7 : i32
        %add3A_832 = arith.addi %mul3A_830, %add3A_831 : i32
        %swap3A_833 = arith.index_cast %add3A_832 : i32 to index
        %swap3A_834 = arith.constant 0 : index
        %swap3A_835 = tpu.vector_load %arg13[%swap3A_833, %swap3A_834] {strides = array<i32>} : memref<128x128xf32, #tpu.memory_space<vmem>>, vector<1x16xf32>,
        %swap3A_836 = vector.shape_cast %swap3A_835 : vector<1x16xf32> to vector<16xf32>
        %swap3A_837 = vector.shape_cast %get3A_828 : vector<16xf32> to vector<1x16xf32>
        tpu.vector_store %arg13[%swap3A_833, %swap3A_834], %swap3A_837 {strides = array<i32>} : memref<128x128xf32, #tpu.memory_space<vmem>>, vector<1x16xf32>,
        %scan3A_838 = arith.constant 0 : i32
        scf.yield %scan3A_838 : i32
      }
      %scan3A_723 = arith.constant 16 : i32
      %dma_start3A_724 = arith.constant 1 : i32
      %dma_start3A_725 = arith.constant 0 : i32
      %dma_start3A_726 = tpu.memref_slice %arg9[%dma_start3A_724, %dma_start3A_725] : memref<2x128xi32, #tpu.memory_space<vmem>> -> memref<1x128xi32, #tpu.memory_space<vmem>>
      %dma_start3A_727 = tpu.memref_squeeze %dma_start3A_726 : memref<1x128xi32, #tpu.memory_space<vmem>> -> memref<128xi32, #tpu.memory_space<vmem>>
      %dma_start3A_728 = arith.constant 0 : i32
      %dma_start3A_729 = arith.constant 0 : i32
      %dma_start3A_730 = tpu.memref_slice %arg14[%dma_start3A_728, %dma_start3A_729] : memref<10240x128xf32, #tpu.memory_space<vmem_shared>> -> memref<10240x128xf32, #tpu.memory_space<vmem_shared>>
      tpu.enqueue_indirect_dma source(%arg13 : memref<128x128xf32, #tpu.memory_space<vmem>>) target(%dma_start3A_730 : memref<10240x128xf32, #tpu.memory_space<vmem_shared>>) offsets(%dma_start3A_727 : memref<128xi32, #tpu.memory_space<vmem>>) semaphore(%arg16 : memref<!tpu.dma_semaphore, #tpu.memory_space<semaphore_mem>>) {add = true}
      %while3A_731 = arith.constant 0 : i32
      scf.yield %while3A_731 : i32
    }
    %dma_wait3A = arith.constant 0 : i32
    %dma_wait3A_201 = arith.constant 0 : i32
    %dma_wait3A_202 = tpu.memref_slice %arg9[%dma_wait3A, %dma_wait3A_201] : memref<2x128xi32, #tpu.memory_space<vmem>> -> memref<1x128xi32, #tpu.memory_space<vmem>>
    %dma_wait3A_203 = tpu.memref_squeeze %dma_wait3A_202 : memref<1x128xi32, #tpu.memory_space<vmem>> -> memref<128xi32, #tpu.memory_space<vmem>>
    %dma_wait3A_204 = arith.constant 0 : i32
    %dma_wait3A_205 = arith.constant 0 : i32
    %dma_wait3A_206 = tpu.memref_slice %arg14[%dma_wait3A_204, %dma_wait3A_205] : memref<10240x128xf32, #tpu.memory_space<vmem_shared>> -> memref<10240x128xf32, #tpu.memory_space<vmem_shared>>
    tpu.wait_indirect_dma semaphore(%arg16 : memref<!tpu.dma_semaphore, #tpu.memory_space<semaphore_mem>>) src(%arg12 : memref<128x128xf32, #tpu.memory_space<vmem>>) dst(%dma_wait3A_206 : memref<10240x128xf32, #tpu.memory_space<vmem_shared>>)
    %dma_wait3A_207 = arith.constant 1 : i32
    %dma_wait3A_208 = arith.constant 0 : i32
    %dma_wait3A_209 = tpu.memref_slice %arg9[%dma_wait3A_207, %dma_wait3A_208] : memref<2x128xi32, #tpu.memory_space<vmem>> -> memref<1x128xi32, #tpu.memory_space<vmem>>
    %dma_wait3A_210 = tpu.memref_squeeze %dma_wait3A_209 : memref<1x128xi32, #tpu.memory_space<vmem>> -> memref<128xi32, #tpu.memory_space<vmem>>
    %dma_wait3A_211 = arith.constant 0 : i32
    %dma_wait3A_212 = arith.constant 0 : i32
    %dma_wait3A_213 = tpu.memref_slice %arg14[%dma_wait3A_211, %dma_wait3A_212] : memref<10240x128xf32, #tpu.memory_space<vmem_shared>> -> memref<10240x128xf32, #tpu.memory_space<vmem_shared>>
    tpu.wait_indirect_dma semaphore(%arg16 : memref<!tpu.dma_semaphore, #tpu.memory_space<semaphore_mem>>) src(%arg13 : memref<128x128xf32, #tpu.memory_space<vmem>>) dst(%dma_wait3A_213 : memref<10240x128xf32, #tpu.memory_space<vmem_shared>>)
    %barrier3A_214 = arith.constant 0 : index
    tpu.barrier barrier_id(%barrier3A_214)
    %mul3A_215 = arith.constant 640 : i32
    %mul3A_216 = arith.muli %arg1, %mul3A_215 : i32
    %mul3A_217 = arith.constant 640 : i32
    %mul3A_218 = arith.muli %arg1, %mul3A_217 : i32
    "tpu.region"() ({
      %run_scoped3A = tpu.sem_alloc : memref<!tpu.dma_semaphore, #tpu.memory_space<semaphore_mem>>
      %dma_start3A_445 = arith.constant 0 : i32
      %dma_start3A_446 = tpu.memref_slice %arg6[%arg0, %mul3A_218, %dma_start3A_445] : memref<2x10240x128xf32, #tpu.memory_space<hbm>> -> memref<1x640x128xf32, #tpu.memory_space<hbm>>
      %dma_start3A_447 = tpu.memref_squeeze %dma_start3A_446 : memref<1x640x128xf32, #tpu.memory_space<hbm>> -> memref<640x128xf32, #tpu.memory_space<hbm>>
      %dma_start3A_448 = arith.constant 0 : i32
      %dma_start3A_449 = tpu.memref_slice %arg14[%mul3A_216, %dma_start3A_448] : memref<10240x128xf32, #tpu.memory_space<vmem_shared>> -> memref<640x128xf32, #tpu.memory_space<vmem_shared>>
      tpu.enqueue_dma source(%dma_start3A_449 : memref<640x128xf32, #tpu.memory_space<vmem_shared>>) target(%dma_start3A_447 : memref<640x128xf32, #tpu.memory_space<hbm>>) target_semaphore(%run_scoped3A : memref<!tpu.dma_semaphore, #tpu.memory_space<semaphore_mem>>)
      %dma_wait3A_450 = arith.constant 0 : i32
      %dma_wait3A_451 = tpu.memref_slice %arg6[%arg0, %mul3A_218, %dma_wait3A_450] : memref<2x10240x128xf32, #tpu.memory_space<hbm>> -> memref<1x640x128xf32, #tpu.memory_space<hbm>>
      %dma_wait3A_452 = tpu.memref_squeeze %dma_wait3A_451 : memref<1x640x128xf32, #tpu.memory_space<hbm>> -> memref<640x128xf32, #tpu.memory_space<hbm>>
      %dma_wait3A_453 = arith.constant 0 : i32
      %dma_wait3A_454 = tpu.memref_slice %arg14[%mul3A_216, %dma_wait3A_453] : memref<10240x128xf32, #tpu.memory_space<vmem_shared>> -> memref<640x128xf32, #tpu.memory_space<vmem_shared>>
      tpu.wait_dma2 semaphore(%run_scoped3A : memref<!tpu.dma_semaphore, #tpu.memory_space<semaphore_mem>>) src(%dma_wait3A_454 : memref<640x128xf32, #tpu.memory_space<vmem_shared>>) dst(%dma_wait3A_452 : memref<640x128xf32, #tpu.memory_space<hbm>>)
      tpu.yield
    }) : () -> ()
    %broadcast_in_dim3A_219 = arith.constant 0.000000e+00 : f32
    %broadcast_in_dim3A_220 = vector.broadcast %broadcast_in_dim3A_219 : f32 to vector<16xf32>
    %scan3A_221 = arith.constant 0 : i32
    %scan3A_222 = arith.constant 0 : i32
    %scan3A_223 = arith.constant 128 : i32
    %scan3A_224 = arith.addi %scan3A_222, %scan3A_223 : i32
    %scan3A_225 = arith.constant 1 : i32
    %scan3A_226 = scf.for %scan3A_445 = %scan3A_222 to %scan3A_224 step %scan3A_225 iter_args(%scan3A_446 = %scan3A_221) -> (i32)  : i32 {
      %swap3A_447 = arith.index_cast %scan3A_445 : i32 to index
      %swap3A_448 = arith.constant 0 : index
      %swap3A_449 = tpu.vector_load %arg12[%swap3A_447, %swap3A_448] {strides = array<i32>} : memref<128x128xf32, #tpu.memory_space<vmem>>, vector<1x16xf32>,
      %swap3A_450 = vector.shape_cast %swap3A_449 : vector<1x16xf32> to vector<16xf32>
      %swap3A_451 = vector.shape_cast %broadcast_in_dim3A_220 : vector<16xf32> to vector<1x16xf32>
      tpu.vector_store %arg12[%swap3A_447, %swap3A_448], %swap3A_451 {strides = array<i32>} : memref<128x128xf32, #tpu.memory_space<vmem>>, vector<1x16xf32>,
      %swap3A_452 = arith.index_cast %scan3A_445 : i32 to index
      %swap3A_453 = arith.constant 16 : index
      %swap3A_454 = tpu.vector_load %arg12[%swap3A_452, %swap3A_453] {strides = array<i32>} : memref<128x128xf32, #tpu.memory_space<vmem>>, vector<1x16xf32>,
      %swap3A_455 = vector.shape_cast %swap3A_454 : vector<1x16xf32> to vector<16xf32>
      %swap3A_456 = vector.shape_cast %broadcast_in_dim3A_220 : vector<16xf32> to vector<1x16xf32>
      tpu.vector_store %arg12[%swap3A_452, %swap3A_453], %swap3A_456 {strides = array<i32>} : memref<128x128xf32, #tpu.memory_space<vmem>>, vector<1x16xf32>,
      %swap3A_457 = arith.index_cast %scan3A_445 : i32 to index
      %swap3A_458 = arith.constant 32 : index
      %swap3A_459 = tpu.vector_load %arg12[%swap3A_457, %swap3A_458] {strides = array<i32>} : memref<128x128xf32, #tpu.memory_space<vmem>>, vector<1x16xf32>,
      %swap3A_460 = vector.shape_cast %swap3A_459 : vector<1x16xf32> to vector<16xf32>
      %swap3A_461 = vector.shape_cast %broadcast_in_dim3A_220 : vector<16xf32> to vector<1x16xf32>
      tpu.vector_store %arg12[%swap3A_457, %swap3A_458], %swap3A_461 {strides = array<i32>} : memref<128x128xf32, #tpu.memory_space<vmem>>, vector<1x16xf32>,
      %swap3A_462 = arith.index_cast %scan3A_445 : i32 to index
      %swap3A_463 = arith.constant 48 : index
      %swap3A_464 = tpu.vector_load %arg12[%swap3A_462, %swap3A_463] {strides = array<i32>} : memref<128x128xf32, #tpu.memory_space<vmem>>, vector<1x16xf32>,
      %swap3A_465 = vector.shape_cast %swap3A_464 : vector<1x16xf32> to vector<16xf32>
      %swap3A_466 = vector.shape_cast %broadcast_in_dim3A_220 : vector<16xf32> to vector<1x16xf32>
      tpu.vector_store %arg12[%swap3A_462, %swap3A_463], %swap3A_466 {strides = array<i32>} : memref<128x128xf32, #tpu.memory_space<vmem>>, vector<1x16xf32>,
      %swap3A_467 = arith.index_cast %scan3A_445 : i32 to index
      %swap3A_468 = arith.constant 64 : index
      %swap3A_469 = tpu.vector_load %arg12[%swap3A_467, %swap3A_468] {strides = array<i32>} : memref<128x128xf32, #tpu.memory_space<vmem>>, vector<1x16xf32>,
      %swap3A_470 = vector.shape_cast %swap3A_469 : vector<1x16xf32> to vector<16xf32>
      %swap3A_471 = vector.shape_cast %broadcast_in_dim3A_220 : vector<16xf32> to vector<1x16xf32>
      tpu.vector_store %arg12[%swap3A_467, %swap3A_468], %swap3A_471 {strides = array<i32>} : memref<128x128xf32, #tpu.memory_space<vmem>>, vector<1x16xf32>,
      %swap3A_472 = arith.index_cast %scan3A_445 : i32 to index
      %swap3A_473 = arith.constant 80 : index
      %swap3A_474 = tpu.vector_load %arg12[%swap3A_472, %swap3A_473] {strides = array<i32>} : memref<128x128xf32, #tpu.memory_space<vmem>>, vector<1x16xf32>,
      %swap3A_475 = vector.shape_cast %swap3A_474 : vector<1x16xf32> to vector<16xf32>
      %swap3A_476 = vector.shape_cast %broadcast_in_dim3A_220 : vector<16xf32> to vector<1x16xf32>
      tpu.vector_store %arg12[%swap3A_472, %swap3A_473], %swap3A_476 {strides = array<i32>} : memref<128x128xf32, #tpu.memory_space<vmem>>, vector<1x16xf32>,
      %swap3A_477 = arith.index_cast %scan3A_445 : i32 to index
      %swap3A_478 = arith.constant 96 : index
      %swap3A_479 = tpu.vector_load %arg12[%swap3A_477, %swap3A_478] {strides = array<i32>} : memref<128x128xf32, #tpu.memory_space<vmem>>, vector<1x16xf32>,
      %swap3A_480 = vector.shape_cast %swap3A_479 : vector<1x16xf32> to vector<16xf32>
      %swap3A_481 = vector.shape_cast %broadcast_in_dim3A_220 : vector<16xf32> to vector<1x16xf32>
      tpu.vector_store %arg12[%swap3A_477, %swap3A_478], %swap3A_481 {strides = array<i32>} : memref<128x128xf32, #tpu.memory_space<vmem>>, vector<1x16xf32>,
      %swap3A_482 = arith.index_cast %scan3A_445 : i32 to index
      %swap3A_483 = arith.constant 112 : index
      %swap3A_484 = tpu.vector_load %arg12[%swap3A_482, %swap3A_483] {strides = array<i32>} : memref<128x128xf32, #tpu.memory_space<vmem>>, vector<1x16xf32>,
      %swap3A_485 = vector.shape_cast %swap3A_484 : vector<1x16xf32> to vector<16xf32>
      %swap3A_486 = vector.shape_cast %broadcast_in_dim3A_220 : vector<16xf32> to vector<1x16xf32>
      tpu.vector_store %arg12[%swap3A_482, %swap3A_483], %swap3A_486 {strides = array<i32>} : memref<128x128xf32, #tpu.memory_space<vmem>>, vector<1x16xf32>,
      %scan3A_487 = arith.constant 0 : i32
      scf.yield %scan3A_487 : i32
    }
    %scan3A_227 = arith.constant 128 : i32
    %mul3A_228 = arith.constant 640 : i32
    %mul3A_229 = arith.muli %arg1, %mul3A_228 : i32
    %add3A_230 = arith.constant 0 : i32
    %add3A_231 = arith.addi %mul3A_229, %add3A_230 : i32
    "tpu.region"() ({
      %run_scoped3A = tpu.sem_alloc : memref<!tpu.dma_semaphore, #tpu.memory_space<semaphore_mem>>
      %dma_start3A_445 = arith.constant 0 : i32
      %dma_start3A_446 = tpu.memref_slice %arg14[%add3A_231, %dma_start3A_445] : memref<10240x128xf32, #tpu.memory_space<vmem_shared>> -> memref<128x128xf32, #tpu.memory_space<vmem_shared>>
      %dma_start3A_447 = arith.constant 0 : i32
      %dma_start3A_448 = tpu.memref_slice %arg14[%add3A_231, %dma_start3A_447] : memref<10240x128xf32, #tpu.memory_space<vmem_shared>> -> memref<128x128xf32, #tpu.memory_space<vmem_shared>>
      tpu.enqueue_dma source(%arg12 : memref<128x128xf32, #tpu.memory_space<vmem>>) target(%dma_start3A_448 : memref<128x128xf32, #tpu.memory_space<vmem_shared>>) target_semaphore(%run_scoped3A : memref<!tpu.dma_semaphore, #tpu.memory_space<semaphore_mem>>)
      %dma_wait3A_449 = arith.constant 0 : i32
      %dma_wait3A_450 = tpu.memref_slice %arg14[%add3A_231, %dma_wait3A_449] : memref<10240x128xf32, #tpu.memory_space<vmem_shared>> -> memref<128x128xf32, #tpu.memory_space<vmem_shared>>
      %dma_wait3A_451 = arith.constant 0 : i32
      %dma_wait3A_452 = tpu.memref_slice %arg14[%add3A_231, %dma_wait3A_451] : memref<10240x128xf32, #tpu.memory_space<vmem_shared>> -> memref<128x128xf32, #tpu.memory_space<vmem_shared>>
      tpu.wait_dma2 semaphore(%run_scoped3A : memref<!tpu.dma_semaphore, #tpu.memory_space<semaphore_mem>>) src(%arg12 : memref<128x128xf32, #tpu.memory_space<vmem>>) dst(%dma_wait3A_452 : memref<128x128xf32, #tpu.memory_space<vmem_shared>>)
      tpu.yield
    }) : () -> ()
    %mul3A_232 = arith.constant 640 : i32
    %mul3A_233 = arith.muli %arg1, %mul3A_232 : i32
    %add3A_234 = arith.constant 128 : i32
    %add3A_235 = arith.addi %mul3A_233, %add3A_234 : i32
    "tpu.region"() ({
      %run_scoped3A = tpu.sem_alloc : memref<!tpu.dma_semaphore, #tpu.memory_space<semaphore_mem>>
      %dma_start3A_445 = arith.constant 0 : i32
      %dma_start3A_446 = tpu.memref_slice %arg14[%add3A_235, %dma_start3A_445] : memref<10240x128xf32, #tpu.memory_space<vmem_shared>> -> memref<128x128xf32, #tpu.memory_space<vmem_shared>>
      %dma_start3A_447 = arith.constant 0 : i32
      %dma_start3A_448 = tpu.memref_slice %arg14[%add3A_235, %dma_start3A_447] : memref<10240x128xf32, #tpu.memory_space<vmem_shared>> -> memref<128x128xf32, #tpu.memory_space<vmem_shared>>
      tpu.enqueue_dma source(%arg12 : memref<128x128xf32, #tpu.memory_space<vmem>>) target(%dma_start3A_448 : memref<128x128xf32, #tpu.memory_space<vmem_shared>>) target_semaphore(%run_scoped3A : memref<!tpu.dma_semaphore, #tpu.memory_space<semaphore_mem>>)
      %dma_wait3A_449 = arith.constant 0 : i32
      %dma_wait3A_450 = tpu.memref_slice %arg14[%add3A_235, %dma_wait3A_449] : memref<10240x128xf32, #tpu.memory_space<vmem_shared>> -> memref<128x128xf32, #tpu.memory_space<vmem_shared>>
      %dma_wait3A_451 = arith.constant 0 : i32
      %dma_wait3A_452 = tpu.memref_slice %arg14[%add3A_235, %dma_wait3A_451] : memref<10240x128xf32, #tpu.memory_space<vmem_shared>> -> memref<128x128xf32, #tpu.memory_space<vmem_shared>>
      tpu.wait_dma2 semaphore(%run_scoped3A : memref<!tpu.dma_semaphore, #tpu.memory_space<semaphore_mem>>) src(%arg12 : memref<128x128xf32, #tpu.memory_space<vmem>>) dst(%dma_wait3A_452 : memref<128x128xf32, #tpu.memory_space<vmem_shared>>)
      tpu.yield
    }) : () -> ()
    %mul3A_236 = arith.constant 640 : i32
    %mul3A_237 = arith.muli %arg1, %mul3A_236 : i32
    %add3A_238 = arith.constant 256 : i32
    %add3A_239 = arith.addi %mul3A_237, %add3A_238 : i32
    "tpu.region"() ({
      %run_scoped3A = tpu.sem_alloc : memref<!tpu.dma_semaphore, #tpu.memory_space<semaphore_mem>>
      %dma_start3A_445 = arith.constant 0 : i32
      %dma_start3A_446 = tpu.memref_slice %arg14[%add3A_239, %dma_start3A_445] : memref<10240x128xf32, #tpu.memory_space<vmem_shared>> -> memref<128x128xf32, #tpu.memory_space<vmem_shared>>
      %dma_start3A_447 = arith.constant 0 : i32
      %dma_start3A_448 = tpu.memref_slice %arg14[%add3A_239, %dma_start3A_447] : memref<10240x128xf32, #tpu.memory_space<vmem_shared>> -> memref<128x128xf32, #tpu.memory_space<vmem_shared>>
      tpu.enqueue_dma source(%arg12 : memref<128x128xf32, #tpu.memory_space<vmem>>) target(%dma_start3A_448 : memref<128x128xf32, #tpu.memory_space<vmem_shared>>) target_semaphore(%run_scoped3A : memref<!tpu.dma_semaphore, #tpu.memory_space<semaphore_mem>>)
      %dma_wait3A_449 = arith.constant 0 : i32
      %dma_wait3A_450 = tpu.memref_slice %arg14[%add3A_239, %dma_wait3A_449] : memref<10240x128xf32, #tpu.memory_space<vmem_shared>> -> memref<128x128xf32, #tpu.memory_space<vmem_shared>>
      %dma_wait3A_451 = arith.constant 0 : i32
      %dma_wait3A_452 = tpu.memref_slice %arg14[%add3A_239, %dma_wait3A_451] : memref<10240x128xf32, #tpu.memory_space<vmem_shared>> -> memref<128x128xf32, #tpu.memory_space<vmem_shared>>
      tpu.wait_dma2 semaphore(%run_scoped3A : memref<!tpu.dma_semaphore, #tpu.memory_space<semaphore_mem>>) src(%arg12 : memref<128x128xf32, #tpu.memory_space<vmem>>) dst(%dma_wait3A_452 : memref<128x128xf32, #tpu.memory_space<vmem_shared>>)
      tpu.yield
    }) : () -> ()
    %mul3A_240 = arith.constant 640 : i32
    %mul3A_241 = arith.muli %arg1, %mul3A_240 : i32
    %add3A_242 = arith.constant 384 : i32
    %add3A_243 = arith.addi %mul3A_241, %add3A_242 : i32
    "tpu.region"() ({
      %run_scoped3A = tpu.sem_alloc : memref<!tpu.dma_semaphore, #tpu.memory_space<semaphore_mem>>
      %dma_start3A_445 = arith.constant 0 : i32
      %dma_start3A_446 = tpu.memref_slice %arg14[%add3A_243, %dma_start3A_445] : memref<10240x128xf32, #tpu.memory_space<vmem_shared>> -> memref<128x128xf32, #tpu.memory_space<vmem_shared>>
      %dma_start3A_447 = arith.constant 0 : i32
      %dma_start3A_448 = tpu.memref_slice %arg14[%add3A_243, %dma_start3A_447] : memref<10240x128xf32, #tpu.memory_space<vmem_shared>> -> memref<128x128xf32, #tpu.memory_space<vmem_shared>>
      tpu.enqueue_dma source(%arg12 : memref<128x128xf32, #tpu.memory_space<vmem>>) target(%dma_start3A_448 : memref<128x128xf32, #tpu.memory_space<vmem_shared>>) target_semaphore(%run_scoped3A : memref<!tpu.dma_semaphore, #tpu.memory_space<semaphore_mem>>)
      %dma_wait3A_449 = arith.constant 0 : i32
      %dma_wait3A_450 = tpu.memref_slice %arg14[%add3A_243, %dma_wait3A_449] : memref<10240x128xf32, #tpu.memory_space<vmem_shared>> -> memref<128x128xf32, #tpu.memory_space<vmem_shared>>
      %dma_wait3A_451 = arith.constant 0 : i32
      %dma_wait3A_452 = tpu.memref_slice %arg14[%add3A_243, %dma_wait3A_451] : memref<10240x128xf32, #tpu.memory_space<vmem_shared>> -> memref<128x128xf32, #tpu.memory_space<vmem_shared>>
      tpu.wait_dma2 semaphore(%run_scoped3A : memref<!tpu.dma_semaphore, #tpu.memory_space<semaphore_mem>>) src(%arg12 : memref<128x128xf32, #tpu.memory_space<vmem>>) dst(%dma_wait3A_452 : memref<128x128xf32, #tpu.memory_space<vmem_shared>>)
      tpu.yield
    }) : () -> ()
    %mul3A_244 = arith.constant 640 : i32
    %mul3A_245 = arith.muli %arg1, %mul3A_244 : i32
    %add3A_246 = arith.constant 512 : i32
    %add3A_247 = arith.addi %mul3A_245, %add3A_246 : i32
    "tpu.region"() ({
      %run_scoped3A = tpu.sem_alloc : memref<!tpu.dma_semaphore, #tpu.memory_space<semaphore_mem>>
      %dma_start3A_445 = arith.constant 0 : i32
      %dma_start3A_446 = tpu.memref_slice %arg14[%add3A_247, %dma_start3A_445] : memref<10240x128xf32, #tpu.memory_space<vmem_shared>> -> memref<128x128xf32, #tpu.memory_space<vmem_shared>>
      %dma_start3A_447 = arith.constant 0 : i32
      %dma_start3A_448 = tpu.memref_slice %arg14[%add3A_247, %dma_start3A_447] : memref<10240x128xf32, #tpu.memory_space<vmem_shared>> -> memref<128x128xf32, #tpu.memory_space<vmem_shared>>
      tpu.enqueue_dma source(%arg12 : memref<128x128xf32, #tpu.memory_space<vmem>>) target(%dma_start3A_448 : memref<128x128xf32, #tpu.memory_space<vmem_shared>>) target_semaphore(%run_scoped3A : memref<!tpu.dma_semaphore, #tpu.memory_space<semaphore_mem>>)
      %dma_wait3A_449 = arith.constant 0 : i32
      %dma_wait3A_450 = tpu.memref_slice %arg14[%add3A_247, %dma_wait3A_449] : memref<10240x128xf32, #tpu.memory_space<vmem_shared>> -> memref<128x128xf32, #tpu.memory_space<vmem_shared>>
      %dma_wait3A_451 = arith.constant 0 : i32
      %dma_wait3A_452 = tpu.memref_slice %arg14[%add3A_247, %dma_wait3A_451] : memref<10240x128xf32, #tpu.memory_space<vmem_shared>> -> memref<128x128xf32, #tpu.memory_space<vmem_shared>>
      tpu.wait_dma2 semaphore(%run_scoped3A : memref<!tpu.dma_semaphore, #tpu.memory_space<semaphore_mem>>) src(%arg12 : memref<128x128xf32, #tpu.memory_space<vmem>>) dst(%dma_wait3A_452 : memref<128x128xf32, #tpu.memory_space<vmem_shared>>)
      tpu.yield
    }) : () -> ()
    %barrier3A_248 = arith.constant 0 : index
    tpu.barrier barrier_id(%barrier3A_248)
    %broadcast_in_dim3A_249 = arith.constant 65535 : i32
    %broadcast_in_dim3A_250 = vector.broadcast %broadcast_in_dim3A_249 : i32 to vector<16xi32>
    %get3A_251 = arith.constant 0 : i32
    %get3A_252 = arith.index_cast %get3A_251 : i32 to index
    %get3A_253 = arith.constant 0 : index
    %get3A_254 = tpu.vector_load %arg7[%get3A_252, %get3A_253] {strides = array<i32>} : memref<80x128xi32, #tpu.memory_space<vmem>>, vector<1x16xi32>,
    %get3A_255 = vector.shape_cast %get3A_254 : vector<1x16xi32> to vector<16xi32>
    %and3A_256 = arith.andi %get3A_255, %broadcast_in_dim3A_250 : vector<16xi32>
    %swap3A_257 = arith.constant 0 : i32
    %swap3A_258 = arith.index_cast %swap3A_257 : i32 to index
    %swap3A_259 = arith.constant 0 : index
    %swap3A_260 = tpu.vector_load %arg8[%swap3A_258, %swap3A_259] {strides = array<i32>} : memref<2x128xi32, #tpu.memory_space<vmem>>, vector<1x16xi32>,
    %swap3A_261 = vector.shape_cast %swap3A_260 : vector<1x16xi32> to vector<16xi32>
    %swap3A_262 = vector.shape_cast %and3A_256 : vector<16xi32> to vector<1x16xi32>
    tpu.vector_store %arg8[%swap3A_258, %swap3A_259], %swap3A_262 {strides = array<i32>} : memref<2x128xi32, #tpu.memory_space<vmem>>, vector<1x16xi32>,
    %shift_right_logical3A_263 = arith.constant 16 : i32
    %shift_right_logical3A_264 = vector.broadcast %shift_right_logical3A_263 : i32 to vector<16xi32>
    %shift_right_logical3A_265 = arith.shrui %get3A_255, %shift_right_logical3A_264 : vector<16xi32>
    %swap3A_266 = arith.constant 0 : i32
    %swap3A_267 = arith.index_cast %swap3A_266 : i32 to index
    %swap3A_268 = arith.constant 0 : index
    %swap3A_269 = tpu.vector_load %arg9[%swap3A_267, %swap3A_268] {strides = array<i32>} : memref<2x128xi32, #tpu.memory_space<vmem>>, vector<1x16xi32>,
    %swap3A_270 = vector.shape_cast %swap3A_269 : vector<1x16xi32> to vector<16xi32>
    %swap3A_271 = vector.shape_cast %shift_right_logical3A_265 : vector<16xi32> to vector<1x16xi32>
    tpu.vector_store %arg9[%swap3A_267, %swap3A_268], %swap3A_271 {strides = array<i32>} : memref<2x128xi32, #tpu.memory_space<vmem>>, vector<1x16xi32>,
    %get3A_272 = arith.constant 0 : i32
    %get3A_273 = arith.index_cast %get3A_272 : i32 to index
    %get3A_274 = arith.constant 16 : index
    %get3A_275 = tpu.vector_load %arg7[%get3A_273, %get3A_274] {strides = array<i32>} : memref<80x128xi32, #tpu.memory_space<vmem>>, vector<1x16xi32>,
    %get3A_276 = vector.shape_cast %get3A_275 : vector<1x16xi32> to vector<16xi32>
    %and3A_277 = arith.andi %get3A_276, %broadcast_in_dim3A_250 : vector<16xi32>
    %swap3A_278 = arith.constant 0 : i32
    %swap3A_279 = arith.index_cast %swap3A_278 : i32 to index
    %swap3A_280 = arith.constant 16 : index
    %swap3A_281 = tpu.vector_load %arg8[%swap3A_279, %swap3A_280] {strides = array<i32>} : memref<2x128xi32, #tpu.memory_space<vmem>>, vector<1x16xi32>,
    %swap3A_282 = vector.shape_cast %swap3A_281 : vector<1x16xi32> to vector<16xi32>
    %swap3A_283 = vector.shape_cast %and3A_277 : vector<16xi32> to vector<1x16xi32>
    tpu.vector_store %arg8[%swap3A_279, %swap3A_280], %swap3A_283 {strides = array<i32>} : memref<2x128xi32, #tpu.memory_space<vmem>>, vector<1x16xi32>,
    %shift_right_logical3A_284 = arith.constant 16 : i32
    %shift_right_logical3A_285 = vector.broadcast %shift_right_logical3A_284 : i32 to vector<16xi32>
    %shift_right_logical3A_286 = arith.shrui %get3A_276, %shift_right_logical3A_285 : vector<16xi32>
    %swap3A_287 = arith.constant 0 : i32
    %swap3A_288 = arith.index_cast %swap3A_287 : i32 to index
    %swap3A_289 = arith.constant 16 : index
    %swap3A_290 = tpu.vector_load %arg9[%swap3A_288, %swap3A_289] {strides = array<i32>} : memref<2x128xi32, #tpu.memory_space<vmem>>, vector<1x16xi32>,
    %swap3A_291 = vector.shape_cast %swap3A_290 : vector<1x16xi32> to vector<16xi32>
    %swap3A_292 = vector.shape_cast %shift_right_logical3A_286 : vector<16xi32> to vector<1x16xi32>
    tpu.vector_store %arg9[%swap3A_288, %swap3A_289], %swap3A_292 {strides = array<i32>} : memref<2x128xi32, #tpu.memory_space<vmem>>, vector<1x16xi32>,
    %get3A_293 = arith.constant 0 : i32
    %get3A_294 = arith.index_cast %get3A_293 : i32 to index
    %get3A_295 = arith.constant 32 : index
    %get3A_296 = tpu.vector_load %arg7[%get3A_294, %get3A_295] {strides = array<i32>} : memref<80x128xi32, #tpu.memory_space<vmem>>, vector<1x16xi32>,
    %get3A_297 = vector.shape_cast %get3A_296 : vector<1x16xi32> to vector<16xi32>
    %and3A_298 = arith.andi %get3A_297, %broadcast_in_dim3A_250 : vector<16xi32>
    %swap3A_299 = arith.constant 0 : i32
    %swap3A_300 = arith.index_cast %swap3A_299 : i32 to index
    %swap3A_301 = arith.constant 32 : index
    %swap3A_302 = tpu.vector_load %arg8[%swap3A_300, %swap3A_301] {strides = array<i32>} : memref<2x128xi32, #tpu.memory_space<vmem>>, vector<1x16xi32>,
    %swap3A_303 = vector.shape_cast %swap3A_302 : vector<1x16xi32> to vector<16xi32>
    %swap3A_304 = vector.shape_cast %and3A_298 : vector<16xi32> to vector<1x16xi32>
    tpu.vector_store %arg8[%swap3A_300, %swap3A_301], %swap3A_304 {strides = array<i32>} : memref<2x128xi32, #tpu.memory_space<vmem>>, vector<1x16xi32>,
    %shift_right_logical3A_305 = arith.constant 16 : i32
    %shift_right_logical3A_306 = vector.broadcast %shift_right_logical3A_305 : i32 to vector<16xi32>
    %shift_right_logical3A_307 = arith.shrui %get3A_297, %shift_right_logical3A_306 : vector<16xi32>
    %swap3A_308 = arith.constant 0 : i32
    %swap3A_309 = arith.index_cast %swap3A_308 : i32 to index
    %swap3A_310 = arith.constant 32 : index
    %swap3A_311 = tpu.vector_load %arg9[%swap3A_309, %swap3A_310] {strides = array<i32>} : memref<2x128xi32, #tpu.memory_space<vmem>>, vector<1x16xi32>,
    %swap3A_312 = vector.shape_cast %swap3A_311 : vector<1x16xi32> to vector<16xi32>
    %swap3A_313 = vector.shape_cast %shift_right_logical3A_307 : vector<16xi32> to vector<1x16xi32>
    tpu.vector_store %arg9[%swap3A_309, %swap3A_310], %swap3A_313 {strides = array<i32>} : memref<2x128xi32, #tpu.memory_space<vmem>>, vector<1x16xi32>,
    %get3A_314 = arith.constant 0 : i32
    %get3A_315 = arith.index_cast %get3A_314 : i32 to index
    %get3A_316 = arith.constant 48 : index
    %get3A_317 = tpu.vector_load %arg7[%get3A_315, %get3A_316] {strides = array<i32>} : memref<80x128xi32, #tpu.memory_space<vmem>>, vector<1x16xi32>,
    %get3A_318 = vector.shape_cast %get3A_317 : vector<1x16xi32> to vector<16xi32>
    %and3A_319 = arith.andi %get3A_318, %broadcast_in_dim3A_250 : vector<16xi32>
    %swap3A_320 = arith.constant 0 : i32
    %swap3A_321 = arith.index_cast %swap3A_320 : i32 to index
    %swap3A_322 = arith.constant 48 : index
    %swap3A_323 = tpu.vector_load %arg8[%swap3A_321, %swap3A_322] {strides = array<i32>} : memref<2x128xi32, #tpu.memory_space<vmem>>, vector<1x16xi32>,
    %swap3A_324 = vector.shape_cast %swap3A_323 : vector<1x16xi32> to vector<16xi32>
    %swap3A_325 = vector.shape_cast %and3A_319 : vector<16xi32> to vector<1x16xi32>
    tpu.vector_store %arg8[%swap3A_321, %swap3A_322], %swap3A_325 {strides = array<i32>} : memref<2x128xi32, #tpu.memory_space<vmem>>, vector<1x16xi32>,
    %shift_right_logical3A_326 = arith.constant 16 : i32
    %shift_right_logical3A_327 = vector.broadcast %shift_right_logical3A_326 : i32 to vector<16xi32>
    %shift_right_logical3A_328 = arith.shrui %get3A_318, %shift_right_logical3A_327 : vector<16xi32>
    %swap3A_329 = arith.constant 0 : i32
    %swap3A_330 = arith.index_cast %swap3A_329 : i32 to index
    %swap3A_331 = arith.constant 48 : index
    %swap3A_332 = tpu.vector_load %arg9[%swap3A_330, %swap3A_331] {strides = array<i32>} : memref<2x128xi32, #tpu.memory_space<vmem>>, vector<1x16xi32>,
    %swap3A_333 = vector.shape_cast %swap3A_332 : vector<1x16xi32> to vector<16xi32>
    %swap3A_334 = vector.shape_cast %shift_right_logical3A_328 : vector<16xi32> to vector<1x16xi32>
    tpu.vector_store %arg9[%swap3A_330, %swap3A_331], %swap3A_334 {strides = array<i32>} : memref<2x128xi32, #tpu.memory_space<vmem>>, vector<1x16xi32>,
    %get3A_335 = arith.constant 0 : i32
    %get3A_336 = arith.index_cast %get3A_335 : i32 to index
    %get3A_337 = arith.constant 64 : index
    %get3A_338 = tpu.vector_load %arg7[%get3A_336, %get3A_337] {strides = array<i32>} : memref<80x128xi32, #tpu.memory_space<vmem>>, vector<1x16xi32>,
    %get3A_339 = vector.shape_cast %get3A_338 : vector<1x16xi32> to vector<16xi32>
    %and3A_340 = arith.andi %get3A_339, %broadcast_in_dim3A_250 : vector<16xi32>
    %swap3A_341 = arith.constant 0 : i32
    %swap3A_342 = arith.index_cast %swap3A_341 : i32 to index
    %swap3A_343 = arith.constant 64 : index
    %swap3A_344 = tpu.vector_load %arg8[%swap3A_342, %swap3A_343] {strides = array<i32>} : memref<2x128xi32, #tpu.memory_space<vmem>>, vector<1x16xi32>,
    %swap3A_345 = vector.shape_cast %swap3A_344 : vector<1x16xi32> to vector<16xi32>
    %swap3A_346 = vector.shape_cast %and3A_340 : vector<16xi32> to vector<1x16xi32>
    tpu.vector_store %arg8[%swap3A_342, %swap3A_343], %swap3A_346 {strides = array<i32>} : memref<2x128xi32, #tpu.memory_space<vmem>>, vector<1x16xi32>,
    %shift_right_logical3A_347 = arith.constant 16 : i32
    %shift_right_logical3A_348 = vector.broadcast %shift_right_logical3A_347 : i32 to vector<16xi32>
    %shift_right_logical3A_349 = arith.shrui %get3A_339, %shift_right_logical3A_348 : vector<16xi32>
    %swap3A_350 = arith.constant 0 : i32
    %swap3A_351 = arith.index_cast %swap3A_350 : i32 to index
    %swap3A_352 = arith.constant 64 : index
    %swap3A_353 = tpu.vector_load %arg9[%swap3A_351, %swap3A_352] {strides = array<i32>} : memref<2x128xi32, #tpu.memory_space<vmem>>, vector<1x16xi32>,
    %swap3A_354 = vector.shape_cast %swap3A_353 : vector<1x16xi32> to vector<16xi32>
    %swap3A_355 = vector.shape_cast %shift_right_logical3A_349 : vector<16xi32> to vector<1x16xi32>
    tpu.vector_store %arg9[%swap3A_351, %swap3A_352], %swap3A_355 {strides = array<i32>} : memref<2x128xi32, #tpu.memory_space<vmem>>, vector<1x16xi32>,
    %get3A_356 = arith.constant 0 : i32
    %get3A_357 = arith.index_cast %get3A_356 : i32 to index
    %get3A_358 = arith.constant 80 : index
    %get3A_359 = tpu.vector_load %arg7[%get3A_357, %get3A_358] {strides = array<i32>} : memref<80x128xi32, #tpu.memory_space<vmem>>, vector<1x16xi32>,
    %get3A_360 = vector.shape_cast %get3A_359 : vector<1x16xi32> to vector<16xi32>
    %and3A_361 = arith.andi %get3A_360, %broadcast_in_dim3A_250 : vector<16xi32>
    %swap3A_362 = arith.constant 0 : i32
    %swap3A_363 = arith.index_cast %swap3A_362 : i32 to index
    %swap3A_364 = arith.constant 80 : index
    %swap3A_365 = tpu.vector_load %arg8[%swap3A_363, %swap3A_364] {strides = array<i32>} : memref<2x128xi32, #tpu.memory_space<vmem>>, vector<1x16xi32>,
    %swap3A_366 = vector.shape_cast %swap3A_365 : vector<1x16xi32> to vector<16xi32>
    %swap3A_367 = vector.shape_cast %and3A_361 : vector<16xi32> to vector<1x16xi32>
    tpu.vector_store %arg8[%swap3A_363, %swap3A_364], %swap3A_367 {strides = array<i32>} : memref<2x128xi32, #tpu.memory_space<vmem>>, vector<1x16xi32>,
    %shift_right_logical3A_368 = arith.constant 16 : i32
    %shift_right_logical3A_369 = vector.broadcast %shift_right_logical3A_368 : i32 to vector<16xi32>
    %shift_right_logical3A_370 = arith.shrui %get3A_360, %shift_right_logical3A_369 : vector<16xi32>
    %swap3A_371 = arith.constant 0 : i32
    %swap3A_372 = arith.index_cast %swap3A_371 : i32 to index
    %swap3A_373 = arith.constant 80 : index
    %swap3A_374 = tpu.vector_load %arg9[%swap3A_372, %swap3A_373] {strides = array<i32>} : memref<2x128xi32, #tpu.memory_space<vmem>>, vector<1x16xi32>,
    %swap3A_375 = vector.shape_cast %swap3A_374 : vector<1x16xi32> to vector<16xi32>
    %swap3A_376 = vector.shape_cast %shift_right_logical3A_370 : vector<16xi32> to vector<1x16xi32>
    tpu.vector_store %arg9[%swap3A_372, %swap3A_373], %swap3A_376 {strides = array<i32>} : memref<2x128xi32, #tpu.memory_space<vmem>>, vector<1x16xi32>,
    %get3A_377 = arith.constant 0 : i32
    %get3A_378 = arith.index_cast %get3A_377 : i32 to index
    %get3A_379 = arith.constant 96 : index
    %get3A_380 = tpu.vector_load %arg7[%get3A_378, %get3A_379] {strides = array<i32>} : memref<80x128xi32, #tpu.memory_space<vmem>>, vector<1x16xi32>,
    %get3A_381 = vector.shape_cast %get3A_380 : vector<1x16xi32> to vector<16xi32>
    %and3A_382 = arith.andi %get3A_381, %broadcast_in_dim3A_250 : vector<16xi32>
    %swap3A_383 = arith.constant 0 : i32
    %swap3A_384 = arith.index_cast %swap3A_383 : i32 to index
    %swap3A_385 = arith.constant 96 : index
    %swap3A_386 = tpu.vector_load %arg8[%swap3A_384, %swap3A_385] {strides = array<i32>} : memref<2x128xi32, #tpu.memory_space<vmem>>, vector<1x16xi32>,
    %swap3A_387 = vector.shape_cast %swap3A_386 : vector<1x16xi32> to vector<16xi32>
    %swap3A_388 = vector.shape_cast %and3A_382 : vector<16xi32> to vector<1x16xi32>
    tpu.vector_store %arg8[%swap3A_384, %swap3A_385], %swap3A_388 {strides = array<i32>} : memref<2x128xi32, #tpu.memory_space<vmem>>, vector<1x16xi32>,
    %shift_right_logical3A_389 = arith.constant 16 : i32
    %shift_right_logical3A_390 = vector.broadcast %shift_right_logical3A_389 : i32 to vector<16xi32>
    %shift_right_logical3A_391 = arith.shrui %get3A_381, %shift_right_logical3A_390 : vector<16xi32>
    %swap3A_392 = arith.constant 0 : i32
    %swap3A_393 = arith.index_cast %swap3A_392 : i32 to index
    %swap3A_394 = arith.constant 96 : index
    %swap3A_395 = tpu.vector_load %arg9[%swap3A_393, %swap3A_394] {strides = array<i32>} : memref<2x128xi32, #tpu.memory_space<vmem>>, vector<1x16xi32>,
    %swap3A_396 = vector.shape_cast %swap3A_395 : vector<1x16xi32> to vector<16xi32>
    %swap3A_397 = vector.shape_cast %shift_right_logical3A_391 : vector<16xi32> to vector<1x16xi32>
    tpu.vector_store %arg9[%swap3A_393, %swap3A_394], %swap3A_397 {strides = array<i32>} : memref<2x128xi32, #tpu.memory_space<vmem>>, vector<1x16xi32>,
    %get3A_398 = arith.constant 0 : i32
    %get3A_399 = arith.index_cast %get3A_398 : i32 to index
    %get3A_400 = arith.constant 112 : index
    %get3A_401 = tpu.vector_load %arg7[%get3A_399, %get3A_400] {strides = array<i32>} : memref<80x128xi32, #tpu.memory_space<vmem>>, vector<1x16xi32>,
    %get3A_402 = vector.shape_cast %get3A_401 : vector<1x16xi32> to vector<16xi32>
    %and3A_403 = arith.andi %get3A_402, %broadcast_in_dim3A_250 : vector<16xi32>
    %swap3A_404 = arith.constant 0 : i32
    %swap3A_405 = arith.index_cast %swap3A_404 : i32 to index
    %swap3A_406 = arith.constant 112 : index
    %swap3A_407 = tpu.vector_load %arg8[%swap3A_405, %swap3A_406] {strides = array<i32>} : memref<2x128xi32, #tpu.memory_space<vmem>>, vector<1x16xi32>,
    %swap3A_408 = vector.shape_cast %swap3A_407 : vector<1x16xi32> to vector<16xi32>
    %swap3A_409 = vector.shape_cast %and3A_403 : vector<16xi32> to vector<1x16xi32>
    tpu.vector_store %arg8[%swap3A_405, %swap3A_406], %swap3A_409 {strides = array<i32>} : memref<2x128xi32, #tpu.memory_space<vmem>>, vector<1x16xi32>,
    %shift_right_logical3A_410 = arith.constant 16 : i32
    %shift_right_logical3A_411 = vector.broadcast %shift_right_logical3A_410 : i32 to vector<16xi32>
    %shift_right_logical3A_412 = arith.shrui %get3A_402, %shift_right_logical3A_411 : vector<16xi32>
    %swap3A_413 = arith.constant 0 : i32
    %swap3A_414 = arith.index_cast %swap3A_413 : i32 to index
    %swap3A_415 = arith.constant 112 : index
    %swap3A_416 = tpu.vector_load %arg9[%swap3A_414, %swap3A_415] {strides = array<i32>} : memref<2x128xi32, #tpu.memory_space<vmem>>, vector<1x16xi32>,
    %swap3A_417 = vector.shape_cast %swap3A_416 : vector<1x16xi32> to vector<16xi32>
    %swap3A_418 = vector.shape_cast %shift_right_logical3A_412 : vector<16xi32> to vector<1x16xi32>
    tpu.vector_store %arg9[%swap3A_414, %swap3A_415], %swap3A_418 {strides = array<i32>} : memref<2x128xi32, #tpu.memory_space<vmem>>, vector<1x16xi32>,
    %dma_start3A_419 = arith.constant 0 : i32
    %dma_start3A_420 = arith.constant 0 : i32
    %dma_start3A_421 = tpu.memref_slice %arg8[%dma_start3A_419, %dma_start3A_420] : memref<2x128xi32, #tpu.memory_space<vmem>> -> memref<1x128xi32, #tpu.memory_space<vmem>>
    %dma_start3A_422 = tpu.memref_squeeze %dma_start3A_421 : memref<1x128xi32, #tpu.memory_space<vmem>> -> memref<128xi32, #tpu.memory_space<vmem>>
    %dma_start3A_423 = arith.constant 0 : i32
    %dma_start3A_424 = arith.constant 0 : i32
    %dma_start3A_425 = tpu.memref_slice %arg3[%dma_start3A_423, %dma_start3A_424] : memref<10000x128xf32, #tpu.memory_space<hbm>> -> memref<10000x128xf32, #tpu.memory_space<hbm>>
    tpu.enqueue_indirect_dma source(%dma_start3A_425 : memref<10000x128xf32, #tpu.memory_space<hbm>>) target(%arg12 : memref<128x128xf32, #tpu.memory_space<vmem>>) offsets(%dma_start3A_422 : memref<128xi32, #tpu.memory_space<vmem>>) semaphore(%arg15 : memref<!tpu.dma_semaphore, #tpu.memory_space<semaphore_mem>>)
    %scan3A_426 = arith.constant 0 : i32
    %scan3A_427 = arith.constant 0 : i32
    %scan3A_428 = arith.constant 40 : i32
    %scan3A_429 = arith.addi %scan3A_427, %scan3A_428 : i32
    %scan3A_430 = arith.constant 1 : i32
    %scan3A_431 = scf.for %scan3A_445 = %scan3A_427 to %scan3A_429 step %scan3A_430 iter_args(%scan3A_446 = %scan3A_426) -> (i32)  : i32 {
      %mul3A_447 = arith.constant 2 : i32
      %mul3A_448 = arith.muli %mul3A_447, %scan3A_445 : i32
      %add3A_449 = arith.constant 0 : i32
      %add3A_450 = arith.addi %mul3A_448, %add3A_449 : i32
      %dma_wait3A_451 = arith.constant 0 : i32
      %dma_wait3A_452 = arith.constant 0 : i32
      %dma_wait3A_453 = tpu.memref_slice %arg8[%dma_wait3A_451, %dma_wait3A_452] : memref<2x128xi32, #tpu.memory_space<vmem>> -> memref<1x128xi32, #tpu.memory_space<vmem>>
      %dma_wait3A_454 = tpu.memref_squeeze %dma_wait3A_453 : memref<1x128xi32, #tpu.memory_space<vmem>> -> memref<128xi32, #tpu.memory_space<vmem>>
      %dma_wait3A_455 = arith.constant 0 : i32
      %dma_wait3A_456 = arith.constant 0 : i32
      %dma_wait3A_457 = tpu.memref_slice %arg3[%dma_wait3A_455, %dma_wait3A_456] : memref<10000x128xf32, #tpu.memory_space<hbm>> -> memref<10000x128xf32, #tpu.memory_space<hbm>>
      tpu.wait_indirect_dma semaphore(%arg15 : memref<!tpu.dma_semaphore, #tpu.memory_space<semaphore_mem>>) src(%dma_wait3A_457 : memref<10000x128xf32, #tpu.memory_space<hbm>>) dst(%arg12 : memref<128x128xf32, #tpu.memory_space<vmem>>)
      %ge3A = arith.constant 1 : i32
      %ge3A_458 = arith.cmpi sge, %add3A_450, %ge3A : i32
      %convert_element_type3A = arith.extui %ge3A_458 : i1 to i32
      %cond3A = arith.constant 0 : i32
      %cond3A_459 = arith.cmpi ne, %convert_element_type3A, %cond3A : i32
      scf.if %cond3A_459 {
        %dma_wait3A_504 = arith.constant 1 : i32
        %dma_wait3A_505 = arith.constant 0 : i32
        %dma_wait3A_506 = tpu.memref_slice %arg9[%dma_wait3A_504, %dma_wait3A_505] : memref<2x128xi32, #tpu.memory_space<vmem>> -> memref<1x128xi32, #tpu.memory_space<vmem>>
        %dma_wait3A_507 = tpu.memref_squeeze %dma_wait3A_506 : memref<1x128xi32, #tpu.memory_space<vmem>> -> memref<128xi32, #tpu.memory_space<vmem>>
        %dma_wait3A_508 = arith.constant 0 : i32
        %dma_wait3A_509 = arith.constant 0 : i32
        %dma_wait3A_510 = tpu.memref_slice %arg14[%dma_wait3A_508, %dma_wait3A_509] : memref<10240x128xf32, #tpu.memory_space<vmem_shared>> -> memref<10240x128xf32, #tpu.memory_space<vmem_shared>>
        tpu.wait_indirect_dma semaphore(%arg16 : memref<!tpu.dma_semaphore, #tpu.memory_space<semaphore_mem>>) src(%arg13 : memref<128x128xf32, #tpu.memory_space<vmem>>) dst(%dma_wait3A_510 : memref<10240x128xf32, #tpu.memory_space<vmem_shared>>)
      } else {
      }
      %dma_start3A_460 = arith.constant 0 : i32
      %dma_start3A_461 = arith.constant 0 : i32
      %dma_start3A_462 = tpu.memref_slice %arg9[%dma_start3A_460, %dma_start3A_461] : memref<2x128xi32, #tpu.memory_space<vmem>> -> memref<1x128xi32, #tpu.memory_space<vmem>>
      %dma_start3A_463 = tpu.memref_squeeze %dma_start3A_462 : memref<1x128xi32, #tpu.memory_space<vmem>> -> memref<128xi32, #tpu.memory_space<vmem>>
      %dma_start3A_464 = arith.constant 0 : i32
      %dma_start3A_465 = arith.constant 0 : i32
      %dma_start3A_466 = tpu.memref_slice %arg14[%dma_start3A_464, %dma_start3A_465] : memref<10240x128xf32, #tpu.memory_space<vmem_shared>> -> memref<10240x128xf32, #tpu.memory_space<vmem_shared>>
      tpu.enqueue_indirect_dma source(%arg12 : memref<128x128xf32, #tpu.memory_space<vmem>>) target(%dma_start3A_466 : memref<10240x128xf32, #tpu.memory_space<vmem_shared>>) offsets(%dma_start3A_463 : memref<128xi32, #tpu.memory_space<vmem>>) semaphore(%arg16 : memref<!tpu.dma_semaphore, #tpu.memory_space<semaphore_mem>>) {add = true}
      %add3A_467 = arith.constant 1 : i32
      %add3A_468 = arith.addi %add3A_450, %add3A_467 : i32
      %lt3A = arith.constant 80 : i32
      %lt3A_469 = arith.cmpi slt, %add3A_468, %lt3A : i32
      %convert_element_type3A_470 = arith.extui %lt3A_469 : i1 to i32
      %cond3A_471 = arith.constant 0 : i32
      %cond3A_472 = arith.cmpi ne, %convert_element_type3A_470, %cond3A_471 : i32
      scf.if %cond3A_472 {
        %add3A_504 = arith.constant 1 : i32
        %add3A_505 = arith.addi %add3A_450, %add3A_504 : i32
        %broadcast_in_dim3A_506 = arith.constant 65535 : i32
        %broadcast_in_dim3A_507 = vector.broadcast %broadcast_in_dim3A_506 : i32 to vector<16xi32>
        %get3A_508 = arith.index_cast %add3A_505 : i32 to index
        %get3A_509 = arith.constant 0 : index
        %get3A_510 = tpu.vector_load %arg7[%get3A_508, %get3A_509] {strides = array<i32>} : memref<80x128xi32, #tpu.memory_space<vmem>>, vector<1x16xi32>,
        %get3A_511 = vector.shape_cast %get3A_510 : vector<1x16xi32> to vector<16xi32>
        %and3A_512 = arith.andi %get3A_511, %broadcast_in_dim3A_507 : vector<16xi32>
        %swap3A_513 = arith.constant 1 : i32
        %swap3A_514 = arith.index_cast %swap3A_513 : i32 to index
        %swap3A_515 = arith.constant 0 : index
        %swap3A_516 = tpu.vector_load %arg8[%swap3A_514, %swap3A_515] {strides = array<i32>} : memref<2x128xi32, #tpu.memory_space<vmem>>, vector<1x16xi32>,
        %swap3A_517 = vector.shape_cast %swap3A_516 : vector<1x16xi32> to vector<16xi32>
        %swap3A_518 = vector.shape_cast %and3A_512 : vector<16xi32> to vector<1x16xi32>
        tpu.vector_store %arg8[%swap3A_514, %swap3A_515], %swap3A_518 {strides = array<i32>} : memref<2x128xi32, #tpu.memory_space<vmem>>, vector<1x16xi32>,
        %shift_right_logical3A_519 = arith.constant 16 : i32
        %shift_right_logical3A_520 = vector.broadcast %shift_right_logical3A_519 : i32 to vector<16xi32>
        %shift_right_logical3A_521 = arith.shrui %get3A_511, %shift_right_logical3A_520 : vector<16xi32>
        %swap3A_522 = arith.constant 1 : i32
        %swap3A_523 = arith.index_cast %swap3A_522 : i32 to index
        %swap3A_524 = arith.constant 0 : index
        %swap3A_525 = tpu.vector_load %arg9[%swap3A_523, %swap3A_524] {strides = array<i32>} : memref<2x128xi32, #tpu.memory_space<vmem>>, vector<1x16xi32>,
        %swap3A_526 = vector.shape_cast %swap3A_525 : vector<1x16xi32> to vector<16xi32>
        %swap3A_527 = vector.shape_cast %shift_right_logical3A_521 : vector<16xi32> to vector<1x16xi32>
        tpu.vector_store %arg9[%swap3A_523, %swap3A_524], %swap3A_527 {strides = array<i32>} : memref<2x128xi32, #tpu.memory_space<vmem>>, vector<1x16xi32>,
        %get3A_528 = arith.index_cast %add3A_505 : i32 to index
        %get3A_529 = arith.constant 16 : index
        %get3A_530 = tpu.vector_load %arg7[%get3A_528, %get3A_529] {strides = array<i32>} : memref<80x128xi32, #tpu.memory_space<vmem>>, vector<1x16xi32>,
        %get3A_531 = vector.shape_cast %get3A_530 : vector<1x16xi32> to vector<16xi32>
        %and3A_532 = arith.andi %get3A_531, %broadcast_in_dim3A_507 : vector<16xi32>
        %swap3A_533 = arith.constant 1 : i32
        %swap3A_534 = arith.index_cast %swap3A_533 : i32 to index
        %swap3A_535 = arith.constant 16 : index
        %swap3A_536 = tpu.vector_load %arg8[%swap3A_534, %swap3A_535] {strides = array<i32>} : memref<2x128xi32, #tpu.memory_space<vmem>>, vector<1x16xi32>,
        %swap3A_537 = vector.shape_cast %swap3A_536 : vector<1x16xi32> to vector<16xi32>
        %swap3A_538 = vector.shape_cast %and3A_532 : vector<16xi32> to vector<1x16xi32>
        tpu.vector_store %arg8[%swap3A_534, %swap3A_535], %swap3A_538 {strides = array<i32>} : memref<2x128xi32, #tpu.memory_space<vmem>>, vector<1x16xi32>,
        %shift_right_logical3A_539 = arith.constant 16 : i32
        %shift_right_logical3A_540 = vector.broadcast %shift_right_logical3A_539 : i32 to vector<16xi32>
        %shift_right_logical3A_541 = arith.shrui %get3A_531, %shift_right_logical3A_540 : vector<16xi32>
        %swap3A_542 = arith.constant 1 : i32
        %swap3A_543 = arith.index_cast %swap3A_542 : i32 to index
        %swap3A_544 = arith.constant 16 : index
        %swap3A_545 = tpu.vector_load %arg9[%swap3A_543, %swap3A_544] {strides = array<i32>} : memref<2x128xi32, #tpu.memory_space<vmem>>, vector<1x16xi32>,
        %swap3A_546 = vector.shape_cast %swap3A_545 : vector<1x16xi32> to vector<16xi32>
        %swap3A_547 = vector.shape_cast %shift_right_logical3A_541 : vector<16xi32> to vector<1x16xi32>
        tpu.vector_store %arg9[%swap3A_543, %swap3A_544], %swap3A_547 {strides = array<i32>} : memref<2x128xi32, #tpu.memory_space<vmem>>, vector<1x16xi32>,
        %get3A_548 = arith.index_cast %add3A_505 : i32 to index
        %get3A_549 = arith.constant 32 : index
        %get3A_550 = tpu.vector_load %arg7[%get3A_548, %get3A_549] {strides = array<i32>} : memref<80x128xi32, #tpu.memory_space<vmem>>, vector<1x16xi32>,
        %get3A_551 = vector.shape_cast %get3A_550 : vector<1x16xi32> to vector<16xi32>
        %and3A_552 = arith.andi %get3A_551, %broadcast_in_dim3A_507 : vector<16xi32>
        %swap3A_553 = arith.constant 1 : i32
        %swap3A_554 = arith.index_cast %swap3A_553 : i32 to index
        %swap3A_555 = arith.constant 32 : index
        %swap3A_556 = tpu.vector_load %arg8[%swap3A_554, %swap3A_555] {strides = array<i32>} : memref<2x128xi32, #tpu.memory_space<vmem>>, vector<1x16xi32>,
        %swap3A_557 = vector.shape_cast %swap3A_556 : vector<1x16xi32> to vector<16xi32>
        %swap3A_558 = vector.shape_cast %and3A_552 : vector<16xi32> to vector<1x16xi32>
        tpu.vector_store %arg8[%swap3A_554, %swap3A_555], %swap3A_558 {strides = array<i32>} : memref<2x128xi32, #tpu.memory_space<vmem>>, vector<1x16xi32>,
        %shift_right_logical3A_559 = arith.constant 16 : i32
        %shift_right_logical3A_560 = vector.broadcast %shift_right_logical3A_559 : i32 to vector<16xi32>
        %shift_right_logical3A_561 = arith.shrui %get3A_551, %shift_right_logical3A_560 : vector<16xi32>
        %swap3A_562 = arith.constant 1 : i32
        %swap3A_563 = arith.index_cast %swap3A_562 : i32 to index
        %swap3A_564 = arith.constant 32 : index
        %swap3A_565 = tpu.vector_load %arg9[%swap3A_563, %swap3A_564] {strides = array<i32>} : memref<2x128xi32, #tpu.memory_space<vmem>>, vector<1x16xi32>,
        %swap3A_566 = vector.shape_cast %swap3A_565 : vector<1x16xi32> to vector<16xi32>
        %swap3A_567 = vector.shape_cast %shift_right_logical3A_561 : vector<16xi32> to vector<1x16xi32>
        tpu.vector_store %arg9[%swap3A_563, %swap3A_564], %swap3A_567 {strides = array<i32>} : memref<2x128xi32, #tpu.memory_space<vmem>>, vector<1x16xi32>,
        %get3A_568 = arith.index_cast %add3A_505 : i32 to index
        %get3A_569 = arith.constant 48 : index
        %get3A_570 = tpu.vector_load %arg7[%get3A_568, %get3A_569] {strides = array<i32>} : memref<80x128xi32, #tpu.memory_space<vmem>>, vector<1x16xi32>,
        %get3A_571 = vector.shape_cast %get3A_570 : vector<1x16xi32> to vector<16xi32>
        %and3A_572 = arith.andi %get3A_571, %broadcast_in_dim3A_507 : vector<16xi32>
        %swap3A_573 = arith.constant 1 : i32
        %swap3A_574 = arith.index_cast %swap3A_573 : i32 to index
        %swap3A_575 = arith.constant 48 : index
        %swap3A_576 = tpu.vector_load %arg8[%swap3A_574, %swap3A_575] {strides = array<i32>} : memref<2x128xi32, #tpu.memory_space<vmem>>, vector<1x16xi32>,
        %swap3A_577 = vector.shape_cast %swap3A_576 : vector<1x16xi32> to vector<16xi32>
        %swap3A_578 = vector.shape_cast %and3A_572 : vector<16xi32> to vector<1x16xi32>
        tpu.vector_store %arg8[%swap3A_574, %swap3A_575], %swap3A_578 {strides = array<i32>} : memref<2x128xi32, #tpu.memory_space<vmem>>, vector<1x16xi32>,
        %shift_right_logical3A_579 = arith.constant 16 : i32
        %shift_right_logical3A_580 = vector.broadcast %shift_right_logical3A_579 : i32 to vector<16xi32>
        %shift_right_logical3A_581 = arith.shrui %get3A_571, %shift_right_logical3A_580 : vector<16xi32>
        %swap3A_582 = arith.constant 1 : i32
        %swap3A_583 = arith.index_cast %swap3A_582 : i32 to index
        %swap3A_584 = arith.constant 48 : index
        %swap3A_585 = tpu.vector_load %arg9[%swap3A_583, %swap3A_584] {strides = array<i32>} : memref<2x128xi32, #tpu.memory_space<vmem>>, vector<1x16xi32>,
        %swap3A_586 = vector.shape_cast %swap3A_585 : vector<1x16xi32> to vector<16xi32>
        %swap3A_587 = vector.shape_cast %shift_right_logical3A_581 : vector<16xi32> to vector<1x16xi32>
        tpu.vector_store %arg9[%swap3A_583, %swap3A_584], %swap3A_587 {strides = array<i32>} : memref<2x128xi32, #tpu.memory_space<vmem>>, vector<1x16xi32>,
        %get3A_588 = arith.index_cast %add3A_505 : i32 to index
        %get3A_589 = arith.constant 64 : index
        %get3A_590 = tpu.vector_load %arg7[%get3A_588, %get3A_589] {strides = array<i32>} : memref<80x128xi32, #tpu.memory_space<vmem>>, vector<1x16xi32>,
        %get3A_591 = vector.shape_cast %get3A_590 : vector<1x16xi32> to vector<16xi32>
        %and3A_592 = arith.andi %get3A_591, %broadcast_in_dim3A_507 : vector<16xi32>
        %swap3A_593 = arith.constant 1 : i32
        %swap3A_594 = arith.index_cast %swap3A_593 : i32 to index
        %swap3A_595 = arith.constant 64 : index
        %swap3A_596 = tpu.vector_load %arg8[%swap3A_594, %swap3A_595] {strides = array<i32>} : memref<2x128xi32, #tpu.memory_space<vmem>>, vector<1x16xi32>,
        %swap3A_597 = vector.shape_cast %swap3A_596 : vector<1x16xi32> to vector<16xi32>
        %swap3A_598 = vector.shape_cast %and3A_592 : vector<16xi32> to vector<1x16xi32>
        tpu.vector_store %arg8[%swap3A_594, %swap3A_595], %swap3A_598 {strides = array<i32>} : memref<2x128xi32, #tpu.memory_space<vmem>>, vector<1x16xi32>,
        %shift_right_logical3A_599 = arith.constant 16 : i32
        %shift_right_logical3A_600 = vector.broadcast %shift_right_logical3A_599 : i32 to vector<16xi32>
        %shift_right_logical3A_601 = arith.shrui %get3A_591, %shift_right_logical3A_600 : vector<16xi32>
        %swap3A_602 = arith.constant 1 : i32
        %swap3A_603 = arith.index_cast %swap3A_602 : i32 to index
        %swap3A_604 = arith.constant 64 : index
        %swap3A_605 = tpu.vector_load %arg9[%swap3A_603, %swap3A_604] {strides = array<i32>} : memref<2x128xi32, #tpu.memory_space<vmem>>, vector<1x16xi32>,
        %swap3A_606 = vector.shape_cast %swap3A_605 : vector<1x16xi32> to vector<16xi32>
        %swap3A_607 = vector.shape_cast %shift_right_logical3A_601 : vector<16xi32> to vector<1x16xi32>
        tpu.vector_store %arg9[%swap3A_603, %swap3A_604], %swap3A_607 {strides = array<i32>} : memref<2x128xi32, #tpu.memory_space<vmem>>, vector<1x16xi32>,
        %get3A_608 = arith.index_cast %add3A_505 : i32 to index
        %get3A_609 = arith.constant 80 : index
        %get3A_610 = tpu.vector_load %arg7[%get3A_608, %get3A_609] {strides = array<i32>} : memref<80x128xi32, #tpu.memory_space<vmem>>, vector<1x16xi32>,
        %get3A_611 = vector.shape_cast %get3A_610 : vector<1x16xi32> to vector<16xi32>
        %and3A_612 = arith.andi %get3A_611, %broadcast_in_dim3A_507 : vector<16xi32>
        %swap3A_613 = arith.constant 1 : i32
        %swap3A_614 = arith.index_cast %swap3A_613 : i32 to index
        %swap3A_615 = arith.constant 80 : index
        %swap3A_616 = tpu.vector_load %arg8[%swap3A_614, %swap3A_615] {strides = array<i32>} : memref<2x128xi32, #tpu.memory_space<vmem>>, vector<1x16xi32>,
        %swap3A_617 = vector.shape_cast %swap3A_616 : vector<1x16xi32> to vector<16xi32>
        %swap3A_618 = vector.shape_cast %and3A_612 : vector<16xi32> to vector<1x16xi32>
        tpu.vector_store %arg8[%swap3A_614, %swap3A_615], %swap3A_618 {strides = array<i32>} : memref<2x128xi32, #tpu.memory_space<vmem>>, vector<1x16xi32>,
        %shift_right_logical3A_619 = arith.constant 16 : i32
        %shift_right_logical3A_620 = vector.broadcast %shift_right_logical3A_619 : i32 to vector<16xi32>
        %shift_right_logical3A_621 = arith.shrui %get3A_611, %shift_right_logical3A_620 : vector<16xi32>
        %swap3A_622 = arith.constant 1 : i32
        %swap3A_623 = arith.index_cast %swap3A_622 : i32 to index
        %swap3A_624 = arith.constant 80 : index
        %swap3A_625 = tpu.vector_load %arg9[%swap3A_623, %swap3A_624] {strides = array<i32>} : memref<2x128xi32, #tpu.memory_space<vmem>>, vector<1x16xi32>,
        %swap3A_626 = vector.shape_cast %swap3A_625 : vector<1x16xi32> to vector<16xi32>
        %swap3A_627 = vector.shape_cast %shift_right_logical3A_621 : vector<16xi32> to vector<1x16xi32>
        tpu.vector_store %arg9[%swap3A_623, %swap3A_624], %swap3A_627 {strides = array<i32>} : memref<2x128xi32, #tpu.memory_space<vmem>>, vector<1x16xi32>,
        %get3A_628 = arith.index_cast %add3A_505 : i32 to index
        %get3A_629 = arith.constant 96 : index
        %get3A_630 = tpu.vector_load %arg7[%get3A_628, %get3A_629] {strides = array<i32>} : memref<80x128xi32, #tpu.memory_space<vmem>>, vector<1x16xi32>,
        %get3A_631 = vector.shape_cast %get3A_630 : vector<1x16xi32> to vector<16xi32>
        %and3A_632 = arith.andi %get3A_631, %broadcast_in_dim3A_507 : vector<16xi32>
        %swap3A_633 = arith.constant 1 : i32
        %swap3A_634 = arith.index_cast %swap3A_633 : i32 to index
        %swap3A_635 = arith.constant 96 : index
        %swap3A_636 = tpu.vector_load %arg8[%swap3A_634, %swap3A_635] {strides = array<i32>} : memref<2x128xi32, #tpu.memory_space<vmem>>, vector<1x16xi32>,
        %swap3A_637 = vector.shape_cast %swap3A_636 : vector<1x16xi32> to vector<16xi32>
        %swap3A_638 = vector.shape_cast %and3A_632 : vector<16xi32> to vector<1x16xi32>
        tpu.vector_store %arg8[%swap3A_634, %swap3A_635], %swap3A_638 {strides = array<i32>} : memref<2x128xi32, #tpu.memory_space<vmem>>, vector<1x16xi32>,
        %shift_right_logical3A_639 = arith.constant 16 : i32
        %shift_right_logical3A_640 = vector.broadcast %shift_right_logical3A_639 : i32 to vector<16xi32>
        %shift_right_logical3A_641 = arith.shrui %get3A_631, %shift_right_logical3A_640 : vector<16xi32>
        %swap3A_642 = arith.constant 1 : i32
        %swap3A_643 = arith.index_cast %swap3A_642 : i32 to index
        %swap3A_644 = arith.constant 96 : index
        %swap3A_645 = tpu.vector_load %arg9[%swap3A_643, %swap3A_644] {strides = array<i32>} : memref<2x128xi32, #tpu.memory_space<vmem>>, vector<1x16xi32>,
        %swap3A_646 = vector.shape_cast %swap3A_645 : vector<1x16xi32> to vector<16xi32>
        %swap3A_647 = vector.shape_cast %shift_right_logical3A_641 : vector<16xi32> to vector<1x16xi32>
        tpu.vector_store %arg9[%swap3A_643, %swap3A_644], %swap3A_647 {strides = array<i32>} : memref<2x128xi32, #tpu.memory_space<vmem>>, vector<1x16xi32>,
        %get3A_648 = arith.index_cast %add3A_505 : i32 to index
        %get3A_649 = arith.constant 112 : index
        %get3A_650 = tpu.vector_load %arg7[%get3A_648, %get3A_649] {strides = array<i32>} : memref<80x128xi32, #tpu.memory_space<vmem>>, vector<1x16xi32>,
        %get3A_651 = vector.shape_cast %get3A_650 : vector<1x16xi32> to vector<16xi32>
        %and3A_652 = arith.andi %get3A_651, %broadcast_in_dim3A_507 : vector<16xi32>
        %swap3A_653 = arith.constant 1 : i32
        %swap3A_654 = arith.index_cast %swap3A_653 : i32 to index
        %swap3A_655 = arith.constant 112 : index
        %swap3A_656 = tpu.vector_load %arg8[%swap3A_654, %swap3A_655] {strides = array<i32>} : memref<2x128xi32, #tpu.memory_space<vmem>>, vector<1x16xi32>,
        %swap3A_657 = vector.shape_cast %swap3A_656 : vector<1x16xi32> to vector<16xi32>
        %swap3A_658 = vector.shape_cast %and3A_652 : vector<16xi32> to vector<1x16xi32>
        tpu.vector_store %arg8[%swap3A_654, %swap3A_655], %swap3A_658 {strides = array<i32>} : memref<2x128xi32, #tpu.memory_space<vmem>>, vector<1x16xi32>,
        %shift_right_logical3A_659 = arith.constant 16 : i32
        %shift_right_logical3A_660 = vector.broadcast %shift_right_logical3A_659 : i32 to vector<16xi32>
        %shift_right_logical3A_661 = arith.shrui %get3A_651, %shift_right_logical3A_660 : vector<16xi32>
        %swap3A_662 = arith.constant 1 : i32
        %swap3A_663 = arith.index_cast %swap3A_662 : i32 to index
        %swap3A_664 = arith.constant 112 : index
        %swap3A_665 = tpu.vector_load %arg9[%swap3A_663, %swap3A_664] {strides = array<i32>} : memref<2x128xi32, #tpu.memory_space<vmem>>, vector<1x16xi32>,
        %swap3A_666 = vector.shape_cast %swap3A_665 : vector<1x16xi32> to vector<16xi32>
        %swap3A_667 = vector.shape_cast %shift_right_logical3A_661 : vector<16xi32> to vector<1x16xi32>
        tpu.vector_store %arg9[%swap3A_663, %swap3A_664], %swap3A_667 {strides = array<i32>} : memref<2x128xi32, #tpu.memory_space<vmem>>, vector<1x16xi32>,
        %dma_start3A_668 = arith.constant 1 : i32
        %dma_start3A_669 = arith.constant 0 : i32
        %dma_start3A_670 = tpu.memref_slice %arg8[%dma_start3A_668, %dma_start3A_669] : memref<2x128xi32, #tpu.memory_space<vmem>> -> memref<1x128xi32, #tpu.memory_space<vmem>>
        %dma_start3A_671 = tpu.memref_squeeze %dma_start3A_670 : memref<1x128xi32, #tpu.memory_space<vmem>> -> memref<128xi32, #tpu.memory_space<vmem>>
        %dma_start3A_672 = arith.constant 0 : i32
        %dma_start3A_673 = arith.constant 0 : i32
        %dma_start3A_674 = tpu.memref_slice %arg3[%dma_start3A_672, %dma_start3A_673] : memref<10000x128xf32, #tpu.memory_space<hbm>> -> memref<10000x128xf32, #tpu.memory_space<hbm>>
        tpu.enqueue_indirect_dma source(%dma_start3A_674 : memref<10000x128xf32, #tpu.memory_space<hbm>>) target(%arg13 : memref<128x128xf32, #tpu.memory_space<vmem>>) offsets(%dma_start3A_671 : memref<128xi32, #tpu.memory_space<vmem>>) semaphore(%arg15 : memref<!tpu.dma_semaphore, #tpu.memory_space<semaphore_mem>>)
      } else {
      }
      %mul3A_473 = arith.constant 2 : i32
      %mul3A_474 = arith.muli %mul3A_473, %scan3A_445 : i32
      %add3A_475 = arith.constant 1 : i32
      %add3A_476 = arith.addi %mul3A_474, %add3A_475 : i32
      %dma_wait3A_477 = arith.constant 1 : i32
      %dma_wait3A_478 = arith.constant 0 : i32
      %dma_wait3A_479 = tpu.memref_slice %arg8[%dma_wait3A_477, %dma_wait3A_478] : memref<2x128xi32, #tpu.memory_space<vmem>> -> memref<1x128xi32, #tpu.memory_space<vmem>>
      %dma_wait3A_480 = tpu.memref_squeeze %dma_wait3A_479 : memref<1x128xi32, #tpu.memory_space<vmem>> -> memref<128xi32, #tpu.memory_space<vmem>>
      %dma_wait3A_481 = arith.constant 0 : i32
      %dma_wait3A_482 = arith.constant 0 : i32
      %dma_wait3A_483 = tpu.memref_slice %arg3[%dma_wait3A_481, %dma_wait3A_482] : memref<10000x128xf32, #tpu.memory_space<hbm>> -> memref<10000x128xf32, #tpu.memory_space<hbm>>
      tpu.wait_indirect_dma semaphore(%arg15 : memref<!tpu.dma_semaphore, #tpu.memory_space<semaphore_mem>>) src(%dma_wait3A_483 : memref<10000x128xf32, #tpu.memory_space<hbm>>) dst(%arg13 : memref<128x128xf32, #tpu.memory_space<vmem>>)
      %ge3A_484 = arith.constant 1 : i32
      %ge3A_485 = arith.cmpi sge, %add3A_476, %ge3A_484 : i32
      %convert_element_type3A_486 = arith.extui %ge3A_485 : i1 to i32
      %cond3A_487 = arith.constant 0 : i32
      %cond3A_488 = arith.cmpi ne, %convert_element_type3A_486, %cond3A_487 : i32
      scf.if %cond3A_488 {
        %dma_wait3A_504 = arith.constant 0 : i32
        %dma_wait3A_505 = arith.constant 0 : i32
        %dma_wait3A_506 = tpu.memref_slice %arg9[%dma_wait3A_504, %dma_wait3A_505] : memref<2x128xi32, #tpu.memory_space<vmem>> -> memref<1x128xi32, #tpu.memory_space<vmem>>
        %dma_wait3A_507 = tpu.memref_squeeze %dma_wait3A_506 : memref<1x128xi32, #tpu.memory_space<vmem>> -> memref<128xi32, #tpu.memory_space<vmem>>
        %dma_wait3A_508 = arith.constant 0 : i32
        %dma_wait3A_509 = arith.constant 0 : i32
        %dma_wait3A_510 = tpu.memref_slice %arg14[%dma_wait3A_508, %dma_wait3A_509] : memref<10240x128xf32, #tpu.memory_space<vmem_shared>> -> memref<10240x128xf32, #tpu.memory_space<vmem_shared>>
        tpu.wait_indirect_dma semaphore(%arg16 : memref<!tpu.dma_semaphore, #tpu.memory_space<semaphore_mem>>) src(%arg12 : memref<128x128xf32, #tpu.memory_space<vmem>>) dst(%dma_wait3A_510 : memref<10240x128xf32, #tpu.memory_space<vmem_shared>>)
      } else {
      }
      %dma_start3A_489 = arith.constant 1 : i32
      %dma_start3A_490 = arith.constant 0 : i32
      %dma_start3A_491 = tpu.memref_slice %arg9[%dma_start3A_489, %dma_start3A_490] : memref<2x128xi32, #tpu.memory_space<vmem>> -> memref<1x128xi32, #tpu.memory_space<vmem>>
      %dma_start3A_492 = tpu.memref_squeeze %dma_start3A_491 : memref<1x128xi32, #tpu.memory_space<vmem>> -> memref<128xi32, #tpu.memory_space<vmem>>
      %dma_start3A_493 = arith.constant 0 : i32
      %dma_start3A_494 = arith.constant 0 : i32
      %dma_start3A_495 = tpu.memref_slice %arg14[%dma_start3A_493, %dma_start3A_494] : memref<10240x128xf32, #tpu.memory_space<vmem_shared>> -> memref<10240x128xf32, #tpu.memory_space<vmem_shared>>
      tpu.enqueue_indirect_dma source(%arg13 : memref<128x128xf32, #tpu.memory_space<vmem>>) target(%dma_start3A_495 : memref<10240x128xf32, #tpu.memory_space<vmem_shared>>) offsets(%dma_start3A_492 : memref<128xi32, #tpu.memory_space<vmem>>) semaphore(%arg16 : memref<!tpu.dma_semaphore, #tpu.memory_space<semaphore_mem>>) {add = true}
      %add3A_496 = arith.constant 1 : i32
      %add3A_497 = arith.addi %add3A_476, %add3A_496 : i32
      %lt3A_498 = arith.constant 80 : i32
      %lt3A_499 = arith.cmpi slt, %add3A_497, %lt3A_498 : i32
      %convert_element_type3A_500 = arith.extui %lt3A_499 : i1 to i32
      %cond3A_501 = arith.constant 0 : i32
      %cond3A_502 = arith.cmpi ne, %convert_element_type3A_500, %cond3A_501 : i32
      scf.if %cond3A_502 {
        %add3A_504 = arith.constant 1 : i32
        %add3A_505 = arith.addi %add3A_476, %add3A_504 : i32
        %broadcast_in_dim3A_506 = arith.constant 65535 : i32
        %broadcast_in_dim3A_507 = vector.broadcast %broadcast_in_dim3A_506 : i32 to vector<16xi32>
        %get3A_508 = arith.index_cast %add3A_505 : i32 to index
        %get3A_509 = arith.constant 0 : index
        %get3A_510 = tpu.vector_load %arg7[%get3A_508, %get3A_509] {strides = array<i32>} : memref<80x128xi32, #tpu.memory_space<vmem>>, vector<1x16xi32>,
        %get3A_511 = vector.shape_cast %get3A_510 : vector<1x16xi32> to vector<16xi32>
        %and3A_512 = arith.andi %get3A_511, %broadcast_in_dim3A_507 : vector<16xi32>
        %swap3A_513 = arith.constant 0 : i32
        %swap3A_514 = arith.index_cast %swap3A_513 : i32 to index
        %swap3A_515 = arith.constant 0 : index
        %swap3A_516 = tpu.vector_load %arg8[%swap3A_514, %swap3A_515] {strides = array<i32>} : memref<2x128xi32, #tpu.memory_space<vmem>>, vector<1x16xi32>,
        %swap3A_517 = vector.shape_cast %swap3A_516 : vector<1x16xi32> to vector<16xi32>
        %swap3A_518 = vector.shape_cast %and3A_512 : vector<16xi32> to vector<1x16xi32>
        tpu.vector_store %arg8[%swap3A_514, %swap3A_515], %swap3A_518 {strides = array<i32>} : memref<2x128xi32, #tpu.memory_space<vmem>>, vector<1x16xi32>,
        %shift_right_logical3A_519 = arith.constant 16 : i32
        %shift_right_logical3A_520 = vector.broadcast %shift_right_logical3A_519 : i32 to vector<16xi32>
        %shift_right_logical3A_521 = arith.shrui %get3A_511, %shift_right_logical3A_520 : vector<16xi32>
        %swap3A_522 = arith.constant 0 : i32
        %swap3A_523 = arith.index_cast %swap3A_522 : i32 to index
        %swap3A_524 = arith.constant 0 : index
        %swap3A_525 = tpu.vector_load %arg9[%swap3A_523, %swap3A_524] {strides = array<i32>} : memref<2x128xi32, #tpu.memory_space<vmem>>, vector<1x16xi32>,
        %swap3A_526 = vector.shape_cast %swap3A_525 : vector<1x16xi32> to vector<16xi32>
        %swap3A_527 = vector.shape_cast %shift_right_logical3A_521 : vector<16xi32> to vector<1x16xi32>
        tpu.vector_store %arg9[%swap3A_523, %swap3A_524], %swap3A_527 {strides = array<i32>} : memref<2x128xi32, #tpu.memory_space<vmem>>, vector<1x16xi32>,
        %get3A_528 = arith.index_cast %add3A_505 : i32 to index
        %get3A_529 = arith.constant 16 : index
        %get3A_530 = tpu.vector_load %arg7[%get3A_528, %get3A_529] {strides = array<i32>} : memref<80x128xi32, #tpu.memory_space<vmem>>, vector<1x16xi32>,
        %get3A_531 = vector.shape_cast %get3A_530 : vector<1x16xi32> to vector<16xi32>
        %and3A_532 = arith.andi %get3A_531, %broadcast_in_dim3A_507 : vector<16xi32>
        %swap3A_533 = arith.constant 0 : i32
        %swap3A_534 = arith.index_cast %swap3A_533 : i32 to index
        %swap3A_535 = arith.constant 16 : index
        %swap3A_536 = tpu.vector_load %arg8[%swap3A_534, %swap3A_535] {strides = array<i32>} : memref<2x128xi32, #tpu.memory_space<vmem>>, vector<1x16xi32>,
        %swap3A_537 = vector.shape_cast %swap3A_536 : vector<1x16xi32> to vector<16xi32>
        %swap3A_538 = vector.shape_cast %and3A_532 : vector<16xi32> to vector<1x16xi32>
        tpu.vector_store %arg8[%swap3A_534, %swap3A_535], %swap3A_538 {strides = array<i32>} : memref<2x128xi32, #tpu.memory_space<vmem>>, vector<1x16xi32>,
        %shift_right_logical3A_539 = arith.constant 16 : i32
        %shift_right_logical3A_540 = vector.broadcast %shift_right_logical3A_539 : i32 to vector<16xi32>
        %shift_right_logical3A_541 = arith.shrui %get3A_531, %shift_right_logical3A_540 : vector<16xi32>
        %swap3A_542 = arith.constant 0 : i32
        %swap3A_543 = arith.index_cast %swap3A_542 : i32 to index
        %swap3A_544 = arith.constant 16 : index
        %swap3A_545 = tpu.vector_load %arg9[%swap3A_543, %swap3A_544] {strides = array<i32>} : memref<2x128xi32, #tpu.memory_space<vmem>>, vector<1x16xi32>,
        %swap3A_546 = vector.shape_cast %swap3A_545 : vector<1x16xi32> to vector<16xi32>
        %swap3A_547 = vector.shape_cast %shift_right_logical3A_541 : vector<16xi32> to vector<1x16xi32>
        tpu.vector_store %arg9[%swap3A_543, %swap3A_544], %swap3A_547 {strides = array<i32>} : memref<2x128xi32, #tpu.memory_space<vmem>>, vector<1x16xi32>,
        %get3A_548 = arith.index_cast %add3A_505 : i32 to index
        %get3A_549 = arith.constant 32 : index
        %get3A_550 = tpu.vector_load %arg7[%get3A_548, %get3A_549] {strides = array<i32>} : memref<80x128xi32, #tpu.memory_space<vmem>>, vector<1x16xi32>,
        %get3A_551 = vector.shape_cast %get3A_550 : vector<1x16xi32> to vector<16xi32>
        %and3A_552 = arith.andi %get3A_551, %broadcast_in_dim3A_507 : vector<16xi32>
        %swap3A_553 = arith.constant 0 : i32
        %swap3A_554 = arith.index_cast %swap3A_553 : i32 to index
        %swap3A_555 = arith.constant 32 : index
        %swap3A_556 = tpu.vector_load %arg8[%swap3A_554, %swap3A_555] {strides = array<i32>} : memref<2x128xi32, #tpu.memory_space<vmem>>, vector<1x16xi32>,
        %swap3A_557 = vector.shape_cast %swap3A_556 : vector<1x16xi32> to vector<16xi32>
        %swap3A_558 = vector.shape_cast %and3A_552 : vector<16xi32> to vector<1x16xi32>
        tpu.vector_store %arg8[%swap3A_554, %swap3A_555], %swap3A_558 {strides = array<i32>} : memref<2x128xi32, #tpu.memory_space<vmem>>, vector<1x16xi32>,
        %shift_right_logical3A_559 = arith.constant 16 : i32
        %shift_right_logical3A_560 = vector.broadcast %shift_right_logical3A_559 : i32 to vector<16xi32>
        %shift_right_logical3A_561 = arith.shrui %get3A_551, %shift_right_logical3A_560 : vector<16xi32>
        %swap3A_562 = arith.constant 0 : i32
        %swap3A_563 = arith.index_cast %swap3A_562 : i32 to index
        %swap3A_564 = arith.constant 32 : index
        %swap3A_565 = tpu.vector_load %arg9[%swap3A_563, %swap3A_564] {strides = array<i32>} : memref<2x128xi32, #tpu.memory_space<vmem>>, vector<1x16xi32>,
        %swap3A_566 = vector.shape_cast %swap3A_565 : vector<1x16xi32> to vector<16xi32>
        %swap3A_567 = vector.shape_cast %shift_right_logical3A_561 : vector<16xi32> to vector<1x16xi32>
        tpu.vector_store %arg9[%swap3A_563, %swap3A_564], %swap3A_567 {strides = array<i32>} : memref<2x128xi32, #tpu.memory_space<vmem>>, vector<1x16xi32>,
        %get3A_568 = arith.index_cast %add3A_505 : i32 to index
        %get3A_569 = arith.constant 48 : index
        %get3A_570 = tpu.vector_load %arg7[%get3A_568, %get3A_569] {strides = array<i32>} : memref<80x128xi32, #tpu.memory_space<vmem>>, vector<1x16xi32>,
        %get3A_571 = vector.shape_cast %get3A_570 : vector<1x16xi32> to vector<16xi32>
        %and3A_572 = arith.andi %get3A_571, %broadcast_in_dim3A_507 : vector<16xi32>
        %swap3A_573 = arith.constant 0 : i32
        %swap3A_574 = arith.index_cast %swap3A_573 : i32 to index
        %swap3A_575 = arith.constant 48 : index
        %swap3A_576 = tpu.vector_load %arg8[%swap3A_574, %swap3A_575] {strides = array<i32>} : memref<2x128xi32, #tpu.memory_space<vmem>>, vector<1x16xi32>,
        %swap3A_577 = vector.shape_cast %swap3A_576 : vector<1x16xi32> to vector<16xi32>
        %swap3A_578 = vector.shape_cast %and3A_572 : vector<16xi32> to vector<1x16xi32>
        tpu.vector_store %arg8[%swap3A_574, %swap3A_575], %swap3A_578 {strides = array<i32>} : memref<2x128xi32, #tpu.memory_space<vmem>>, vector<1x16xi32>,
        %shift_right_logical3A_579 = arith.constant 16 : i32
        %shift_right_logical3A_580 = vector.broadcast %shift_right_logical3A_579 : i32 to vector<16xi32>
        %shift_right_logical3A_581 = arith.shrui %get3A_571, %shift_right_logical3A_580 : vector<16xi32>
        %swap3A_582 = arith.constant 0 : i32
        %swap3A_583 = arith.index_cast %swap3A_582 : i32 to index
        %swap3A_584 = arith.constant 48 : index
        %swap3A_585 = tpu.vector_load %arg9[%swap3A_583, %swap3A_584] {strides = array<i32>} : memref<2x128xi32, #tpu.memory_space<vmem>>, vector<1x16xi32>,
        %swap3A_586 = vector.shape_cast %swap3A_585 : vector<1x16xi32> to vector<16xi32>
        %swap3A_587 = vector.shape_cast %shift_right_logical3A_581 : vector<16xi32> to vector<1x16xi32>
        tpu.vector_store %arg9[%swap3A_583, %swap3A_584], %swap3A_587 {strides = array<i32>} : memref<2x128xi32, #tpu.memory_space<vmem>>, vector<1x16xi32>,
        %get3A_588 = arith.index_cast %add3A_505 : i32 to index
        %get3A_589 = arith.constant 64 : index
        %get3A_590 = tpu.vector_load %arg7[%get3A_588, %get3A_589] {strides = array<i32>} : memref<80x128xi32, #tpu.memory_space<vmem>>, vector<1x16xi32>,
        %get3A_591 = vector.shape_cast %get3A_590 : vector<1x16xi32> to vector<16xi32>
        %and3A_592 = arith.andi %get3A_591, %broadcast_in_dim3A_507 : vector<16xi32>
        %swap3A_593 = arith.constant 0 : i32
        %swap3A_594 = arith.index_cast %swap3A_593 : i32 to index
        %swap3A_595 = arith.constant 64 : index
        %swap3A_596 = tpu.vector_load %arg8[%swap3A_594, %swap3A_595] {strides = array<i32>} : memref<2x128xi32, #tpu.memory_space<vmem>>, vector<1x16xi32>,
        %swap3A_597 = vector.shape_cast %swap3A_596 : vector<1x16xi32> to vector<16xi32>
        %swap3A_598 = vector.shape_cast %and3A_592 : vector<16xi32> to vector<1x16xi32>
        tpu.vector_store %arg8[%swap3A_594, %swap3A_595], %swap3A_598 {strides = array<i32>} : memref<2x128xi32, #tpu.memory_space<vmem>>, vector<1x16xi32>,
        %shift_right_logical3A_599 = arith.constant 16 : i32
        %shift_right_logical3A_600 = vector.broadcast %shift_right_logical3A_599 : i32 to vector<16xi32>
        %shift_right_logical3A_601 = arith.shrui %get3A_591, %shift_right_logical3A_600 : vector<16xi32>
        %swap3A_602 = arith.constant 0 : i32
        %swap3A_603 = arith.index_cast %swap3A_602 : i32 to index
        %swap3A_604 = arith.constant 64 : index
        %swap3A_605 = tpu.vector_load %arg9[%swap3A_603, %swap3A_604] {strides = array<i32>} : memref<2x128xi32, #tpu.memory_space<vmem>>, vector<1x16xi32>,
        %swap3A_606 = vector.shape_cast %swap3A_605 : vector<1x16xi32> to vector<16xi32>
        %swap3A_607 = vector.shape_cast %shift_right_logical3A_601 : vector<16xi32> to vector<1x16xi32>
        tpu.vector_store %arg9[%swap3A_603, %swap3A_604], %swap3A_607 {strides = array<i32>} : memref<2x128xi32, #tpu.memory_space<vmem>>, vector<1x16xi32>,
        %get3A_608 = arith.index_cast %add3A_505 : i32 to index
        %get3A_609 = arith.constant 80 : index
        %get3A_610 = tpu.vector_load %arg7[%get3A_608, %get3A_609] {strides = array<i32>} : memref<80x128xi32, #tpu.memory_space<vmem>>, vector<1x16xi32>,
        %get3A_611 = vector.shape_cast %get3A_610 : vector<1x16xi32> to vector<16xi32>
        %and3A_612 = arith.andi %get3A_611, %broadcast_in_dim3A_507 : vector<16xi32>
        %swap3A_613 = arith.constant 0 : i32
        %swap3A_614 = arith.index_cast %swap3A_613 : i32 to index
        %swap3A_615 = arith.constant 80 : index
        %swap3A_616 = tpu.vector_load %arg8[%swap3A_614, %swap3A_615] {strides = array<i32>} : memref<2x128xi32, #tpu.memory_space<vmem>>, vector<1x16xi32>,
        %swap3A_617 = vector.shape_cast %swap3A_616 : vector<1x16xi32> to vector<16xi32>
        %swap3A_618 = vector.shape_cast %and3A_612 : vector<16xi32> to vector<1x16xi32>
        tpu.vector_store %arg8[%swap3A_614, %swap3A_615], %swap3A_618 {strides = array<i32>} : memref<2x128xi32, #tpu.memory_space<vmem>>, vector<1x16xi32>,
        %shift_right_logical3A_619 = arith.constant 16 : i32
        %shift_right_logical3A_620 = vector.broadcast %shift_right_logical3A_619 : i32 to vector<16xi32>
        %shift_right_logical3A_621 = arith.shrui %get3A_611, %shift_right_logical3A_620 : vector<16xi32>
        %swap3A_622 = arith.constant 0 : i32
        %swap3A_623 = arith.index_cast %swap3A_622 : i32 to index
        %swap3A_624 = arith.constant 80 : index
        %swap3A_625 = tpu.vector_load %arg9[%swap3A_623, %swap3A_624] {strides = array<i32>} : memref<2x128xi32, #tpu.memory_space<vmem>>, vector<1x16xi32>,
        %swap3A_626 = vector.shape_cast %swap3A_625 : vector<1x16xi32> to vector<16xi32>
        %swap3A_627 = vector.shape_cast %shift_right_logical3A_621 : vector<16xi32> to vector<1x16xi32>
        tpu.vector_store %arg9[%swap3A_623, %swap3A_624], %swap3A_627 {strides = array<i32>} : memref<2x128xi32, #tpu.memory_space<vmem>>, vector<1x16xi32>,
        %get3A_628 = arith.index_cast %add3A_505 : i32 to index
        %get3A_629 = arith.constant 96 : index
        %get3A_630 = tpu.vector_load %arg7[%get3A_628, %get3A_629] {strides = array<i32>} : memref<80x128xi32, #tpu.memory_space<vmem>>, vector<1x16xi32>,
        %get3A_631 = vector.shape_cast %get3A_630 : vector<1x16xi32> to vector<16xi32>
        %and3A_632 = arith.andi %get3A_631, %broadcast_in_dim3A_507 : vector<16xi32>
        %swap3A_633 = arith.constant 0 : i32
        %swap3A_634 = arith.index_cast %swap3A_633 : i32 to index
        %swap3A_635 = arith.constant 96 : index
        %swap3A_636 = tpu.vector_load %arg8[%swap3A_634, %swap3A_635] {strides = array<i32>} : memref<2x128xi32, #tpu.memory_space<vmem>>, vector<1x16xi32>,
        %swap3A_637 = vector.shape_cast %swap3A_636 : vector<1x16xi32> to vector<16xi32>
        %swap3A_638 = vector.shape_cast %and3A_632 : vector<16xi32> to vector<1x16xi32>
        tpu.vector_store %arg8[%swap3A_634, %swap3A_635], %swap3A_638 {strides = array<i32>} : memref<2x128xi32, #tpu.memory_space<vmem>>, vector<1x16xi32>,
        %shift_right_logical3A_639 = arith.constant 16 : i32
        %shift_right_logical3A_640 = vector.broadcast %shift_right_logical3A_639 : i32 to vector<16xi32>
        %shift_right_logical3A_641 = arith.shrui %get3A_631, %shift_right_logical3A_640 : vector<16xi32>
        %swap3A_642 = arith.constant 0 : i32
        %swap3A_643 = arith.index_cast %swap3A_642 : i32 to index
        %swap3A_644 = arith.constant 96 : index
        %swap3A_645 = tpu.vector_load %arg9[%swap3A_643, %swap3A_644] {strides = array<i32>} : memref<2x128xi32, #tpu.memory_space<vmem>>, vector<1x16xi32>,
        %swap3A_646 = vector.shape_cast %swap3A_645 : vector<1x16xi32> to vector<16xi32>
        %swap3A_647 = vector.shape_cast %shift_right_logical3A_641 : vector<16xi32> to vector<1x16xi32>
        tpu.vector_store %arg9[%swap3A_643, %swap3A_644], %swap3A_647 {strides = array<i32>} : memref<2x128xi32, #tpu.memory_space<vmem>>, vector<1x16xi32>,
        %get3A_648 = arith.index_cast %add3A_505 : i32 to index
        %get3A_649 = arith.constant 112 : index
        %get3A_650 = tpu.vector_load %arg7[%get3A_648, %get3A_649] {strides = array<i32>} : memref<80x128xi32, #tpu.memory_space<vmem>>, vector<1x16xi32>,
        %get3A_651 = vector.shape_cast %get3A_650 : vector<1x16xi32> to vector<16xi32>
        %and3A_652 = arith.andi %get3A_651, %broadcast_in_dim3A_507 : vector<16xi32>
        %swap3A_653 = arith.constant 0 : i32
        %swap3A_654 = arith.index_cast %swap3A_653 : i32 to index
        %swap3A_655 = arith.constant 112 : index
        %swap3A_656 = tpu.vector_load %arg8[%swap3A_654, %swap3A_655] {strides = array<i32>} : memref<2x128xi32, #tpu.memory_space<vmem>>, vector<1x16xi32>,
        %swap3A_657 = vector.shape_cast %swap3A_656 : vector<1x16xi32> to vector<16xi32>
        %swap3A_658 = vector.shape_cast %and3A_652 : vector<16xi32> to vector<1x16xi32>
        tpu.vector_store %arg8[%swap3A_654, %swap3A_655], %swap3A_658 {strides = array<i32>} : memref<2x128xi32, #tpu.memory_space<vmem>>, vector<1x16xi32>,
        %shift_right_logical3A_659 = arith.constant 16 : i32
        %shift_right_logical3A_660 = vector.broadcast %shift_right_logical3A_659 : i32 to vector<16xi32>
        %shift_right_logical3A_661 = arith.shrui %get3A_651, %shift_right_logical3A_660 : vector<16xi32>
        %swap3A_662 = arith.constant 0 : i32
        %swap3A_663 = arith.index_cast %swap3A_662 : i32 to index
        %swap3A_664 = arith.constant 112 : index
        %swap3A_665 = tpu.vector_load %arg9[%swap3A_663, %swap3A_664] {strides = array<i32>} : memref<2x128xi32, #tpu.memory_space<vmem>>, vector<1x16xi32>,
        %swap3A_666 = vector.shape_cast %swap3A_665 : vector<1x16xi32> to vector<16xi32>
        %swap3A_667 = vector.shape_cast %shift_right_logical3A_661 : vector<16xi32> to vector<1x16xi32>
        tpu.vector_store %arg9[%swap3A_663, %swap3A_664], %swap3A_667 {strides = array<i32>} : memref<2x128xi32, #tpu.memory_space<vmem>>, vector<1x16xi32>,
        %dma_start3A_668 = arith.constant 0 : i32
        %dma_start3A_669 = arith.constant 0 : i32
        %dma_start3A_670 = tpu.memref_slice %arg8[%dma_start3A_668, %dma_start3A_669] : memref<2x128xi32, #tpu.memory_space<vmem>> -> memref<1x128xi32, #tpu.memory_space<vmem>>
        %dma_start3A_671 = tpu.memref_squeeze %dma_start3A_670 : memref<1x128xi32, #tpu.memory_space<vmem>> -> memref<128xi32, #tpu.memory_space<vmem>>
        %dma_start3A_672 = arith.constant 0 : i32
        %dma_start3A_673 = arith.constant 0 : i32
        %dma_start3A_674 = tpu.memref_slice %arg3[%dma_start3A_672, %dma_start3A_673] : memref<10000x128xf32, #tpu.memory_space<hbm>> -> memref<10000x128xf32, #tpu.memory_space<hbm>>
        tpu.enqueue_indirect_dma source(%dma_start3A_674 : memref<10000x128xf32, #tpu.memory_space<hbm>>) target(%arg12 : memref<128x128xf32, #tpu.memory_space<vmem>>) offsets(%dma_start3A_671 : memref<128xi32, #tpu.memory_space<vmem>>) semaphore(%arg15 : memref<!tpu.dma_semaphore, #tpu.memory_space<semaphore_mem>>)
      } else {
      }
      %scan3A_503 = arith.constant 0 : i32
      scf.yield %scan3A_503 : i32
    }
    %scan3A_432 = arith.constant 40 : i32
    %dma_wait3A_433 = arith.constant 1 : i32
    %dma_wait3A_434 = arith.constant 0 : i32
    %dma_wait3A_435 = tpu.memref_slice %arg9[%dma_wait3A_433, %dma_wait3A_434] : memref<2x128xi32, #tpu.memory_space<vmem>> -> memref<1x128xi32, #tpu.memory_space<vmem>>
    %dma_wait3A_436 = tpu.memref_squeeze %dma_wait3A_435 : memref<1x128xi32, #tpu.memory_space<vmem>> -> memref<128xi32, #tpu.memory_space<vmem>>
    %dma_wait3A_437 = arith.constant 0 : i32
    %dma_wait3A_438 = arith.constant 0 : i32
    %dma_wait3A_439 = tpu.memref_slice %arg14[%dma_wait3A_437, %dma_wait3A_438] : memref<10240x128xf32, #tpu.memory_space<vmem_shared>> -> memref<10240x128xf32, #tpu.memory_space<vmem_shared>>
    tpu.wait_indirect_dma semaphore(%arg16 : memref<!tpu.dma_semaphore, #tpu.memory_space<semaphore_mem>>) src(%arg13 : memref<128x128xf32, #tpu.memory_space<vmem>>) dst(%dma_wait3A_439 : memref<10240x128xf32, #tpu.memory_space<vmem_shared>>)
    %barrier3A_440 = arith.constant 0 : index
    tpu.barrier barrier_id(%barrier3A_440)
    %mul3A_441 = arith.constant 640 : i32
    %mul3A_442 = arith.muli %arg1, %mul3A_441 : i32
    %mul3A_443 = arith.constant 640 : i32
    %mul3A_444 = arith.muli %arg1, %mul3A_443 : i32
    "tpu.region"() ({
      %run_scoped3A = tpu.sem_alloc : memref<!tpu.dma_semaphore, #tpu.memory_space<semaphore_mem>>
      %dma_start3A_445 = arith.constant 0 : i32
      %dma_start3A_446 = tpu.memref_slice %arg5[%arg0, %mul3A_444, %dma_start3A_445] : memref<2x10240x128xf32, #tpu.memory_space<hbm>> -> memref<1x640x128xf32, #tpu.memory_space<hbm>>
      %dma_start3A_447 = tpu.memref_squeeze %dma_start3A_446 : memref<1x640x128xf32, #tpu.memory_space<hbm>> -> memref<640x128xf32, #tpu.memory_space<hbm>>
      %dma_start3A_448 = arith.constant 0 : i32
      %dma_start3A_449 = tpu.memref_slice %arg14[%mul3A_442, %dma_start3A_448] : memref<10240x128xf32, #tpu.memory_space<vmem_shared>> -> memref<640x128xf32, #tpu.memory_space<vmem_shared>>
      tpu.enqueue_dma source(%dma_start3A_449 : memref<640x128xf32, #tpu.memory_space<vmem_shared>>) target(%dma_start3A_447 : memref<640x128xf32, #tpu.memory_space<hbm>>) target_semaphore(%run_scoped3A : memref<!tpu.dma_semaphore, #tpu.memory_space<semaphore_mem>>)
      %dma_wait3A_450 = arith.constant 0 : i32
      %dma_wait3A_451 = tpu.memref_slice %arg5[%arg0, %mul3A_444, %dma_wait3A_450] : memref<2x10240x128xf32, #tpu.memory_space<hbm>> -> memref<1x640x128xf32, #tpu.memory_space<hbm>>
      %dma_wait3A_452 = tpu.memref_squeeze %dma_wait3A_451 : memref<1x640x128xf32, #tpu.memory_space<hbm>> -> memref<640x128xf32, #tpu.memory_space<hbm>>
      %dma_wait3A_453 = arith.constant 0 : i32
      %dma_wait3A_454 = tpu.memref_slice %arg14[%mul3A_442, %dma_wait3A_453] : memref<10240x128xf32, #tpu.memory_space<vmem_shared>> -> memref<640x128xf32, #tpu.memory_space<vmem_shared>>
      tpu.wait_dma2 semaphore(%run_scoped3A : memref<!tpu.dma_semaphore, #tpu.memory_space<semaphore_mem>>) src(%dma_wait3A_454 : memref<640x128xf32, #tpu.memory_space<vmem_shared>>) dst(%dma_wait3A_452 : memref<640x128xf32, #tpu.memory_space<hbm>>)
      tpu.yield
    }) : () -> ()
    return
  }
}

#map = affine_map<(d0, d1) -> (0, 0, 0)>
#map1 = affine_map<(d0, d1) -> (0, 0)>
module attributes {stable_mosaic.version = 14 : i64} {
  func.func @_spmm_body(%arg0: i32, %arg1: i32, %arg2: memref<32x80x128xi32, #tpu.memory_space<hbm>>, %arg3: memref<10000x128xf32, #tpu.memory_space<hbm>>, %arg4: memref<2x10240x128xf32, #tpu.memory_space<hbm>>, %arg5: memref<80x128xi32, #tpu.memory_space<vmem>>, %arg6: memref<2x128xi32, #tpu.memory_space<vmem>>, %arg7: memref<2x128xi32, #tpu.memory_space<vmem>>, %arg8: memref<128x128xf32, #tpu.memory_space<vmem>>, %arg9: memref<128x128xf32, #tpu.memory_space<vmem>>, %arg10: memref<10240x128xf32, #tpu.memory_space<vmem_shared>>, %arg11: memref<!tpu.dma_semaphore, #tpu.memory_space<semaphore_mem>>, %arg12: memref<!tpu.dma_semaphore, #tpu.memory_space<semaphore_mem>>) attributes {dimension_semantics = [#tpu.dimension_semantics<core_parallel>, #tpu.dimension_semantics<subcore_parallel>], iteration_bounds = array<i64: 2, 16>, scalar_prefetch = 0 : i64, scratch_operands = 8 : i64, tpu.core_type = #tpu.core_type<sc_vector_subcore>, window_params = [{transform_indices = #map}, {transform_indices = #map1}, {transform_indices = #map}]} {
    %mul3A = arith.constant 16 : i32
    %mul3A_0 = arith.muli %arg0, %mul3A : i32
    %add3A = arith.addi %mul3A_0, %arg1 : i32
    "tpu.region"() ({
      %run_scoped3A = tpu.sem_alloc : memref<!tpu.dma_semaphore, #tpu.memory_space<semaphore_mem>>
      %dma_start3A_218 = arith.constant 0 : i32
      %dma_start3A_219 = arith.constant 0 : i32
      %dma_start3A_220 = tpu.memref_slice %arg2[%add3A, %dma_start3A_218, %dma_start3A_219] : memref<32x80x128xi32, #tpu.memory_space<hbm>> -> memref<1x80x128xi32, #tpu.memory_space<hbm>>
      %dma_start3A_221 = tpu.memref_squeeze %dma_start3A_220 : memref<1x80x128xi32, #tpu.memory_space<hbm>> -> memref<80x128xi32, #tpu.memory_space<hbm>>
      %dma_start3A_222 = arith.constant 0 : i32
      %dma_start3A_223 = arith.constant 0 : i32
      %dma_start3A_224 = tpu.memref_slice %arg2[%add3A, %dma_start3A_222, %dma_start3A_223] : memref<32x80x128xi32, #tpu.memory_space<hbm>> -> memref<1x80x128xi32, #tpu.memory_space<hbm>>
      %dma_start3A_225 = tpu.memref_squeeze %dma_start3A_224 : memref<1x80x128xi32, #tpu.memory_space<hbm>> -> memref<80x128xi32, #tpu.memory_space<hbm>>
      tpu.enqueue_dma source(%dma_start3A_225 : memref<80x128xi32, #tpu.memory_space<hbm>>) target(%arg5 : memref<80x128xi32, #tpu.memory_space<vmem>>) target_semaphore(%run_scoped3A : memref<!tpu.dma_semaphore, #tpu.memory_space<semaphore_mem>>)
      %dma_wait3A_226 = arith.constant 0 : i32
      %dma_wait3A_227 = arith.constant 0 : i32
      %dma_wait3A_228 = tpu.memref_slice %arg2[%add3A, %dma_wait3A_226, %dma_wait3A_227] : memref<32x80x128xi32, #tpu.memory_space<hbm>> -> memref<1x80x128xi32, #tpu.memory_space<hbm>>
      %dma_wait3A_229 = tpu.memref_squeeze %dma_wait3A_228 : memref<1x80x128xi32, #tpu.memory_space<hbm>> -> memref<80x128xi32, #tpu.memory_space<hbm>>
      %dma_wait3A_230 = arith.constant 0 : i32
      %dma_wait3A_231 = arith.constant 0 : i32
      %dma_wait3A_232 = tpu.memref_slice %arg2[%add3A, %dma_wait3A_230, %dma_wait3A_231] : memref<32x80x128xi32, #tpu.memory_space<hbm>> -> memref<1x80x128xi32, #tpu.memory_space<hbm>>
      %dma_wait3A_233 = tpu.memref_squeeze %dma_wait3A_232 : memref<1x80x128xi32, #tpu.memory_space<hbm>> -> memref<80x128xi32, #tpu.memory_space<hbm>>
      tpu.wait_dma2 semaphore(%run_scoped3A : memref<!tpu.dma_semaphore, #tpu.memory_space<semaphore_mem>>) src(%dma_wait3A_233 : memref<80x128xi32, #tpu.memory_space<hbm>>) dst(%arg5 : memref<80x128xi32, #tpu.memory_space<vmem>>)
      tpu.yield
    }) : () -> ()
    %broadcast_in_dim3A = arith.constant 0.000000e+00 : f32
    %broadcast_in_dim3A_1 = vector.broadcast %broadcast_in_dim3A : f32 to vector<16xf32>
    %scan3A = arith.constant 0 : i32
    %scan3A_2 = arith.constant 0 : i32
    %scan3A_3 = arith.constant 128 : i32
    %scan3A_4 = arith.addi %scan3A_2, %scan3A_3 : i32
    %scan3A_5 = arith.constant 1 : i32
    %scan3A_6 = scf.for %scan3A_218 = %scan3A_2 to %scan3A_4 step %scan3A_5 iter_args(%scan3A_219 = %scan3A) -> (i32)  : i32 {
      %swap3A_220 = arith.index_cast %scan3A_218 : i32 to index
      %swap3A_221 = arith.constant 0 : index
      %swap3A_222 = tpu.vector_load %arg8[%swap3A_220, %swap3A_221] {strides = array<i32>} : memref<128x128xf32, #tpu.memory_space<vmem>>, vector<1x16xf32>,
      %swap3A_223 = vector.shape_cast %swap3A_222 : vector<1x16xf32> to vector<16xf32>
      %swap3A_224 = vector.shape_cast %broadcast_in_dim3A_1 : vector<16xf32> to vector<1x16xf32>
      tpu.vector_store %arg8[%swap3A_220, %swap3A_221], %swap3A_224 {strides = array<i32>} : memref<128x128xf32, #tpu.memory_space<vmem>>, vector<1x16xf32>,
      %swap3A_225 = arith.index_cast %scan3A_218 : i32 to index
      %swap3A_226 = arith.constant 16 : index
      %swap3A_227 = tpu.vector_load %arg8[%swap3A_225, %swap3A_226] {strides = array<i32>} : memref<128x128xf32, #tpu.memory_space<vmem>>, vector<1x16xf32>,
      %swap3A_228 = vector.shape_cast %swap3A_227 : vector<1x16xf32> to vector<16xf32>
      %swap3A_229 = vector.shape_cast %broadcast_in_dim3A_1 : vector<16xf32> to vector<1x16xf32>
      tpu.vector_store %arg8[%swap3A_225, %swap3A_226], %swap3A_229 {strides = array<i32>} : memref<128x128xf32, #tpu.memory_space<vmem>>, vector<1x16xf32>,
      %swap3A_230 = arith.index_cast %scan3A_218 : i32 to index
      %swap3A_231 = arith.constant 32 : index
      %swap3A_232 = tpu.vector_load %arg8[%swap3A_230, %swap3A_231] {strides = array<i32>} : memref<128x128xf32, #tpu.memory_space<vmem>>, vector<1x16xf32>,
      %swap3A_233 = vector.shape_cast %swap3A_232 : vector<1x16xf32> to vector<16xf32>
      %swap3A_234 = vector.shape_cast %broadcast_in_dim3A_1 : vector<16xf32> to vector<1x16xf32>
      tpu.vector_store %arg8[%swap3A_230, %swap3A_231], %swap3A_234 {strides = array<i32>} : memref<128x128xf32, #tpu.memory_space<vmem>>, vector<1x16xf32>,
      %swap3A_235 = arith.index_cast %scan3A_218 : i32 to index
      %swap3A_236 = arith.constant 48 : index
      %swap3A_237 = tpu.vector_load %arg8[%swap3A_235, %swap3A_236] {strides = array<i32>} : memref<128x128xf32, #tpu.memory_space<vmem>>, vector<1x16xf32>,
      %swap3A_238 = vector.shape_cast %swap3A_237 : vector<1x16xf32> to vector<16xf32>
      %swap3A_239 = vector.shape_cast %broadcast_in_dim3A_1 : vector<16xf32> to vector<1x16xf32>
      tpu.vector_store %arg8[%swap3A_235, %swap3A_236], %swap3A_239 {strides = array<i32>} : memref<128x128xf32, #tpu.memory_space<vmem>>, vector<1x16xf32>,
      %swap3A_240 = arith.index_cast %scan3A_218 : i32 to index
      %swap3A_241 = arith.constant 64 : index
      %swap3A_242 = tpu.vector_load %arg8[%swap3A_240, %swap3A_241] {strides = array<i32>} : memref<128x128xf32, #tpu.memory_space<vmem>>, vector<1x16xf32>,
      %swap3A_243 = vector.shape_cast %swap3A_242 : vector<1x16xf32> to vector<16xf32>
      %swap3A_244 = vector.shape_cast %broadcast_in_dim3A_1 : vector<16xf32> to vector<1x16xf32>
      tpu.vector_store %arg8[%swap3A_240, %swap3A_241], %swap3A_244 {strides = array<i32>} : memref<128x128xf32, #tpu.memory_space<vmem>>, vector<1x16xf32>,
      %swap3A_245 = arith.index_cast %scan3A_218 : i32 to index
      %swap3A_246 = arith.constant 80 : index
      %swap3A_247 = tpu.vector_load %arg8[%swap3A_245, %swap3A_246] {strides = array<i32>} : memref<128x128xf32, #tpu.memory_space<vmem>>, vector<1x16xf32>,
      %swap3A_248 = vector.shape_cast %swap3A_247 : vector<1x16xf32> to vector<16xf32>
      %swap3A_249 = vector.shape_cast %broadcast_in_dim3A_1 : vector<16xf32> to vector<1x16xf32>
      tpu.vector_store %arg8[%swap3A_245, %swap3A_246], %swap3A_249 {strides = array<i32>} : memref<128x128xf32, #tpu.memory_space<vmem>>, vector<1x16xf32>,
      %swap3A_250 = arith.index_cast %scan3A_218 : i32 to index
      %swap3A_251 = arith.constant 96 : index
      %swap3A_252 = tpu.vector_load %arg8[%swap3A_250, %swap3A_251] {strides = array<i32>} : memref<128x128xf32, #tpu.memory_space<vmem>>, vector<1x16xf32>,
      %swap3A_253 = vector.shape_cast %swap3A_252 : vector<1x16xf32> to vector<16xf32>
      %swap3A_254 = vector.shape_cast %broadcast_in_dim3A_1 : vector<16xf32> to vector<1x16xf32>
      tpu.vector_store %arg8[%swap3A_250, %swap3A_251], %swap3A_254 {strides = array<i32>} : memref<128x128xf32, #tpu.memory_space<vmem>>, vector<1x16xf32>,
      %swap3A_255 = arith.index_cast %scan3A_218 : i32 to index
      %swap3A_256 = arith.constant 112 : index
      %swap3A_257 = tpu.vector_load %arg8[%swap3A_255, %swap3A_256] {strides = array<i32>} : memref<128x128xf32, #tpu.memory_space<vmem>>, vector<1x16xf32>,
      %swap3A_258 = vector.shape_cast %swap3A_257 : vector<1x16xf32> to vector<16xf32>
      %swap3A_259 = vector.shape_cast %broadcast_in_dim3A_1 : vector<16xf32> to vector<1x16xf32>
      tpu.vector_store %arg8[%swap3A_255, %swap3A_256], %swap3A_259 {strides = array<i32>} : memref<128x128xf32, #tpu.memory_space<vmem>>, vector<1x16xf32>,
      %scan3A_260 = arith.constant 0 : i32
      scf.yield %scan3A_260 : i32
    }
    %scan3A_7 = arith.constant 128 : i32
    %mul3A_8 = arith.constant 640 : i32
    %mul3A_9 = arith.muli %arg1, %mul3A_8 : i32
    %add3A_10 = arith.constant 0 : i32
    %add3A_11 = arith.addi %mul3A_9, %add3A_10 : i32
    "tpu.region"() ({
      %run_scoped3A = tpu.sem_alloc : memref<!tpu.dma_semaphore, #tpu.memory_space<semaphore_mem>>
      %dma_start3A_218 = arith.constant 0 : i32
      %dma_start3A_219 = tpu.memref_slice %arg10[%add3A_11, %dma_start3A_218] : memref<10240x128xf32, #tpu.memory_space<vmem_shared>> -> memref<128x128xf32, #tpu.memory_space<vmem_shared>>
      %dma_start3A_220 = arith.constant 0 : i32
      %dma_start3A_221 = tpu.memref_slice %arg10[%add3A_11, %dma_start3A_220] : memref<10240x128xf32, #tpu.memory_space<vmem_shared>> -> memref<128x128xf32, #tpu.memory_space<vmem_shared>>
      tpu.enqueue_dma source(%arg8 : memref<128x128xf32, #tpu.memory_space<vmem>>) target(%dma_start3A_221 : memref<128x128xf32, #tpu.memory_space<vmem_shared>>) target_semaphore(%run_scoped3A : memref<!tpu.dma_semaphore, #tpu.memory_space<semaphore_mem>>)
      %dma_wait3A_222 = arith.constant 0 : i32
      %dma_wait3A_223 = tpu.memref_slice %arg10[%add3A_11, %dma_wait3A_222] : memref<10240x128xf32, #tpu.memory_space<vmem_shared>> -> memref<128x128xf32, #tpu.memory_space<vmem_shared>>
      %dma_wait3A_224 = arith.constant 0 : i32
      %dma_wait3A_225 = tpu.memref_slice %arg10[%add3A_11, %dma_wait3A_224] : memref<10240x128xf32, #tpu.memory_space<vmem_shared>> -> memref<128x128xf32, #tpu.memory_space<vmem_shared>>
      tpu.wait_dma2 semaphore(%run_scoped3A : memref<!tpu.dma_semaphore, #tpu.memory_space<semaphore_mem>>) src(%arg8 : memref<128x128xf32, #tpu.memory_space<vmem>>) dst(%dma_wait3A_225 : memref<128x128xf32, #tpu.memory_space<vmem_shared>>)
      tpu.yield
    }) : () -> ()
    %mul3A_12 = arith.constant 640 : i32
    %mul3A_13 = arith.muli %arg1, %mul3A_12 : i32
    %add3A_14 = arith.constant 128 : i32
    %add3A_15 = arith.addi %mul3A_13, %add3A_14 : i32
    "tpu.region"() ({
      %run_scoped3A = tpu.sem_alloc : memref<!tpu.dma_semaphore, #tpu.memory_space<semaphore_mem>>
      %dma_start3A_218 = arith.constant 0 : i32
      %dma_start3A_219 = tpu.memref_slice %arg10[%add3A_15, %dma_start3A_218] : memref<10240x128xf32, #tpu.memory_space<vmem_shared>> -> memref<128x128xf32, #tpu.memory_space<vmem_shared>>
      %dma_start3A_220 = arith.constant 0 : i32
      %dma_start3A_221 = tpu.memref_slice %arg10[%add3A_15, %dma_start3A_220] : memref<10240x128xf32, #tpu.memory_space<vmem_shared>> -> memref<128x128xf32, #tpu.memory_space<vmem_shared>>
      tpu.enqueue_dma source(%arg8 : memref<128x128xf32, #tpu.memory_space<vmem>>) target(%dma_start3A_221 : memref<128x128xf32, #tpu.memory_space<vmem_shared>>) target_semaphore(%run_scoped3A : memref<!tpu.dma_semaphore, #tpu.memory_space<semaphore_mem>>)
      %dma_wait3A_222 = arith.constant 0 : i32
      %dma_wait3A_223 = tpu.memref_slice %arg10[%add3A_15, %dma_wait3A_222] : memref<10240x128xf32, #tpu.memory_space<vmem_shared>> -> memref<128x128xf32, #tpu.memory_space<vmem_shared>>
      %dma_wait3A_224 = arith.constant 0 : i32
      %dma_wait3A_225 = tpu.memref_slice %arg10[%add3A_15, %dma_wait3A_224] : memref<10240x128xf32, #tpu.memory_space<vmem_shared>> -> memref<128x128xf32, #tpu.memory_space<vmem_shared>>
      tpu.wait_dma2 semaphore(%run_scoped3A : memref<!tpu.dma_semaphore, #tpu.memory_space<semaphore_mem>>) src(%arg8 : memref<128x128xf32, #tpu.memory_space<vmem>>) dst(%dma_wait3A_225 : memref<128x128xf32, #tpu.memory_space<vmem_shared>>)
      tpu.yield
    }) : () -> ()
    %mul3A_16 = arith.constant 640 : i32
    %mul3A_17 = arith.muli %arg1, %mul3A_16 : i32
    %add3A_18 = arith.constant 256 : i32
    %add3A_19 = arith.addi %mul3A_17, %add3A_18 : i32
    "tpu.region"() ({
      %run_scoped3A = tpu.sem_alloc : memref<!tpu.dma_semaphore, #tpu.memory_space<semaphore_mem>>
      %dma_start3A_218 = arith.constant 0 : i32
      %dma_start3A_219 = tpu.memref_slice %arg10[%add3A_19, %dma_start3A_218] : memref<10240x128xf32, #tpu.memory_space<vmem_shared>> -> memref<128x128xf32, #tpu.memory_space<vmem_shared>>
      %dma_start3A_220 = arith.constant 0 : i32
      %dma_start3A_221 = tpu.memref_slice %arg10[%add3A_19, %dma_start3A_220] : memref<10240x128xf32, #tpu.memory_space<vmem_shared>> -> memref<128x128xf32, #tpu.memory_space<vmem_shared>>
      tpu.enqueue_dma source(%arg8 : memref<128x128xf32, #tpu.memory_space<vmem>>) target(%dma_start3A_221 : memref<128x128xf32, #tpu.memory_space<vmem_shared>>) target_semaphore(%run_scoped3A : memref<!tpu.dma_semaphore, #tpu.memory_space<semaphore_mem>>)
      %dma_wait3A_222 = arith.constant 0 : i32
      %dma_wait3A_223 = tpu.memref_slice %arg10[%add3A_19, %dma_wait3A_222] : memref<10240x128xf32, #tpu.memory_space<vmem_shared>> -> memref<128x128xf32, #tpu.memory_space<vmem_shared>>
      %dma_wait3A_224 = arith.constant 0 : i32
      %dma_wait3A_225 = tpu.memref_slice %arg10[%add3A_19, %dma_wait3A_224] : memref<10240x128xf32, #tpu.memory_space<vmem_shared>> -> memref<128x128xf32, #tpu.memory_space<vmem_shared>>
      tpu.wait_dma2 semaphore(%run_scoped3A : memref<!tpu.dma_semaphore, #tpu.memory_space<semaphore_mem>>) src(%arg8 : memref<128x128xf32, #tpu.memory_space<vmem>>) dst(%dma_wait3A_225 : memref<128x128xf32, #tpu.memory_space<vmem_shared>>)
      tpu.yield
    }) : () -> ()
    %mul3A_20 = arith.constant 640 : i32
    %mul3A_21 = arith.muli %arg1, %mul3A_20 : i32
    %add3A_22 = arith.constant 384 : i32
    %add3A_23 = arith.addi %mul3A_21, %add3A_22 : i32
    "tpu.region"() ({
      %run_scoped3A = tpu.sem_alloc : memref<!tpu.dma_semaphore, #tpu.memory_space<semaphore_mem>>
      %dma_start3A_218 = arith.constant 0 : i32
      %dma_start3A_219 = tpu.memref_slice %arg10[%add3A_23, %dma_start3A_218] : memref<10240x128xf32, #tpu.memory_space<vmem_shared>> -> memref<128x128xf32, #tpu.memory_space<vmem_shared>>
      %dma_start3A_220 = arith.constant 0 : i32
      %dma_start3A_221 = tpu.memref_slice %arg10[%add3A_23, %dma_start3A_220] : memref<10240x128xf32, #tpu.memory_space<vmem_shared>> -> memref<128x128xf32, #tpu.memory_space<vmem_shared>>
      tpu.enqueue_dma source(%arg8 : memref<128x128xf32, #tpu.memory_space<vmem>>) target(%dma_start3A_221 : memref<128x128xf32, #tpu.memory_space<vmem_shared>>) target_semaphore(%run_scoped3A : memref<!tpu.dma_semaphore, #tpu.memory_space<semaphore_mem>>)
      %dma_wait3A_222 = arith.constant 0 : i32
      %dma_wait3A_223 = tpu.memref_slice %arg10[%add3A_23, %dma_wait3A_222] : memref<10240x128xf32, #tpu.memory_space<vmem_shared>> -> memref<128x128xf32, #tpu.memory_space<vmem_shared>>
      %dma_wait3A_224 = arith.constant 0 : i32
      %dma_wait3A_225 = tpu.memref_slice %arg10[%add3A_23, %dma_wait3A_224] : memref<10240x128xf32, #tpu.memory_space<vmem_shared>> -> memref<128x128xf32, #tpu.memory_space<vmem_shared>>
      tpu.wait_dma2 semaphore(%run_scoped3A : memref<!tpu.dma_semaphore, #tpu.memory_space<semaphore_mem>>) src(%arg8 : memref<128x128xf32, #tpu.memory_space<vmem>>) dst(%dma_wait3A_225 : memref<128x128xf32, #tpu.memory_space<vmem_shared>>)
      tpu.yield
    }) : () -> ()
    %mul3A_24 = arith.constant 640 : i32
    %mul3A_25 = arith.muli %arg1, %mul3A_24 : i32
    %add3A_26 = arith.constant 512 : i32
    %add3A_27 = arith.addi %mul3A_25, %add3A_26 : i32
    "tpu.region"() ({
      %run_scoped3A = tpu.sem_alloc : memref<!tpu.dma_semaphore, #tpu.memory_space<semaphore_mem>>
      %dma_start3A_218 = arith.constant 0 : i32
      %dma_start3A_219 = tpu.memref_slice %arg10[%add3A_27, %dma_start3A_218] : memref<10240x128xf32, #tpu.memory_space<vmem_shared>> -> memref<128x128xf32, #tpu.memory_space<vmem_shared>>
      %dma_start3A_220 = arith.constant 0 : i32
      %dma_start3A_221 = tpu.memref_slice %arg10[%add3A_27, %dma_start3A_220] : memref<10240x128xf32, #tpu.memory_space<vmem_shared>> -> memref<128x128xf32, #tpu.memory_space<vmem_shared>>
      tpu.enqueue_dma source(%arg8 : memref<128x128xf32, #tpu.memory_space<vmem>>) target(%dma_start3A_221 : memref<128x128xf32, #tpu.memory_space<vmem_shared>>) target_semaphore(%run_scoped3A : memref<!tpu.dma_semaphore, #tpu.memory_space<semaphore_mem>>)
      %dma_wait3A_222 = arith.constant 0 : i32
      %dma_wait3A_223 = tpu.memref_slice %arg10[%add3A_27, %dma_wait3A_222] : memref<10240x128xf32, #tpu.memory_space<vmem_shared>> -> memref<128x128xf32, #tpu.memory_space<vmem_shared>>
      %dma_wait3A_224 = arith.constant 0 : i32
      %dma_wait3A_225 = tpu.memref_slice %arg10[%add3A_27, %dma_wait3A_224] : memref<10240x128xf32, #tpu.memory_space<vmem_shared>> -> memref<128x128xf32, #tpu.memory_space<vmem_shared>>
      tpu.wait_dma2 semaphore(%run_scoped3A : memref<!tpu.dma_semaphore, #tpu.memory_space<semaphore_mem>>) src(%arg8 : memref<128x128xf32, #tpu.memory_space<vmem>>) dst(%dma_wait3A_225 : memref<128x128xf32, #tpu.memory_space<vmem_shared>>)
      tpu.yield
    }) : () -> ()
    %barrier3A = arith.constant 0 : index
    tpu.barrier barrier_id(%barrier3A)
    %broadcast_in_dim3A_28 = arith.constant 65535 : i32
    %broadcast_in_dim3A_29 = vector.broadcast %broadcast_in_dim3A_28 : i32 to vector<16xi32>
    %get3A = arith.constant 0 : i32
    %get3A_30 = arith.index_cast %get3A : i32 to index
    %get3A_31 = arith.constant 0 : index
    %get3A_32 = tpu.vector_load %arg5[%get3A_30, %get3A_31] {strides = array<i32>} : memref<80x128xi32, #tpu.memory_space<vmem>>, vector<1x16xi32>,
    %get3A_33 = vector.shape_cast %get3A_32 : vector<1x16xi32> to vector<16xi32>
    %and3A = arith.andi %get3A_33, %broadcast_in_dim3A_29 : vector<16xi32>
    %swap3A = arith.constant 0 : i32
    %swap3A_34 = arith.index_cast %swap3A : i32 to index
    %swap3A_35 = arith.constant 0 : index
    %swap3A_36 = tpu.vector_load %arg6[%swap3A_34, %swap3A_35] {strides = array<i32>} : memref<2x128xi32, #tpu.memory_space<vmem>>, vector<1x16xi32>,
    %swap3A_37 = vector.shape_cast %swap3A_36 : vector<1x16xi32> to vector<16xi32>
    %swap3A_38 = vector.shape_cast %and3A : vector<16xi32> to vector<1x16xi32>
    tpu.vector_store %arg6[%swap3A_34, %swap3A_35], %swap3A_38 {strides = array<i32>} : memref<2x128xi32, #tpu.memory_space<vmem>>, vector<1x16xi32>,
    %shift_right_logical3A = arith.constant 16 : i32
    %shift_right_logical3A_39 = vector.broadcast %shift_right_logical3A : i32 to vector<16xi32>
    %shift_right_logical3A_40 = arith.shrui %get3A_33, %shift_right_logical3A_39 : vector<16xi32>
    %swap3A_41 = arith.constant 0 : i32
    %swap3A_42 = arith.index_cast %swap3A_41 : i32 to index
    %swap3A_43 = arith.constant 0 : index
    %swap3A_44 = tpu.vector_load %arg7[%swap3A_42, %swap3A_43] {strides = array<i32>} : memref<2x128xi32, #tpu.memory_space<vmem>>, vector<1x16xi32>,
    %swap3A_45 = vector.shape_cast %swap3A_44 : vector<1x16xi32> to vector<16xi32>
    %swap3A_46 = vector.shape_cast %shift_right_logical3A_40 : vector<16xi32> to vector<1x16xi32>
    tpu.vector_store %arg7[%swap3A_42, %swap3A_43], %swap3A_46 {strides = array<i32>} : memref<2x128xi32, #tpu.memory_space<vmem>>, vector<1x16xi32>,
    %get3A_47 = arith.constant 0 : i32
    %get3A_48 = arith.index_cast %get3A_47 : i32 to index
    %get3A_49 = arith.constant 16 : index
    %get3A_50 = tpu.vector_load %arg5[%get3A_48, %get3A_49] {strides = array<i32>} : memref<80x128xi32, #tpu.memory_space<vmem>>, vector<1x16xi32>,
    %get3A_51 = vector.shape_cast %get3A_50 : vector<1x16xi32> to vector<16xi32>
    %and3A_52 = arith.andi %get3A_51, %broadcast_in_dim3A_29 : vector<16xi32>
    %swap3A_53 = arith.constant 0 : i32
    %swap3A_54 = arith.index_cast %swap3A_53 : i32 to index
    %swap3A_55 = arith.constant 16 : index
    %swap3A_56 = tpu.vector_load %arg6[%swap3A_54, %swap3A_55] {strides = array<i32>} : memref<2x128xi32, #tpu.memory_space<vmem>>, vector<1x16xi32>,
    %swap3A_57 = vector.shape_cast %swap3A_56 : vector<1x16xi32> to vector<16xi32>
    %swap3A_58 = vector.shape_cast %and3A_52 : vector<16xi32> to vector<1x16xi32>
    tpu.vector_store %arg6[%swap3A_54, %swap3A_55], %swap3A_58 {strides = array<i32>} : memref<2x128xi32, #tpu.memory_space<vmem>>, vector<1x16xi32>,
    %shift_right_logical3A_59 = arith.constant 16 : i32
    %shift_right_logical3A_60 = vector.broadcast %shift_right_logical3A_59 : i32 to vector<16xi32>
    %shift_right_logical3A_61 = arith.shrui %get3A_51, %shift_right_logical3A_60 : vector<16xi32>
    %swap3A_62 = arith.constant 0 : i32
    %swap3A_63 = arith.index_cast %swap3A_62 : i32 to index
    %swap3A_64 = arith.constant 16 : index
    %swap3A_65 = tpu.vector_load %arg7[%swap3A_63, %swap3A_64] {strides = array<i32>} : memref<2x128xi32, #tpu.memory_space<vmem>>, vector<1x16xi32>,
    %swap3A_66 = vector.shape_cast %swap3A_65 : vector<1x16xi32> to vector<16xi32>
    %swap3A_67 = vector.shape_cast %shift_right_logical3A_61 : vector<16xi32> to vector<1x16xi32>
    tpu.vector_store %arg7[%swap3A_63, %swap3A_64], %swap3A_67 {strides = array<i32>} : memref<2x128xi32, #tpu.memory_space<vmem>>, vector<1x16xi32>,
    %get3A_68 = arith.constant 0 : i32
    %get3A_69 = arith.index_cast %get3A_68 : i32 to index
    %get3A_70 = arith.constant 32 : index
    %get3A_71 = tpu.vector_load %arg5[%get3A_69, %get3A_70] {strides = array<i32>} : memref<80x128xi32, #tpu.memory_space<vmem>>, vector<1x16xi32>,
    %get3A_72 = vector.shape_cast %get3A_71 : vector<1x16xi32> to vector<16xi32>
    %and3A_73 = arith.andi %get3A_72, %broadcast_in_dim3A_29 : vector<16xi32>
    %swap3A_74 = arith.constant 0 : i32
    %swap3A_75 = arith.index_cast %swap3A_74 : i32 to index
    %swap3A_76 = arith.constant 32 : index
    %swap3A_77 = tpu.vector_load %arg6[%swap3A_75, %swap3A_76] {strides = array<i32>} : memref<2x128xi32, #tpu.memory_space<vmem>>, vector<1x16xi32>,
    %swap3A_78 = vector.shape_cast %swap3A_77 : vector<1x16xi32> to vector<16xi32>
    %swap3A_79 = vector.shape_cast %and3A_73 : vector<16xi32> to vector<1x16xi32>
    tpu.vector_store %arg6[%swap3A_75, %swap3A_76], %swap3A_79 {strides = array<i32>} : memref<2x128xi32, #tpu.memory_space<vmem>>, vector<1x16xi32>,
    %shift_right_logical3A_80 = arith.constant 16 : i32
    %shift_right_logical3A_81 = vector.broadcast %shift_right_logical3A_80 : i32 to vector<16xi32>
    %shift_right_logical3A_82 = arith.shrui %get3A_72, %shift_right_logical3A_81 : vector<16xi32>
    %swap3A_83 = arith.constant 0 : i32
    %swap3A_84 = arith.index_cast %swap3A_83 : i32 to index
    %swap3A_85 = arith.constant 32 : index
    %swap3A_86 = tpu.vector_load %arg7[%swap3A_84, %swap3A_85] {strides = array<i32>} : memref<2x128xi32, #tpu.memory_space<vmem>>, vector<1x16xi32>,
    %swap3A_87 = vector.shape_cast %swap3A_86 : vector<1x16xi32> to vector<16xi32>
    %swap3A_88 = vector.shape_cast %shift_right_logical3A_82 : vector<16xi32> to vector<1x16xi32>
    tpu.vector_store %arg7[%swap3A_84, %swap3A_85], %swap3A_88 {strides = array<i32>} : memref<2x128xi32, #tpu.memory_space<vmem>>, vector<1x16xi32>,
    %get3A_89 = arith.constant 0 : i32
    %get3A_90 = arith.index_cast %get3A_89 : i32 to index
    %get3A_91 = arith.constant 48 : index
    %get3A_92 = tpu.vector_load %arg5[%get3A_90, %get3A_91] {strides = array<i32>} : memref<80x128xi32, #tpu.memory_space<vmem>>, vector<1x16xi32>,
    %get3A_93 = vector.shape_cast %get3A_92 : vector<1x16xi32> to vector<16xi32>
    %and3A_94 = arith.andi %get3A_93, %broadcast_in_dim3A_29 : vector<16xi32>
    %swap3A_95 = arith.constant 0 : i32
    %swap3A_96 = arith.index_cast %swap3A_95 : i32 to index
    %swap3A_97 = arith.constant 48 : index
    %swap3A_98 = tpu.vector_load %arg6[%swap3A_96, %swap3A_97] {strides = array<i32>} : memref<2x128xi32, #tpu.memory_space<vmem>>, vector<1x16xi32>,
    %swap3A_99 = vector.shape_cast %swap3A_98 : vector<1x16xi32> to vector<16xi32>
    %swap3A_100 = vector.shape_cast %and3A_94 : vector<16xi32> to vector<1x16xi32>
    tpu.vector_store %arg6[%swap3A_96, %swap3A_97], %swap3A_100 {strides = array<i32>} : memref<2x128xi32, #tpu.memory_space<vmem>>, vector<1x16xi32>,
    %shift_right_logical3A_101 = arith.constant 16 : i32
    %shift_right_logical3A_102 = vector.broadcast %shift_right_logical3A_101 : i32 to vector<16xi32>
    %shift_right_logical3A_103 = arith.shrui %get3A_93, %shift_right_logical3A_102 : vector<16xi32>
    %swap3A_104 = arith.constant 0 : i32
    %swap3A_105 = arith.index_cast %swap3A_104 : i32 to index
    %swap3A_106 = arith.constant 48 : index
    %swap3A_107 = tpu.vector_load %arg7[%swap3A_105, %swap3A_106] {strides = array<i32>} : memref<2x128xi32, #tpu.memory_space<vmem>>, vector<1x16xi32>,
    %swap3A_108 = vector.shape_cast %swap3A_107 : vector<1x16xi32> to vector<16xi32>
    %swap3A_109 = vector.shape_cast %shift_right_logical3A_103 : vector<16xi32> to vector<1x16xi32>
    tpu.vector_store %arg7[%swap3A_105, %swap3A_106], %swap3A_109 {strides = array<i32>} : memref<2x128xi32, #tpu.memory_space<vmem>>, vector<1x16xi32>,
    %get3A_110 = arith.constant 0 : i32
    %get3A_111 = arith.index_cast %get3A_110 : i32 to index
    %get3A_112 = arith.constant 64 : index
    %get3A_113 = tpu.vector_load %arg5[%get3A_111, %get3A_112] {strides = array<i32>} : memref<80x128xi32, #tpu.memory_space<vmem>>, vector<1x16xi32>,
    %get3A_114 = vector.shape_cast %get3A_113 : vector<1x16xi32> to vector<16xi32>
    %and3A_115 = arith.andi %get3A_114, %broadcast_in_dim3A_29 : vector<16xi32>
    %swap3A_116 = arith.constant 0 : i32
    %swap3A_117 = arith.index_cast %swap3A_116 : i32 to index
    %swap3A_118 = arith.constant 64 : index
    %swap3A_119 = tpu.vector_load %arg6[%swap3A_117, %swap3A_118] {strides = array<i32>} : memref<2x128xi32, #tpu.memory_space<vmem>>, vector<1x16xi32>,
    %swap3A_120 = vector.shape_cast %swap3A_119 : vector<1x16xi32> to vector<16xi32>
    %swap3A_121 = vector.shape_cast %and3A_115 : vector<16xi32> to vector<1x16xi32>
    tpu.vector_store %arg6[%swap3A_117, %swap3A_118], %swap3A_121 {strides = array<i32>} : memref<2x128xi32, #tpu.memory_space<vmem>>, vector<1x16xi32>,
    %shift_right_logical3A_122 = arith.constant 16 : i32
    %shift_right_logical3A_123 = vector.broadcast %shift_right_logical3A_122 : i32 to vector<16xi32>
    %shift_right_logical3A_124 = arith.shrui %get3A_114, %shift_right_logical3A_123 : vector<16xi32>
    %swap3A_125 = arith.constant 0 : i32
    %swap3A_126 = arith.index_cast %swap3A_125 : i32 to index
    %swap3A_127 = arith.constant 64 : index
    %swap3A_128 = tpu.vector_load %arg7[%swap3A_126, %swap3A_127] {strides = array<i32>} : memref<2x128xi32, #tpu.memory_space<vmem>>, vector<1x16xi32>,
    %swap3A_129 = vector.shape_cast %swap3A_128 : vector<1x16xi32> to vector<16xi32>
    %swap3A_130 = vector.shape_cast %shift_right_logical3A_124 : vector<16xi32> to vector<1x16xi32>
    tpu.vector_store %arg7[%swap3A_126, %swap3A_127], %swap3A_130 {strides = array<i32>} : memref<2x128xi32, #tpu.memory_space<vmem>>, vector<1x16xi32>,
    %get3A_131 = arith.constant 0 : i32
    %get3A_132 = arith.index_cast %get3A_131 : i32 to index
    %get3A_133 = arith.constant 80 : index
    %get3A_134 = tpu.vector_load %arg5[%get3A_132, %get3A_133] {strides = array<i32>} : memref<80x128xi32, #tpu.memory_space<vmem>>, vector<1x16xi32>,
    %get3A_135 = vector.shape_cast %get3A_134 : vector<1x16xi32> to vector<16xi32>
    %and3A_136 = arith.andi %get3A_135, %broadcast_in_dim3A_29 : vector<16xi32>
    %swap3A_137 = arith.constant 0 : i32
    %swap3A_138 = arith.index_cast %swap3A_137 : i32 to index
    %swap3A_139 = arith.constant 80 : index
    %swap3A_140 = tpu.vector_load %arg6[%swap3A_138, %swap3A_139] {strides = array<i32>} : memref<2x128xi32, #tpu.memory_space<vmem>>, vector<1x16xi32>,
    %swap3A_141 = vector.shape_cast %swap3A_140 : vector<1x16xi32> to vector<16xi32>
    %swap3A_142 = vector.shape_cast %and3A_136 : vector<16xi32> to vector<1x16xi32>
    tpu.vector_store %arg6[%swap3A_138, %swap3A_139], %swap3A_142 {strides = array<i32>} : memref<2x128xi32, #tpu.memory_space<vmem>>, vector<1x16xi32>,
    %shift_right_logical3A_143 = arith.constant 16 : i32
    %shift_right_logical3A_144 = vector.broadcast %shift_right_logical3A_143 : i32 to vector<16xi32>
    %shift_right_logical3A_145 = arith.shrui %get3A_135, %shift_right_logical3A_144 : vector<16xi32>
    %swap3A_146 = arith.constant 0 : i32
    %swap3A_147 = arith.index_cast %swap3A_146 : i32 to index
    %swap3A_148 = arith.constant 80 : index
    %swap3A_149 = tpu.vector_load %arg7[%swap3A_147, %swap3A_148] {strides = array<i32>} : memref<2x128xi32, #tpu.memory_space<vmem>>, vector<1x16xi32>,
    %swap3A_150 = vector.shape_cast %swap3A_149 : vector<1x16xi32> to vector<16xi32>
    %swap3A_151 = vector.shape_cast %shift_right_logical3A_145 : vector<16xi32> to vector<1x16xi32>
    tpu.vector_store %arg7[%swap3A_147, %swap3A_148], %swap3A_151 {strides = array<i32>} : memref<2x128xi32, #tpu.memory_space<vmem>>, vector<1x16xi32>,
    %get3A_152 = arith.constant 0 : i32
    %get3A_153 = arith.index_cast %get3A_152 : i32 to index
    %get3A_154 = arith.constant 96 : index
    %get3A_155 = tpu.vector_load %arg5[%get3A_153, %get3A_154] {strides = array<i32>} : memref<80x128xi32, #tpu.memory_space<vmem>>, vector<1x16xi32>,
    %get3A_156 = vector.shape_cast %get3A_155 : vector<1x16xi32> to vector<16xi32>
    %and3A_157 = arith.andi %get3A_156, %broadcast_in_dim3A_29 : vector<16xi32>
    %swap3A_158 = arith.constant 0 : i32
    %swap3A_159 = arith.index_cast %swap3A_158 : i32 to index
    %swap3A_160 = arith.constant 96 : index
    %swap3A_161 = tpu.vector_load %arg6[%swap3A_159, %swap3A_160] {strides = array<i32>} : memref<2x128xi32, #tpu.memory_space<vmem>>, vector<1x16xi32>,
    %swap3A_162 = vector.shape_cast %swap3A_161 : vector<1x16xi32> to vector<16xi32>
    %swap3A_163 = vector.shape_cast %and3A_157 : vector<16xi32> to vector<1x16xi32>
    tpu.vector_store %arg6[%swap3A_159, %swap3A_160], %swap3A_163 {strides = array<i32>} : memref<2x128xi32, #tpu.memory_space<vmem>>, vector<1x16xi32>,
    %shift_right_logical3A_164 = arith.constant 16 : i32
    %shift_right_logical3A_165 = vector.broadcast %shift_right_logical3A_164 : i32 to vector<16xi32>
    %shift_right_logical3A_166 = arith.shrui %get3A_156, %shift_right_logical3A_165 : vector<16xi32>
    %swap3A_167 = arith.constant 0 : i32
    %swap3A_168 = arith.index_cast %swap3A_167 : i32 to index
    %swap3A_169 = arith.constant 96 : index
    %swap3A_170 = tpu.vector_load %arg7[%swap3A_168, %swap3A_169] {strides = array<i32>} : memref<2x128xi32, #tpu.memory_space<vmem>>, vector<1x16xi32>,
    %swap3A_171 = vector.shape_cast %swap3A_170 : vector<1x16xi32> to vector<16xi32>
    %swap3A_172 = vector.shape_cast %shift_right_logical3A_166 : vector<16xi32> to vector<1x16xi32>
    tpu.vector_store %arg7[%swap3A_168, %swap3A_169], %swap3A_172 {strides = array<i32>} : memref<2x128xi32, #tpu.memory_space<vmem>>, vector<1x16xi32>,
    %get3A_173 = arith.constant 0 : i32
    %get3A_174 = arith.index_cast %get3A_173 : i32 to index
    %get3A_175 = arith.constant 112 : index
    %get3A_176 = tpu.vector_load %arg5[%get3A_174, %get3A_175] {strides = array<i32>} : memref<80x128xi32, #tpu.memory_space<vmem>>, vector<1x16xi32>,
    %get3A_177 = vector.shape_cast %get3A_176 : vector<1x16xi32> to vector<16xi32>
    %and3A_178 = arith.andi %get3A_177, %broadcast_in_dim3A_29 : vector<16xi32>
    %swap3A_179 = arith.constant 0 : i32
    %swap3A_180 = arith.index_cast %swap3A_179 : i32 to index
    %swap3A_181 = arith.constant 112 : index
    %swap3A_182 = tpu.vector_load %arg6[%swap3A_180, %swap3A_181] {strides = array<i32>} : memref<2x128xi32, #tpu.memory_space<vmem>>, vector<1x16xi32>,
    %swap3A_183 = vector.shape_cast %swap3A_182 : vector<1x16xi32> to vector<16xi32>
    %swap3A_184 = vector.shape_cast %and3A_178 : vector<16xi32> to vector<1x16xi32>
    tpu.vector_store %arg6[%swap3A_180, %swap3A_181], %swap3A_184 {strides = array<i32>} : memref<2x128xi32, #tpu.memory_space<vmem>>, vector<1x16xi32>,
    %shift_right_logical3A_185 = arith.constant 16 : i32
    %shift_right_logical3A_186 = vector.broadcast %shift_right_logical3A_185 : i32 to vector<16xi32>
    %shift_right_logical3A_187 = arith.shrui %get3A_177, %shift_right_logical3A_186 : vector<16xi32>
    %swap3A_188 = arith.constant 0 : i32
    %swap3A_189 = arith.index_cast %swap3A_188 : i32 to index
    %swap3A_190 = arith.constant 112 : index
    %swap3A_191 = tpu.vector_load %arg7[%swap3A_189, %swap3A_190] {strides = array<i32>} : memref<2x128xi32, #tpu.memory_space<vmem>>, vector<1x16xi32>,
    %swap3A_192 = vector.shape_cast %swap3A_191 : vector<1x16xi32> to vector<16xi32>
    %swap3A_193 = vector.shape_cast %shift_right_logical3A_187 : vector<16xi32> to vector<1x16xi32>
    tpu.vector_store %arg7[%swap3A_189, %swap3A_190], %swap3A_193 {strides = array<i32>} : memref<2x128xi32, #tpu.memory_space<vmem>>, vector<1x16xi32>,
    %dma_start3A = arith.constant 0 : i32
    %dma_start3A_194 = arith.constant 0 : i32
    %dma_start3A_195 = tpu.memref_slice %arg6[%dma_start3A, %dma_start3A_194] : memref<2x128xi32, #tpu.memory_space<vmem>> -> memref<1x128xi32, #tpu.memory_space<vmem>>
    %dma_start3A_196 = tpu.memref_squeeze %dma_start3A_195 : memref<1x128xi32, #tpu.memory_space<vmem>> -> memref<128xi32, #tpu.memory_space<vmem>>
    %dma_start3A_197 = arith.constant 0 : i32
    %dma_start3A_198 = arith.constant 0 : i32
    %dma_start3A_199 = tpu.memref_slice %arg3[%dma_start3A_197, %dma_start3A_198] : memref<10000x128xf32, #tpu.memory_space<hbm>> -> memref<10000x128xf32, #tpu.memory_space<hbm>>
    tpu.enqueue_indirect_dma source(%dma_start3A_199 : memref<10000x128xf32, #tpu.memory_space<hbm>>) target(%arg8 : memref<128x128xf32, #tpu.memory_space<vmem>>) offsets(%dma_start3A_196 : memref<128xi32, #tpu.memory_space<vmem>>) semaphore(%arg11 : memref<!tpu.dma_semaphore, #tpu.memory_space<semaphore_mem>>)
    %scan3A_200 = arith.constant 0 : i32
    %scan3A_201 = arith.constant 0 : i32
    %scan3A_202 = arith.constant 40 : i32
    %scan3A_203 = arith.addi %scan3A_201, %scan3A_202 : i32
    %scan3A_204 = arith.constant 1 : i32
    %scan3A_205 = scf.for %scan3A_218 = %scan3A_201 to %scan3A_203 step %scan3A_204 iter_args(%scan3A_219 = %scan3A_200) -> (i32)  : i32 {
      %mul3A_220 = arith.constant 2 : i32
      %mul3A_221 = arith.muli %mul3A_220, %scan3A_218 : i32
      %add3A_222 = arith.constant 0 : i32
      %add3A_223 = arith.addi %mul3A_221, %add3A_222 : i32
      %dma_wait3A_224 = arith.constant 0 : i32
      %dma_wait3A_225 = arith.constant 0 : i32
      %dma_wait3A_226 = tpu.memref_slice %arg6[%dma_wait3A_224, %dma_wait3A_225] : memref<2x128xi32, #tpu.memory_space<vmem>> -> memref<1x128xi32, #tpu.memory_space<vmem>>
      %dma_wait3A_227 = tpu.memref_squeeze %dma_wait3A_226 : memref<1x128xi32, #tpu.memory_space<vmem>> -> memref<128xi32, #tpu.memory_space<vmem>>
      %dma_wait3A_228 = arith.constant 0 : i32
      %dma_wait3A_229 = arith.constant 0 : i32
      %dma_wait3A_230 = tpu.memref_slice %arg3[%dma_wait3A_228, %dma_wait3A_229] : memref<10000x128xf32, #tpu.memory_space<hbm>> -> memref<10000x128xf32, #tpu.memory_space<hbm>>
      tpu.wait_indirect_dma semaphore(%arg11 : memref<!tpu.dma_semaphore, #tpu.memory_space<semaphore_mem>>) src(%dma_wait3A_230 : memref<10000x128xf32, #tpu.memory_space<hbm>>) dst(%arg8 : memref<128x128xf32, #tpu.memory_space<vmem>>)
      %ge3A = arith.constant 1 : i32
      %ge3A_231 = arith.cmpi sge, %add3A_223, %ge3A : i32
      %convert_element_type3A = arith.extui %ge3A_231 : i1 to i32
      %cond3A = arith.constant 0 : i32
      %cond3A_232 = arith.cmpi ne, %convert_element_type3A, %cond3A : i32
      scf.if %cond3A_232 {
        %dma_wait3A_277 = arith.constant 1 : i32
        %dma_wait3A_278 = arith.constant 0 : i32
        %dma_wait3A_279 = tpu.memref_slice %arg7[%dma_wait3A_277, %dma_wait3A_278] : memref<2x128xi32, #tpu.memory_space<vmem>> -> memref<1x128xi32, #tpu.memory_space<vmem>>
        %dma_wait3A_280 = tpu.memref_squeeze %dma_wait3A_279 : memref<1x128xi32, #tpu.memory_space<vmem>> -> memref<128xi32, #tpu.memory_space<vmem>>
        %dma_wait3A_281 = arith.constant 0 : i32
        %dma_wait3A_282 = arith.constant 0 : i32
        %dma_wait3A_283 = tpu.memref_slice %arg10[%dma_wait3A_281, %dma_wait3A_282] : memref<10240x128xf32, #tpu.memory_space<vmem_shared>> -> memref<10240x128xf32, #tpu.memory_space<vmem_shared>>
        tpu.wait_indirect_dma semaphore(%arg12 : memref<!tpu.dma_semaphore, #tpu.memory_space<semaphore_mem>>) src(%arg9 : memref<128x128xf32, #tpu.memory_space<vmem>>) dst(%dma_wait3A_283 : memref<10240x128xf32, #tpu.memory_space<vmem_shared>>)
      } else {
      }
      %dma_start3A_233 = arith.constant 0 : i32
      %dma_start3A_234 = arith.constant 0 : i32
      %dma_start3A_235 = tpu.memref_slice %arg7[%dma_start3A_233, %dma_start3A_234] : memref<2x128xi32, #tpu.memory_space<vmem>> -> memref<1x128xi32, #tpu.memory_space<vmem>>
      %dma_start3A_236 = tpu.memref_squeeze %dma_start3A_235 : memref<1x128xi32, #tpu.memory_space<vmem>> -> memref<128xi32, #tpu.memory_space<vmem>>
      %dma_start3A_237 = arith.constant 0 : i32
      %dma_start3A_238 = arith.constant 0 : i32
      %dma_start3A_239 = tpu.memref_slice %arg10[%dma_start3A_237, %dma_start3A_238] : memref<10240x128xf32, #tpu.memory_space<vmem_shared>> -> memref<10240x128xf32, #tpu.memory_space<vmem_shared>>
      tpu.enqueue_indirect_dma source(%arg8 : memref<128x128xf32, #tpu.memory_space<vmem>>) target(%dma_start3A_239 : memref<10240x128xf32, #tpu.memory_space<vmem_shared>>) offsets(%dma_start3A_236 : memref<128xi32, #tpu.memory_space<vmem>>) semaphore(%arg12 : memref<!tpu.dma_semaphore, #tpu.memory_space<semaphore_mem>>) {add = true}
      %add3A_240 = arith.constant 1 : i32
      %add3A_241 = arith.addi %add3A_223, %add3A_240 : i32
      %lt3A = arith.constant 80 : i32
      %lt3A_242 = arith.cmpi slt, %add3A_241, %lt3A : i32
      %convert_element_type3A_243 = arith.extui %lt3A_242 : i1 to i32
      %cond3A_244 = arith.constant 0 : i32
      %cond3A_245 = arith.cmpi ne, %convert_element_type3A_243, %cond3A_244 : i32
      scf.if %cond3A_245 {
        %add3A_277 = arith.constant 1 : i32
        %add3A_278 = arith.addi %add3A_223, %add3A_277 : i32
        %broadcast_in_dim3A_279 = arith.constant 65535 : i32
        %broadcast_in_dim3A_280 = vector.broadcast %broadcast_in_dim3A_279 : i32 to vector<16xi32>
        %get3A_281 = arith.index_cast %add3A_278 : i32 to index
        %get3A_282 = arith.constant 0 : index
        %get3A_283 = tpu.vector_load %arg5[%get3A_281, %get3A_282] {strides = array<i32>} : memref<80x128xi32, #tpu.memory_space<vmem>>, vector<1x16xi32>,
        %get3A_284 = vector.shape_cast %get3A_283 : vector<1x16xi32> to vector<16xi32>
        %and3A_285 = arith.andi %get3A_284, %broadcast_in_dim3A_280 : vector<16xi32>
        %swap3A_286 = arith.constant 1 : i32
        %swap3A_287 = arith.index_cast %swap3A_286 : i32 to index
        %swap3A_288 = arith.constant 0 : index
        %swap3A_289 = tpu.vector_load %arg6[%swap3A_287, %swap3A_288] {strides = array<i32>} : memref<2x128xi32, #tpu.memory_space<vmem>>, vector<1x16xi32>,
        %swap3A_290 = vector.shape_cast %swap3A_289 : vector<1x16xi32> to vector<16xi32>
        %swap3A_291 = vector.shape_cast %and3A_285 : vector<16xi32> to vector<1x16xi32>
        tpu.vector_store %arg6[%swap3A_287, %swap3A_288], %swap3A_291 {strides = array<i32>} : memref<2x128xi32, #tpu.memory_space<vmem>>, vector<1x16xi32>,
        %shift_right_logical3A_292 = arith.constant 16 : i32
        %shift_right_logical3A_293 = vector.broadcast %shift_right_logical3A_292 : i32 to vector<16xi32>
        %shift_right_logical3A_294 = arith.shrui %get3A_284, %shift_right_logical3A_293 : vector<16xi32>
        %swap3A_295 = arith.constant 1 : i32
        %swap3A_296 = arith.index_cast %swap3A_295 : i32 to index
        %swap3A_297 = arith.constant 0 : index
        %swap3A_298 = tpu.vector_load %arg7[%swap3A_296, %swap3A_297] {strides = array<i32>} : memref<2x128xi32, #tpu.memory_space<vmem>>, vector<1x16xi32>,
        %swap3A_299 = vector.shape_cast %swap3A_298 : vector<1x16xi32> to vector<16xi32>
        %swap3A_300 = vector.shape_cast %shift_right_logical3A_294 : vector<16xi32> to vector<1x16xi32>
        tpu.vector_store %arg7[%swap3A_296, %swap3A_297], %swap3A_300 {strides = array<i32>} : memref<2x128xi32, #tpu.memory_space<vmem>>, vector<1x16xi32>,
        %get3A_301 = arith.index_cast %add3A_278 : i32 to index
        %get3A_302 = arith.constant 16 : index
        %get3A_303 = tpu.vector_load %arg5[%get3A_301, %get3A_302] {strides = array<i32>} : memref<80x128xi32, #tpu.memory_space<vmem>>, vector<1x16xi32>,
        %get3A_304 = vector.shape_cast %get3A_303 : vector<1x16xi32> to vector<16xi32>
        %and3A_305 = arith.andi %get3A_304, %broadcast_in_dim3A_280 : vector<16xi32>
        %swap3A_306 = arith.constant 1 : i32
        %swap3A_307 = arith.index_cast %swap3A_306 : i32 to index
        %swap3A_308 = arith.constant 16 : index
        %swap3A_309 = tpu.vector_load %arg6[%swap3A_307, %swap3A_308] {strides = array<i32>} : memref<2x128xi32, #tpu.memory_space<vmem>>, vector<1x16xi32>,
        %swap3A_310 = vector.shape_cast %swap3A_309 : vector<1x16xi32> to vector<16xi32>
        %swap3A_311 = vector.shape_cast %and3A_305 : vector<16xi32> to vector<1x16xi32>
        tpu.vector_store %arg6[%swap3A_307, %swap3A_308], %swap3A_311 {strides = array<i32>} : memref<2x128xi32, #tpu.memory_space<vmem>>, vector<1x16xi32>,
        %shift_right_logical3A_312 = arith.constant 16 : i32
        %shift_right_logical3A_313 = vector.broadcast %shift_right_logical3A_312 : i32 to vector<16xi32>
        %shift_right_logical3A_314 = arith.shrui %get3A_304, %shift_right_logical3A_313 : vector<16xi32>
        %swap3A_315 = arith.constant 1 : i32
        %swap3A_316 = arith.index_cast %swap3A_315 : i32 to index
        %swap3A_317 = arith.constant 16 : index
        %swap3A_318 = tpu.vector_load %arg7[%swap3A_316, %swap3A_317] {strides = array<i32>} : memref<2x128xi32, #tpu.memory_space<vmem>>, vector<1x16xi32>,
        %swap3A_319 = vector.shape_cast %swap3A_318 : vector<1x16xi32> to vector<16xi32>
        %swap3A_320 = vector.shape_cast %shift_right_logical3A_314 : vector<16xi32> to vector<1x16xi32>
        tpu.vector_store %arg7[%swap3A_316, %swap3A_317], %swap3A_320 {strides = array<i32>} : memref<2x128xi32, #tpu.memory_space<vmem>>, vector<1x16xi32>,
        %get3A_321 = arith.index_cast %add3A_278 : i32 to index
        %get3A_322 = arith.constant 32 : index
        %get3A_323 = tpu.vector_load %arg5[%get3A_321, %get3A_322] {strides = array<i32>} : memref<80x128xi32, #tpu.memory_space<vmem>>, vector<1x16xi32>,
        %get3A_324 = vector.shape_cast %get3A_323 : vector<1x16xi32> to vector<16xi32>
        %and3A_325 = arith.andi %get3A_324, %broadcast_in_dim3A_280 : vector<16xi32>
        %swap3A_326 = arith.constant 1 : i32
        %swap3A_327 = arith.index_cast %swap3A_326 : i32 to index
        %swap3A_328 = arith.constant 32 : index
        %swap3A_329 = tpu.vector_load %arg6[%swap3A_327, %swap3A_328] {strides = array<i32>} : memref<2x128xi32, #tpu.memory_space<vmem>>, vector<1x16xi32>,
        %swap3A_330 = vector.shape_cast %swap3A_329 : vector<1x16xi32> to vector<16xi32>
        %swap3A_331 = vector.shape_cast %and3A_325 : vector<16xi32> to vector<1x16xi32>
        tpu.vector_store %arg6[%swap3A_327, %swap3A_328], %swap3A_331 {strides = array<i32>} : memref<2x128xi32, #tpu.memory_space<vmem>>, vector<1x16xi32>,
        %shift_right_logical3A_332 = arith.constant 16 : i32
        %shift_right_logical3A_333 = vector.broadcast %shift_right_logical3A_332 : i32 to vector<16xi32>
        %shift_right_logical3A_334 = arith.shrui %get3A_324, %shift_right_logical3A_333 : vector<16xi32>
        %swap3A_335 = arith.constant 1 : i32
        %swap3A_336 = arith.index_cast %swap3A_335 : i32 to index
        %swap3A_337 = arith.constant 32 : index
        %swap3A_338 = tpu.vector_load %arg7[%swap3A_336, %swap3A_337] {strides = array<i32>} : memref<2x128xi32, #tpu.memory_space<vmem>>, vector<1x16xi32>,
        %swap3A_339 = vector.shape_cast %swap3A_338 : vector<1x16xi32> to vector<16xi32>
        %swap3A_340 = vector.shape_cast %shift_right_logical3A_334 : vector<16xi32> to vector<1x16xi32>
        tpu.vector_store %arg7[%swap3A_336, %swap3A_337], %swap3A_340 {strides = array<i32>} : memref<2x128xi32, #tpu.memory_space<vmem>>, vector<1x16xi32>,
        %get3A_341 = arith.index_cast %add3A_278 : i32 to index
        %get3A_342 = arith.constant 48 : index
        %get3A_343 = tpu.vector_load %arg5[%get3A_341, %get3A_342] {strides = array<i32>} : memref<80x128xi32, #tpu.memory_space<vmem>>, vector<1x16xi32>,
        %get3A_344 = vector.shape_cast %get3A_343 : vector<1x16xi32> to vector<16xi32>
        %and3A_345 = arith.andi %get3A_344, %broadcast_in_dim3A_280 : vector<16xi32>
        %swap3A_346 = arith.constant 1 : i32
        %swap3A_347 = arith.index_cast %swap3A_346 : i32 to index
        %swap3A_348 = arith.constant 48 : index
        %swap3A_349 = tpu.vector_load %arg6[%swap3A_347, %swap3A_348] {strides = array<i32>} : memref<2x128xi32, #tpu.memory_space<vmem>>, vector<1x16xi32>,
        %swap3A_350 = vector.shape_cast %swap3A_349 : vector<1x16xi32> to vector<16xi32>
        %swap3A_351 = vector.shape_cast %and3A_345 : vector<16xi32> to vector<1x16xi32>
        tpu.vector_store %arg6[%swap3A_347, %swap3A_348], %swap3A_351 {strides = array<i32>} : memref<2x128xi32, #tpu.memory_space<vmem>>, vector<1x16xi32>,
        %shift_right_logical3A_352 = arith.constant 16 : i32
        %shift_right_logical3A_353 = vector.broadcast %shift_right_logical3A_352 : i32 to vector<16xi32>
        %shift_right_logical3A_354 = arith.shrui %get3A_344, %shift_right_logical3A_353 : vector<16xi32>
        %swap3A_355 = arith.constant 1 : i32
        %swap3A_356 = arith.index_cast %swap3A_355 : i32 to index
        %swap3A_357 = arith.constant 48 : index
        %swap3A_358 = tpu.vector_load %arg7[%swap3A_356, %swap3A_357] {strides = array<i32>} : memref<2x128xi32, #tpu.memory_space<vmem>>, vector<1x16xi32>,
        %swap3A_359 = vector.shape_cast %swap3A_358 : vector<1x16xi32> to vector<16xi32>
        %swap3A_360 = vector.shape_cast %shift_right_logical3A_354 : vector<16xi32> to vector<1x16xi32>
        tpu.vector_store %arg7[%swap3A_356, %swap3A_357], %swap3A_360 {strides = array<i32>} : memref<2x128xi32, #tpu.memory_space<vmem>>, vector<1x16xi32>,
        %get3A_361 = arith.index_cast %add3A_278 : i32 to index
        %get3A_362 = arith.constant 64 : index
        %get3A_363 = tpu.vector_load %arg5[%get3A_361, %get3A_362] {strides = array<i32>} : memref<80x128xi32, #tpu.memory_space<vmem>>, vector<1x16xi32>,
        %get3A_364 = vector.shape_cast %get3A_363 : vector<1x16xi32> to vector<16xi32>
        %and3A_365 = arith.andi %get3A_364, %broadcast_in_dim3A_280 : vector<16xi32>
        %swap3A_366 = arith.constant 1 : i32
        %swap3A_367 = arith.index_cast %swap3A_366 : i32 to index
        %swap3A_368 = arith.constant 64 : index
        %swap3A_369 = tpu.vector_load %arg6[%swap3A_367, %swap3A_368] {strides = array<i32>} : memref<2x128xi32, #tpu.memory_space<vmem>>, vector<1x16xi32>,
        %swap3A_370 = vector.shape_cast %swap3A_369 : vector<1x16xi32> to vector<16xi32>
        %swap3A_371 = vector.shape_cast %and3A_365 : vector<16xi32> to vector<1x16xi32>
        tpu.vector_store %arg6[%swap3A_367, %swap3A_368], %swap3A_371 {strides = array<i32>} : memref<2x128xi32, #tpu.memory_space<vmem>>, vector<1x16xi32>,
        %shift_right_logical3A_372 = arith.constant 16 : i32
        %shift_right_logical3A_373 = vector.broadcast %shift_right_logical3A_372 : i32 to vector<16xi32>
        %shift_right_logical3A_374 = arith.shrui %get3A_364, %shift_right_logical3A_373 : vector<16xi32>
        %swap3A_375 = arith.constant 1 : i32
        %swap3A_376 = arith.index_cast %swap3A_375 : i32 to index
        %swap3A_377 = arith.constant 64 : index
        %swap3A_378 = tpu.vector_load %arg7[%swap3A_376, %swap3A_377] {strides = array<i32>} : memref<2x128xi32, #tpu.memory_space<vmem>>, vector<1x16xi32>,
        %swap3A_379 = vector.shape_cast %swap3A_378 : vector<1x16xi32> to vector<16xi32>
        %swap3A_380 = vector.shape_cast %shift_right_logical3A_374 : vector<16xi32> to vector<1x16xi32>
        tpu.vector_store %arg7[%swap3A_376, %swap3A_377], %swap3A_380 {strides = array<i32>} : memref<2x128xi32, #tpu.memory_space<vmem>>, vector<1x16xi32>,
        %get3A_381 = arith.index_cast %add3A_278 : i32 to index
        %get3A_382 = arith.constant 80 : index
        %get3A_383 = tpu.vector_load %arg5[%get3A_381, %get3A_382] {strides = array<i32>} : memref<80x128xi32, #tpu.memory_space<vmem>>, vector<1x16xi32>,
        %get3A_384 = vector.shape_cast %get3A_383 : vector<1x16xi32> to vector<16xi32>
        %and3A_385 = arith.andi %get3A_384, %broadcast_in_dim3A_280 : vector<16xi32>
        %swap3A_386 = arith.constant 1 : i32
        %swap3A_387 = arith.index_cast %swap3A_386 : i32 to index
        %swap3A_388 = arith.constant 80 : index
        %swap3A_389 = tpu.vector_load %arg6[%swap3A_387, %swap3A_388] {strides = array<i32>} : memref<2x128xi32, #tpu.memory_space<vmem>>, vector<1x16xi32>,
        %swap3A_390 = vector.shape_cast %swap3A_389 : vector<1x16xi32> to vector<16xi32>
        %swap3A_391 = vector.shape_cast %and3A_385 : vector<16xi32> to vector<1x16xi32>
        tpu.vector_store %arg6[%swap3A_387, %swap3A_388], %swap3A_391 {strides = array<i32>} : memref<2x128xi32, #tpu.memory_space<vmem>>, vector<1x16xi32>,
        %shift_right_logical3A_392 = arith.constant 16 : i32
        %shift_right_logical3A_393 = vector.broadcast %shift_right_logical3A_392 : i32 to vector<16xi32>
        %shift_right_logical3A_394 = arith.shrui %get3A_384, %shift_right_logical3A_393 : vector<16xi32>
        %swap3A_395 = arith.constant 1 : i32
        %swap3A_396 = arith.index_cast %swap3A_395 : i32 to index
        %swap3A_397 = arith.constant 80 : index
        %swap3A_398 = tpu.vector_load %arg7[%swap3A_396, %swap3A_397] {strides = array<i32>} : memref<2x128xi32, #tpu.memory_space<vmem>>, vector<1x16xi32>,
        %swap3A_399 = vector.shape_cast %swap3A_398 : vector<1x16xi32> to vector<16xi32>
        %swap3A_400 = vector.shape_cast %shift_right_logical3A_394 : vector<16xi32> to vector<1x16xi32>
        tpu.vector_store %arg7[%swap3A_396, %swap3A_397], %swap3A_400 {strides = array<i32>} : memref<2x128xi32, #tpu.memory_space<vmem>>, vector<1x16xi32>,
        %get3A_401 = arith.index_cast %add3A_278 : i32 to index
        %get3A_402 = arith.constant 96 : index
        %get3A_403 = tpu.vector_load %arg5[%get3A_401, %get3A_402] {strides = array<i32>} : memref<80x128xi32, #tpu.memory_space<vmem>>, vector<1x16xi32>,
        %get3A_404 = vector.shape_cast %get3A_403 : vector<1x16xi32> to vector<16xi32>
        %and3A_405 = arith.andi %get3A_404, %broadcast_in_dim3A_280 : vector<16xi32>
        %swap3A_406 = arith.constant 1 : i32
        %swap3A_407 = arith.index_cast %swap3A_406 : i32 to index
        %swap3A_408 = arith.constant 96 : index
        %swap3A_409 = tpu.vector_load %arg6[%swap3A_407, %swap3A_408] {strides = array<i32>} : memref<2x128xi32, #tpu.memory_space<vmem>>, vector<1x16xi32>,
        %swap3A_410 = vector.shape_cast %swap3A_409 : vector<1x16xi32> to vector<16xi32>
        %swap3A_411 = vector.shape_cast %and3A_405 : vector<16xi32> to vector<1x16xi32>
        tpu.vector_store %arg6[%swap3A_407, %swap3A_408], %swap3A_411 {strides = array<i32>} : memref<2x128xi32, #tpu.memory_space<vmem>>, vector<1x16xi32>,
        %shift_right_logical3A_412 = arith.constant 16 : i32
        %shift_right_logical3A_413 = vector.broadcast %shift_right_logical3A_412 : i32 to vector<16xi32>
        %shift_right_logical3A_414 = arith.shrui %get3A_404, %shift_right_logical3A_413 : vector<16xi32>
        %swap3A_415 = arith.constant 1 : i32
        %swap3A_416 = arith.index_cast %swap3A_415 : i32 to index
        %swap3A_417 = arith.constant 96 : index
        %swap3A_418 = tpu.vector_load %arg7[%swap3A_416, %swap3A_417] {strides = array<i32>} : memref<2x128xi32, #tpu.memory_space<vmem>>, vector<1x16xi32>,
        %swap3A_419 = vector.shape_cast %swap3A_418 : vector<1x16xi32> to vector<16xi32>
        %swap3A_420 = vector.shape_cast %shift_right_logical3A_414 : vector<16xi32> to vector<1x16xi32>
        tpu.vector_store %arg7[%swap3A_416, %swap3A_417], %swap3A_420 {strides = array<i32>} : memref<2x128xi32, #tpu.memory_space<vmem>>, vector<1x16xi32>,
        %get3A_421 = arith.index_cast %add3A_278 : i32 to index
        %get3A_422 = arith.constant 112 : index
        %get3A_423 = tpu.vector_load %arg5[%get3A_421, %get3A_422] {strides = array<i32>} : memref<80x128xi32, #tpu.memory_space<vmem>>, vector<1x16xi32>,
        %get3A_424 = vector.shape_cast %get3A_423 : vector<1x16xi32> to vector<16xi32>
        %and3A_425 = arith.andi %get3A_424, %broadcast_in_dim3A_280 : vector<16xi32>
        %swap3A_426 = arith.constant 1 : i32
        %swap3A_427 = arith.index_cast %swap3A_426 : i32 to index
        %swap3A_428 = arith.constant 112 : index
        %swap3A_429 = tpu.vector_load %arg6[%swap3A_427, %swap3A_428] {strides = array<i32>} : memref<2x128xi32, #tpu.memory_space<vmem>>, vector<1x16xi32>,
        %swap3A_430 = vector.shape_cast %swap3A_429 : vector<1x16xi32> to vector<16xi32>
        %swap3A_431 = vector.shape_cast %and3A_425 : vector<16xi32> to vector<1x16xi32>
        tpu.vector_store %arg6[%swap3A_427, %swap3A_428], %swap3A_431 {strides = array<i32>} : memref<2x128xi32, #tpu.memory_space<vmem>>, vector<1x16xi32>,
        %shift_right_logical3A_432 = arith.constant 16 : i32
        %shift_right_logical3A_433 = vector.broadcast %shift_right_logical3A_432 : i32 to vector<16xi32>
        %shift_right_logical3A_434 = arith.shrui %get3A_424, %shift_right_logical3A_433 : vector<16xi32>
        %swap3A_435 = arith.constant 1 : i32
        %swap3A_436 = arith.index_cast %swap3A_435 : i32 to index
        %swap3A_437 = arith.constant 112 : index
        %swap3A_438 = tpu.vector_load %arg7[%swap3A_436, %swap3A_437] {strides = array<i32>} : memref<2x128xi32, #tpu.memory_space<vmem>>, vector<1x16xi32>,
        %swap3A_439 = vector.shape_cast %swap3A_438 : vector<1x16xi32> to vector<16xi32>
        %swap3A_440 = vector.shape_cast %shift_right_logical3A_434 : vector<16xi32> to vector<1x16xi32>
        tpu.vector_store %arg7[%swap3A_436, %swap3A_437], %swap3A_440 {strides = array<i32>} : memref<2x128xi32, #tpu.memory_space<vmem>>, vector<1x16xi32>,
        %dma_start3A_441 = arith.constant 1 : i32
        %dma_start3A_442 = arith.constant 0 : i32
        %dma_start3A_443 = tpu.memref_slice %arg6[%dma_start3A_441, %dma_start3A_442] : memref<2x128xi32, #tpu.memory_space<vmem>> -> memref<1x128xi32, #tpu.memory_space<vmem>>
        %dma_start3A_444 = tpu.memref_squeeze %dma_start3A_443 : memref<1x128xi32, #tpu.memory_space<vmem>> -> memref<128xi32, #tpu.memory_space<vmem>>
        %dma_start3A_445 = arith.constant 0 : i32
        %dma_start3A_446 = arith.constant 0 : i32
        %dma_start3A_447 = tpu.memref_slice %arg3[%dma_start3A_445, %dma_start3A_446] : memref<10000x128xf32, #tpu.memory_space<hbm>> -> memref<10000x128xf32, #tpu.memory_space<hbm>>
        tpu.enqueue_indirect_dma source(%dma_start3A_447 : memref<10000x128xf32, #tpu.memory_space<hbm>>) target(%arg9 : memref<128x128xf32, #tpu.memory_space<vmem>>) offsets(%dma_start3A_444 : memref<128xi32, #tpu.memory_space<vmem>>) semaphore(%arg11 : memref<!tpu.dma_semaphore, #tpu.memory_space<semaphore_mem>>)
      } else {
      }
      %mul3A_246 = arith.constant 2 : i32
      %mul3A_247 = arith.muli %mul3A_246, %scan3A_218 : i32
      %add3A_248 = arith.constant 1 : i32
      %add3A_249 = arith.addi %mul3A_247, %add3A_248 : i32
      %dma_wait3A_250 = arith.constant 1 : i32
      %dma_wait3A_251 = arith.constant 0 : i32
      %dma_wait3A_252 = tpu.memref_slice %arg6[%dma_wait3A_250, %dma_wait3A_251] : memref<2x128xi32, #tpu.memory_space<vmem>> -> memref<1x128xi32, #tpu.memory_space<vmem>>
      %dma_wait3A_253 = tpu.memref_squeeze %dma_wait3A_252 : memref<1x128xi32, #tpu.memory_space<vmem>> -> memref<128xi32, #tpu.memory_space<vmem>>
      %dma_wait3A_254 = arith.constant 0 : i32
      %dma_wait3A_255 = arith.constant 0 : i32
      %dma_wait3A_256 = tpu.memref_slice %arg3[%dma_wait3A_254, %dma_wait3A_255] : memref<10000x128xf32, #tpu.memory_space<hbm>> -> memref<10000x128xf32, #tpu.memory_space<hbm>>
      tpu.wait_indirect_dma semaphore(%arg11 : memref<!tpu.dma_semaphore, #tpu.memory_space<semaphore_mem>>) src(%dma_wait3A_256 : memref<10000x128xf32, #tpu.memory_space<hbm>>) dst(%arg9 : memref<128x128xf32, #tpu.memory_space<vmem>>)
      %ge3A_257 = arith.constant 1 : i32
      %ge3A_258 = arith.cmpi sge, %add3A_249, %ge3A_257 : i32
      %convert_element_type3A_259 = arith.extui %ge3A_258 : i1 to i32
      %cond3A_260 = arith.constant 0 : i32
      %cond3A_261 = arith.cmpi ne, %convert_element_type3A_259, %cond3A_260 : i32
      scf.if %cond3A_261 {
        %dma_wait3A_277 = arith.constant 0 : i32
        %dma_wait3A_278 = arith.constant 0 : i32
        %dma_wait3A_279 = tpu.memref_slice %arg7[%dma_wait3A_277, %dma_wait3A_278] : memref<2x128xi32, #tpu.memory_space<vmem>> -> memref<1x128xi32, #tpu.memory_space<vmem>>
        %dma_wait3A_280 = tpu.memref_squeeze %dma_wait3A_279 : memref<1x128xi32, #tpu.memory_space<vmem>> -> memref<128xi32, #tpu.memory_space<vmem>>
        %dma_wait3A_281 = arith.constant 0 : i32
        %dma_wait3A_282 = arith.constant 0 : i32
        %dma_wait3A_283 = tpu.memref_slice %arg10[%dma_wait3A_281, %dma_wait3A_282] : memref<10240x128xf32, #tpu.memory_space<vmem_shared>> -> memref<10240x128xf32, #tpu.memory_space<vmem_shared>>
        tpu.wait_indirect_dma semaphore(%arg12 : memref<!tpu.dma_semaphore, #tpu.memory_space<semaphore_mem>>) src(%arg8 : memref<128x128xf32, #tpu.memory_space<vmem>>) dst(%dma_wait3A_283 : memref<10240x128xf32, #tpu.memory_space<vmem_shared>>)
      } else {
      }
      %dma_start3A_262 = arith.constant 1 : i32
      %dma_start3A_263 = arith.constant 0 : i32
      %dma_start3A_264 = tpu.memref_slice %arg7[%dma_start3A_262, %dma_start3A_263] : memref<2x128xi32, #tpu.memory_space<vmem>> -> memref<1x128xi32, #tpu.memory_space<vmem>>
      %dma_start3A_265 = tpu.memref_squeeze %dma_start3A_264 : memref<1x128xi32, #tpu.memory_space<vmem>> -> memref<128xi32, #tpu.memory_space<vmem>>
      %dma_start3A_266 = arith.constant 0 : i32
      %dma_start3A_267 = arith.constant 0 : i32
      %dma_start3A_268 = tpu.memref_slice %arg10[%dma_start3A_266, %dma_start3A_267] : memref<10240x128xf32, #tpu.memory_space<vmem_shared>> -> memref<10240x128xf32, #tpu.memory_space<vmem_shared>>
      tpu.enqueue_indirect_dma source(%arg9 : memref<128x128xf32, #tpu.memory_space<vmem>>) target(%dma_start3A_268 : memref<10240x128xf32, #tpu.memory_space<vmem_shared>>) offsets(%dma_start3A_265 : memref<128xi32, #tpu.memory_space<vmem>>) semaphore(%arg12 : memref<!tpu.dma_semaphore, #tpu.memory_space<semaphore_mem>>) {add = true}
      %add3A_269 = arith.constant 1 : i32
      %add3A_270 = arith.addi %add3A_249, %add3A_269 : i32
      %lt3A_271 = arith.constant 80 : i32
      %lt3A_272 = arith.cmpi slt, %add3A_270, %lt3A_271 : i32
      %convert_element_type3A_273 = arith.extui %lt3A_272 : i1 to i32
      %cond3A_274 = arith.constant 0 : i32
      %cond3A_275 = arith.cmpi ne, %convert_element_type3A_273, %cond3A_274 : i32
      scf.if %cond3A_275 {
        %add3A_277 = arith.constant 1 : i32
        %add3A_278 = arith.addi %add3A_249, %add3A_277 : i32
        %broadcast_in_dim3A_279 = arith.constant 65535 : i32
        %broadcast_in_dim3A_280 = vector.broadcast %broadcast_in_dim3A_279 : i32 to vector<16xi32>
        %get3A_281 = arith.index_cast %add3A_278 : i32 to index
        %get3A_282 = arith.constant 0 : index
        %get3A_283 = tpu.vector_load %arg5[%get3A_281, %get3A_282] {strides = array<i32>} : memref<80x128xi32, #tpu.memory_space<vmem>>, vector<1x16xi32>,
        %get3A_284 = vector.shape_cast %get3A_283 : vector<1x16xi32> to vector<16xi32>
        %and3A_285 = arith.andi %get3A_284, %broadcast_in_dim3A_280 : vector<16xi32>
        %swap3A_286 = arith.constant 0 : i32
        %swap3A_287 = arith.index_cast %swap3A_286 : i32 to index
        %swap3A_288 = arith.constant 0 : index
        %swap3A_289 = tpu.vector_load %arg6[%swap3A_287, %swap3A_288] {strides = array<i32>} : memref<2x128xi32, #tpu.memory_space<vmem>>, vector<1x16xi32>,
        %swap3A_290 = vector.shape_cast %swap3A_289 : vector<1x16xi32> to vector<16xi32>
        %swap3A_291 = vector.shape_cast %and3A_285 : vector<16xi32> to vector<1x16xi32>
        tpu.vector_store %arg6[%swap3A_287, %swap3A_288], %swap3A_291 {strides = array<i32>} : memref<2x128xi32, #tpu.memory_space<vmem>>, vector<1x16xi32>,
        %shift_right_logical3A_292 = arith.constant 16 : i32
        %shift_right_logical3A_293 = vector.broadcast %shift_right_logical3A_292 : i32 to vector<16xi32>
        %shift_right_logical3A_294 = arith.shrui %get3A_284, %shift_right_logical3A_293 : vector<16xi32>
        %swap3A_295 = arith.constant 0 : i32
        %swap3A_296 = arith.index_cast %swap3A_295 : i32 to index
        %swap3A_297 = arith.constant 0 : index
        %swap3A_298 = tpu.vector_load %arg7[%swap3A_296, %swap3A_297] {strides = array<i32>} : memref<2x128xi32, #tpu.memory_space<vmem>>, vector<1x16xi32>,
        %swap3A_299 = vector.shape_cast %swap3A_298 : vector<1x16xi32> to vector<16xi32>
        %swap3A_300 = vector.shape_cast %shift_right_logical3A_294 : vector<16xi32> to vector<1x16xi32>
        tpu.vector_store %arg7[%swap3A_296, %swap3A_297], %swap3A_300 {strides = array<i32>} : memref<2x128xi32, #tpu.memory_space<vmem>>, vector<1x16xi32>,
        %get3A_301 = arith.index_cast %add3A_278 : i32 to index
        %get3A_302 = arith.constant 16 : index
        %get3A_303 = tpu.vector_load %arg5[%get3A_301, %get3A_302] {strides = array<i32>} : memref<80x128xi32, #tpu.memory_space<vmem>>, vector<1x16xi32>,
        %get3A_304 = vector.shape_cast %get3A_303 : vector<1x16xi32> to vector<16xi32>
        %and3A_305 = arith.andi %get3A_304, %broadcast_in_dim3A_280 : vector<16xi32>
        %swap3A_306 = arith.constant 0 : i32
        %swap3A_307 = arith.index_cast %swap3A_306 : i32 to index
        %swap3A_308 = arith.constant 16 : index
        %swap3A_309 = tpu.vector_load %arg6[%swap3A_307, %swap3A_308] {strides = array<i32>} : memref<2x128xi32, #tpu.memory_space<vmem>>, vector<1x16xi32>,
        %swap3A_310 = vector.shape_cast %swap3A_309 : vector<1x16xi32> to vector<16xi32>
        %swap3A_311 = vector.shape_cast %and3A_305 : vector<16xi32> to vector<1x16xi32>
        tpu.vector_store %arg6[%swap3A_307, %swap3A_308], %swap3A_311 {strides = array<i32>} : memref<2x128xi32, #tpu.memory_space<vmem>>, vector<1x16xi32>,
        %shift_right_logical3A_312 = arith.constant 16 : i32
        %shift_right_logical3A_313 = vector.broadcast %shift_right_logical3A_312 : i32 to vector<16xi32>
        %shift_right_logical3A_314 = arith.shrui %get3A_304, %shift_right_logical3A_313 : vector<16xi32>
        %swap3A_315 = arith.constant 0 : i32
        %swap3A_316 = arith.index_cast %swap3A_315 : i32 to index
        %swap3A_317 = arith.constant 16 : index
        %swap3A_318 = tpu.vector_load %arg7[%swap3A_316, %swap3A_317] {strides = array<i32>} : memref<2x128xi32, #tpu.memory_space<vmem>>, vector<1x16xi32>,
        %swap3A_319 = vector.shape_cast %swap3A_318 : vector<1x16xi32> to vector<16xi32>
        %swap3A_320 = vector.shape_cast %shift_right_logical3A_314 : vector<16xi32> to vector<1x16xi32>
        tpu.vector_store %arg7[%swap3A_316, %swap3A_317], %swap3A_320 {strides = array<i32>} : memref<2x128xi32, #tpu.memory_space<vmem>>, vector<1x16xi32>,
        %get3A_321 = arith.index_cast %add3A_278 : i32 to index
        %get3A_322 = arith.constant 32 : index
        %get3A_323 = tpu.vector_load %arg5[%get3A_321, %get3A_322] {strides = array<i32>} : memref<80x128xi32, #tpu.memory_space<vmem>>, vector<1x16xi32>,
        %get3A_324 = vector.shape_cast %get3A_323 : vector<1x16xi32> to vector<16xi32>
        %and3A_325 = arith.andi %get3A_324, %broadcast_in_dim3A_280 : vector<16xi32>
        %swap3A_326 = arith.constant 0 : i32
        %swap3A_327 = arith.index_cast %swap3A_326 : i32 to index
        %swap3A_328 = arith.constant 32 : index
        %swap3A_329 = tpu.vector_load %arg6[%swap3A_327, %swap3A_328] {strides = array<i32>} : memref<2x128xi32, #tpu.memory_space<vmem>>, vector<1x16xi32>,
        %swap3A_330 = vector.shape_cast %swap3A_329 : vector<1x16xi32> to vector<16xi32>
        %swap3A_331 = vector.shape_cast %and3A_325 : vector<16xi32> to vector<1x16xi32>
        tpu.vector_store %arg6[%swap3A_327, %swap3A_328], %swap3A_331 {strides = array<i32>} : memref<2x128xi32, #tpu.memory_space<vmem>>, vector<1x16xi32>,
        %shift_right_logical3A_332 = arith.constant 16 : i32
        %shift_right_logical3A_333 = vector.broadcast %shift_right_logical3A_332 : i32 to vector<16xi32>
        %shift_right_logical3A_334 = arith.shrui %get3A_324, %shift_right_logical3A_333 : vector<16xi32>
        %swap3A_335 = arith.constant 0 : i32
        %swap3A_336 = arith.index_cast %swap3A_335 : i32 to index
        %swap3A_337 = arith.constant 32 : index
        %swap3A_338 = tpu.vector_load %arg7[%swap3A_336, %swap3A_337] {strides = array<i32>} : memref<2x128xi32, #tpu.memory_space<vmem>>, vector<1x16xi32>,
        %swap3A_339 = vector.shape_cast %swap3A_338 : vector<1x16xi32> to vector<16xi32>
        %swap3A_340 = vector.shape_cast %shift_right_logical3A_334 : vector<16xi32> to vector<1x16xi32>
        tpu.vector_store %arg7[%swap3A_336, %swap3A_337], %swap3A_340 {strides = array<i32>} : memref<2x128xi32, #tpu.memory_space<vmem>>, vector<1x16xi32>,
        %get3A_341 = arith.index_cast %add3A_278 : i32 to index
        %get3A_342 = arith.constant 48 : index
        %get3A_343 = tpu.vector_load %arg5[%get3A_341, %get3A_342] {strides = array<i32>} : memref<80x128xi32, #tpu.memory_space<vmem>>, vector<1x16xi32>,
        %get3A_344 = vector.shape_cast %get3A_343 : vector<1x16xi32> to vector<16xi32>
        %and3A_345 = arith.andi %get3A_344, %broadcast_in_dim3A_280 : vector<16xi32>
        %swap3A_346 = arith.constant 0 : i32
        %swap3A_347 = arith.index_cast %swap3A_346 : i32 to index
        %swap3A_348 = arith.constant 48 : index
        %swap3A_349 = tpu.vector_load %arg6[%swap3A_347, %swap3A_348] {strides = array<i32>} : memref<2x128xi32, #tpu.memory_space<vmem>>, vector<1x16xi32>,
        %swap3A_350 = vector.shape_cast %swap3A_349 : vector<1x16xi32> to vector<16xi32>
        %swap3A_351 = vector.shape_cast %and3A_345 : vector<16xi32> to vector<1x16xi32>
        tpu.vector_store %arg6[%swap3A_347, %swap3A_348], %swap3A_351 {strides = array<i32>} : memref<2x128xi32, #tpu.memory_space<vmem>>, vector<1x16xi32>,
        %shift_right_logical3A_352 = arith.constant 16 : i32
        %shift_right_logical3A_353 = vector.broadcast %shift_right_logical3A_352 : i32 to vector<16xi32>
        %shift_right_logical3A_354 = arith.shrui %get3A_344, %shift_right_logical3A_353 : vector<16xi32>
        %swap3A_355 = arith.constant 0 : i32
        %swap3A_356 = arith.index_cast %swap3A_355 : i32 to index
        %swap3A_357 = arith.constant 48 : index
        %swap3A_358 = tpu.vector_load %arg7[%swap3A_356, %swap3A_357] {strides = array<i32>} : memref<2x128xi32, #tpu.memory_space<vmem>>, vector<1x16xi32>,
        %swap3A_359 = vector.shape_cast %swap3A_358 : vector<1x16xi32> to vector<16xi32>
        %swap3A_360 = vector.shape_cast %shift_right_logical3A_354 : vector<16xi32> to vector<1x16xi32>
        tpu.vector_store %arg7[%swap3A_356, %swap3A_357], %swap3A_360 {strides = array<i32>} : memref<2x128xi32, #tpu.memory_space<vmem>>, vector<1x16xi32>,
        %get3A_361 = arith.index_cast %add3A_278 : i32 to index
        %get3A_362 = arith.constant 64 : index
        %get3A_363 = tpu.vector_load %arg5[%get3A_361, %get3A_362] {strides = array<i32>} : memref<80x128xi32, #tpu.memory_space<vmem>>, vector<1x16xi32>,
        %get3A_364 = vector.shape_cast %get3A_363 : vector<1x16xi32> to vector<16xi32>
        %and3A_365 = arith.andi %get3A_364, %broadcast_in_dim3A_280 : vector<16xi32>
        %swap3A_366 = arith.constant 0 : i32
        %swap3A_367 = arith.index_cast %swap3A_366 : i32 to index
        %swap3A_368 = arith.constant 64 : index
        %swap3A_369 = tpu.vector_load %arg6[%swap3A_367, %swap3A_368] {strides = array<i32>} : memref<2x128xi32, #tpu.memory_space<vmem>>, vector<1x16xi32>,
        %swap3A_370 = vector.shape_cast %swap3A_369 : vector<1x16xi32> to vector<16xi32>
        %swap3A_371 = vector.shape_cast %and3A_365 : vector<16xi32> to vector<1x16xi32>
        tpu.vector_store %arg6[%swap3A_367, %swap3A_368], %swap3A_371 {strides = array<i32>} : memref<2x128xi32, #tpu.memory_space<vmem>>, vector<1x16xi32>,
        %shift_right_logical3A_372 = arith.constant 16 : i32
        %shift_right_logical3A_373 = vector.broadcast %shift_right_logical3A_372 : i32 to vector<16xi32>
        %shift_right_logical3A_374 = arith.shrui %get3A_364, %shift_right_logical3A_373 : vector<16xi32>
        %swap3A_375 = arith.constant 0 : i32
        %swap3A_376 = arith.index_cast %swap3A_375 : i32 to index
        %swap3A_377 = arith.constant 64 : index
        %swap3A_378 = tpu.vector_load %arg7[%swap3A_376, %swap3A_377] {strides = array<i32>} : memref<2x128xi32, #tpu.memory_space<vmem>>, vector<1x16xi32>,
        %swap3A_379 = vector.shape_cast %swap3A_378 : vector<1x16xi32> to vector<16xi32>
        %swap3A_380 = vector.shape_cast %shift_right_logical3A_374 : vector<16xi32> to vector<1x16xi32>
        tpu.vector_store %arg7[%swap3A_376, %swap3A_377], %swap3A_380 {strides = array<i32>} : memref<2x128xi32, #tpu.memory_space<vmem>>, vector<1x16xi32>,
        %get3A_381 = arith.index_cast %add3A_278 : i32 to index
        %get3A_382 = arith.constant 80 : index
        %get3A_383 = tpu.vector_load %arg5[%get3A_381, %get3A_382] {strides = array<i32>} : memref<80x128xi32, #tpu.memory_space<vmem>>, vector<1x16xi32>,
        %get3A_384 = vector.shape_cast %get3A_383 : vector<1x16xi32> to vector<16xi32>
        %and3A_385 = arith.andi %get3A_384, %broadcast_in_dim3A_280 : vector<16xi32>
        %swap3A_386 = arith.constant 0 : i32
        %swap3A_387 = arith.index_cast %swap3A_386 : i32 to index
        %swap3A_388 = arith.constant 80 : index
        %swap3A_389 = tpu.vector_load %arg6[%swap3A_387, %swap3A_388] {strides = array<i32>} : memref<2x128xi32, #tpu.memory_space<vmem>>, vector<1x16xi32>,
        %swap3A_390 = vector.shape_cast %swap3A_389 : vector<1x16xi32> to vector<16xi32>
        %swap3A_391 = vector.shape_cast %and3A_385 : vector<16xi32> to vector<1x16xi32>
        tpu.vector_store %arg6[%swap3A_387, %swap3A_388], %swap3A_391 {strides = array<i32>} : memref<2x128xi32, #tpu.memory_space<vmem>>, vector<1x16xi32>,
        %shift_right_logical3A_392 = arith.constant 16 : i32
        %shift_right_logical3A_393 = vector.broadcast %shift_right_logical3A_392 : i32 to vector<16xi32>
        %shift_right_logical3A_394 = arith.shrui %get3A_384, %shift_right_logical3A_393 : vector<16xi32>
        %swap3A_395 = arith.constant 0 : i32
        %swap3A_396 = arith.index_cast %swap3A_395 : i32 to index
        %swap3A_397 = arith.constant 80 : index
        %swap3A_398 = tpu.vector_load %arg7[%swap3A_396, %swap3A_397] {strides = array<i32>} : memref<2x128xi32, #tpu.memory_space<vmem>>, vector<1x16xi32>,
        %swap3A_399 = vector.shape_cast %swap3A_398 : vector<1x16xi32> to vector<16xi32>
        %swap3A_400 = vector.shape_cast %shift_right_logical3A_394 : vector<16xi32> to vector<1x16xi32>
        tpu.vector_store %arg7[%swap3A_396, %swap3A_397], %swap3A_400 {strides = array<i32>} : memref<2x128xi32, #tpu.memory_space<vmem>>, vector<1x16xi32>,
        %get3A_401 = arith.index_cast %add3A_278 : i32 to index
        %get3A_402 = arith.constant 96 : index
        %get3A_403 = tpu.vector_load %arg5[%get3A_401, %get3A_402] {strides = array<i32>} : memref<80x128xi32, #tpu.memory_space<vmem>>, vector<1x16xi32>,
        %get3A_404 = vector.shape_cast %get3A_403 : vector<1x16xi32> to vector<16xi32>
        %and3A_405 = arith.andi %get3A_404, %broadcast_in_dim3A_280 : vector<16xi32>
        %swap3A_406 = arith.constant 0 : i32
        %swap3A_407 = arith.index_cast %swap3A_406 : i32 to index
        %swap3A_408 = arith.constant 96 : index
        %swap3A_409 = tpu.vector_load %arg6[%swap3A_407, %swap3A_408] {strides = array<i32>} : memref<2x128xi32, #tpu.memory_space<vmem>>, vector<1x16xi32>,
        %swap3A_410 = vector.shape_cast %swap3A_409 : vector<1x16xi32> to vector<16xi32>
        %swap3A_411 = vector.shape_cast %and3A_405 : vector<16xi32> to vector<1x16xi32>
        tpu.vector_store %arg6[%swap3A_407, %swap3A_408], %swap3A_411 {strides = array<i32>} : memref<2x128xi32, #tpu.memory_space<vmem>>, vector<1x16xi32>,
        %shift_right_logical3A_412 = arith.constant 16 : i32
        %shift_right_logical3A_413 = vector.broadcast %shift_right_logical3A_412 : i32 to vector<16xi32>
        %shift_right_logical3A_414 = arith.shrui %get3A_404, %shift_right_logical3A_413 : vector<16xi32>
        %swap3A_415 = arith.constant 0 : i32
        %swap3A_416 = arith.index_cast %swap3A_415 : i32 to index
        %swap3A_417 = arith.constant 96 : index
        %swap3A_418 = tpu.vector_load %arg7[%swap3A_416, %swap3A_417] {strides = array<i32>} : memref<2x128xi32, #tpu.memory_space<vmem>>, vector<1x16xi32>,
        %swap3A_419 = vector.shape_cast %swap3A_418 : vector<1x16xi32> to vector<16xi32>
        %swap3A_420 = vector.shape_cast %shift_right_logical3A_414 : vector<16xi32> to vector<1x16xi32>
        tpu.vector_store %arg7[%swap3A_416, %swap3A_417], %swap3A_420 {strides = array<i32>} : memref<2x128xi32, #tpu.memory_space<vmem>>, vector<1x16xi32>,
        %get3A_421 = arith.index_cast %add3A_278 : i32 to index
        %get3A_422 = arith.constant 112 : index
        %get3A_423 = tpu.vector_load %arg5[%get3A_421, %get3A_422] {strides = array<i32>} : memref<80x128xi32, #tpu.memory_space<vmem>>, vector<1x16xi32>,
        %get3A_424 = vector.shape_cast %get3A_423 : vector<1x16xi32> to vector<16xi32>
        %and3A_425 = arith.andi %get3A_424, %broadcast_in_dim3A_280 : vector<16xi32>
        %swap3A_426 = arith.constant 0 : i32
        %swap3A_427 = arith.index_cast %swap3A_426 : i32 to index
        %swap3A_428 = arith.constant 112 : index
        %swap3A_429 = tpu.vector_load %arg6[%swap3A_427, %swap3A_428] {strides = array<i32>} : memref<2x128xi32, #tpu.memory_space<vmem>>, vector<1x16xi32>,
        %swap3A_430 = vector.shape_cast %swap3A_429 : vector<1x16xi32> to vector<16xi32>
        %swap3A_431 = vector.shape_cast %and3A_425 : vector<16xi32> to vector<1x16xi32>
        tpu.vector_store %arg6[%swap3A_427, %swap3A_428], %swap3A_431 {strides = array<i32>} : memref<2x128xi32, #tpu.memory_space<vmem>>, vector<1x16xi32>,
        %shift_right_logical3A_432 = arith.constant 16 : i32
        %shift_right_logical3A_433 = vector.broadcast %shift_right_logical3A_432 : i32 to vector<16xi32>
        %shift_right_logical3A_434 = arith.shrui %get3A_424, %shift_right_logical3A_433 : vector<16xi32>
        %swap3A_435 = arith.constant 0 : i32
        %swap3A_436 = arith.index_cast %swap3A_435 : i32 to index
        %swap3A_437 = arith.constant 112 : index
        %swap3A_438 = tpu.vector_load %arg7[%swap3A_436, %swap3A_437] {strides = array<i32>} : memref<2x128xi32, #tpu.memory_space<vmem>>, vector<1x16xi32>,
        %swap3A_439 = vector.shape_cast %swap3A_438 : vector<1x16xi32> to vector<16xi32>
        %swap3A_440 = vector.shape_cast %shift_right_logical3A_434 : vector<16xi32> to vector<1x16xi32>
        tpu.vector_store %arg7[%swap3A_436, %swap3A_437], %swap3A_440 {strides = array<i32>} : memref<2x128xi32, #tpu.memory_space<vmem>>, vector<1x16xi32>,
        %dma_start3A_441 = arith.constant 0 : i32
        %dma_start3A_442 = arith.constant 0 : i32
        %dma_start3A_443 = tpu.memref_slice %arg6[%dma_start3A_441, %dma_start3A_442] : memref<2x128xi32, #tpu.memory_space<vmem>> -> memref<1x128xi32, #tpu.memory_space<vmem>>
        %dma_start3A_444 = tpu.memref_squeeze %dma_start3A_443 : memref<1x128xi32, #tpu.memory_space<vmem>> -> memref<128xi32, #tpu.memory_space<vmem>>
        %dma_start3A_445 = arith.constant 0 : i32
        %dma_start3A_446 = arith.constant 0 : i32
        %dma_start3A_447 = tpu.memref_slice %arg3[%dma_start3A_445, %dma_start3A_446] : memref<10000x128xf32, #tpu.memory_space<hbm>> -> memref<10000x128xf32, #tpu.memory_space<hbm>>
        tpu.enqueue_indirect_dma source(%dma_start3A_447 : memref<10000x128xf32, #tpu.memory_space<hbm>>) target(%arg8 : memref<128x128xf32, #tpu.memory_space<vmem>>) offsets(%dma_start3A_444 : memref<128xi32, #tpu.memory_space<vmem>>) semaphore(%arg11 : memref<!tpu.dma_semaphore, #tpu.memory_space<semaphore_mem>>)
      } else {
      }
      %scan3A_276 = arith.constant 0 : i32
      scf.yield %scan3A_276 : i32
    }
    %scan3A_206 = arith.constant 40 : i32
    %dma_wait3A = arith.constant 1 : i32
    %dma_wait3A_207 = arith.constant 0 : i32
    %dma_wait3A_208 = tpu.memref_slice %arg7[%dma_wait3A, %dma_wait3A_207] : memref<2x128xi32, #tpu.memory_space<vmem>> -> memref<1x128xi32, #tpu.memory_space<vmem>>
    %dma_wait3A_209 = tpu.memref_squeeze %dma_wait3A_208 : memref<1x128xi32, #tpu.memory_space<vmem>> -> memref<128xi32, #tpu.memory_space<vmem>>
    %dma_wait3A_210 = arith.constant 0 : i32
    %dma_wait3A_211 = arith.constant 0 : i32
    %dma_wait3A_212 = tpu.memref_slice %arg10[%dma_wait3A_210, %dma_wait3A_211] : memref<10240x128xf32, #tpu.memory_space<vmem_shared>> -> memref<10240x128xf32, #tpu.memory_space<vmem_shared>>
    tpu.wait_indirect_dma semaphore(%arg12 : memref<!tpu.dma_semaphore, #tpu.memory_space<semaphore_mem>>) src(%arg9 : memref<128x128xf32, #tpu.memory_space<vmem>>) dst(%dma_wait3A_212 : memref<10240x128xf32, #tpu.memory_space<vmem_shared>>)
    %barrier3A_213 = arith.constant 0 : index
    tpu.barrier barrier_id(%barrier3A_213)
    %mul3A_214 = arith.constant 640 : i32
    %mul3A_215 = arith.muli %arg1, %mul3A_214 : i32
    %mul3A_216 = arith.constant 640 : i32
    %mul3A_217 = arith.muli %arg1, %mul3A_216 : i32
    "tpu.region"() ({
      %run_scoped3A = tpu.sem_alloc : memref<!tpu.dma_semaphore, #tpu.memory_space<semaphore_mem>>
      %dma_start3A_218 = arith.constant 0 : i32
      %dma_start3A_219 = tpu.memref_slice %arg4[%arg0, %mul3A_217, %dma_start3A_218] : memref<2x10240x128xf32, #tpu.memory_space<hbm>> -> memref<1x640x128xf32, #tpu.memory_space<hbm>>
      %dma_start3A_220 = tpu.memref_squeeze %dma_start3A_219 : memref<1x640x128xf32, #tpu.memory_space<hbm>> -> memref<640x128xf32, #tpu.memory_space<hbm>>
      %dma_start3A_221 = arith.constant 0 : i32
      %dma_start3A_222 = tpu.memref_slice %arg10[%mul3A_215, %dma_start3A_221] : memref<10240x128xf32, #tpu.memory_space<vmem_shared>> -> memref<640x128xf32, #tpu.memory_space<vmem_shared>>
      tpu.enqueue_dma source(%dma_start3A_222 : memref<640x128xf32, #tpu.memory_space<vmem_shared>>) target(%dma_start3A_220 : memref<640x128xf32, #tpu.memory_space<hbm>>) target_semaphore(%run_scoped3A : memref<!tpu.dma_semaphore, #tpu.memory_space<semaphore_mem>>)
      %dma_wait3A_223 = arith.constant 0 : i32
      %dma_wait3A_224 = tpu.memref_slice %arg4[%arg0, %mul3A_217, %dma_wait3A_223] : memref<2x10240x128xf32, #tpu.memory_space<hbm>> -> memref<1x640x128xf32, #tpu.memory_space<hbm>>
      %dma_wait3A_225 = tpu.memref_squeeze %dma_wait3A_224 : memref<1x640x128xf32, #tpu.memory_space<hbm>> -> memref<640x128xf32, #tpu.memory_space<hbm>>
      %dma_wait3A_226 = arith.constant 0 : i32
      %dma_wait3A_227 = tpu.memref_slice %arg10[%mul3A_215, %dma_wait3A_226] : memref<10240x128xf32, #tpu.memory_space<vmem_shared>> -> memref<640x128xf32, #tpu.memory_space<vmem_shared>>
      tpu.wait_dma2 semaphore(%run_scoped3A : memref<!tpu.dma_semaphore, #tpu.memory_space<semaphore_mem>>) src(%dma_wait3A_227 : memref<640x128xf32, #tpu.memory_space<vmem_shared>>) dst(%dma_wait3A_225 : memref<640x128xf32, #tpu.memory_space<hbm>>)
      tpu.yield
    }) : () -> ()
    return
  }
}

module attributes {stable_mosaic.version = 14 : i64} {
  func.func @_dense_mid_body(%arg0: i32, %arg1: memref<1000x128xf32, #tpu.memory_space<vmem>>, %arg2: memref<1x1000x128xf32, #tpu.memory_space<vmem>>, %arg3: memref<1x1000x128xf32, #tpu.memory_space<vmem>>, %arg4: memref<1x1000x128xf32, #tpu.memory_space<vmem>>, %arg5: memref<1x1000x128xf32, #tpu.memory_space<vmem>>, %arg6: memref<144x128xf32, #tpu.memory_space<vmem>>, %arg7: memref<1x128xf32, #tpu.memory_space<vmem>>, %arg8: memref<256x128xf32, #tpu.memory_space<vmem>>, %arg9: memref<1x128xf32, #tpu.memory_space<vmem>>, %arg10: memref<1000x128xf32, #tpu.memory_space<vmem>>) attributes {dimension_semantics = [#tpu.dimension_semantics<arbitrary>], iteration_bounds = array<i64: 10>, scalar_prefetch = 0 : i64, scratch_operands = 0 : i64, tpu.core_type = #tpu.core_type<tc>, window_params = [{transform_indices = @transform_0, window_bounds = array<i64: 1000, 128>}, {transform_indices = @transform_1, window_bounds = array<i64: 1, 1000, 128>}, {transform_indices = @transform_2, window_bounds = array<i64: 1, 1000, 128>}, {transform_indices = @transform_3, window_bounds = array<i64: 1, 1000, 128>}, {transform_indices = @transform_4, window_bounds = array<i64: 1, 1000, 128>}, {pipeline_mode = #tpu.pipeline_mode<synchronous>, transform_indices = @transform_5, window_bounds = array<i64: 144, 128>}, {pipeline_mode = #tpu.pipeline_mode<synchronous>, transform_indices = @transform_6, window_bounds = array<i64: 1, 128>}, {pipeline_mode = #tpu.pipeline_mode<synchronous>, transform_indices = @transform_7, window_bounds = array<i64: 256, 128>}, {pipeline_mode = #tpu.pipeline_mode<synchronous>, transform_indices = @transform_8, window_bounds = array<i64: 1, 128>}, {transform_indices = @transform_9, window_bounds = array<i64: 1000, 128>}]} {
    %get3A = arith.constant 0 : index
    %get3A_0 = arith.constant 0 : index
    %get3A_1 = arith.constant 0 : index
    %get3A_2 = vector.load %arg2[%get3A, %get3A_0, %get3A_1] : memref<1x1000x128xf32, #tpu.memory_space<vmem>>, vector<1x1000x128xf32>
    %get3A_3 = vector.shape_cast %get3A_2 : vector<1x1000x128xf32> to vector<1000x128xf32>
    %get3A_4 = arith.constant 0 : index
    %get3A_5 = arith.constant 0 : index
    %get3A_6 = arith.constant 0 : index
    %get3A_7 = vector.load %arg3[%get3A_4, %get3A_5, %get3A_6] : memref<1x1000x128xf32, #tpu.memory_space<vmem>>, vector<1x1000x128xf32>
    %get3A_8 = vector.shape_cast %get3A_7 : vector<1x1000x128xf32> to vector<1000x128xf32>
    %add3A = arith.addf %get3A_3, %get3A_8 : vector<1000x128xf32>
    %get3A_9 = arith.constant 0 : index
    %get3A_10 = arith.constant 0 : index
    %get3A_11 = arith.constant 0 : index
    %get3A_12 = vector.load %arg4[%get3A_9, %get3A_10, %get3A_11] : memref<1x1000x128xf32, #tpu.memory_space<vmem>>, vector<1x1000x128xf32>
    %get3A_13 = vector.shape_cast %get3A_12 : vector<1x1000x128xf32> to vector<1000x128xf32>
    %get3A_14 = arith.constant 0 : index
    %get3A_15 = arith.constant 0 : index
    %get3A_16 = arith.constant 0 : index
    %get3A_17 = vector.load %arg5[%get3A_14, %get3A_15, %get3A_16] : memref<1x1000x128xf32, #tpu.memory_space<vmem>>, vector<1x1000x128xf32>
    %get3A_18 = vector.shape_cast %get3A_17 : vector<1x1000x128xf32> to vector<1000x128xf32>
    %add3A_19 = arith.addf %get3A_13, %get3A_18 : vector<1000x128xf32>
    %get3A_20 = arith.constant 0 : index
    %get3A_21 = arith.constant 0 : index
    %get3A_22 = vector.load %arg6[%get3A_20, %get3A_21] : memref<144x128xf32, #tpu.memory_space<vmem>>, vector<128x128xf32>
    %dot_general3A = arith.constant dense<0.000000e+00> : vector<1000x128xf32>
    %dot_general3A_23 = tpu.matmul %add3A, %get3A_22, %dot_general3A {dimension_numbers = #tpu.dot_dimension_numbers<[1], [0], [0], [1], [0, 0, 1, 1], [], []>, transpose_lhs_hint = false} : vector<1000x128xf32>, vector<128x128xf32>, vector<1000x128xf32> -> vector<1000x128xf32>
    %slice3A = vector.extract_strided_slice %add3A_19 {offsets = [0, 0], sizes = [1000, 16], strides = [1, 1]} : vector<1000x128xf32> to vector<1000x16xf32>
    %get3A_24 = arith.constant 128 : index
    %get3A_25 = arith.constant 0 : index
    %get3A_26 = vector.load %arg6[%get3A_24, %get3A_25] : memref<144x128xf32, #tpu.memory_space<vmem>>, vector<16x128xf32>
    %dot_general3A_27 = arith.constant dense<0.000000e+00> : vector<1000x128xf32>
    %dot_general3A_28 = tpu.matmul %slice3A, %get3A_26, %dot_general3A_27 {dimension_numbers = #tpu.dot_dimension_numbers<[1], [0], [0], [1], [0, 0, 1, 1], [], []>, transpose_lhs_hint = false} : vector<1000x16xf32>, vector<16x128xf32>, vector<1000x128xf32> -> vector<1000x128xf32>
    %add3A_29 = arith.addf %dot_general3A_23, %dot_general3A_28 : vector<1000x128xf32>
    %slice3A_30 = vector.extract_strided_slice %add3A_19 {offsets = [0, 16], sizes = [1000, 1], strides = [1, 1]} : vector<1000x128xf32> to vector<1000x1xf32>
    %get3A_31 = arith.constant 0 : index
    %get3A_32 = arith.constant 0 : index
    %get3A_33 = vector.load %arg7[%get3A_31, %get3A_32] : memref<1x128xf32, #tpu.memory_space<vmem>>, vector<1x128xf32>
    %mul3A = vector.broadcast %slice3A_30 : vector<1000x1xf32> to vector<1000x128xf32>
    %mul3A_34 = vector.broadcast %get3A_33 : vector<1x128xf32> to vector<1000x128xf32>
    %mul3A_35 = arith.mulf %mul3A, %mul3A_34 : vector<1000x128xf32>
    %add3A_36 = arith.addf %add3A_29, %mul3A_35 : vector<1000x128xf32>
    %get3A_37 = arith.constant 0 : index
    %get3A_38 = arith.constant 0 : index
    %get3A_39 = vector.load %arg1[%get3A_37, %get3A_38] : memref<1000x128xf32, #tpu.memory_space<vmem>>, vector<1000x128xf32>
    %get3A_40 = arith.constant 0 : index
    %get3A_41 = arith.constant 0 : index
    %get3A_42 = vector.load %arg8[%get3A_40, %get3A_41] : memref<256x128xf32, #tpu.memory_space<vmem>>, vector<128x128xf32>
    %dot_general3A_43 = arith.constant dense<0.000000e+00> : vector<1000x128xf32>
    %dot_general3A_44 = tpu.matmul %get3A_39, %get3A_42, %dot_general3A_43 {dimension_numbers = #tpu.dot_dimension_numbers<[1], [0], [0], [1], [0, 0, 1, 1], [], []>, transpose_lhs_hint = false} : vector<1000x128xf32>, vector<128x128xf32>, vector<1000x128xf32> -> vector<1000x128xf32>
    %get3A_45 = arith.constant 128 : index
    %get3A_46 = arith.constant 0 : index
    %get3A_47 = vector.load %arg8[%get3A_45, %get3A_46] : memref<256x128xf32, #tpu.memory_space<vmem>>, vector<128x128xf32>
    %dot_general3A_48 = arith.constant dense<0.000000e+00> : vector<1000x128xf32>
    %dot_general3A_49 = tpu.matmul %add3A_36, %get3A_47, %dot_general3A_48 {dimension_numbers = #tpu.dot_dimension_numbers<[1], [0], [0], [1], [0, 0, 1, 1], [], []>, transpose_lhs_hint = false} : vector<1000x128xf32>, vector<128x128xf32>, vector<1000x128xf32> -> vector<1000x128xf32>
    %add3A_50 = arith.addf %dot_general3A_44, %dot_general3A_49 : vector<1000x128xf32>
    %get3A_51 = arith.constant 0 : index
    %get3A_52 = arith.constant 0 : index
    %get3A_53 = vector.load %arg9[%get3A_51, %get3A_52] : memref<1x128xf32, #tpu.memory_space<vmem>>, vector<1x128xf32>
    %add3A_54 = vector.broadcast %get3A_53 : vector<1x128xf32> to vector<1000x128xf32>
    %add3A_55 = arith.addf %add3A_50, %add3A_54 : vector<1000x128xf32>
    %max3A = arith.constant 0.000000e+00 : f32
    %max3A_56 = vector.broadcast %max3A : f32 to vector<1000x128xf32>
    %max3A_57 = arith.maximumf %add3A_55, %max3A_56 : vector<1000x128xf32>
    %swap3A = arith.constant 0 : index
    %swap3A_58 = arith.constant 0 : index
    %swap3A_59 = vector.load %arg10[%swap3A, %swap3A_58] : memref<1000x128xf32, #tpu.memory_space<vmem>>, vector<1000x128xf32>
    tpu.vector_store %arg10[%swap3A, %swap3A_58], %max3A_57 {strides = array<i32>} : memref<1000x128xf32, #tpu.memory_space<vmem>>, vector<1000x128xf32>,
    return
  }
  func.func @transform_0(%arg0: i32) -> (i32, i32) {
    %c0_i32 = arith.constant 0 : i32
    %c0_i32_0 = arith.constant 0 : i32
    return %arg0, %c0_i32 : i32, i32
  }
  func.func @transform_1(%arg0: i32) -> (i32, i32, i32) {
    %c0_i32 = arith.constant 0 : i32
    %c0_i32_0 = arith.constant 0 : i32
    %c0_i32_1 = arith.constant 0 : i32
    return %c0_i32, %arg0, %c0_i32_0 : i32, i32, i32
  }
  func.func @transform_2(%arg0: i32) -> (i32, i32, i32) {
    %c1_i32 = arith.constant 1 : i32
    %c0_i32 = arith.constant 0 : i32
    %c0_i32_0 = arith.constant 0 : i32
    return %c1_i32, %arg0, %c0_i32 : i32, i32, i32
  }
  func.func @transform_3(%arg0: i32) -> (i32, i32, i32) {
    %c0_i32 = arith.constant 0 : i32
    %c0_i32_0 = arith.constant 0 : i32
    %c0_i32_1 = arith.constant 0 : i32
    return %c0_i32, %arg0, %c0_i32_0 : i32, i32, i32
  }
  func.func @transform_4(%arg0: i32) -> (i32, i32, i32) {
    %c1_i32 = arith.constant 1 : i32
    %c0_i32 = arith.constant 0 : i32
    %c0_i32_0 = arith.constant 0 : i32
    return %c1_i32, %arg0, %c0_i32 : i32, i32, i32
  }
  func.func @transform_5(%arg0: i32) -> (i32, i32) {
    %c0_i32 = arith.constant 0 : i32
    %c0_i32_0 = arith.constant 0 : i32
    %c0_i32_1 = arith.constant 0 : i32
    return %c0_i32, %c0_i32_0 : i32, i32
  }
  func.func @transform_6(%arg0: i32) -> (i32, i32) {
    %c0_i32 = arith.constant 0 : i32
    %c0_i32_0 = arith.constant 0 : i32
    %c0_i32_1 = arith.constant 0 : i32
    return %c0_i32, %c0_i32_0 : i32, i32
  }
  func.func @transform_7(%arg0: i32) -> (i32, i32) {
    %c0_i32 = arith.constant 0 : i32
    %c0_i32_0 = arith.constant 0 : i32
    %c0_i32_1 = arith.constant 0 : i32
    return %c0_i32, %c0_i32_0 : i32, i32
  }
  func.func @transform_8(%arg0: i32) -> (i32, i32) {
    %c0_i32 = arith.constant 0 : i32
    %c0_i32_0 = arith.constant 0 : i32
    %c0_i32_1 = arith.constant 0 : i32
    return %c0_i32, %c0_i32_0 : i32, i32
  }
  func.func @transform_9(%arg0: i32) -> (i32, i32) {
    %c0_i32 = arith.constant 0 : i32
    %c0_i32_0 = arith.constant 0 : i32
    return %arg0, %c0_i32 : i32, i32
  }
}

module attributes {stable_mosaic.version = 14 : i64} {
  func.func @_dense_final_body(%arg0: i32, %arg1: memref<1000x128xf32, #tpu.memory_space<vmem>>, %arg2: memref<1x1000x128xf32, #tpu.memory_space<vmem>>, %arg3: memref<1x1000x128xf32, #tpu.memory_space<vmem>>, %arg4: memref<1x1000x128xf32, #tpu.memory_space<vmem>>, %arg5: memref<1x1000x128xf32, #tpu.memory_space<vmem>>, %arg6: memref<144x128xf32, #tpu.memory_space<vmem>>, %arg7: memref<1x128xf32, #tpu.memory_space<vmem>>, %arg8: memref<256x128xf32, #tpu.memory_space<vmem>>, %arg9: memref<1x128xf32, #tpu.memory_space<vmem>>, %arg10: memref<128x128xf32, #tpu.memory_space<vmem>>, %arg11: memref<1x128xf32, #tpu.memory_space<vmem>>, %arg12: memref<128x128xf32, #tpu.memory_space<vmem>>, %arg13: memref<1x128xf32, #tpu.memory_space<vmem>>, %arg14: memref<1x128xf32, #tpu.memory_space<vmem>>, %arg15: memref<1x128xf32, #tpu.memory_space<vmem>>, %arg16: memref<1x128xf32, #tpu.memory_space<vmem>>) attributes {dimension_semantics = [#tpu.dimension_semantics<arbitrary>], iteration_bounds = array<i64: 10>, scalar_prefetch = 0 : i64, scratch_operands = 1 : i64, tpu.core_type = #tpu.core_type<tc>, window_params = [{transform_indices = @transform_0, window_bounds = array<i64: 1000, 128>}, {transform_indices = @transform_1, window_bounds = array<i64: 1, 1000, 128>}, {transform_indices = @transform_2, window_bounds = array<i64: 1, 1000, 128>}, {transform_indices = @transform_3, window_bounds = array<i64: 1, 1000, 128>}, {transform_indices = @transform_4, window_bounds = array<i64: 1, 1000, 128>}, {pipeline_mode = #tpu.pipeline_mode<synchronous>, transform_indices = @transform_5, window_bounds = array<i64: 144, 128>}, {pipeline_mode = #tpu.pipeline_mode<synchronous>, transform_indices = @transform_6, window_bounds = array<i64: 1, 128>}, {pipeline_mode = #tpu.pipeline_mode<synchronous>, transform_indices = @transform_7, window_bounds = array<i64: 256, 128>}, {pipeline_mode = #tpu.pipeline_mode<synchronous>, transform_indices = @transform_8, window_bounds = array<i64: 1, 128>}, {pipeline_mode = #tpu.pipeline_mode<synchronous>, transform_indices = @transform_9, window_bounds = array<i64: 128, 128>}, {pipeline_mode = #tpu.pipeline_mode<synchronous>, transform_indices = @transform_10, window_bounds = array<i64: 1, 128>}, {pipeline_mode = #tpu.pipeline_mode<synchronous>, transform_indices = @transform_11, window_bounds = array<i64: 128, 128>}, {pipeline_mode = #tpu.pipeline_mode<synchronous>, transform_indices = @transform_12, window_bounds = array<i64: 1, 128>}, {pipeline_mode = #tpu.pipeline_mode<synchronous>, transform_indices = @transform_13, window_bounds = array<i64: 1, 128>}, {pipeline_mode = #tpu.pipeline_mode<synchronous>, transform_indices = @transform_14, window_bounds = array<i64: 1, 128>}]} {
    %eq3A = arith.constant 0 : i32
    %eq3A_0 = arith.cmpi eq, %arg0, %eq3A : i32
    %convert_element_type3A = arith.extui %eq3A_0 : i1 to i32
    %cond3A = arith.constant 0 : i32
    %cond3A_1 = arith.cmpi ne, %convert_element_type3A, %cond3A : i32
    scf.if %cond3A_1 {
      %broadcast_in_dim3A_72 = arith.constant 0.000000e+00 : f32
      %broadcast_in_dim3A_73 = vector.broadcast %broadcast_in_dim3A_72 : f32 to vector<1x128xf32>
      %swap3A_74 = arith.constant 0 : index
      %swap3A_75 = arith.constant 0 : index
      %swap3A_76 = vector.load %arg16[%swap3A_74, %swap3A_75] : memref<1x128xf32, #tpu.memory_space<vmem>>, vector<1x128xf32>
      tpu.vector_store %arg16[%swap3A_74, %swap3A_75], %broadcast_in_dim3A_73 {strides = array<i32>} : memref<1x128xf32, #tpu.memory_space<vmem>>, vector<1x128xf32>,
    } else {
    }
    %get3A = arith.constant 0 : index
    %get3A_2 = arith.constant 0 : index
    %get3A_3 = arith.constant 0 : index
    %get3A_4 = vector.load %arg2[%get3A, %get3A_2, %get3A_3] : memref<1x1000x128xf32, #tpu.memory_space<vmem>>, vector<1x1000x128xf32>
    %get3A_5 = vector.shape_cast %get3A_4 : vector<1x1000x128xf32> to vector<1000x128xf32>
    %get3A_6 = arith.constant 0 : index
    %get3A_7 = arith.constant 0 : index
    %get3A_8 = arith.constant 0 : index
    %get3A_9 = vector.load %arg3[%get3A_6, %get3A_7, %get3A_8] : memref<1x1000x128xf32, #tpu.memory_space<vmem>>, vector<1x1000x128xf32>
    %get3A_10 = vector.shape_cast %get3A_9 : vector<1x1000x128xf32> to vector<1000x128xf32>
    %add3A = arith.addf %get3A_5, %get3A_10 : vector<1000x128xf32>
    %get3A_11 = arith.constant 0 : index
    %get3A_12 = arith.constant 0 : index
    %get3A_13 = arith.constant 0 : index
    %get3A_14 = vector.load %arg4[%get3A_11, %get3A_12, %get3A_13] : memref<1x1000x128xf32, #tpu.memory_space<vmem>>, vector<1x1000x128xf32>
    %get3A_15 = vector.shape_cast %get3A_14 : vector<1x1000x128xf32> to vector<1000x128xf32>
    %get3A_16 = arith.constant 0 : index
    %get3A_17 = arith.constant 0 : index
    %get3A_18 = arith.constant 0 : index
    %get3A_19 = vector.load %arg5[%get3A_16, %get3A_17, %get3A_18] : memref<1x1000x128xf32, #tpu.memory_space<vmem>>, vector<1x1000x128xf32>
    %get3A_20 = vector.shape_cast %get3A_19 : vector<1x1000x128xf32> to vector<1000x128xf32>
    %add3A_21 = arith.addf %get3A_15, %get3A_20 : vector<1000x128xf32>
    %get3A_22 = arith.constant 0 : index
    %get3A_23 = arith.constant 0 : index
    %get3A_24 = vector.load %arg6[%get3A_22, %get3A_23] : memref<144x128xf32, #tpu.memory_space<vmem>>, vector<128x128xf32>
    %dot_general3A = arith.constant dense<0.000000e+00> : vector<1000x128xf32>
    %dot_general3A_25 = tpu.matmul %add3A, %get3A_24, %dot_general3A {dimension_numbers = #tpu.dot_dimension_numbers<[1], [0], [0], [1], [0, 0, 1, 1], [], []>, transpose_lhs_hint = false} : vector<1000x128xf32>, vector<128x128xf32>, vector<1000x128xf32> -> vector<1000x128xf32>
    %slice3A = vector.extract_strided_slice %add3A_21 {offsets = [0, 0], sizes = [1000, 16], strides = [1, 1]} : vector<1000x128xf32> to vector<1000x16xf32>
    %get3A_26 = arith.constant 128 : index
    %get3A_27 = arith.constant 0 : index
    %get3A_28 = vector.load %arg6[%get3A_26, %get3A_27] : memref<144x128xf32, #tpu.memory_space<vmem>>, vector<16x128xf32>
    %dot_general3A_29 = arith.constant dense<0.000000e+00> : vector<1000x128xf32>
    %dot_general3A_30 = tpu.matmul %slice3A, %get3A_28, %dot_general3A_29 {dimension_numbers = #tpu.dot_dimension_numbers<[1], [0], [0], [1], [0, 0, 1, 1], [], []>, transpose_lhs_hint = false} : vector<1000x16xf32>, vector<16x128xf32>, vector<1000x128xf32> -> vector<1000x128xf32>
    %add3A_31 = arith.addf %dot_general3A_25, %dot_general3A_30 : vector<1000x128xf32>
    %slice3A_32 = vector.extract_strided_slice %add3A_21 {offsets = [0, 16], sizes = [1000, 1], strides = [1, 1]} : vector<1000x128xf32> to vector<1000x1xf32>
    %get3A_33 = arith.constant 0 : index
    %get3A_34 = arith.constant 0 : index
    %get3A_35 = vector.load %arg7[%get3A_33, %get3A_34] : memref<1x128xf32, #tpu.memory_space<vmem>>, vector<1x128xf32>
    %mul3A = vector.broadcast %slice3A_32 : vector<1000x1xf32> to vector<1000x128xf32>
    %mul3A_36 = vector.broadcast %get3A_35 : vector<1x128xf32> to vector<1000x128xf32>
    %mul3A_37 = arith.mulf %mul3A, %mul3A_36 : vector<1000x128xf32>
    %add3A_38 = arith.addf %add3A_31, %mul3A_37 : vector<1000x128xf32>
    %get3A_39 = arith.constant 0 : index
    %get3A_40 = arith.constant 0 : index
    %get3A_41 = vector.load %arg1[%get3A_39, %get3A_40] : memref<1000x128xf32, #tpu.memory_space<vmem>>, vector<1000x128xf32>
    %get3A_42 = arith.constant 0 : index
    %get3A_43 = arith.constant 0 : index
    %get3A_44 = vector.load %arg8[%get3A_42, %get3A_43] : memref<256x128xf32, #tpu.memory_space<vmem>>, vector<128x128xf32>
    %dot_general3A_45 = arith.constant dense<0.000000e+00> : vector<1000x128xf32>
    %dot_general3A_46 = tpu.matmul %get3A_41, %get3A_44, %dot_general3A_45 {dimension_numbers = #tpu.dot_dimension_numbers<[1], [0], [0], [1], [0, 0, 1, 1], [], []>, transpose_lhs_hint = false} : vector<1000x128xf32>, vector<128x128xf32>, vector<1000x128xf32> -> vector<1000x128xf32>
    %get3A_47 = arith.constant 128 : index
    %get3A_48 = arith.constant 0 : index
    %get3A_49 = vector.load %arg8[%get3A_47, %get3A_48] : memref<256x128xf32, #tpu.memory_space<vmem>>, vector<128x128xf32>
    %dot_general3A_50 = arith.constant dense<0.000000e+00> : vector<1000x128xf32>
    %dot_general3A_51 = tpu.matmul %add3A_38, %get3A_49, %dot_general3A_50 {dimension_numbers = #tpu.dot_dimension_numbers<[1], [0], [0], [1], [0, 0, 1, 1], [], []>, transpose_lhs_hint = false} : vector<1000x128xf32>, vector<128x128xf32>, vector<1000x128xf32> -> vector<1000x128xf32>
    %add3A_52 = arith.addf %dot_general3A_46, %dot_general3A_51 : vector<1000x128xf32>
    %get3A_53 = arith.constant 0 : index
    %get3A_54 = arith.constant 0 : index
    %get3A_55 = vector.load %arg9[%get3A_53, %get3A_54] : memref<1x128xf32, #tpu.memory_space<vmem>>, vector<1x128xf32>
    %add3A_56 = vector.broadcast %get3A_55 : vector<1x128xf32> to vector<1000x128xf32>
    %add3A_57 = arith.addf %add3A_52, %add3A_56 : vector<1000x128xf32>
    %max3A = arith.constant 0.000000e+00 : f32
    %max3A_58 = vector.broadcast %max3A : f32 to vector<1000x128xf32>
    %max3A_59 = arith.maximumf %add3A_57, %max3A_58 : vector<1000x128xf32>
    %get3A_60 = arith.constant 0 : index
    %get3A_61 = arith.constant 0 : index
    %get3A_62 = vector.load %arg16[%get3A_60, %get3A_61] : memref<1x128xf32, #tpu.memory_space<vmem>>, vector<1x128xf32>
    %reduce_sum3A = arith.constant dense<0.000000e+00> : vector<128xf32>
    %reduce_sum3A_63 = vector.multi_reduction <add>, %max3A_59, %reduce_sum3A [0] : vector<1000x128xf32> to vector<128xf32>
    %broadcast_in_dim3A = vector.shape_cast %reduce_sum3A_63 : vector<128xf32> to vector<1x128xf32>
    %add3A_64 = arith.addf %get3A_62, %broadcast_in_dim3A : vector<1x128xf32>
    %swap3A = arith.constant 0 : index
    %swap3A_65 = arith.constant 0 : index
    %swap3A_66 = vector.load %arg16[%swap3A, %swap3A_65] : memref<1x128xf32, #tpu.memory_space<vmem>>, vector<1x128xf32>
    tpu.vector_store %arg16[%swap3A, %swap3A_65], %add3A_64 {strides = array<i32>} : memref<1x128xf32, #tpu.memory_space<vmem>>, vector<1x128xf32>,
    %eq3A_67 = arith.constant 9 : i32
    %eq3A_68 = arith.cmpi eq, %arg0, %eq3A_67 : i32
    %convert_element_type3A_69 = arith.extui %eq3A_68 : i1 to i32
    %cond3A_70 = arith.constant 0 : i32
    %cond3A_71 = arith.cmpi ne, %convert_element_type3A_69, %cond3A_70 : i32
    scf.if %cond3A_71 {
      %get3A_72 = arith.constant 0 : index
      %get3A_73 = arith.constant 0 : index
      %get3A_74 = vector.load %arg16[%get3A_72, %get3A_73] : memref<1x128xf32, #tpu.memory_space<vmem>>, vector<1x128xf32>
      %mul3A_75 = arith.constant 9.99999974E-5 : f32
      %mul3A_76 = vector.broadcast %mul3A_75 : f32 to vector<1x128xf32>
      %mul3A_77 = arith.mulf %get3A_74, %mul3A_76 : vector<1x128xf32>
      %swap3A_78 = arith.constant 0 : index
      %swap3A_79 = arith.constant 0 : index
      %swap3A_80 = vector.load %arg15[%swap3A_78, %swap3A_79] : memref<1x128xf32, #tpu.memory_space<vmem>>, vector<1x128xf32>
      tpu.vector_store %arg15[%swap3A_78, %swap3A_79], %mul3A_77 {strides = array<i32>} : memref<1x128xf32, #tpu.memory_space<vmem>>, vector<1x128xf32>,
      %get3A_81 = arith.constant 0 : index
      %get3A_82 = arith.constant 0 : index
      %get3A_83 = vector.load %arg10[%get3A_81, %get3A_82] : memref<128x128xf32, #tpu.memory_space<vmem>>, vector<128x128xf32>
      %dot_general3A_84 = arith.constant dense<0.000000e+00> : vector<1x128xf32>
      %dot_general3A_85 = tpu.matmul %mul3A_77, %get3A_83, %dot_general3A_84 {dimension_numbers = #tpu.dot_dimension_numbers<[1], [0], [0], [1], [0, 0, 1, 1], [], []>, transpose_lhs_hint = false} : vector<1x128xf32>, vector<128x128xf32>, vector<1x128xf32> -> vector<1x128xf32>
      %get3A_86 = arith.constant 0 : index
      %get3A_87 = arith.constant 0 : index
      %get3A_88 = vector.load %arg11[%get3A_86, %get3A_87] : memref<1x128xf32, #tpu.memory_space<vmem>>, vector<1x128xf32>
      %add3A_89 = arith.addf %dot_general3A_85, %get3A_88 : vector<1x128xf32>
      %max3A_90 = arith.constant 0.000000e+00 : f32
      %max3A_91 = vector.broadcast %max3A_90 : f32 to vector<1x128xf32>
      %max3A_92 = arith.maximumf %add3A_89, %max3A_91 : vector<1x128xf32>
      %get3A_93 = arith.constant 0 : index
      %get3A_94 = arith.constant 0 : index
      %get3A_95 = vector.load %arg12[%get3A_93, %get3A_94] : memref<128x128xf32, #tpu.memory_space<vmem>>, vector<128x128xf32>
      %dot_general3A_96 = arith.constant dense<0.000000e+00> : vector<1x128xf32>
      %dot_general3A_97 = tpu.matmul %max3A_92, %get3A_95, %dot_general3A_96 {dimension_numbers = #tpu.dot_dimension_numbers<[1], [0], [0], [1], [0, 0, 1, 1], [], []>, transpose_lhs_hint = false} : vector<1x128xf32>, vector<128x128xf32>, vector<1x128xf32> -> vector<1x128xf32>
      %get3A_98 = arith.constant 0 : index
      %get3A_99 = arith.constant 0 : index
      %get3A_100 = vector.load %arg13[%get3A_98, %get3A_99] : memref<1x128xf32, #tpu.memory_space<vmem>>, vector<1x128xf32>
      %add3A_101 = arith.addf %dot_general3A_97, %get3A_100 : vector<1x128xf32>
      %swap3A_102 = arith.constant 0 : index
      %swap3A_103 = arith.constant 0 : index
      %swap3A_104 = vector.load %arg14[%swap3A_102, %swap3A_103] : memref<1x128xf32, #tpu.memory_space<vmem>>, vector<1x128xf32>
      tpu.vector_store %arg14[%swap3A_102, %swap3A_103], %add3A_101 {strides = array<i32>} : memref<1x128xf32, #tpu.memory_space<vmem>>, vector<1x128xf32>,
    } else {
    }
    return
  }
  func.func @transform_0(%arg0: i32) -> (i32, i32) {
    %c0_i32 = arith.constant 0 : i32
    %c0_i32_0 = arith.constant 0 : i32
    return %arg0, %c0_i32 : i32, i32
  }
  func.func @transform_1(%arg0: i32) -> (i32, i32, i32) {
    %c0_i32 = arith.constant 0 : i32
    %c0_i32_0 = arith.constant 0 : i32
    %c0_i32_1 = arith.constant 0 : i32
    return %c0_i32, %arg0, %c0_i32_0 : i32, i32, i32
  }
  func.func @transform_2(%arg0: i32) -> (i32, i32, i32) {
    %c1_i32 = arith.constant 1 : i32
    %c0_i32 = arith.constant 0 : i32
    %c0_i32_0 = arith.constant 0 : i32
    return %c1_i32, %arg0, %c0_i32 : i32, i32, i32
  }
  func.func @transform_3(%arg0: i32) -> (i32, i32, i32) {
    %c0_i32 = arith.constant 0 : i32
    %c0_i32_0 = arith.constant 0 : i32
    %c0_i32_1 = arith.constant 0 : i32
    return %c0_i32, %arg0, %c0_i32_0 : i32, i32, i32
  }
  func.func @transform_4(%arg0: i32) -> (i32, i32, i32) {
    %c1_i32 = arith.constant 1 : i32
    %c0_i32 = arith.constant 0 : i32
    %c0_i32_0 = arith.constant 0 : i32
    return %c1_i32, %arg0, %c0_i32 : i32, i32, i32
  }
  func.func @transform_5(%arg0: i32) -> (i32, i32) {
    %c0_i32 = arith.constant 0 : i32
    %c0_i32_0 = arith.constant 0 : i32
    %c0_i32_1 = arith.constant 0 : i32
    return %c0_i32, %c0_i32_0 : i32, i32
  }
  func.func @transform_6(%arg0: i32) -> (i32, i32) {
    %c0_i32 = arith.constant 0 : i32
    %c0_i32_0 = arith.constant 0 : i32
    %c0_i32_1 = arith.constant 0 : i32
    return %c0_i32, %c0_i32_0 : i32, i32
  }
  func.func @transform_7(%arg0: i32) -> (i32, i32) {
    %c0_i32 = arith.constant 0 : i32
    %c0_i32_0 = arith.constant 0 : i32
    %c0_i32_1 = arith.constant 0 : i32
    return %c0_i32, %c0_i32_0 : i32, i32
  }
  func.func @transform_8(%arg0: i32) -> (i32, i32) {
    %c0_i32 = arith.constant 0 : i32
    %c0_i32_0 = arith.constant 0 : i32
    %c0_i32_1 = arith.constant 0 : i32
    return %c0_i32, %c0_i32_0 : i32, i32
  }
  func.func @transform_9(%arg0: i32) -> (i32, i32) {
    %c0_i32 = arith.constant 0 : i32
    %c0_i32_0 = arith.constant 0 : i32
    %c0_i32_1 = arith.constant 0 : i32
    return %c0_i32, %c0_i32_0 : i32, i32
  }
  func.func @transform_10(%arg0: i32) -> (i32, i32) {
    %c0_i32 = arith.constant 0 : i32
    %c0_i32_0 = arith.constant 0 : i32
    %c0_i32_1 = arith.constant 0 : i32
    return %c0_i32, %c0_i32_0 : i32, i32
  }
  func.func @transform_11(%arg0: i32) -> (i32, i32) {
    %c0_i32 = arith.constant 0 : i32
    %c0_i32_0 = arith.constant 0 : i32
    %c0_i32_1 = arith.constant 0 : i32
    return %c0_i32, %c0_i32_0 : i32, i32
  }
  func.func @transform_12(%arg0: i32) -> (i32, i32) {
    %c0_i32 = arith.constant 0 : i32
    %c0_i32_0 = arith.constant 0 : i32
    %c0_i32_1 = arith.constant 0 : i32
    return %c0_i32, %c0_i32_0 : i32, i32
  }
  func.func @transform_13(%arg0: i32) -> (i32, i32) {
    %c0_i32 = arith.constant 0 : i32
    %c0_i32_0 = arith.constant 0 : i32
    %c0_i32_1 = arith.constant 0 : i32
    return %c0_i32, %c0_i32_0 : i32, i32
  }
  func.func @transform_14(%arg0: i32) -> (i32, i32) {
    %c0_i32 = arith.constant 0 : i32
    %c0_i32_0 = arith.constant 0 : i32
    %c0_i32_1 = arith.constant 0 : i32
    return %c0_i32, %c0_i32_0 : i32, i32
  }
}

</mosaic_0001>

<sc_bundles>
// kernel: kernel.11.cloned.1.call-start
scs
__scs_entry_jumppad:
0x0: {  	(pc) =	sbr.rel $0x88, $3  }
0x1: {  	(tag) =	ssettag $0x0;
	lr =	simm.s32 $0x1  }
0x2: {  	[smem:$0x3F8E] =	sst lr;
	_ =	strace $0xD0000000  }
0x3: {  	_ = 	snop  }
0x4: {  	_ = 	snop  }
0x5: {  	_ = 	snop  }
0x6: {  	_ = 	snop  }
0x7: {  	_ = 	snop  }
__scs_overlays_trampoline_lowered:
0x8: {  	[smem:$0x3F9D] =	sst s0  }
0x9: {  	[smem:$0x3F9E] =	sst s1  }
0xa: {  	[smem:$0x3F9F] =	sst s2  }
0xb: {  	[smem:$0x3FA0] =	sst s3  }
0xc: {  	[smem:$0x3FA1] =	sst s4  }
0xd: {  	[smem:$0x3FA2] =	sst s5  }
0xe: {  	[smem:$0x3FA3] =	sst s6  }
0xf: {  	[smem:$0x3FA4] =	sst s7  }
0x10: {  	[smem:$0x3FA5] =	sst s8  }
0x11: {  	[smem:$0x3FA6] =	sst s9;
	s0 =	simm.s32 @!p0 $0x0  }
0x12: {  	s1 =	sld [smem:$0x3F8C];
	s0 =	simm.s32 @p0 $0x1  }
0x13: {  	[smem:$0x3FA7] =	sst s0;
	s0 =	simm.s32 @!p1 $0x0  }
0x14: {  	s2 =	sld [smem:$0x3F8B];
	s0 =	simm.s32 @p1 $0x1  }
0x15: {  	[smem:$0x3FA8] =	sst s0;
	s0 =	simm.s32 @!p2 $0x0  }
0x16: {  	s3 =	sld [smem:$0x3FDB];
	s0 =	simm.s32 @p2 $0x1  }
0x17: {  	s4 =	simm.s32 $0x1BF5;
	[smem:$0x3FAA] =	sst s0  }
0x18: {  	s0 =	sld [smem:$0x3F8D];
	_ =	swait.ge [sflag:s4], $0x0  }
0x19: {  	s7 =	sld [smem:$0x3F8E]  }
0x1a: {  	s8 =	sadd.s32 $0xFFFFE003, lr  }
0x1b: {  	s9 =	sadd.s32 $0xFFFFFEF7, lr;
	s5 =	simm.s32 $0xFFFFFFFF;
	p2 =	slt.u32 s8, $0xFFFFF086  }
0x1c: {  	p1 =	slt.u32 s9, $0xF7A;
	s5 =	simm.s32 @!p2 $0x0  }
0x1d: {  	s5 =	simm.s32 @p1 $0x1;
	p0 =	seq.s32 s7, s2  }
0x1e: {  	s7 =	smul.u32 @!p0 $0xF7A, s2;
	p2 =	seq.s32 @!p0 s5, $0x0  }
0x1f: {  	s9 =	smul.u32 $0xF7A, s1;
	s8 =	simm.s32 @!p0 $0x1BF5;
	p2 =	por !p2, p0  }
0x20: {  	[sflag:s8] =	ssyncset.s32 @!p0 $0xFFFFF086;
	s6 =	sadd.s32 @!p0 s3, s7;
	s7 =	simm.s32 @!p0 $0x108  }
0x21: {  	s3 =	sadd.s32 s3, s9;
	s6 =	sadd.s32 @!p0 $0x88, s6;
	s7 =	simm.s32 @p2 $0x1082  }
0x22: {  	[simem:s7], [sflag:s8] =	dma.local @!p0 [hbm:s6], $0xF7A  }
0x23: {  	s9 =	sor.u32 $0xD0000000, s2;
	s6 =	simm.s32 $0x108;
	_ =	swait.ge @!p0 [sflag:s8], $0x0  }
0x24: {  	s3 =	sadd.s32 $0x88, s3;
	s6 =	simm.s32 @!p1 $0x1082;
	[sflag:s4] =	ssyncset.s32 $0xFFFFF086  }
0x25: {  	[simem:s6], [sflag:s4] =	dma.local [hbm:s3], $0xF7A  }
0x26: {  	[smem:$0x3F8E] =	sst s1;
	(tag) =	ssettag s2;
	_ =	strace s9  }
0x27: {  	s1 =	sld [smem:$0x3F9E]  }
0x28: {  	s2 =	sld [smem:$0x3F9F]  }
0x29: {  	s4 =	sld [smem:$0x3FA1]  }
0x2a: {  	p0 =	seq.s32 s5, $0x0;
	s5 =	sld [smem:$0x3FA2]  }
0x2b: {  	s6 =	sld [smem:$0x3FA3]  }
0x2c: {  	s7 =	sld [smem:$0x3FA4]  }
0x2d: {  	s3 =	simm.s32 $0x108;
	s8 =	sld [smem:$0x3FA5]  }
0x2e: {  	s3 =	simm.s32 @!p0 $0x1082;
	s9 =	sld [smem:$0x3FA6]  }
0x2f: {  	lr =	sadd.s32 s0, s3;
	s0 =	sld [smem:$0x3F9D]  }
0x30: {  	s3 =	sld [smem:$0x3FA0]  }
0x31: {  	[smem:$0x3FA9] =	sst s10  }
0x32: {  	s10 =	sld [smem:$0x3FA7];
	_ =	sdelay $0x3  }
0x33: {  	p0 =	seq.s32 s10, $0x1;
	s10 =	sld [smem:$0x3FA9];
	_ =	sdelay $0x3  }
0x34: {  	[smem:$0x3FA9] =	sst s10  }
0x35: {  	s10 =	sld [smem:$0x3FA8];
	_ =	sdelay $0x3  }
0x36: {  	p1 =	seq.s32 s10, $0x1;
	s10 =	sld [smem:$0x3FA9];
	_ =	sdelay $0x3  }
0x37: {  	[smem:$0x3FA9] =	sst s10  }
0x38: {  	s10 =	sld [smem:$0x3FAA]  }
0x39: {  	_ = 	snop;
	(pc) =	sbr.ind lr, $3  }
0x3a: {  	_ = 	snop  }
0x3b: {  	_ = 	snop  }
0x3c: {  	p2 =	seq.s32 s10, $0x1;
	s10 =	sld [smem:$0x3FA9]  }
0x3d: {  	_ =	shalt  }
0x3e: {  	_ =	shalt  }
0x3f: {  	_ =	shalt  }
0x40: {  	_ =	shalt  }
0x41: {  	_ =	shalt  }
0x42: {  	_ =	shalt  }
0x43: {  	_ =	shalt  }
0x44: {  	_ =	shalt  }
0x45: {  	_ =	shalt  }
0x46: {  	_ =	shalt  }
0x47: {  	_ =	shalt  }
0x48: {  	_ =	shalt  }
0x49: {  	_ =	shalt  }
0x4a: {  	_ =	shalt  }
0x4b: {  	_ =	shalt  }
0x4c: {  	_ =	shalt  }
0x4d: {  	_ =	shalt  }
0x4e: {  	_ =	shalt  }
0x4f: {  	_ =	shalt  }
0x50: {  	_ =	shalt  }
0x51: {  	_ =	shalt  }
0x52: {  	_ =	shalt  }
0x53: {  	_ =	shalt  }
0x54: {  	_ =	shalt  }
0x55: {  	_ =	shalt  }
0x56: {  	_ =	shalt  }
0x57: {  	_ =	shalt  }
0x58: {  	_ =	shalt  }
0x59: {  	_ =	shalt  }
0x5a: {  	_ =	shalt  }
0x5b: {  	_ =	shalt  }
0x5c: {  	_ =	shalt  }
0x5d: {  	_ =	shalt  }
0x5e: {  	_ =	shalt  }
0x5f: {  	_ =	shalt  }
0x60: {  	_ =	shalt  }
0x61: {  	_ =	shalt  }
0x62: {  	_ =	shalt  }
0x63: {  	_ =	shalt  }
0x64: {  	_ =	shalt  }
0x65: {  	_ =	shalt  }
0x66: {  	_ =	shalt  }
0x67: {  	_ =	shalt  }
0x68: {  	_ =	shalt  }
0x69: {  	_ =	shalt  }
0x6a: {  	_ =	shalt  }
0x6b: {  	_ =	shalt  }
0x6c: {  	_ =	shalt  }
0x6d: {  	_ =	shalt  }
0x6e: {  	_ =	shalt  }
0x6f: {  	_ =	shalt  }
0x70: {  	_ =	shalt  }
0x71: {  	_ =	shalt  }
0x72: {  	_ =	shalt  }
0x73: {  	_ =	shalt  }
0x74: {  	_ =	shalt  }
0x75: {  	_ =	shalt  }
0x76: {  	_ =	shalt  }
0x77: {  	_ =	shalt  }
0x78: {  	_ =	shalt  }
0x79: {  	_ =	shalt  }
0x7a: {  	_ =	shalt  }
0x7b: {  	_ =	shalt  }
0x7c: {  	_ =	shalt  }
0x7d: {  	_ =	shalt  }
0x7e: {  	_ =	shalt  }
0x7f: {  	_ =	shalt  }
0x80: {  	_ =	shalt  }
0x81: {  	_ =	shalt  }
0x82: {  	_ =	shalt  }
0x83: {  	_ =	shalt  }
0x84: {  	_ =	shalt  }
0x85: {  	_ =	shalt  }
0x86: {  	_ =	shalt  }
0x87: {  	_ =	shalt  }
.Lfunc_end0:
.L_simem_size_0:
called_computation.1_lowered:
.L_overlay_start_0:
0x88: {  	s2 =	sld [smem:$0x3FD9]  }
0x89: {  	s3 =	sld [smem:$0x3FFE];
	_ =	sdelay $0x1  }
0x8a: {  	s1 =	srdreg.scid  }
0x8b: {  	s0 =	sand.u32 $0x1, s1  }
0x8c: {  	s16 =	sshll.u32 s0, $0xA;
	s2 =	sadd.s32 s3, s2  }
0x8d: {  	s2 =	sadd.s32 s2, s16  }
0x8e: {  	[smem:$0x3FB5] =	sst s2  }
0x8f: {  	_ = 	snop  }
0x90: {  	(tm) =	ssettm $0x1  }
0x91: {  	s17 =	sld [smem:$0x3FFB];
	_ =	sdelay $0x3  }
0x92: {  	_ =	strace s17  }
0x93: {  	s2 =	sld [smem:$0x3FFC];
	_ =	sdelay $0x3  }
0x94: {  	_ =	strace s2  }
0x95: {  	s2 =	sld [smem:$0x3FFD];
	_ =	sdelay $0x3  }
0x96: {  	_ =	strace s2  }
0x97: {  	_ =	strace $0x8FFFFFFF  }
0x98: {  	s18 =	sld [smem:$0x3FDB];
	_ =	sdelay $0x1  }
0x99: {  	s19 =	simm.s32 $_scs_section_size  }
0x9a: {  	s4 =	simm.s32 $_size__tile_overlayer_lowered;
	s5 =	simm.s32 $_tile_overlayer_lowered  }
0x9b: {  	s22 =	simm.s32 $0x1BFF;
	s21 =	sshll.u32 s5, $0x1;
	s2 =	sadd.s32 s19, s18  }
0x9c: {  	s6 =	simm.s32 $0x0;
	s20 =	sshll.u32 s4, $0x1;
	s4 =	sadd.s32 s21, s2  }
0x9d: {  	[timem:s6], [sflag:s22] =	dma.local [hbm:s4], s20  }
0x9e: {  	_ =	swait.ge [sflag:s22], s20  }
0x9f: {  	s3 =	ssub.s32 $0x0, s20;
	[sflag:s22] =	ssyncset.done $0x0  }
0xa0: {  	[sflag:s22] =	ssyncadd.s32 s3;
	_ =	sdelay $0x1  }
0xa1: {  	s23 =	simm.s32 $0x1B8B  }
0xa2: {  	_ =	swait.ge [sflag:s23], $0x1  }
0xa3: {  	[sflag:s23] =	ssyncset.done $0x0  }
0xa4: {  	s25 =	simm.s32 $0x1B8E;
	s24 =	sld [smem:$0x3FFE];
	[sflag:s23] =	ssyncadd.s32 $0xFFFFFFFF  }
0xa5: {  	s26 =	simm.s32 $execute0_lowered;
	[smem:$0x3FD2] =	sst s25  }
0xa6: {  	s4 =	sshll.u32 s26, $0x1;
	_ =	strace $0x80000049;
	[dreg:$0x1] =	wrdreg $0xFFFFFFFF  }
0xa7: {  	s28 =	simm.s32 $_size_execute0_lowered;
	s2 =	sadd.s32 s2, s4;
	[dreg:$0x0] =	wrdreg $0x0  }
0xa8: {  	s4 =	sshll.u32 s28, $0x1;
	[dreg:$0x2] =	wrdreg s2  }
0xa9: {  	[dreg:$0x3] =	wrdreg s4  }
0xaa: {  	[dreg:$0x4] =	wrdreg $0xC0  }
0xab: {  	_ =	task [dreg:s6], $0x5FFFF  }
0xac: {  	[dreg:$0x1] =	wrdreg $0xFFFFFFFF  }
0xad: {  	[dreg:$0x0] =	wrdreg $0x60  }
0xae: {  	[dreg:$0x2] =	wrdreg s24  }
0xaf: {  	[dreg:$0x3] =	wrdreg $0xAA000  }
0xb0: {  	[dreg:$0x4] =	wrdreg $0x9  }
0xb1: {  	_ =	task.clear_ibuf [dreg:s6], $0x5FFFF;
	_ =	strace $0x90000049  }
0xb2: {  	s29 =	simm.s32 $0x9;
	_ =	strace $0x8000004B  }
0xb3: {  	_ =	swait.ge [sflag:s29], $0x1  }
0xb4: {  	[sflag:s29] =	ssyncadd.s32 $0xFFFFFFFF  }
0xb5: {  	_ =	strace $0x9000004B  }
0xb6: {  	_ =	sfence  }
0xb7: {  	s30 =	sld [smem:$0x0];
	_ =	sdelay $0x2  }
0xb8: {  	s31 =	sshll.u32 s1, $0xD;
	s1 =	sshrl.u32 s1, $0x2  }
0xb9: {  	s3 =	sand.u32 $0x4000, s31;
	s1 =	sadd.s32 s1, s30  }
0xba: {  	s0 =	sor.u32 s3, s0;
	s1 =	sshll.u32 s1, $0x11  }
0xbb: {  	s0 =	sor.u32 s1, s0  }
0xbc: {  	s0 =	sadd.s32 $0x8F2B, s0  }
0xbd: {  	[sflag:s0] =	ssyncadd.remote.s32 $0x1  }
0xbe: {  	_ =	sfence.sel $0xFFFF  }
0xbf: {  	[dreg:$0x0] =	wrdreg $0xFFFFFFFF;
	(pc) =	sbr.abs _section_cstart, $3  }
0xc0: {  	[dreg:$0x1] =	wrdreg $0xFFFFFFFF  }
0xc1: {  	_ =	task.clear_ibuf [dreg:s6], $0x2FFFF;
	_ =	strace $0x9FFFFFFF  }
0xc2: {  	(tm) =	ssettm $0x7FFFFFFF  }
0xc3: {  	_ =	shalt  }
tec
execute0_lowered:
.L_overlay_start_1:
0x0: {  	(tag) =	ssettag $0x1  }
0x1: {  	s6 =	rddreg [dreg:$0x0]  }
0x2: {  	s0 =	srdreg.scid;
	s2 =	rddreg [dreg:$0x1];
	s3 =	simm.s32 $0x0  }
0x3: {  	s13 =	simm.s32 $0x3;
	s14 =	simm.s32 $0x2A00;
	s15 =	simm.s32 $0x80  }
0x4: {  	s16 =	simm.s32 $0x2800;
	s17 =	simm.s32 $0x1;
	s18 =	simm.s32 $0x2900  }
0x5: {  	s19 =	simm.s32 $0x2880;
	s20 =	simm.s32 $0x6A00;
	s5 =	sand.u32 $0x1, s0  }
0x6: {  	s21 =	simm.s32 $0x2;
	s0 =	stileid.u32;
	s7 =	smul.u32 $0x140000, s5  }
0x7: {  	s22 =	simm.s32 $0x2980;
	s24 =	simm.s32 $0x0;
	s8 =	smul.u32 $0x14000, s0  }
0x8: {  	[smem:$0x7FF] =	sst s3;
	s1 =	sshll.u32 s5, $0x4;
	s9 =	smul.u32 $0x50000, s0  }
0x9: {  	s29 =	ssub.s32 $0x2, s5;
	s23 =	sshll.u32 s0, $0x6;
	s1 =	sor.u32 s0, s1  }
0xa: {  	s31 =	sshrl.u32 s29, $0x1;
	s23 =	sor.u32 $0x1C03, s23;
	s4 =	smul.u32 $0x500, s1  }
0xb: {  	s1 =	rddreg [dreg:$0x2];
	_ =	strace $0x8000004A;
	s7 =	sadd.s32 s8, s7  }
.Ltmp0:
0xc: {  	s30 =	sshrl.u32 s9, $0x2;
	s12 =	ssub.s32 s29, s31;
	(pc) =	sbr.rel .LBB2_1-.Ltmp0, $4  }
0xd: {  	s7 =	sshrl.u32 s7, $0x3;
	s5 =	sadd.s32 s30, s2;
	s12 =	smax.u32 s12, $0x1  }
0xe: {  	s10 =	sadd.s32 s4, s6;
	s4 =	sadd.s32 $0xE000, s6;
	s11 =	sadd.s32 s7, s6  }
0xf: {  	s7 =	sadd.s32 $0x4000, s5;
	s8 =	sadd.s32 $0x8000, s5;
	s9 =	sadd.s32 $0xC000, s5  }
0x10: {  	v0 =	vimm.f32 $0.0e+00;
	s6 =	sadd.s32 $0x4000, s10;
	s10 =	sadd.s32 $0x10000, s5;
	s11 =	sadd.s32 $0xAE000, s11  }
.LBB2_6:
0x11: {  	_ =	swait.ge [sflag:s21], $0x4000  }
0x12: {  	s24 =	sadd.s32 $0x1, s24;
	[sflag:s21] =	ssyncset.done $0x0  }
0x13: {  	p0 =	sne.s32 s24, s12;
	[sflag:s21] =	ssyncadd.s32 $0xFFFFC000  }
.Ltmp1:
0x14: {  	s25 =	sshrl.u32 s5, $0x3;
	[bflag:$0x0] =	sbarrier.arrive $0xFFFF;
	(pc) =	sbr.rel @!p0 .LBB2_7-.Ltmp1, $4  }
0x15: {  	[hbm:s11], [sflag:s23] =	dma.local [spmem:s25], $0x2800  }
0x16: {  	_ =	swait.ge [sflag:s13], $0x2800  }
0x17: {  	[sflag:s13] =	ssyncset.done $0x0  }
0x18: {  	[sflag:s13] =	ssyncadd.s32 $0xFFFFD800  }
.LBB2_1:
0x19: {  	[tilespmem:s3], [sflag:$0x3] =	stream.linear.gather [hbm4b:s6+s3], $0x2800, $0x38;
	[tilespmem:$0x1EA00] =	vst v63  }
0x1a: {  	_ =	swait.ge [sflag:s13], $0x2800  }
0x1b: {  	[sflag:s13] =	ssyncset.done $0x0  }
0x1c: {  	s25 =	simm.s32 $0x0;
	s26 =	simm.s32 $0x200;
	[sflag:s13] =	ssyncadd.s32 $0xFFFFD800  }
.LBB2_2:
0x1d: {  	p0 =	sne.s32 s26, $0xFE00;
	[tilespmem:s25+$0x2A70] =	vst v0  }
0x1e: {  	[tilespmem:s25+$0x2A00] =	vst v0  }
0x1f: {  	[tilespmem:s25+$0x2A10] =	vst v0  }
.Ltmp2:
0x20: {  	[tilespmem:s25+$0x2A20] =	vst v0;
	(pc) =	sbr.rel @p0 .LBB2_2-.Ltmp2, $4  }
0x21: {  	[tilespmem:s25+$0x2A30] =	vst v0  }
0x22: {  	[tilespmem:s25+$0x2A40] =	vst v0  }
0x23: {  	[tilespmem:s25+$0x2A50] =	vst v0  }
0x24: {  	[tilespmem:s25+$0x2A60] =	vst v0;
	s25 =	sshra.s32 s26, $0x2;
	s26 =	sadd.s32 $0x200, s26  }
0x25: {  	[tilespmem:s25+$0x2A70] =	vst v0  }
0x26: {  	[tilespmem:s25+$0x2A00] =	vst v0  }
0x27: {  	[tilespmem:s25+$0x2A10] =	vst v0  }
0x28: {  	[tilespmem:s25+$0x2A20] =	vst v0  }
0x29: {  	[tilespmem:s25+$0x2A30] =	vst v0  }
0x2a: {  	[tilespmem:s25+$0x2A40] =	vst v0  }
0x2b: {  	[tilespmem:s25+$0x2A50] =	vst v0  }
0x2c: {  	[tilespmem:s25+$0x2A60] =	vst v0  }
0x2d: {  	[spmem:s5] =	stream.linear.scatter [tilespmem:s14], [sflag:$0x3], $0x4000, $0x38;
	[tilespmem:$0x1EA00] =	vst v63  }
0x2e: {  	_ =	swait.ge [sflag:s13], $0x4000  }
0x2f: {  	[sflag:s13] =	ssyncset.done $0x0  }
0x30: {  	[sflag:s13] =	ssyncadd.s32 $0xFFFFC000  }
0x31: {  	[spmem:s7] =	stream.linear.scatter [tilespmem:s14], [sflag:$0x3], $0x4000, $0x38;
	[tilespmem:$0x1EA00] =	vst v63  }
0x32: {  	_ =	swait.ge [sflag:s13], $0x4000  }
0x33: {  	[sflag:s13] =	ssyncset.done $0x0  }
0x34: {  	[sflag:s13] =	ssyncadd.s32 $0xFFFFC000  }
0x35: {  	[spmem:s8] =	stream.linear.scatter [tilespmem:s14], [sflag:$0x3], $0x4000, $0x38;
	[tilespmem:$0x1EA00] =	vst v63  }
0x36: {  	_ =	swait.ge [sflag:s13], $0x4000  }
0x37: {  	[sflag:s13] =	ssyncset.done $0x0  }
0x38: {  	[sflag:s13] =	ssyncadd.s32 $0xFFFFC000  }
0x39: {  	[spmem:s9] =	stream.linear.scatter [tilespmem:s14], [sflag:$0x3], $0x4000, $0x38;
	[tilespmem:$0x1EA00] =	vst v63  }
0x3a: {  	_ =	swait.ge [sflag:s13], $0x4000  }
0x3b: {  	[sflag:s13] =	ssyncset.done $0x0  }
0x3c: {  	[sflag:s13] =	ssyncadd.s32 $0xFFFFC000  }
0x3d: {  	[spmem:s10] =	stream.linear.scatter [tilespmem:s14], [sflag:$0x3], $0x4000, $0x38;
	[tilespmem:$0x1EA00] =	vst v63  }
0x3e: {  	_ =	swait.ge [sflag:s13], $0x4000  }
0x3f: {  	[sflag:s13] =	ssyncset.done $0x0  }
0x40: {  	[sflag:s13] =	ssyncadd.s32 $0xFFFFC000  }
0x41: {  	[bflag:$0x0] =	sbarrier.arrive $0xFFFF  }
0x42: {  	v1 =	vld [tilespmem:$0x0];
	_ =	sdelay $0x1  }
0x43: {  	v2 =	vld [tilespmem:$0x10];
	_ =	sdelay $0x1  }
0x44: {  	v3 =	vld [tilespmem:$0x20]  }
0x45: {  	v4 =	vand.u32 $0xFFFF, v1  }
0x46: {  	v62 =	vld [tilespmem:$0x30];
	v1 =	vshrl.u32 v1, $0x10;
	[tilespmem:$0x2800] =	vst v4  }
0x47: {  	[tilespmem:$0x2900] =	vst v1;
	v1 =	vand.u32 $0xFFFF, v2  }
0x48: {  	[tilespmem:$0x2810] =	vst v1;
	v1 =	vshrl.u32 v2, $0x10;
	v2 =	vld [tilespmem:$0x40]  }
0x49: {  	[tilespmem:$0x2910] =	vst v1;
	v1 =	vand.u32 $0xFFFF, v3  }
0x4a: {  	[tilespmem:$0x2820] =	vst v1;
	v1 =	vshrl.u32 v3, $0x10;
	v3 =	vld [tilespmem:$0x50]  }
0x4b: {  	[tilespmem:$0x2920] =	vst v1;
	v1 =	vand.u32 $0xFFFF, v62  }
0x4c: {  	v63 =	vld [tilespmem:$0x60];
	[tilespmem:$0x2830] =	vst v1;
	v1 =	vshrl.u32 v62, $0x10  }
0x4d: {  	[tilespmem:$0x2930] =	vst v1;
	v1 =	vand.u32 $0xFFFF, v2  }
0x4e: {  	[tilespmem:$0x2840] =	vst v1;
	v1 =	vshrl.u32 v2, $0x10;
	v2 =	vld [tilespmem:$0x70]  }
0x4f: {  	[tilespmem:$0x2940] =	vst v1;
	v1 =	vand.u32 $0xFFFF, v3  }
0x50: {  	[tilespmem:$0x2850] =	vst v1;
	v1 =	vshrl.u32 v3, $0x10  }
0x51: {  	[tilespmem:$0x2950] =	vst v1;
	v1 =	vand.u32 $0xFFFF, v63  }
0x52: {  	[tilespmem:$0x2860] =	vst v1;
	v1 =	vshrl.u32 v63, $0x10  }
0x53: {  	[tilespmem:$0x2960] =	vst v1;
	v1 =	vand.u32 $0xFFFF, v2  }
0x54: {  	[tilespmem:$0x2870] =	vst v1;
	v1 =	vshrl.u32 v2, $0x10  }
0x55: {  	s25 =	simm.s32 $0x0;
	[tilespmem:$0x2970] =	vst v1  }
0x56: {  	[tilespmem:s14], [sflag:$0x1] =	stream.indirect.gather [hbm4b:s4+s15], $0x80, s16, s15, $0xb8;
	[tilespmem:$0x1EA00] =	vst v63  }
.LBB2_4:
0x57: {  	_ =	swait.ge [sflag:s17], $0x4000  }
0x58: {  	p0 =	seq.s32 s25, $0x0;
	[sflag:s17] =	ssyncset.done $0x0  }
0x59: {  	s26 =	simm.s32 @!p0 $0x2;
	[sflag:s17] =	ssyncadd.s32 $0xFFFFC000  }
0x5a: {  	_ =	swait.ge @!p0 [sflag:s26], $0x4000  }
0x5b: {  	[sflag:s26] =	ssyncset.done @!p0 $0x0  }
0x5c: {  	[sflag:s26] =	ssyncadd.s32 @!p0 $0xFFFFC000;
	s26 =	sshra.s32 s25, $0x2  }
0x5d: {  	[spmem:s2] =	stream.indirect.scatter.add.f32 [tilespmem:s14], [sflag:$0x2], $0x80, s18, s15, $0xb8;
	[tilespmem:$0x1EA00] =	vst v63  }
0x5e: {  	v1 =	vld [tilespmem:s26+$0x80];
	_ =	sdelay $0x4  }
0x5f: {  	v2 =	vand.u32 $0xFFFF, v1  }
0x60: {  	v1 =	vshrl.u32 v1, $0x10;
	[tilespmem:$0x2880] =	vst v2  }
0x61: {  	[tilespmem:$0x2980] =	vst v1  }
0x62: {  	v1 =	vld [tilespmem:s26+$0x90];
	_ =	sdelay $0x4  }
0x63: {  	v2 =	vand.u32 $0xFFFF, v1  }
0x64: {  	v1 =	vshrl.u32 v1, $0x10;
	[tilespmem:$0x2890] =	vst v2  }
0x65: {  	[tilespmem:$0x2990] =	vst v1  }
0x66: {  	v1 =	vld [tilespmem:s26+$0xA0];
	_ =	sdelay $0x4  }
0x67: {  	v2 =	vand.u32 $0xFFFF, v1  }
0x68: {  	v1 =	vshrl.u32 v1, $0x10;
	[tilespmem:$0x28A0] =	vst v2  }
0x69: {  	[tilespmem:$0x29A0] =	vst v1  }
0x6a: {  	v1 =	vld [tilespmem:s26+$0xB0];
	_ =	sdelay $0x4  }
0x6b: {  	v2 =	vand.u32 $0xFFFF, v1  }
0x6c: {  	v1 =	vshrl.u32 v1, $0x10;
	[tilespmem:$0x28B0] =	vst v2  }
0x6d: {  	[tilespmem:$0x29B0] =	vst v1  }
0x6e: {  	v1 =	vld [tilespmem:s26+$0xC0];
	_ =	sdelay $0x4  }
0x6f: {  	v2 =	vand.u32 $0xFFFF, v1  }
0x70: {  	v1 =	vshrl.u32 v1, $0x10;
	[tilespmem:$0x28C0] =	vst v2  }
0x71: {  	[tilespmem:$0x29C0] =	vst v1  }
0x72: {  	v1 =	vld [tilespmem:s26+$0xD0];
	_ =	sdelay $0x4  }
0x73: {  	v2 =	vand.u32 $0xFFFF, v1  }
0x74: {  	v1 =	vshrl.u32 v1, $0x10;
	[tilespmem:$0x28D0] =	vst v2  }
0x75: {  	[tilespmem:$0x29D0] =	vst v1  }
0x76: {  	v1 =	vld [tilespmem:s26+$0xE0];
	_ =	sdelay $0x4  }
0x77: {  	v2 =	vand.u32 $0xFFFF, v1  }
0x78: {  	v1 =	vshrl.u32 v1, $0x10;
	[tilespmem:$0x28E0] =	vst v2  }
0x79: {  	[tilespmem:$0x29E0] =	vst v1  }
0x7a: {  	v1 =	vld [tilespmem:s26+$0xF0];
	_ =	sdelay $0x4  }
0x7b: {  	v2 =	vand.u32 $0xFFFF, v1  }
0x7c: {  	v1 =	vshrl.u32 v1, $0x10;
	[tilespmem:$0x28F0] =	vst v2  }
0x7d: {  	[tilespmem:$0x29F0] =	vst v1  }
0x7e: {  	[tilespmem:s20], [sflag:$0x1] =	stream.indirect.gather [hbm4b:s4+s15], $0x80, s19, s15, $0xb8;
	[tilespmem:$0x1EA00] =	vst v63  }
0x7f: {  	_ =	swait.ge [sflag:s17], $0x4000  }
0x80: {  	p0 =	seq.s32 s25, $0x9C00;
	[sflag:s17] =	ssyncset.done $0x0  }
.Ltmp3:
0x81: {  	[sflag:s17] =	ssyncadd.s32 $0xFFFFC000;
	(pc) =	sbr.rel @p0 .LBB2_6-.Ltmp3, $4  }
0x82: {  	_ =	swait.ge [sflag:s21], $0x4000  }
0x83: {  	[sflag:s21] =	ssyncset.done $0x0  }
0x84: {  	[sflag:s21] =	ssyncadd.s32 $0xFFFFC000  }
0x85: {  	[spmem:s2] =	stream.indirect.scatter.add.f32 [tilespmem:s20], [sflag:$0x2], $0x80, s22, s15, $0xb8;
	[tilespmem:$0x1EA00] =	vst v63  }
0x86: {  	v1 =	vld [tilespmem:s26+$0x100];
	_ =	sdelay $0x4  }
0x87: {  	v2 =	vand.u32 $0xFFFF, v1  }
0x88: {  	v1 =	vshrl.u32 v1, $0x10;
	[tilespmem:$0x2800] =	vst v2  }
0x89: {  	[tilespmem:$0x2900] =	vst v1  }
0x8a: {  	v1 =	vld [tilespmem:s26+$0x110];
	_ =	sdelay $0x4  }
0x8b: {  	v2 =	vand.u32 $0xFFFF, v1  }
0x8c: {  	v1 =	vshrl.u32 v1, $0x10;
	[tilespmem:$0x2810] =	vst v2  }
0x8d: {  	[tilespmem:$0x2910] =	vst v1  }
0x8e: {  	v1 =	vld [tilespmem:s26+$0x120];
	_ =	sdelay $0x4  }
0x8f: {  	v2 =	vand.u32 $0xFFFF, v1  }
0x90: {  	v1 =	vshrl.u32 v1, $0x10;
	[tilespmem:$0x2820] =	vst v2  }
0x91: {  	[tilespmem:$0x2920] =	vst v1  }
0x92: {  	v1 =	vld [tilespmem:s26+$0x130];
	_ =	sdelay $0x4  }
0x93: {  	v2 =	vand.u32 $0xFFFF, v1  }
0x94: {  	v1 =	vshrl.u32 v1, $0x10;
	[tilespmem:$0x2830] =	vst v2  }
0x95: {  	[tilespmem:$0x2930] =	vst v1  }
0x96: {  	v1 =	vld [tilespmem:s26+$0x140];
	_ =	sdelay $0x4  }
0x97: {  	v2 =	vand.u32 $0xFFFF, v1  }
0x98: {  	v1 =	vshrl.u32 v1, $0x10;
	[tilespmem:$0x2840] =	vst v2  }
0x99: {  	[tilespmem:$0x2940] =	vst v1  }
0x9a: {  	v1 =	vld [tilespmem:s26+$0x150];
	_ =	sdelay $0x4  }
0x9b: {  	v2 =	vand.u32 $0xFFFF, v1  }
0x9c: {  	v1 =	vshrl.u32 v1, $0x10;
	[tilespmem:$0x2850] =	vst v2  }
0x9d: {  	[tilespmem:$0x2950] =	vst v1  }
0x9e: {  	v1 =	vld [tilespmem:s26+$0x160];
	_ =	sdelay $0x4  }
0x9f: {  	v2 =	vand.u32 $0xFFFF, v1  }
0xa0: {  	v1 =	vshrl.u32 v1, $0x10;
	[tilespmem:$0x2860] =	vst v2  }
0xa1: {  	[tilespmem:$0x2960] =	vst v1  }
0xa2: {  	v1 =	vld [tilespmem:s26+$0x170];
	_ =	sdelay $0x3  }
.Ltmp4:
0xa3: {  	_ = 	snop;
	(pc) =	sbr.rel .LBB2_4-.Ltmp4, $4  }
0xa4: {  	v2 =	vand.u32 $0xFFFF, v1  }
0xa5: {  	v1 =	vshrl.u32 v1, $0x10;
	[tilespmem:$0x2870] =	vst v2  }
0xa6: {  	s25 =	sadd.s32 $0x400, s25;
	[tilespmem:$0x2970] =	vst v1  }
0xa7: {  	[tilespmem:s14], [sflag:$0x1] =	stream.indirect.gather [hbm4b:s4+s15], $0x80, s16, s15, $0xb8;
	[tilespmem:$0x1EA00] =	vst v63  }
.LBB2_7:
0xa8: {  	_ =	sfence.sel $0x180000  }
0xa9: {  	[bflag:$0x0] =	sbarrier.arrive $0xFFFF  }
0xaa: {  	p0 =	sne.s32 s0, $0x0;
	_ =	strace $0x9000004A  }
0xab: {  	s0 =	sadd.s32 @!p0 $0x100000, s1;
	[bflag:$0x2] =	sbarrier.arrive $0xFFFF  }
0xac: {  	[sflag:s0] =	ssyncadd.tile.s32 @!p0 $0x1;
	_ =	shalt  }
.Lfunc_end2:
_tile_overlayer_lowered:
.L_overlay_start_2:
0xad: {  	(tag) =	ssettag $0x2  }
0xae: {  	s0 =	rddreg [dreg:$0x0];
	s2 =	stileid.u32  }
0xaf: {  	s1 =	rddreg [dreg:$0x1];
	p0 =	sne.s32 s2, $0x0  }
0xb0: {  	s3 =	rddreg [dreg:$0x2];
	[bflag:$0x3] =	sbarrier.arrive $0xFFFF;
	s2 =	simm.s32 @!p0 $0x1C03  }
0xb1: {  	[timem:s3], [sflag:s2] =	dma.local @!p0 [hbm:s0], s1  }
0xb2: {  	s0 =	simm.s32 @!p0 $0x3  }
0xb3: {  	_ =	swait.ge @!p0 [sflag:s0], s1  }
0xb4: {  	s1 =	ssub.s32 @!p0 $0x0, s1;
	[sflag:s0] =	ssyncset.done @!p0 $0x0  }
0xb5: {  	[sflag:s0] =	ssyncadd.s32 @!p0 s1  }
0xb6: {  	[bflag:$0x3] =	sbarrier.arrive $0xFFFF  }
0xb7: {  	_ =	shalt  }

// kernel: kernel.14.cloned.1.call-start
scs
__scs_entry_jumppad:
0x0: {  	(pc) =	sbr.rel $0x88, $3  }
0x1: {  	(tag) =	ssettag $0x0;
	lr =	simm.s32 $0x1  }
0x2: {  	[smem:$0x3F8E] =	sst lr;
	_ =	strace $0xD0000000  }
0x3: {  	_ = 	snop  }
0x4: {  	_ = 	snop  }
0x5: {  	_ = 	snop  }
0x6: {  	_ = 	snop  }
0x7: {  	_ = 	snop  }
__scs_overlays_trampoline_lowered:
0x8: {  	[smem:$0x3F9D] =	sst s0  }
0x9: {  	[smem:$0x3F9E] =	sst s1  }
0xa: {  	[smem:$0x3F9F] =	sst s2  }
0xb: {  	[smem:$0x3FA0] =	sst s3  }
0xc: {  	[smem:$0x3FA1] =	sst s4  }
0xd: {  	[smem:$0x3FA2] =	sst s5  }
0xe: {  	[smem:$0x3FA3] =	sst s6  }
0xf: {  	[smem:$0x3FA4] =	sst s7  }
0x10: {  	[smem:$0x3FA5] =	sst s8  }
0x11: {  	[smem:$0x3FA6] =	sst s9;
	s0 =	simm.s32 @!p0 $0x0  }
0x12: {  	s1 =	sld [smem:$0x3F8C];
	s0 =	simm.s32 @p0 $0x1  }
0x13: {  	[smem:$0x3FA7] =	sst s0;
	s0 =	simm.s32 @!p1 $0x0  }
0x14: {  	s2 =	sld [smem:$0x3F8B];
	s0 =	simm.s32 @p1 $0x1  }
0x15: {  	[smem:$0x3FA8] =	sst s0;
	s0 =	simm.s32 @!p2 $0x0  }
0x16: {  	s3 =	sld [smem:$0x3FDB];
	s0 =	simm.s32 @p2 $0x1  }
0x17: {  	s4 =	simm.s32 $0x1BF5;
	[smem:$0x3FAA] =	sst s0  }
0x18: {  	s0 =	sld [smem:$0x3F8D];
	_ =	swait.ge [sflag:s4], $0x0  }
0x19: {  	s7 =	sld [smem:$0x3F8E]  }
0x1a: {  	s8 =	sadd.s32 $0xFFFFE003, lr  }
0x1b: {  	s9 =	sadd.s32 $0xFFFFFEF7, lr;
	s5 =	simm.s32 $0xFFFFFFFF;
	p2 =	slt.u32 s8, $0xFFFFF086  }
0x1c: {  	p1 =	slt.u32 s9, $0xF7A;
	s5 =	simm.s32 @!p2 $0x0  }
0x1d: {  	s5 =	simm.s32 @p1 $0x1;
	p0 =	seq.s32 s7, s2  }
0x1e: {  	s7 =	smul.u32 @!p0 $0xF7A, s2;
	p2 =	seq.s32 @!p0 s5, $0x0  }
0x1f: {  	s9 =	smul.u32 $0xF7A, s1;
	s8 =	simm.s32 @!p0 $0x1BF5;
	p2 =	por !p2, p0  }
0x20: {  	[sflag:s8] =	ssyncset.s32 @!p0 $0xFFFFF086;
	s6 =	sadd.s32 @!p0 s3, s7;
	s7 =	simm.s32 @!p0 $0x108  }
0x21: {  	s3 =	sadd.s32 s3, s9;
	s6 =	sadd.s32 @!p0 $0x88, s6;
	s7 =	simm.s32 @p2 $0x1082  }
0x22: {  	[simem:s7], [sflag:s8] =	dma.local @!p0 [hbm:s6], $0xF7A  }
0x23: {  	s9 =	sor.u32 $0xD0000000, s2;
	s6 =	simm.s32 $0x108;
	_ =	swait.ge @!p0 [sflag:s8], $0x0  }
0x24: {  	s3 =	sadd.s32 $0x88, s3;
	s6 =	simm.s32 @!p1 $0x1082;
	[sflag:s4] =	ssyncset.s32 $0xFFFFF086  }
0x25: {  	[simem:s6], [sflag:s4] =	dma.local [hbm:s3], $0xF7A  }
0x26: {  	[smem:$0x3F8E] =	sst s1;
	(tag) =	ssettag s2;
	_ =	strace s9  }
0x27: {  	s1 =	sld [smem:$0x3F9E]  }
0x28: {  	s2 =	sld [smem:$0x3F9F]  }
0x29: {  	s4 =	sld [smem:$0x3FA1]  }
0x2a: {  	p0 =	seq.s32 s5, $0x0;
	s5 =	sld [smem:$0x3FA2]  }
0x2b: {  	s6 =	sld [smem:$0x3FA3]  }
0x2c: {  	s7 =	sld [smem:$0x3FA4]  }
0x2d: {  	s3 =	simm.s32 $0x108;
	s8 =	sld [smem:$0x3FA5]  }
0x2e: {  	s3 =	simm.s32 @!p0 $0x1082;
	s9 =	sld [smem:$0x3FA6]  }
0x2f: {  	lr =	sadd.s32 s0, s3;
	s0 =	sld [smem:$0x3F9D]  }
0x30: {  	s3 =	sld [smem:$0x3FA0]  }
0x31: {  	[smem:$0x3FA9] =	sst s10  }
0x32: {  	s10 =	sld [smem:$0x3FA7];
	_ =	sdelay $0x3  }
0x33: {  	p0 =	seq.s32 s10, $0x1;
	s10 =	sld [smem:$0x3FA9];
	_ =	sdelay $0x3  }
0x34: {  	[smem:$0x3FA9] =	sst s10  }
0x35: {  	s10 =	sld [smem:$0x3FA8];
	_ =	sdelay $0x3  }
0x36: {  	p1 =	seq.s32 s10, $0x1;
	s10 =	sld [smem:$0x3FA9];
	_ =	sdelay $0x3  }
0x37: {  	[smem:$0x3FA9] =	sst s10  }
0x38: {  	s10 =	sld [smem:$0x3FAA]  }
0x39: {  	_ = 	snop;
	(pc) =	sbr.ind lr, $3  }
0x3a: {  	_ = 	snop  }
0x3b: {  	_ = 	snop  }
0x3c: {  	p2 =	seq.s32 s10, $0x1;
	s10 =	sld [smem:$0x3FA9]  }
0x3d: {  	_ =	shalt  }
0x3e: {  	_ =	shalt  }
0x3f: {  	_ =	shalt  }
0x40: {  	_ =	shalt  }
0x41: {  	_ =	shalt  }
0x42: {  	_ =	shalt  }
0x43: {  	_ =	shalt  }
0x44: {  	_ =	shalt  }
0x45: {  	_ =	shalt  }
0x46: {  	_ =	shalt  }
0x47: {  	_ =	shalt  }
0x48: {  	_ =	shalt  }
0x49: {  	_ =	shalt  }
0x4a: {  	_ =	shalt  }
0x4b: {  	_ =	shalt  }
0x4c: {  	_ =	shalt  }
0x4d: {  	_ =	shalt  }
0x4e: {  	_ =	shalt  }
0x4f: {  	_ =	shalt  }
0x50: {  	_ =	shalt  }
0x51: {  	_ =	shalt  }
0x52: {  	_ =	shalt  }
0x53: {  	_ =	shalt  }
0x54: {  	_ =	shalt  }
0x55: {  	_ =	shalt  }
0x56: {  	_ =	shalt  }
0x57: {  	_ =	shalt  }
0x58: {  	_ =	shalt  }
0x59: {  	_ =	shalt  }
0x5a: {  	_ =	shalt  }
0x5b: {  	_ =	shalt  }
0x5c: {  	_ =	shalt  }
0x5d: {  	_ =	shalt  }
0x5e: {  	_ =	shalt  }
0x5f: {  	_ =	shalt  }
0x60: {  	_ =	shalt  }
0x61: {  	_ =	shalt  }
0x62: {  	_ =	shalt  }
0x63: {  	_ =	shalt  }
0x64: {  	_ =	shalt  }
0x65: {  	_ =	shalt  }
0x66: {  	_ =	shalt  }
0x67: {  	_ =	shalt  }
0x68: {  	_ =	shalt  }
0x69: {  	_ =	shalt  }
0x6a: {  	_ =	shalt  }
0x6b: {  	_ =	shalt  }
0x6c: {  	_ =	shalt  }
0x6d: {  	_ =	shalt  }
0x6e: {  	_ =	shalt  }
0x6f: {  	_ =	shalt  }
0x70: {  	_ =	shalt  }
0x71: {  	_ =	shalt  }
0x72: {  	_ =	shalt  }
0x73: {  	_ =	shalt  }
0x74: {  	_ =	shalt  }
0x75: {  	_ =	shalt  }
0x76: {  	_ =	shalt  }
0x77: {  	_ =	shalt  }
0x78: {  	_ =	shalt  }
0x79: {  	_ =	shalt  }
0x7a: {  	_ =	shalt  }
0x7b: {  	_ =	shalt  }
0x7c: {  	_ =	shalt  }
0x7d: {  	_ =	shalt  }
0x7e: {  	_ =	shalt  }
0x7f: {  	_ =	shalt  }
0x80: {  	_ =	shalt  }
0x81: {  	_ =	shalt  }
0x82: {  	_ =	shalt  }
0x83: {  	_ =	shalt  }
0x84: {  	_ =	shalt  }
0x85: {  	_ =	shalt  }
0x86: {  	_ =	shalt  }
0x87: {  	_ =	shalt  }
.Lfunc_end0:
.L_simem_size_0:
called_computation.2_lowered:
.L_overlay_start_0:
0x88: {  	s2 =	sld [smem:$0x3FD9]  }
0x89: {  	s3 =	sld [smem:$0x3FFE];
	_ =	sdelay $0x1  }
0x8a: {  	s1 =	srdreg.scid  }
0x8b: {  	s0 =	sand.u32 $0x1, s1  }
0x8c: {  	s16 =	sshll.u32 s0, $0xA;
	s2 =	sadd.s32 s3, s2  }
0x8d: {  	s2 =	sadd.s32 s2, s16  }
0x8e: {  	[smem:$0x3FB5] =	sst s2  }
0x8f: {  	_ = 	snop  }
0x90: {  	(tm) =	ssettm $0x1  }
0x91: {  	s17 =	sld [smem:$0x3FFB];
	_ =	sdelay $0x3  }
0x92: {  	_ =	strace s17  }
0x93: {  	s2 =	sld [smem:$0x3FFC];
	_ =	sdelay $0x3  }
0x94: {  	_ =	strace s2  }
0x95: {  	s2 =	sld [smem:$0x3FFD];
	_ =	sdelay $0x3  }
0x96: {  	_ =	strace s2  }
0x97: {  	_ =	strace $0x8FFFFFFF  }
0x98: {  	s18 =	sld [smem:$0x3FDB];
	_ =	sdelay $0x1  }
0x99: {  	s19 =	simm.s32 $_scs_section_size  }
0x9a: {  	s4 =	simm.s32 $_size__tile_overlayer_lowered;
	s5 =	simm.s32 $_tile_overlayer_lowered  }
0x9b: {  	s22 =	simm.s32 $0x1BFF;
	s21 =	sshll.u32 s5, $0x1;
	s2 =	sadd.s32 s19, s18  }
0x9c: {  	s6 =	simm.s32 $0x0;
	s20 =	sshll.u32 s4, $0x1;
	s4 =	sadd.s32 s21, s2  }
0x9d: {  	[timem:s6], [sflag:s22] =	dma.local [hbm:s4], s20  }
0x9e: {  	_ =	swait.ge [sflag:s22], s20  }
0x9f: {  	s3 =	ssub.s32 $0x0, s20;
	[sflag:s22] =	ssyncset.done $0x0  }
0xa0: {  	[sflag:s22] =	ssyncadd.s32 s3;
	_ =	sdelay $0x1  }
0xa1: {  	s23 =	simm.s32 $0x1B8B  }
0xa2: {  	_ =	swait.ge [sflag:s23], $0x1  }
0xa3: {  	[sflag:s23] =	ssyncset.done $0x0  }
0xa4: {  	s25 =	simm.s32 $0x1B8E;
	s24 =	sld [smem:$0x3FFE];
	[sflag:s23] =	ssyncadd.s32 $0xFFFFFFFF  }
0xa5: {  	s26 =	simm.s32 $execute0_lowered;
	[smem:$0x3FD2] =	sst s25  }
0xa6: {  	s4 =	sshll.u32 s26, $0x1;
	_ =	strace $0x8000004C;
	[dreg:$0x1] =	wrdreg $0xFFFFFFFF  }
0xa7: {  	s28 =	simm.s32 $_size_execute0_lowered;
	s2 =	sadd.s32 s2, s4;
	[dreg:$0x0] =	wrdreg $0x0  }
0xa8: {  	s4 =	sshll.u32 s28, $0x1;
	[dreg:$0x2] =	wrdreg s2  }
0xa9: {  	[dreg:$0x3] =	wrdreg s4  }
0xaa: {  	[dreg:$0x4] =	wrdreg $0xC0  }
0xab: {  	_ =	task [dreg:s6], $0x5FFFF  }
0xac: {  	[dreg:$0x1] =	wrdreg $0xFFFFFFFF  }
0xad: {  	[dreg:$0x0] =	wrdreg $0x60  }
0xae: {  	[dreg:$0x2] =	wrdreg s24  }
0xaf: {  	[dreg:$0x3] =	wrdreg $0xAA000  }
0xb0: {  	[dreg:$0x4] =	wrdreg $0x9  }
0xb1: {  	_ =	task.clear_ibuf [dreg:s6], $0x5FFFF;
	_ =	strace $0x9000004C  }
0xb2: {  	s29 =	simm.s32 $0x9;
	_ =	strace $0x8000004E  }
0xb3: {  	_ =	swait.ge [sflag:s29], $0x1  }
0xb4: {  	[sflag:s29] =	ssyncadd.s32 $0xFFFFFFFF  }
0xb5: {  	_ =	strace $0x9000004E  }
0xb6: {  	_ =	sfence  }
0xb7: {  	s30 =	sld [smem:$0x0];
	_ =	sdelay $0x2  }
0xb8: {  	s31 =	sshll.u32 s1, $0xD;
	s1 =	sshrl.u32 s1, $0x2  }
0xb9: {  	s3 =	sand.u32 $0x4000, s31;
	s1 =	sadd.s32 s1, s30  }
0xba: {  	s0 =	sor.u32 s3, s0;
	s1 =	sshll.u32 s1, $0x11  }
0xbb: {  	s0 =	sor.u32 s1, s0  }
0xbc: {  	s0 =	sadd.s32 $0x8F2B, s0  }
0xbd: {  	[sflag:s0] =	ssyncadd.remote.s32 $0x1  }
0xbe: {  	_ =	sfence.sel $0xFFFF  }
0xbf: {  	[dreg:$0x0] =	wrdreg $0xFFFFFFFF;
	(pc) =	sbr.abs _section_cstart, $3  }
0xc0: {  	[dreg:$0x1] =	wrdreg $0xFFFFFFFF  }
0xc1: {  	_ =	task.clear_ibuf [dreg:s6], $0x2FFFF;
	_ =	strace $0x9FFFFFFF  }
0xc2: {  	(tm) =	ssettm $0x7FFFFFFF  }
0xc3: {  	_ =	shalt  }
tec
execute0_lowered:
.L_overlay_start_1:
0x0: {  	(tag) =	ssettag $0x1  }
0x1: {  	s6 =	rddreg [dreg:$0x0]  }
0x2: {  	s0 =	srdreg.scid;
	s2 =	rddreg [dreg:$0x1];
	s3 =	simm.s32 $0x0  }
0x3: {  	s13 =	simm.s32 $0x3;
	s14 =	simm.s32 $0x2A00;
	s15 =	simm.s32 $0x80  }
0x4: {  	s16 =	simm.s32 $0x2800;
	s17 =	simm.s32 $0x1;
	s18 =	simm.s32 $0x2900  }
0x5: {  	s19 =	simm.s32 $0x2880;
	s20 =	simm.s32 $0x6A00;
	s5 =	sand.u32 $0x1, s0  }
0x6: {  	s21 =	simm.s32 $0x2;
	s0 =	stileid.u32;
	s7 =	smul.u32 $0x140000, s5  }
0x7: {  	s22 =	simm.s32 $0x2980;
	s24 =	simm.s32 $0x0;
	s8 =	smul.u32 $0x14000, s0  }
0x8: {  	[smem:$0x7FF] =	sst s3;
	s1 =	sshll.u32 s5, $0x4;
	s9 =	smul.u32 $0x50000, s0  }
0x9: {  	s29 =	ssub.s32 $0x2, s5;
	s23 =	sshll.u32 s0, $0x6;
	s1 =	sor.u32 s0, s1  }
0xa: {  	s31 =	sshrl.u32 s29, $0x1;
	s23 =	sor.u32 $0x1C03, s23;
	s4 =	smul.u32 $0x500, s1  }
0xb: {  	s1 =	rddreg [dreg:$0x2];
	_ =	strace $0x8000004D;
	s7 =	sadd.s32 s8, s7  }
.Ltmp0:
0xc: {  	s30 =	sshrl.u32 s9, $0x2;
	s12 =	ssub.s32 s29, s31;
	(pc) =	sbr.rel .LBB2_1-.Ltmp0, $4  }
0xd: {  	s7 =	sshrl.u32 s7, $0x3;
	s5 =	sadd.s32 s30, s2;
	s12 =	smax.u32 s12, $0x1  }
0xe: {  	s10 =	sadd.s32 s4, s6;
	s4 =	sadd.s32 $0xE000, s6;
	s11 =	sadd.s32 s7, s6  }
0xf: {  	s7 =	sadd.s32 $0x4000, s5;
	s8 =	sadd.s32 $0x8000, s5;
	s9 =	sadd.s32 $0xC000, s5  }
0x10: {  	v0 =	vimm.f32 $0.0e+00;
	s6 =	sadd.s32 $0x4000, s10;
	s10 =	sadd.s32 $0x10000, s5;
	s11 =	sadd.s32 $0xAE000, s11  }
.LBB2_6:
0x11: {  	_ =	swait.ge [sflag:s21], $0x4000  }
0x12: {  	s24 =	sadd.s32 $0x1, s24;
	[sflag:s21] =	ssyncset.done $0x0  }
0x13: {  	p0 =	sne.s32 s24, s12;
	[sflag:s21] =	ssyncadd.s32 $0xFFFFC000  }
.Ltmp1:
0x14: {  	s25 =	sshrl.u32 s5, $0x3;
	[bflag:$0x0] =	sbarrier.arrive $0xFFFF;
	(pc) =	sbr.rel @!p0 .LBB2_7-.Ltmp1, $4  }
0x15: {  	[hbm:s11], [sflag:s23] =	dma.local [spmem:s25], $0x2800  }
0x16: {  	_ =	swait.ge [sflag:s13], $0x2800  }
0x17: {  	[sflag:s13] =	ssyncset.done $0x0  }
0x18: {  	[sflag:s13] =	ssyncadd.s32 $0xFFFFD800  }
.LBB2_1:
0x19: {  	[tilespmem:s3], [sflag:$0x3] =	stream.linear.gather [hbm4b:s6+s3], $0x2800, $0x38;
	[tilespmem:$0x1EA00] =	vst v63  }
0x1a: {  	_ =	swait.ge [sflag:s13], $0x2800  }
0x1b: {  	[sflag:s13] =	ssyncset.done $0x0  }
0x1c: {  	s25 =	simm.s32 $0x0;
	s26 =	simm.s32 $0x200;
	[sflag:s13] =	ssyncadd.s32 $0xFFFFD800  }
.LBB2_2:
0x1d: {  	p0 =	sne.s32 s26, $0xFE00;
	[tilespmem:s25+$0x2A70] =	vst v0  }
0x1e: {  	[tilespmem:s25+$0x2A00] =	vst v0  }
0x1f: {  	[tilespmem:s25+$0x2A10] =	vst v0  }
.Ltmp2:
0x20: {  	[tilespmem:s25+$0x2A20] =	vst v0;
	(pc) =	sbr.rel @p0 .LBB2_2-.Ltmp2, $4  }
0x21: {  	[tilespmem:s25+$0x2A30] =	vst v0  }
0x22: {  	[tilespmem:s25+$0x2A40] =	vst v0  }
0x23: {  	[tilespmem:s25+$0x2A50] =	vst v0  }
0x24: {  	[tilespmem:s25+$0x2A60] =	vst v0;
	s25 =	sshra.s32 s26, $0x2;
	s26 =	sadd.s32 $0x200, s26  }
0x25: {  	[tilespmem:s25+$0x2A70] =	vst v0  }
0x26: {  	[tilespmem:s25+$0x2A00] =	vst v0  }
0x27: {  	[tilespmem:s25+$0x2A10] =	vst v0  }
0x28: {  	[tilespmem:s25+$0x2A20] =	vst v0  }
0x29: {  	[tilespmem:s25+$0x2A30] =	vst v0  }
0x2a: {  	[tilespmem:s25+$0x2A40] =	vst v0  }
0x2b: {  	[tilespmem:s25+$0x2A50] =	vst v0  }
0x2c: {  	[tilespmem:s25+$0x2A60] =	vst v0  }
0x2d: {  	[spmem:s5] =	stream.linear.scatter [tilespmem:s14], [sflag:$0x3], $0x4000, $0x38;
	[tilespmem:$0x1EA00] =	vst v63  }
0x2e: {  	_ =	swait.ge [sflag:s13], $0x4000  }
0x2f: {  	[sflag:s13] =	ssyncset.done $0x0  }
0x30: {  	[sflag:s13] =	ssyncadd.s32 $0xFFFFC000  }
0x31: {  	[spmem:s7] =	stream.linear.scatter [tilespmem:s14], [sflag:$0x3], $0x4000, $0x38;
	[tilespmem:$0x1EA00] =	vst v63  }
0x32: {  	_ =	swait.ge [sflag:s13], $0x4000  }
0x33: {  	[sflag:s13] =	ssyncset.done $0x0  }
0x34: {  	[sflag:s13] =	ssyncadd.s32 $0xFFFFC000  }
0x35: {  	[spmem:s8] =	stream.linear.scatter [tilespmem:s14], [sflag:$0x3], $0x4000, $0x38;
	[tilespmem:$0x1EA00] =	vst v63  }
0x36: {  	_ =	swait.ge [sflag:s13], $0x4000  }
0x37: {  	[sflag:s13] =	ssyncset.done $0x0  }
0x38: {  	[sflag:s13] =	ssyncadd.s32 $0xFFFFC000  }
0x39: {  	[spmem:s9] =	stream.linear.scatter [tilespmem:s14], [sflag:$0x3], $0x4000, $0x38;
	[tilespmem:$0x1EA00] =	vst v63  }
0x3a: {  	_ =	swait.ge [sflag:s13], $0x4000  }
0x3b: {  	[sflag:s13] =	ssyncset.done $0x0  }
0x3c: {  	[sflag:s13] =	ssyncadd.s32 $0xFFFFC000  }
0x3d: {  	[spmem:s10] =	stream.linear.scatter [tilespmem:s14], [sflag:$0x3], $0x4000, $0x38;
	[tilespmem:$0x1EA00] =	vst v63  }
0x3e: {  	_ =	swait.ge [sflag:s13], $0x4000  }
0x3f: {  	[sflag:s13] =	ssyncset.done $0x0  }
0x40: {  	[sflag:s13] =	ssyncadd.s32 $0xFFFFC000  }
0x41: {  	[bflag:$0x0] =	sbarrier.arrive $0xFFFF  }
0x42: {  	v1 =	vld [tilespmem:$0x0];
	_ =	sdelay $0x1  }
0x43: {  	v2 =	vld [tilespmem:$0x10];
	_ =	sdelay $0x1  }
0x44: {  	v3 =	vld [tilespmem:$0x20]  }
0x45: {  	v4 =	vand.u32 $0xFFFF, v1  }
0x46: {  	v62 =	vld [tilespmem:$0x30];
	v1 =	vshrl.u32 v1, $0x10;
	[tilespmem:$0x2800] =	vst v4  }
0x47: {  	[tilespmem:$0x2900] =	vst v1;
	v1 =	vand.u32 $0xFFFF, v2  }
0x48: {  	[tilespmem:$0x2810] =	vst v1;
	v1 =	vshrl.u32 v2, $0x10;
	v2 =	vld [tilespmem:$0x40]  }
0x49: {  	[tilespmem:$0x2910] =	vst v1;
	v1 =	vand.u32 $0xFFFF, v3  }
0x4a: {  	[tilespmem:$0x2820] =	vst v1;
	v1 =	vshrl.u32 v3, $0x10;
	v3 =	vld [tilespmem:$0x50]  }
0x4b: {  	[tilespmem:$0x2920] =	vst v1;
	v1 =	vand.u32 $0xFFFF, v62  }
0x4c: {  	v63 =	vld [tilespmem:$0x60];
	[tilespmem:$0x2830] =	vst v1;
	v1 =	vshrl.u32 v62, $0x10  }
0x4d: {  	[tilespmem:$0x2930] =	vst v1;
	v1 =	vand.u32 $0xFFFF, v2  }
0x4e: {  	[tilespmem:$0x2840] =	vst v1;
	v1 =	vshrl.u32 v2, $0x10;
	v2 =	vld [tilespmem:$0x70]  }
0x4f: {  	[tilespmem:$0x2940] =	vst v1;
	v1 =	vand.u32 $0xFFFF, v3  }
0x50: {  	[tilespmem:$0x2850] =	vst v1;
	v1 =	vshrl.u32 v3, $0x10  }
0x51: {  	[tilespmem:$0x2950] =	vst v1;
	v1 =	vand.u32 $0xFFFF, v63  }
0x52: {  	[tilespmem:$0x2860] =	vst v1;
	v1 =	vshrl.u32 v63, $0x10  }
0x53: {  	[tilespmem:$0x2960] =	vst v1;
	v1 =	vand.u32 $0xFFFF, v2  }
0x54: {  	[tilespmem:$0x2870] =	vst v1;
	v1 =	vshrl.u32 v2, $0x10  }
0x55: {  	s25 =	simm.s32 $0x0;
	[tilespmem:$0x2970] =	vst v1  }
0x56: {  	[tilespmem:s14], [sflag:$0x1] =	stream.indirect.gather [hbm4b:s4+s15], $0x80, s16, s15, $0xb8;
	[tilespmem:$0x1EA00] =	vst v63  }
.LBB2_4:
0x57: {  	_ =	swait.ge [sflag:s17], $0x4000  }
0x58: {  	p0 =	seq.s32 s25, $0x0;
	[sflag:s17] =	ssyncset.done $0x0  }
0x59: {  	s26 =	simm.s32 @!p0 $0x2;
	[sflag:s17] =	ssyncadd.s32 $0xFFFFC000  }
0x5a: {  	_ =	swait.ge @!p0 [sflag:s26], $0x4000  }
0x5b: {  	[sflag:s26] =	ssyncset.done @!p0 $0x0  }
0x5c: {  	[sflag:s26] =	ssyncadd.s32 @!p0 $0xFFFFC000;
	s26 =	sshra.s32 s25, $0x2  }
0x5d: {  	[spmem:s2] =	stream.indirect.scatter.add.f32 [tilespmem:s14], [sflag:$0x2], $0x80, s18, s15, $0xb8;
	[tilespmem:$0x1EA00] =	vst v63  }
0x5e: {  	v1 =	vld [tilespmem:s26+$0x80];
	_ =	sdelay $0x4  }
0x5f: {  	v2 =	vand.u32 $0xFFFF, v1  }
0x60: {  	v1 =	vshrl.u32 v1, $0x10;
	[tilespmem:$0x2880] =	vst v2  }
0x61: {  	[tilespmem:$0x2980] =	vst v1  }
0x62: {  	v1 =	vld [tilespmem:s26+$0x90];
	_ =	sdelay $0x4  }
0x63: {  	v2 =	vand.u32 $0xFFFF, v1  }
0x64: {  	v1 =	vshrl.u32 v1, $0x10;
	[tilespmem:$0x2890] =	vst v2  }
0x65: {  	[tilespmem:$0x2990] =	vst v1  }
0x66: {  	v1 =	vld [tilespmem:s26+$0xA0];
	_ =	sdelay $0x4  }
0x67: {  	v2 =	vand.u32 $0xFFFF, v1  }
0x68: {  	v1 =	vshrl.u32 v1, $0x10;
	[tilespmem:$0x28A0] =	vst v2  }
0x69: {  	[tilespmem:$0x29A0] =	vst v1  }
0x6a: {  	v1 =	vld [tilespmem:s26+$0xB0];
	_ =	sdelay $0x4  }
0x6b: {  	v2 =	vand.u32 $0xFFFF, v1  }
0x6c: {  	v1 =	vshrl.u32 v1, $0x10;
	[tilespmem:$0x28B0] =	vst v2  }
0x6d: {  	[tilespmem:$0x29B0] =	vst v1  }
0x6e: {  	v1 =	vld [tilespmem:s26+$0xC0];
	_ =	sdelay $0x4  }
0x6f: {  	v2 =	vand.u32 $0xFFFF, v1  }
0x70: {  	v1 =	vshrl.u32 v1, $0x10;
	[tilespmem:$0x28C0] =	vst v2  }
0x71: {  	[tilespmem:$0x29C0] =	vst v1  }
0x72: {  	v1 =	vld [tilespmem:s26+$0xD0];
	_ =	sdelay $0x4  }
0x73: {  	v2 =	vand.u32 $0xFFFF, v1  }
0x74: {  	v1 =	vshrl.u32 v1, $0x10;
	[tilespmem:$0x28D0] =	vst v2  }
0x75: {  	[tilespmem:$0x29D0] =	vst v1  }
0x76: {  	v1 =	vld [tilespmem:s26+$0xE0];
	_ =	sdelay $0x4  }
0x77: {  	v2 =	vand.u32 $0xFFFF, v1  }
0x78: {  	v1 =	vshrl.u32 v1, $0x10;
	[tilespmem:$0x28E0] =	vst v2  }
0x79: {  	[tilespmem:$0x29E0] =	vst v1  }
0x7a: {  	v1 =	vld [tilespmem:s26+$0xF0];
	_ =	sdelay $0x4  }
0x7b: {  	v2 =	vand.u32 $0xFFFF, v1  }
0x7c: {  	v1 =	vshrl.u32 v1, $0x10;
	[tilespmem:$0x28F0] =	vst v2  }
0x7d: {  	[tilespmem:$0x29F0] =	vst v1  }
0x7e: {  	[tilespmem:s20], [sflag:$0x1] =	stream.indirect.gather [hbm4b:s4+s15], $0x80, s19, s15, $0xb8;
	[tilespmem:$0x1EA00] =	vst v63  }
0x7f: {  	_ =	swait.ge [sflag:s17], $0x4000  }
0x80: {  	p0 =	seq.s32 s25, $0x9C00;
	[sflag:s17] =	ssyncset.done $0x0  }
.Ltmp3:
0x81: {  	[sflag:s17] =	ssyncadd.s32 $0xFFFFC000;
	(pc) =	sbr.rel @p0 .LBB2_6-.Ltmp3, $4  }
0x82: {  	_ =	swait.ge [sflag:s21], $0x4000  }
0x83: {  	[sflag:s21] =	ssyncset.done $0x0  }
0x84: {  	[sflag:s21] =	ssyncadd.s32 $0xFFFFC000  }
0x85: {  	[spmem:s2] =	stream.indirect.scatter.add.f32 [tilespmem:s20], [sflag:$0x2], $0x80, s22, s15, $0xb8;
	[tilespmem:$0x1EA00] =	vst v63  }
0x86: {  	v1 =	vld [tilespmem:s26+$0x100];
	_ =	sdelay $0x4  }
0x87: {  	v2 =	vand.u32 $0xFFFF, v1  }
0x88: {  	v1 =	vshrl.u32 v1, $0x10;
	[tilespmem:$0x2800] =	vst v2  }
0x89: {  	[tilespmem:$0x2900] =	vst v1  }
0x8a: {  	v1 =	vld [tilespmem:s26+$0x110];
	_ =	sdelay $0x4  }
0x8b: {  	v2 =	vand.u32 $0xFFFF, v1  }
0x8c: {  	v1 =	vshrl.u32 v1, $0x10;
	[tilespmem:$0x2810] =	vst v2  }
0x8d: {  	[tilespmem:$0x2910] =	vst v1  }
0x8e: {  	v1 =	vld [tilespmem:s26+$0x120];
	_ =	sdelay $0x4  }
0x8f: {  	v2 =	vand.u32 $0xFFFF, v1  }
0x90: {  	v1 =	vshrl.u32 v1, $0x10;
	[tilespmem:$0x2820] =	vst v2  }
0x91: {  	[tilespmem:$0x2920] =	vst v1  }
0x92: {  	v1 =	vld [tilespmem:s26+$0x130];
	_ =	sdelay $0x4  }
0x93: {  	v2 =	vand.u32 $0xFFFF, v1  }
0x94: {  	v1 =	vshrl.u32 v1, $0x10;
	[tilespmem:$0x2830] =	vst v2  }
0x95: {  	[tilespmem:$0x2930] =	vst v1  }
0x96: {  	v1 =	vld [tilespmem:s26+$0x140];
	_ =	sdelay $0x4  }
0x97: {  	v2 =	vand.u32 $0xFFFF, v1  }
0x98: {  	v1 =	vshrl.u32 v1, $0x10;
	[tilespmem:$0x2840] =	vst v2  }
0x99: {  	[tilespmem:$0x2940] =	vst v1  }
0x9a: {  	v1 =	vld [tilespmem:s26+$0x150];
	_ =	sdelay $0x4  }
0x9b: {  	v2 =	vand.u32 $0xFFFF, v1  }
0x9c: {  	v1 =	vshrl.u32 v1, $0x10;
	[tilespmem:$0x2850] =	vst v2  }
0x9d: {  	[tilespmem:$0x2950] =	vst v1  }
0x9e: {  	v1 =	vld [tilespmem:s26+$0x160];
	_ =	sdelay $0x4  }
0x9f: {  	v2 =	vand.u32 $0xFFFF, v1  }
0xa0: {  	v1 =	vshrl.u32 v1, $0x10;
	[tilespmem:$0x2860] =	vst v2  }
0xa1: {  	[tilespmem:$0x2960] =	vst v1  }
0xa2: {  	v1 =	vld [tilespmem:s26+$0x170];
	_ =	sdelay $0x3  }
.Ltmp4:
0xa3: {  	_ = 	snop;
	(pc) =	sbr.rel .LBB2_4-.Ltmp4, $4  }
0xa4: {  	v2 =	vand.u32 $0xFFFF, v1  }
0xa5: {  	v1 =	vshrl.u32 v1, $0x10;
	[tilespmem:$0x2870] =	vst v2  }
0xa6: {  	s25 =	sadd.s32 $0x400, s25;
	[tilespmem:$0x2970] =	vst v1  }
0xa7: {  	[tilespmem:s14], [sflag:$0x1] =	stream.indirect.gather [hbm4b:s4+s15], $0x80, s16, s15, $0xb8;
	[tilespmem:$0x1EA00] =	vst v63  }
.LBB2_7:
0xa8: {  	_ =	sfence.sel $0x180000  }
0xa9: {  	[bflag:$0x0] =	sbarrier.arrive $0xFFFF  }
0xaa: {  	p0 =	sne.s32 s0, $0x0;
	_ =	strace $0x9000004D  }
0xab: {  	s0 =	sadd.s32 @!p0 $0x100000, s1;
	[bflag:$0x2] =	sbarrier.arrive $0xFFFF  }
0xac: {  	[sflag:s0] =	ssyncadd.tile.s32 @!p0 $0x1;
	_ =	shalt  }
.Lfunc_end2:
_tile_overlayer_lowered:
.L_overlay_start_2:
0xad: {  	(tag) =	ssettag $0x2  }
0xae: {  	s0 =	rddreg [dreg:$0x0];
	s2 =	stileid.u32  }
0xaf: {  	s1 =	rddreg [dreg:$0x1];
	p0 =	sne.s32 s2, $0x0  }
0xb0: {  	s3 =	rddreg [dreg:$0x2];
	[bflag:$0x3] =	sbarrier.arrive $0xFFFF;
	s2 =	simm.s32 @!p0 $0x1C03  }
0xb1: {  	[timem:s3], [sflag:s2] =	dma.local @!p0 [hbm:s0], s1  }
0xb2: {  	s0 =	simm.s32 @!p0 $0x3  }
0xb3: {  	_ =	swait.ge @!p0 [sflag:s0], s1  }
0xb4: {  	s1 =	ssub.s32 @!p0 $0x0, s1;
	[sflag:s0] =	ssyncset.done @!p0 $0x0  }
0xb5: {  	[sflag:s0] =	ssyncadd.s32 @!p0 s1  }
0xb6: {  	[bflag:$0x3] =	sbarrier.arrive $0xFFFF  }
0xb7: {  	_ =	shalt  }

// kernel: kernel.8.cloned.1.call-start
scs
__scs_entry_jumppad:
0x0: {  	(pc) =	sbr.rel $0x88, $3  }
0x1: {  	(tag) =	ssettag $0x0;
	lr =	simm.s32 $0x1  }
0x2: {  	[smem:$0x3F8E] =	sst lr;
	_ =	strace $0xD0000000  }
0x3: {  	_ = 	snop  }
0x4: {  	_ = 	snop  }
0x5: {  	_ = 	snop  }
0x6: {  	_ = 	snop  }
0x7: {  	_ = 	snop  }
__scs_overlays_trampoline_lowered:
0x8: {  	[smem:$0x3F9D] =	sst s0  }
0x9: {  	[smem:$0x3F9E] =	sst s1  }
0xa: {  	[smem:$0x3F9F] =	sst s2  }
0xb: {  	[smem:$0x3FA0] =	sst s3  }
0xc: {  	[smem:$0x3FA1] =	sst s4  }
0xd: {  	[smem:$0x3FA2] =	sst s5  }
0xe: {  	[smem:$0x3FA3] =	sst s6  }
0xf: {  	[smem:$0x3FA4] =	sst s7  }
0x10: {  	[smem:$0x3FA5] =	sst s8  }
0x11: {  	[smem:$0x3FA6] =	sst s9;
	s0 =	simm.s32 @!p0 $0x0  }
0x12: {  	s1 =	sld [smem:$0x3F8C];
	s0 =	simm.s32 @p0 $0x1  }
0x13: {  	[smem:$0x3FA7] =	sst s0;
	s0 =	simm.s32 @!p1 $0x0  }
0x14: {  	s2 =	sld [smem:$0x3F8B];
	s0 =	simm.s32 @p1 $0x1  }
0x15: {  	[smem:$0x3FA8] =	sst s0;
	s0 =	simm.s32 @!p2 $0x0  }
0x16: {  	s3 =	sld [smem:$0x3FDB];
	s0 =	simm.s32 @p2 $0x1  }
0x17: {  	s4 =	simm.s32 $0x1BF5;
	[smem:$0x3FAA] =	sst s0  }
0x18: {  	s0 =	sld [smem:$0x3F8D];
	_ =	swait.ge [sflag:s4], $0x0  }
0x19: {  	s7 =	sld [smem:$0x3F8E]  }
0x1a: {  	s8 =	sadd.s32 $0xFFFFE003, lr  }
0x1b: {  	s9 =	sadd.s32 $0xFFFFFEF7, lr;
	s5 =	simm.s32 $0xFFFFFFFF;
	p2 =	slt.u32 s8, $0xFFFFF086  }
0x1c: {  	p1 =	slt.u32 s9, $0xF7A;
	s5 =	simm.s32 @!p2 $0x0  }
0x1d: {  	s5 =	simm.s32 @p1 $0x1;
	p0 =	seq.s32 s7, s2  }
0x1e: {  	s7 =	smul.u32 @!p0 $0xF7A, s2;
	p2 =	seq.s32 @!p0 s5, $0x0  }
0x1f: {  	s9 =	smul.u32 $0xF7A, s1;
	s8 =	simm.s32 @!p0 $0x1BF5;
	p2 =	por !p2, p0  }
0x20: {  	[sflag:s8] =	ssyncset.s32 @!p0 $0xFFFFF086;
	s6 =	sadd.s32 @!p0 s3, s7;
	s7 =	simm.s32 @!p0 $0x108  }
0x21: {  	s3 =	sadd.s32 s3, s9;
	s6 =	sadd.s32 @!p0 $0x88, s6;
	s7 =	simm.s32 @p2 $0x1082  }
0x22: {  	[simem:s7], [sflag:s8] =	dma.local @!p0 [hbm:s6], $0xF7A  }
0x23: {  	s9 =	sor.u32 $0xD0000000, s2;
	s6 =	simm.s32 $0x108;
	_ =	swait.ge @!p0 [sflag:s8], $0x0  }
0x24: {  	s3 =	sadd.s32 $0x88, s3;
	s6 =	simm.s32 @!p1 $0x1082;
	[sflag:s4] =	ssyncset.s32 $0xFFFFF086  }
0x25: {  	[simem:s6], [sflag:s4] =	dma.local [hbm:s3], $0xF7A  }
0x26: {  	[smem:$0x3F8E] =	sst s1;
	(tag) =	ssettag s2;
	_ =	strace s9  }
0x27: {  	s1 =	sld [smem:$0x3F9E]  }
0x28: {  	s2 =	sld [smem:$0x3F9F]  }
0x29: {  	s4 =	sld [smem:$0x3FA1]  }
0x2a: {  	p0 =	seq.s32 s5, $0x0;
	s5 =	sld [smem:$0x3FA2]  }
0x2b: {  	s6 =	sld [smem:$0x3FA3]  }
0x2c: {  	s7 =	sld [smem:$0x3FA4]  }
0x2d: {  	s3 =	simm.s32 $0x108;
	s8 =	sld [smem:$0x3FA5]  }
0x2e: {  	s3 =	simm.s32 @!p0 $0x1082;
	s9 =	sld [smem:$0x3FA6]  }
0x2f: {  	lr =	sadd.s32 s0, s3;
	s0 =	sld [smem:$0x3F9D]  }
0x30: {  	s3 =	sld [smem:$0x3FA0]  }
0x31: {  	[smem:$0x3FA9] =	sst s10  }
0x32: {  	s10 =	sld [smem:$0x3FA7];
	_ =	sdelay $0x3  }
0x33: {  	p0 =	seq.s32 s10, $0x1;
	s10 =	sld [smem:$0x3FA9];
	_ =	sdelay $0x3  }
0x34: {  	[smem:$0x3FA9] =	sst s10  }
0x35: {  	s10 =	sld [smem:$0x3FA8];
	_ =	sdelay $0x3  }
0x36: {  	p1 =	seq.s32 s10, $0x1;
	s10 =	sld [smem:$0x3FA9];
	_ =	sdelay $0x3  }
0x37: {  	[smem:$0x3FA9] =	sst s10  }
0x38: {  	s10 =	sld [smem:$0x3FAA]  }
0x39: {  	_ = 	snop;
	(pc) =	sbr.ind lr, $3  }
0x3a: {  	_ = 	snop  }
0x3b: {  	_ = 	snop  }
0x3c: {  	p2 =	seq.s32 s10, $0x1;
	s10 =	sld [smem:$0x3FA9]  }
0x3d: {  	_ =	shalt  }
0x3e: {  	_ =	shalt  }
0x3f: {  	_ =	shalt  }
0x40: {  	_ =	shalt  }
0x41: {  	_ =	shalt  }
0x42: {  	_ =	shalt  }
0x43: {  	_ =	shalt  }
0x44: {  	_ =	shalt  }
0x45: {  	_ =	shalt  }
0x46: {  	_ =	shalt  }
0x47: {  	_ =	shalt  }
0x48: {  	_ =	shalt  }
0x49: {  	_ =	shalt  }
0x4a: {  	_ =	shalt  }
0x4b: {  	_ =	shalt  }
0x4c: {  	_ =	shalt  }
0x4d: {  	_ =	shalt  }
0x4e: {  	_ =	shalt  }
0x4f: {  	_ =	shalt  }
0x50: {  	_ =	shalt  }
0x51: {  	_ =	shalt  }
0x52: {  	_ =	shalt  }
0x53: {  	_ =	shalt  }
0x54: {  	_ =	shalt  }
0x55: {  	_ =	shalt  }
0x56: {  	_ =	shalt  }
0x57: {  	_ =	shalt  }
0x58: {  	_ =	shalt  }
0x59: {  	_ =	shalt  }
0x5a: {  	_ =	shalt  }
0x5b: {  	_ =	shalt  }
0x5c: {  	_ =	shalt  }
0x5d: {  	_ =	shalt  }
0x5e: {  	_ =	shalt  }
0x5f: {  	_ =	shalt  }
0x60: {  	_ =	shalt  }
0x61: {  	_ =	shalt  }
0x62: {  	_ =	shalt  }
0x63: {  	_ =	shalt  }
0x64: {  	_ =	shalt  }
0x65: {  	_ =	shalt  }
0x66: {  	_ =	shalt  }
0x67: {  	_ =	shalt  }
0x68: {  	_ =	shalt  }
0x69: {  	_ =	shalt  }
0x6a: {  	_ =	shalt  }
0x6b: {  	_ =	shalt  }
0x6c: {  	_ =	shalt  }
0x6d: {  	_ =	shalt  }
0x6e: {  	_ =	shalt  }
0x6f: {  	_ =	shalt  }
0x70: {  	_ =	shalt  }
0x71: {  	_ =	shalt  }
0x72: {  	_ =	shalt  }
0x73: {  	_ =	shalt  }
0x74: {  	_ =	shalt  }
0x75: {  	_ =	shalt  }
0x76: {  	_ =	shalt  }
0x77: {  	_ =	shalt  }
0x78: {  	_ =	shalt  }
0x79: {  	_ =	shalt  }
0x7a: {  	_ =	shalt  }
0x7b: {  	_ =	shalt  }
0x7c: {  	_ =	shalt  }
0x7d: {  	_ =	shalt  }
0x7e: {  	_ =	shalt  }
0x7f: {  	_ =	shalt  }
0x80: {  	_ =	shalt  }
0x81: {  	_ =	shalt  }
0x82: {  	_ =	shalt  }
0x83: {  	_ =	shalt  }
0x84: {  	_ =	shalt  }
0x85: {  	_ =	shalt  }
0x86: {  	_ =	shalt  }
0x87: {  	_ =	shalt  }
.Lfunc_end0:
.L_simem_size_0:
called_computation_lowered:
.L_overlay_start_0:
0x88: {  	s2 =	sld [smem:$0x3FD9]  }
0x89: {  	s3 =	sld [smem:$0x3FFE];
	_ =	sdelay $0x1  }
0x8a: {  	s1 =	srdreg.scid  }
0x8b: {  	s0 =	sand.u32 $0x1, s1  }
0x8c: {  	s17 =	sshll.u32 s0, $0xA;
	s2 =	sadd.s32 s3, s2  }
0x8d: {  	s2 =	sadd.s32 s2, s17  }
0x8e: {  	[smem:$0x3FB5] =	sst s2  }
0x8f: {  	_ = 	snop  }
0x90: {  	s2 =	sld [smem:$0x3FC9];
	(tm) =	ssettm $0x1  }
0x91: {  	s18 =	sld [smem:$0x3FFB];
	_ =	sdelay $0x3  }
0x92: {  	_ =	strace s18  }
0x93: {  	s3 =	sld [smem:$0x3FFC];
	_ =	sdelay $0x3  }
0x94: {  	_ =	strace s3  }
0x95: {  	s3 =	sld [smem:$0x3FFD];
	_ =	sdelay $0x3  }
0x96: {  	_ =	strace s3  }
0x97: {  	_ =	strace $0x8FFFFFFF  }
0x98: {  	s19 =	sld [smem:$0x3FDB];
	_ =	sdelay $0x1  }
0x99: {  	s4 =	simm.s32 $_scs_section_size  }
0x9a: {  	s5 =	simm.s32 $_size__tile_overlayer_lowered;
	s6 =	simm.s32 $_tile_overlayer_lowered  }
0x9b: {  	s22 =	simm.s32 $0x1BFF;
	s21 =	sshll.u32 s6, $0x1;
	s3 =	sadd.s32 s4, s19  }
0x9c: {  	s7 =	simm.s32 $0x0;
	s20 =	sshll.u32 s5, $0x1;
	s5 =	sadd.s32 s21, s3  }
0x9d: {  	[timem:s7], [sflag:s22] =	dma.local [hbm:s5], s20  }
0x9e: {  	_ =	swait.ge [sflag:s22], s20  }
0x9f: {  	s4 =	ssub.s32 $0x0, s20;
	[sflag:s22] =	ssyncset.done $0x0  }
0xa0: {  	[sflag:s22] =	ssyncadd.s32 s4;
	_ =	sdelay $0x1  }
0xa1: {  	s23 =	simm.s32 $0x1B8B  }
0xa2: {  	_ =	swait.ge [sflag:s23], $0x1  }
0xa3: {  	[sflag:s23] =	ssyncset.done $0x0  }
0xa4: {  	s25 =	simm.s32 $0x1B8E;
	s24 =	sld [smem:$0x3FFE];
	[sflag:s23] =	ssyncadd.s32 $0xFFFFFFFF  }
0xa5: {  	s26 =	simm.s32 $execute0_lowered;
	[smem:$0x3FD2] =	sst s25  }
0xa6: {  	s5 =	sshll.u32 s26, $0x1;
	_ =	strace $0x80000046;
	[dreg:$0x1] =	wrdreg $0xFFFFFFFF  }
0xa7: {  	s28 =	simm.s32 $_size_execute0_lowered;
	s3 =	sadd.s32 s3, s5;
	[dreg:$0x0] =	wrdreg $0x0  }
0xa8: {  	s5 =	sshll.u32 s28, $0x1;
	[dreg:$0x2] =	wrdreg s3  }
0xa9: {  	[dreg:$0x3] =	wrdreg s5  }
0xaa: {  	[dreg:$0x4] =	wrdreg $0xC0  }
0xab: {  	_ =	task [dreg:s7], $0x5FFFF  }
0xac: {  	[dreg:$0x1] =	wrdreg $0xFFFFFFFF  }
0xad: {  	[dreg:$0x0] =	wrdreg $0x60  }
0xae: {  	[dreg:$0x2] =	wrdreg s24  }
0xaf: {  	[dreg:$0x3] =	wrdreg s2  }
0xb0: {  	[dreg:$0x4] =	wrdreg $0xBA000  }
0xb1: {  	[dreg:$0x5] =	wrdreg $0x9  }
0xb2: {  	_ =	task.clear_ibuf [dreg:s7], $0x6FFFF;
	_ =	strace $0x90000046  }
0xb3: {  	s29 =	simm.s32 $0x9;
	_ =	strace $0x80000048  }
0xb4: {  	_ =	swait.ge [sflag:s29], $0x1  }
0xb5: {  	[sflag:s29] =	ssyncadd.s32 $0xFFFFFFFF  }
0xb6: {  	_ =	strace $0x90000048  }
0xb7: {  	_ =	sfence  }
0xb8: {  	s30 =	sld [smem:$0x0];
	_ =	sdelay $0x2  }
0xb9: {  	s31 =	sshll.u32 s1, $0xD;
	s1 =	sshrl.u32 s1, $0x2  }
0xba: {  	s3 =	sand.u32 $0x4000, s31;
	s1 =	sadd.s32 s1, s30  }
0xbb: {  	s0 =	sor.u32 s3, s0;
	s1 =	sshll.u32 s1, $0x11  }
0xbc: {  	s0 =	sor.u32 s1, s0  }
0xbd: {  	s0 =	sadd.s32 $0x8F2B, s0  }
0xbe: {  	[sflag:s0] =	ssyncadd.remote.s32 $0x1  }
0xbf: {  	_ =	sfence.sel $0xFFFF  }
0xc0: {  	[dreg:$0x0] =	wrdreg $0xFFFFFFFF;
	(pc) =	sbr.abs _section_cstart, $3  }
0xc1: {  	[dreg:$0x1] =	wrdreg $0xFFFFFFFF  }
0xc2: {  	_ =	task.clear_ibuf [dreg:s7], $0x2FFFF;
	_ =	strace $0x9FFFFFFF  }
0xc3: {  	(tm) =	ssettm $0x7FFFFFFF  }
tec
execute0_lowered:
.L_overlay_start_1:
0x0: {  	(tag) =	ssettag $0x1  }
0x1: {  	s0 =	rddreg [dreg:$0x0]  }
0x2: {  	s1 =	rddreg [dreg:$0x1]  }
0x3: {  	s3 =	rddreg [dreg:$0x2];
	s2 =	srdreg.scid  }
0x4: {  	s11 =	stileid.u32;
	s7 =	simm.s32 $0x0;
	s20 =	simm.s32 $0x3  }
0x5: {  	s28 =	simm.s32 $0x7A00;
	s29 =	simm.s32 $0x2;
	s6 =	smul.u32 $0x14000, s11  }
0x6: {  	s30 =	simm.s32 $0x2800;
	s31 =	simm.s32 $0x2880;
	s22 =	smul.u32 $0x50000, s11  }
0x7: {  	s2 =	sand.u32 $0x1, s2;
	[smem:$0x7FF] =	sst s7;
	s13 =	smul.u32 $0xFFFFFFB0, s11  }
0x8: {  	s15 =	sadd.s32 $0x4E6100, s0;
	s4 =	sshll.u32 s2, $0x4;
	s5 =	smul.u32 $0x140000, s2  }
0x9: {  	_ =	strace $0x80000047;
	s9 =	ssub.s32 $0x2, s2;
	s2 =	smul.u32 $0xFFFFFB00, s2  }
0xa: {  	s4 =	sor.u32 s11, s4;
	s10 =	sshrl.u32 s9, $0x1;
	s7 =	sshrl.u32 s22, $0x2  }
0xb: {  	s21 =	smul.u32 $0x500, s4;
	s5 =	sadd.s32 s6, s5;
	s16 =	ssub.s32 s9, s10  }
0xc: {  	s7 =	sadd.s32 s7, s3;
	s2 =	sadd.s32 s2, s13;
	s6 =	sshrl.u32 s5, $0x3  }
0xd: {  	s5 =	sadd.s32 $0x4E6000, s0;
	s9 =	sadd.s32 $0x4000, s7;
	s10 =	sadd.s32 $0x8000, s7  }
0xe: {  	s11 =	sadd.s32 $0xC000, s7;
	s12 =	sadd.s32 $0x10000, s7;
	s2 =	sadd.s32 $0x9C4, s2  }
0xf: {  	s19 =	smax.u32 s16, $0x1;
	s14 =	sadd.s32 s6, s0;
	s6 =	smul.u32 $0x50, s4  }
0x10: {  	s8 =	sadd.s32 s21, s0;
	s4 =	smul.u32 $0x5000, s4;
	s25 =	smin.u32 s2, $0x50  }
0x11: {  	s21 =	simm.s32 $0x3A00;
	s0 =	simm.s32 $0x0;
	s8 =	sadd.s32 $0x4000, s8  }
.Ltmp0:
0x12: {  	s24 =	sadd.s32 $0x5E000, s14;
	s26 =	sadd.s32 $0xE000, s14;
	(pc) =	sbr.rel .LBB2_1-.Ltmp0, $4  }
0x13: {  	s18 =	sshrl.u32 s25, $0x1;
	s25 =	simm.s32 $0x2900;
	[dreg:$0x4] =	wrdreg s8  }
0x14: {  	s23 =	ssub.s32 $0x9C4, s6;
	s4 =	sadd.s32 s5, s4;
	[dreg:$0x6] =	wrdreg s24  }
0x15: {  	v0 =	vimm.f32 $0.0e+00;
	vm0 =	vcmask $0x300;
	[dreg:$0x7] =	wrdreg s26;
	s24 =	simm.s32 $0x80;
	s26 =	simm.s32 $0x2980  }
0x16: {  	v1 =	vsel vm0, $0x3F800000, v0;
	s13 =	smin.u32 s23, $0x50;
	[dreg:$0x5] =	wrdreg s4;
	s23 =	simm.s32 $0x1  }
.LBB2_18:
0x17: {  	_ =	swait.ge [sflag:s29], $0x4000  }
0x18: {  	[sflag:s29] =	ssyncset.done $0x0  }
0x19: {  	s0 =	sadd.s32 $0x1, s0;
	[sflag:s29] =	ssyncadd.s32 $0xFFFFC000  }
0x1a: {  	p0 =	sne.s32 s0, s19;
	[bflag:$0x0] =	sbarrier.arrive $0xFFFF  }
.Ltmp1:
0x1b: {  	s2 =	rddreg [dreg:$0x7];
	(pc) =	sbr.rel @!p0 .LBB2_19-.Ltmp1, $4  }
0x1c: {  	[hbm:s2], [sflag:s4] =	dma.local [spmem:s22], $0x2800  }
0x1d: {  	_ =	swait.ge [sflag:s20], $0x2800  }
0x1e: {  	[sflag:s20] =	ssyncset.done $0x0  }
0x1f: {  	[sflag:s20] =	ssyncadd.s32 $0xFFFFD800  }
.LBB2_1:
0x20: {  	s2 =	simm.s32 $0x0;
	s4 =	rddreg [dreg:$0x4]  }
0x21: {  	[tilespmem:s2], [sflag:$0x3] =	stream.linear.gather [hbm4b:s4+s2], $0x2800, $0x38;
	[tilespmem:$0x1FA00] =	vst v63  }
0x22: {  	_ =	swait.ge [sflag:s20], $0x2800  }
0x23: {  	[sflag:s20] =	ssyncset.done $0x0  }
0x24: {  	s2 =	simm.s32 $0x0;
	s4 =	simm.s32 $0x200;
	[sflag:s20] =	ssyncadd.s32 $0xFFFFD800  }
.LBB2_2:
0x25: {  	p0 =	sne.s32 s4, $0xFE00;
	[tilespmem:s2+$0x3A70] =	vst v0  }
0x26: {  	[tilespmem:s2+$0x3A00] =	vst v0  }
0x27: {  	[tilespmem:s2+$0x3A10] =	vst v0  }
.Ltmp2:
0x28: {  	[tilespmem:s2+$0x3A20] =	vst v0;
	(pc) =	sbr.rel @p0 .LBB2_2-.Ltmp2, $4  }
0x29: {  	[tilespmem:s2+$0x3A30] =	vst v0  }
0x2a: {  	[tilespmem:s2+$0x3A40] =	vst v0  }
0x2b: {  	[tilespmem:s2+$0x3A50] =	vst v0  }
0x2c: {  	[tilespmem:s2+$0x3A60] =	vst v0;
	s2 =	sshra.s32 s4, $0x2;
	s4 =	sadd.s32 $0x200, s4  }
0x2d: {  	[tilespmem:s2+$0x3A70] =	vst v0  }
0x2e: {  	[tilespmem:s2+$0x3A00] =	vst v0  }
0x2f: {  	[tilespmem:s2+$0x3A10] =	vst v0  }
0x30: {  	[tilespmem:s2+$0x3A20] =	vst v0  }
0x31: {  	[tilespmem:s2+$0x3A30] =	vst v0  }
0x32: {  	[tilespmem:s2+$0x3A40] =	vst v0  }
0x33: {  	[tilespmem:s2+$0x3A50] =	vst v0  }
0x34: {  	[tilespmem:s2+$0x3A60] =	vst v0  }
0x35: {  	[spmem:s7] =	stream.linear.scatter [tilespmem:s21], [sflag:$0x3], $0x4000, $0x38;
	[tilespmem:$0x1FA00] =	vst v63  }
0x36: {  	_ =	swait.ge [sflag:s20], $0x4000  }
0x37: {  	[sflag:s20] =	ssyncset.done $0x0  }
0x38: {  	[sflag:s20] =	ssyncadd.s32 $0xFFFFC000  }
0x39: {  	[spmem:s9] =	stream.linear.scatter [tilespmem:s21], [sflag:$0x3], $0x4000, $0x38;
	[tilespmem:$0x1FA00] =	vst v63  }
0x3a: {  	_ =	swait.ge [sflag:s20], $0x4000  }
0x3b: {  	[sflag:s20] =	ssyncset.done $0x0  }
0x3c: {  	[sflag:s20] =	ssyncadd.s32 $0xFFFFC000  }
0x3d: {  	[spmem:s10] =	stream.linear.scatter [tilespmem:s21], [sflag:$0x3], $0x4000, $0x38;
	[tilespmem:$0x1FA00] =	vst v63  }
0x3e: {  	_ =	swait.ge [sflag:s20], $0x4000  }
0x3f: {  	[sflag:s20] =	ssyncset.done $0x0  }
0x40: {  	[sflag:s20] =	ssyncadd.s32 $0xFFFFC000  }
0x41: {  	[spmem:s11] =	stream.linear.scatter [tilespmem:s21], [sflag:$0x3], $0x4000, $0x38;
	[tilespmem:$0x1FA00] =	vst v63  }
0x42: {  	_ =	swait.ge [sflag:s20], $0x4000  }
0x43: {  	[sflag:s20] =	ssyncset.done $0x0  }
0x44: {  	[sflag:s20] =	ssyncadd.s32 $0xFFFFC000  }
0x45: {  	[spmem:s12] =	stream.linear.scatter [tilespmem:s21], [sflag:$0x3], $0x4000, $0x38;
	[tilespmem:$0x1FA00] =	vst v63  }
0x46: {  	_ =	swait.ge [sflag:s20], $0x4000  }
0x47: {  	[sflag:s20] =	ssyncset.done $0x0  }
0x48: {  	[sflag:s20] =	ssyncadd.s32 $0xFFFFC000  }
0x49: {  	s2 =	simm.s32 $0x0;
	s4 =	simm.s32 $0x200;
	[bflag:$0x0] =	sbarrier.arrive $0xFFFF  }
.LBB2_4:
0x4a: {  	p0 =	sne.s32 s4, $0xFE00;
	[tilespmem:s2+$0x7A70] =	vst v0  }
0x4b: {  	[tilespmem:s2+$0x7A00] =	vst v0  }
0x4c: {  	[tilespmem:s2+$0x7A10] =	vst v0  }
.Ltmp3:
0x4d: {  	[tilespmem:s2+$0x7A20] =	vst v0;
	(pc) =	sbr.rel @p0 .LBB2_4-.Ltmp3, $4  }
0x4e: {  	[tilespmem:s2+$0x7A30] =	vst v0  }
0x4f: {  	[tilespmem:s2+$0x7A40] =	vst v0  }
0x50: {  	[tilespmem:s2+$0x7A50] =	vst v0  }
0x51: {  	[tilespmem:s2+$0x7A60] =	vst v0;
	s2 =	sshra.s32 s4, $0x2;
	s4 =	sadd.s32 $0x200, s4  }
0x52: {  	[tilespmem:s2+$0x7A70] =	vst v0  }
0x53: {  	[tilespmem:s2+$0x7A00] =	vst v0  }
0x54: {  	[tilespmem:s2+$0x7A10] =	vst v0  }
0x55: {  	[tilespmem:s2+$0x7A20] =	vst v0  }
0x56: {  	[tilespmem:s2+$0x7A30] =	vst v0  }
0x57: {  	[tilespmem:s2+$0x7A40] =	vst v0  }
0x58: {  	[tilespmem:s2+$0x7A50] =	vst v0  }
0x59: {  	[tilespmem:s2+$0x7A60] =	vst v0;
	s2 =	simm.s32 $0x200;
	s4 =	simm.s32 $0x0  }
.LBB2_6:
0x5a: {  	p0 =	sne.s32 s2, $0xFE00;
	[tilespmem:s4+$0x3A10] =	vst v1;
	s8 =	smov.u32 s2;
	s2 =	sadd.s32 $0x200, s2  }
.Ltmp4:
0x5b: {  	[tilespmem:s4+$0x7A10] =	vst v1;
	(pc) =	sbr.rel @p0 .LBB2_6-.Ltmp4, $2  }
0x5c: {  	_ =	sdelay $0x2  }
0x5d: {  	s4 =	sshra.s32 s8, $0x2  }
0x5e: {  	[tilespmem:s4+$0x3A10] =	vst v1  }
0x5f: {  	[tilespmem:s4+$0x7A10] =	vst v1  }
0x60: {  	v2 =	vld [tilespmem:$0x0]  }
0x61: {  	v3 =	vld [tilespmem:$0x10]  }
0x62: {  	v4 =	vld [tilespmem:$0x20]  }
0x63: {  	v5 =	vld [tilespmem:$0x30]  }
0x64: {  	v6 =	vld [tilespmem:$0x40]  }
0x65: {  	v7 =	vld [tilespmem:$0x50];
	v2 =	vshrl.u32 v2, $0x10  }
0x66: {  	[tilespmem:$0x2900] =	vst v2;
	v2 =	vshrl.u32 v3, $0x10;
	v3 =	vld [tilespmem:$0x60]  }
0x67: {  	v63 =	vld [tilespmem:$0x70];
	[tilespmem:$0x2910] =	vst v2;
	v2 =	vshrl.u32 v4, $0x10  }
0x68: {  	[tilespmem:$0x2920] =	vst v2;
	v2 =	vshrl.u32 v5, $0x10  }
0x69: {  	[tilespmem:$0x2930] =	vst v2;
	v2 =	vshrl.u32 v6, $0x10  }
0x6a: {  	[tilespmem:$0x2940] =	vst v2;
	v2 =	vshrl.u32 v7, $0x10  }
0x6b: {  	[tilespmem:$0x2950] =	vst v2;
	v2 =	vshrl.u32 v3, $0x10  }
0x6c: {  	[tilespmem:$0x2960] =	vst v2;
	v2 =	vshrl.u32 v63, $0x10  }
0x6d: {  	s4 =	simm.s32 $0x0;
	s2 =	rddreg [dreg:$0x5];
	s8 =	simm.s32 $0x2A00;
	[tilespmem:$0x2970] =	vst v2  }
0x6e: {  	[tilespmem:s8], [sflag:$0x1] =	stream.linear.gather [hbm4b:s2+s4], $0x800, $0x38;
	[tilespmem:$0x1FA00] =	vst v63  }
.LBB2_8:
0x6f: {  	_ =	swait.ge [sflag:s23], $0x800  }
0x70: {  	p0 =	seq.s32 s4, $0x0;
	[sflag:s23] =	ssyncset.done $0x0  }
0x71: {  	s2 =	sshll.u32 s4, $0x1;
	s8 =	simm.s32 @!p0 $0x2;
	[sflag:s23] =	ssyncadd.s32 $0xFFFFF800  }
0x72: {  	s22 =	sor.u32 $0x1, s2;
	_ =	swait.ge @!p0 [sflag:s8], $0x4000  }
0x73: {  	s14 =	sadd.s32 s6, s2;
	p1 =	sge.u32 s22, s13;
	[sflag:s8] =	ssyncset.done @!p0 $0x0  }
0x74: {  	s17 =	sshll.u32 s4, $0xA;
	[sflag:s8] =	ssyncadd.s32 @!p0 $0xFFFFC000;
	s8 =	sshll.u32 @!p1 s14, $0x8  }
0x75: {  	s16 =	simm.s32 @!p1 $0x3200;
	s14 =	simm.s32 @!p1 $0x0;
	s8 =	sadd.s32 @!p1 s8, s15  }
0x76: {  	[tilespmem:s16], [sflag:$0x1] =	stream.linear.gather @!p1 [hbm4b:s8+s14], $0x800, $0x38;
	[tilespmem:$0x1FA00] =	vst v63  }
0x77: {  	s8 =	sshra.s32 s17, $0x2  }
0x78: {  	v2 =	vld [tilespmem:s8+$0x0];
	_ =	sdelay $0x4  }
0x79: {  	v2 =	vshrl.u32 v2, $0x10  }
0x7a: {  	[tilespmem:$0x2900] =	vst v2  }
0x7b: {  	v2 =	vld [tilespmem:s8+$0x10];
	_ =	sdelay $0x4  }
0x7c: {  	v2 =	vshrl.u32 v2, $0x10  }
0x7d: {  	[tilespmem:$0x2910] =	vst v2  }
0x7e: {  	v2 =	vld [tilespmem:s8+$0x20];
	_ =	sdelay $0x4  }
0x7f: {  	v2 =	vshrl.u32 v2, $0x10  }
0x80: {  	[tilespmem:$0x2920] =	vst v2  }
0x81: {  	v2 =	vld [tilespmem:s8+$0x30];
	_ =	sdelay $0x4  }
0x82: {  	v2 =	vshrl.u32 v2, $0x10  }
0x83: {  	[tilespmem:$0x2930] =	vst v2  }
0x84: {  	v2 =	vld [tilespmem:s8+$0x40];
	_ =	sdelay $0x4  }
0x85: {  	v2 =	vshrl.u32 v2, $0x10  }
0x86: {  	[tilespmem:$0x2940] =	vst v2  }
0x87: {  	v2 =	vld [tilespmem:s8+$0x50];
	_ =	sdelay $0x4  }
0x88: {  	v2 =	vshrl.u32 v2, $0x10  }
0x89: {  	[tilespmem:$0x2950] =	vst v2  }
0x8a: {  	v2 =	vld [tilespmem:s8+$0x60];
	_ =	sdelay $0x4  }
0x8b: {  	v2 =	vshrl.u32 v2, $0x10  }
0x8c: {  	[tilespmem:$0x2960] =	vst v2  }
0x8d: {  	v2 =	vld [tilespmem:s8+$0x70];
	_ =	sdelay $0x4  }
0x8e: {  	v2 =	vshrl.u32 v2, $0x10  }
0x8f: {  	s8 =	simm.s32 $0x2A40;
	[tilespmem:$0x2970] =	vst v2  }
0x90: {  	s14 =	simm.s32 $0x1000;
	s16 =	simm.s32 $0x0;
	v2 =	vld [tilespmem:s8+$0xFFFFFFC0]  }
.LBB2_9:
0x91: {  	p1 =	sne.s32 s14, $0xF000;
	_ =	sdelay $0x2  }
0x92: {  	s17 =	sshra.s32 s16, $0x2;
	s16 =	smov.u32 s14  }
0x93: {  	[tilespmem:s17+$0x3A00] =	vst v2  }
0x94: {  	v2 =	vld [tilespmem:s8+$0xFFFFFFD0];
	_ =	sdelay $0x4  }
0x95: {  	[tilespmem:s17+$0x3A80] =	vst v2  }
0x96: {  	v2 =	vld [tilespmem:s8+$0xFFFFFFE0];
	_ =	sdelay $0x4  }
0x97: {  	[tilespmem:s17+$0x3B00] =	vst v2  }
0x98: {  	v2 =	vld [tilespmem:s8+$0xFFFFFFF0];
	_ =	sdelay $0x4  }
0x99: {  	[tilespmem:s17+$0x3B80] =	vst v2  }
0x9a: {  	v2 =	vld [tilespmem:s8+$0x0];
	_ =	sdelay $0x4  }
0x9b: {  	[tilespmem:s17+$0x3C00] =	vst v2  }
0x9c: {  	v2 =	vld [tilespmem:s8+$0x10];
	_ =	sdelay $0x4  }
0x9d: {  	[tilespmem:s17+$0x3C80] =	vst v2  }
0x9e: {  	v2 =	vld [tilespmem:s8+$0x20];
	_ =	sdelay $0x4  }
0x9f: {  	[tilespmem:s17+$0x3D00] =	vst v2  }
0xa0: {  	v2 =	vld [tilespmem:s8+$0x30];
	_ =	sdelay $0x1  }
.Ltmp5:
0xa1: {  	(pc) =	sbr.rel @p1 .LBB2_9-.Ltmp5, $3  }
0xa2: {  	_ =	sdelay $0x1  }
0xa3: {  	s8 =	sadd.s32 $0x80, s8;
	[tilespmem:s17+$0x3D80] =	vst v2  }
0xa4: {  	s14 =	sadd.s32 $0x1000, s14;
	v2 =	vld [tilespmem:s8+$0xFFFFFFC0]  }
0xa5: {  	_ =	sdelay $0x2  }
0xa6: {  	s14 =	sshra.s32 s16, $0x2  }
0xa7: {  	[tilespmem:s14+$0x3A00] =	vst v2  }
0xa8: {  	v2 =	vld [tilespmem:s8+$0xFFFFFFD0];
	_ =	sdelay $0x4  }
0xa9: {  	[tilespmem:s14+$0x3A80] =	vst v2  }
0xaa: {  	v2 =	vld [tilespmem:s8+$0xFFFFFFE0];
	_ =	sdelay $0x4  }
0xab: {  	[tilespmem:s14+$0x3B00] =	vst v2  }
0xac: {  	v2 =	vld [tilespmem:s8+$0xFFFFFFF0];
	_ =	sdelay $0x4  }
0xad: {  	[tilespmem:s14+$0x3B80] =	vst v2  }
0xae: {  	v2 =	vld [tilespmem:s8+$0x0];
	_ =	sdelay $0x4  }
0xaf: {  	[tilespmem:s14+$0x3C00] =	vst v2  }
0xb0: {  	v2 =	vld [tilespmem:s8+$0x10];
	_ =	sdelay $0x4  }
0xb1: {  	[tilespmem:s14+$0x3C80] =	vst v2  }
0xb2: {  	v2 =	vld [tilespmem:s8+$0x20];
	_ =	sdelay $0x4  }
0xb3: {  	[tilespmem:s14+$0x3D00] =	vst v2  }
0xb4: {  	v2 =	vld [tilespmem:s8+$0x30];
	_ =	sdelay $0x4  }
0xb5: {  	[tilespmem:s14+$0x3D80] =	vst v2  }
0xb6: {  	[spmem:s3] =	stream.indirect.scatter.add.f32 [tilespmem:s21], [sflag:$0x2], $0x80, s25, s24, $0xb8;
	[tilespmem:$0x1FA00] =	vst v63  }
0xb7: {  	s2 =	sadd.s32 $0x2, s2;
	_ =	swait.ge [sflag:s23], $0x800  }
0xb8: {  	p1 =	sge.u32 s2, s13;
	s8 =	sadd.s32 s6, s22;
	[sflag:s23] =	ssyncset.done $0x0  }
0xb9: {  	s2 =	sshll.u32 @!p1 s8, $0x8;
	s14 =	simm.s32 @!p0 $0x2;
	[sflag:s23] =	ssyncadd.s32 $0xFFFFF800  }
0xba: {  	s22 =	sshll.u32 s22, $0x9;
	s2 =	sand.u32 @!p1 $0x1FFFFF00, s2;
	_ =	swait.ge @!p0 [sflag:s14], $0x4000  }
0xbb: {  	s8 =	simm.s32 @!p1 $0x0;
	s2 =	sadd.s32 @!p1 s5, s2;
	[sflag:s14] =	ssyncset.done @!p0 $0x0  }
0xbc: {  	s2 =	sadd.s32 @!p1 $0x100, s2;
	[sflag:s14] =	ssyncadd.s32 @!p0 $0xFFFFC000;
	s14 =	simm.s32 @!p1 $0x2A00  }
0xbd: {  	[tilespmem:s14], [sflag:$0x1] =	stream.linear.gather @!p1 [hbm4b:s2+s8], $0x800, $0x38;
	[tilespmem:$0x1FA00] =	vst v63  }
0xbe: {  	s2 =	sshra.s32 s22, $0x2  }
0xbf: {  	v2 =	vld [tilespmem:s2+$0x0];
	_ =	sdelay $0x4  }
0xc0: {  	v2 =	vshrl.u32 v2, $0x10  }
0xc1: {  	[tilespmem:$0x2980] =	vst v2  }
0xc2: {  	v2 =	vld [tilespmem:s2+$0x10];
	_ =	sdelay $0x4  }
0xc3: {  	v2 =	vshrl.u32 v2, $0x10  }
0xc4: {  	[tilespmem:$0x2990] =	vst v2  }
0xc5: {  	v2 =	vld [tilespmem:s2+$0x20];
	_ =	sdelay $0x4  }
0xc6: {  	v2 =	vshrl.u32 v2, $0x10  }
0xc7: {  	[tilespmem:$0x29A0] =	vst v2  }
0xc8: {  	v2 =	vld [tilespmem:s2+$0x30];
	_ =	sdelay $0x4  }
0xc9: {  	v2 =	vshrl.u32 v2, $0x10  }
0xca: {  	[tilespmem:$0x29B0] =	vst v2  }
0xcb: {  	v2 =	vld [tilespmem:s2+$0x40];
	_ =	sdelay $0x4  }
0xcc: {  	v2 =	vshrl.u32 v2, $0x10  }
0xcd: {  	[tilespmem:$0x29C0] =	vst v2  }
0xce: {  	v2 =	vld [tilespmem:s2+$0x50];
	_ =	sdelay $0x4  }
0xcf: {  	v2 =	vshrl.u32 v2, $0x10  }
0xd0: {  	[tilespmem:$0x29D0] =	vst v2  }
0xd1: {  	v2 =	vld [tilespmem:s2+$0x60];
	_ =	sdelay $0x4  }
0xd2: {  	v2 =	vshrl.u32 v2, $0x10  }
0xd3: {  	[tilespmem:$0x29E0] =	vst v2  }
0xd4: {  	v2 =	vld [tilespmem:s2+$0x70];
	_ =	sdelay $0x4  }
0xd5: {  	v2 =	vshrl.u32 v2, $0x10  }
0xd6: {  	s2 =	simm.s32 $0x3240;
	[tilespmem:$0x29F0] =	vst v2  }
0xd7: {  	s8 =	simm.s32 $0x0;
	s14 =	simm.s32 $0x1000;
	v2 =	vld [tilespmem:s2+$0xFFFFFFC0]  }
.LBB2_11:
0xd8: {  	p0 =	sne.s32 s14, $0xF000;
	_ =	sdelay $0x2  }
0xd9: {  	s16 =	sshra.s32 s8, $0x2;
	s8 =	smov.u32 s14  }
0xda: {  	[tilespmem:s16+$0x7A00] =	vst v2  }
0xdb: {  	v2 =	vld [tilespmem:s2+$0xFFFFFFD0];
	_ =	sdelay $0x4  }
0xdc: {  	[tilespmem:s16+$0x7A80] =	vst v2  }
0xdd: {  	v2 =	vld [tilespmem:s2+$0xFFFFFFE0];
	_ =	sdelay $0x4  }
0xde: {  	[tilespmem:s16+$0x7B00] =	vst v2  }
0xdf: {  	v2 =	vld [tilespmem:s2+$0xFFFFFFF0];
	_ =	sdelay $0x4  }
0xe0: {  	[tilespmem:s16+$0x7B80] =	vst v2  }
0xe1: {  	v2 =	vld [tilespmem:s2+$0x0];
	_ =	sdelay $0x4  }
0xe2: {  	[tilespmem:s16+$0x7C00] =	vst v2  }
0xe3: {  	v2 =	vld [tilespmem:s2+$0x10];
	_ =	sdelay $0x4  }
0xe4: {  	[tilespmem:s16+$0x7C80] =	vst v2  }
0xe5: {  	v2 =	vld [tilespmem:s2+$0x20];
	_ =	sdelay $0x4  }
0xe6: {  	[tilespmem:s16+$0x7D00] =	vst v2  }
0xe7: {  	v2 =	vld [tilespmem:s2+$0x30];
	_ =	sdelay $0x1  }
.Ltmp6:
0xe8: {  	(pc) =	sbr.rel @p0 .LBB2_11-.Ltmp6, $3  }
0xe9: {  	_ =	sdelay $0x1  }
0xea: {  	s2 =	sadd.s32 $0x80, s2;
	[tilespmem:s16+$0x7D80] =	vst v2  }
0xeb: {  	s14 =	sadd.s32 $0x1000, s14;
	v2 =	vld [tilespmem:s2+$0xFFFFFFC0]  }
0xec: {  	_ =	sdelay $0x2  }
0xed: {  	s8 =	sshra.s32 s8, $0x2  }
0xee: {  	[tilespmem:s8+$0x7A00] =	vst v2  }
0xef: {  	v2 =	vld [tilespmem:s2+$0xFFFFFFD0];
	_ =	sdelay $0x4  }
0xf0: {  	[tilespmem:s8+$0x7A80] =	vst v2  }
0xf1: {  	v2 =	vld [tilespmem:s2+$0xFFFFFFE0];
	_ =	sdelay $0x4  }
0xf2: {  	[tilespmem:s8+$0x7B00] =	vst v2  }
0xf3: {  	v2 =	vld [tilespmem:s2+$0xFFFFFFF0];
	_ =	sdelay $0x4  }
0xf4: {  	[tilespmem:s8+$0x7B80] =	vst v2  }
0xf5: {  	v2 =	vld [tilespmem:s2+$0x0];
	_ =	sdelay $0x4  }
0xf6: {  	[tilespmem:s8+$0x7C00] =	vst v2  }
0xf7: {  	v2 =	vld [tilespmem:s2+$0x10];
	_ =	sdelay $0x4  }
0xf8: {  	[tilespmem:s8+$0x7C80] =	vst v2  }
0xf9: {  	v2 =	vld [tilespmem:s2+$0x20];
	_ =	sdelay $0x4  }
0xfa: {  	[tilespmem:s8+$0x7D00] =	vst v2  }
0xfb: {  	s4 =	sadd.s32 $0x1, s4;
	v2 =	vld [tilespmem:s2+$0x30]  }
0xfc: {  	p0 =	sne.s32 s4, s18  }
.Ltmp7:
0xfd: {  	_ = 	snop;
	(pc) =	sbr.rel @p0 .LBB2_8-.Ltmp7, $3  }
0xfe: {  	_ =	sdelay $0x1  }
0xff: {  	[tilespmem:s8+$0x7D80] =	vst v2  }
0x100: {  	[spmem:s3] =	stream.indirect.scatter.add.f32 [tilespmem:s28], [sflag:$0x2], $0x80, s26, s24, $0xb8;
	[tilespmem:$0x1FA00] =	vst v63  }
0x101: {  	_ =	swait.ge [sflag:s29], $0x4000  }
0x102: {  	[sflag:s29] =	ssyncset.done $0x0  }
0x103: {  	[sflag:s29] =	ssyncadd.s32 $0xFFFFC000  }
0x104: {  	_ =	swait.ge [sflag:s29], $0x4000  }
0x105: {  	[sflag:s29] =	ssyncset.done $0x0  }
0x106: {  	s2 =	stileid.u32;
	[sflag:s29] =	ssyncadd.s32 $0xFFFFC000  }
0x107: {  	s2 =	sshll.u32 s2, $0x6;
	[bflag:$0x0] =	sbarrier.arrive $0xFFFF  }
0x108: {  	s22 =	sshrl.u32 s7, $0x3;
	s4 =	sor.u32 $0x1C03, s2;
	s17 =	rddreg [dreg:$0x6]  }
0x109: {  	[hbm:s17], [sflag:s4] =	dma.local [spmem:s22], $0x2800  }
0x10a: {  	_ =	swait.ge [sflag:s20], $0x2800  }
0x10b: {  	[sflag:s20] =	ssyncset.done $0x0  }
0x10c: {  	s8 =	simm.s32 $0x200;
	s2 =	simm.s32 $0x0;
	[sflag:s20] =	ssyncadd.s32 $0xFFFFD800  }
.LBB2_14:
0x10d: {  	p0 =	sne.s32 s8, $0xFE00;
	[tilespmem:s2+$0x3A70] =	vst v0  }
0x10e: {  	[tilespmem:s2+$0x3A00] =	vst v0  }
0x10f: {  	[tilespmem:s2+$0x3A10] =	vst v0  }
.Ltmp8:
0x110: {  	[tilespmem:s2+$0x3A20] =	vst v0;
	(pc) =	sbr.rel @p0 .LBB2_14-.Ltmp8, $4  }
0x111: {  	[tilespmem:s2+$0x3A30] =	vst v0  }
0x112: {  	[tilespmem:s2+$0x3A40] =	vst v0  }
0x113: {  	[tilespmem:s2+$0x3A50] =	vst v0  }
0x114: {  	[tilespmem:s2+$0x3A60] =	vst v0;
	s2 =	sshra.s32 s8, $0x2;
	s8 =	sadd.s32 $0x200, s8  }
0x115: {  	[tilespmem:s2+$0x3A70] =	vst v0  }
0x116: {  	[tilespmem:s2+$0x3A00] =	vst v0  }
0x117: {  	[tilespmem:s2+$0x3A10] =	vst v0  }
0x118: {  	[tilespmem:s2+$0x3A20] =	vst v0  }
0x119: {  	[tilespmem:s2+$0x3A30] =	vst v0  }
0x11a: {  	[tilespmem:s2+$0x3A40] =	vst v0  }
0x11b: {  	[tilespmem:s2+$0x3A50] =	vst v0  }
0x11c: {  	[tilespmem:s2+$0x3A60] =	vst v0  }
0x11d: {  	[spmem:s7] =	stream.linear.scatter [tilespmem:s21], [sflag:$0x3], $0x4000, $0x38;
	[tilespmem:$0x1FA00] =	vst v63  }
0x11e: {  	_ =	swait.ge [sflag:s20], $0x4000  }
0x11f: {  	[sflag:s20] =	ssyncset.done $0x0  }
0x120: {  	[sflag:s20] =	ssyncadd.s32 $0xFFFFC000  }
0x121: {  	[spmem:s9] =	stream.linear.scatter [tilespmem:s21], [sflag:$0x3], $0x4000, $0x38;
	[tilespmem:$0x1FA00] =	vst v63  }
0x122: {  	_ =	swait.ge [sflag:s20], $0x4000  }
0x123: {  	[sflag:s20] =	ssyncset.done $0x0  }
0x124: {  	[sflag:s20] =	ssyncadd.s32 $0xFFFFC000  }
0x125: {  	[spmem:s10] =	stream.linear.scatter [tilespmem:s21], [sflag:$0x3], $0x4000, $0x38;
	[tilespmem:$0x1FA00] =	vst v63  }
0x126: {  	_ =	swait.ge [sflag:s20], $0x4000  }
0x127: {  	[sflag:s20] =	ssyncset.done $0x0  }
0x128: {  	[sflag:s20] =	ssyncadd.s32 $0xFFFFC000  }
0x129: {  	[spmem:s11] =	stream.linear.scatter [tilespmem:s21], [sflag:$0x3], $0x4000, $0x38;
	[tilespmem:$0x1FA00] =	vst v63  }
0x12a: {  	_ =	swait.ge [sflag:s20], $0x4000  }
0x12b: {  	[sflag:s20] =	ssyncset.done $0x0  }
0x12c: {  	[sflag:s20] =	ssyncadd.s32 $0xFFFFC000  }
0x12d: {  	[spmem:s12] =	stream.linear.scatter [tilespmem:s21], [sflag:$0x3], $0x4000, $0x38;
	[tilespmem:$0x1FA00] =	vst v63  }
0x12e: {  	_ =	swait.ge [sflag:s20], $0x4000  }
0x12f: {  	[sflag:s20] =	ssyncset.done $0x0  }
0x130: {  	[sflag:s20] =	ssyncadd.s32 $0xFFFFC000  }
0x131: {  	[bflag:$0x0] =	sbarrier.arrive $0xFFFF  }
0x132: {  	v2 =	vld [tilespmem:$0x0];
	_ =	sdelay $0x1  }
0x133: {  	v3 =	vld [tilespmem:$0x10];
	_ =	sdelay $0x1  }
0x134: {  	v4 =	vld [tilespmem:$0x20]  }
0x135: {  	v5 =	vand.u32 $0xFFFF, v2  }
0x136: {  	v61 =	vld [tilespmem:$0x30];
	v2 =	vshrl.u32 v2, $0x10;
	[tilespmem:$0x2800] =	vst v5  }
0x137: {  	[tilespmem:$0x2900] =	vst v2;
	v2 =	vand.u32 $0xFFFF, v3  }
0x138: {  	[tilespmem:$0x2810] =	vst v2;
	v2 =	vshrl.u32 v3, $0x10;
	v3 =	vld [tilespmem:$0x40]  }
0x139: {  	[tilespmem:$0x2910] =	vst v2;
	v2 =	vand.u32 $0xFFFF, v4  }
0x13a: {  	v62 =	vld [tilespmem:$0x50];
	[tilespmem:$0x2820] =	vst v2;
	v2 =	vshrl.u32 v4, $0x10  }
0x13b: {  	[tilespmem:$0x2920] =	vst v2;
	v2 =	vand.u32 $0xFFFF, v61  }
0x13c: {  	v63 =	vld [tilespmem:$0x60];
	[tilespmem:$0x2830] =	vst v2;
	v2 =	vshrl.u32 v61, $0x10  }
0x13d: {  	[tilespmem:$0x2930] =	vst v2;
	v2 =	vand.u32 $0xFFFF, v3  }
0x13e: {  	[tilespmem:$0x2840] =	vst v2;
	v2 =	vshrl.u32 v3, $0x10;
	v3 =	vld [tilespmem:$0x70]  }
0x13f: {  	[tilespmem:$0x2940] =	vst v2;
	v2 =	vand.u32 $0xFFFF, v62  }
0x140: {  	[tilespmem:$0x2850] =	vst v2;
	v2 =	vshrl.u32 v62, $0x10  }
0x141: {  	[tilespmem:$0x2950] =	vst v2;
	v2 =	vand.u32 $0xFFFF, v63  }
0x142: {  	[tilespmem:$0x2860] =	vst v2;
	v2 =	vshrl.u32 v63, $0x10  }
0x143: {  	[tilespmem:$0x2960] =	vst v2;
	v2 =	vand.u32 $0xFFFF, v3  }
0x144: {  	[tilespmem:$0x2870] =	vst v2;
	v2 =	vshrl.u32 v3, $0x10  }
0x145: {  	s2 =	simm.s32 $0x0;
	[tilespmem:$0x2970] =	vst v2  }
0x146: {  	[tilespmem:s21], [sflag:$0x1] =	stream.indirect.gather [hbm4b:s1+s24], $0x80, s30, s24, $0xb8;
	[tilespmem:$0x1FA00] =	vst v63  }
.LBB2_16:
0x147: {  	_ =	swait.ge [sflag:s23], $0x4000  }
0x148: {  	p0 =	seq.s32 s2, $0x0;
	[sflag:s23] =	ssyncset.done $0x0  }
0x149: {  	s8 =	simm.s32 @!p0 $0x2;
	[sflag:s23] =	ssyncadd.s32 $0xFFFFC000  }
0x14a: {  	_ =	swait.ge @!p0 [sflag:s8], $0x4000  }
0x14b: {  	[sflag:s8] =	ssyncset.done @!p0 $0x0  }
0x14c: {  	[sflag:s8] =	ssyncadd.s32 @!p0 $0xFFFFC000;
	s8 =	sshra.s32 s2, $0x2  }
0x14d: {  	[spmem:s3] =	stream.indirect.scatter.add.f32 [tilespmem:s21], [sflag:$0x2], $0x80, s25, s24, $0xb8;
	[tilespmem:$0x1FA00] =	vst v63  }
0x14e: {  	v2 =	vld [tilespmem:s8+$0x80];
	_ =	sdelay $0x4  }
0x14f: {  	v3 =	vand.u32 $0xFFFF, v2  }
0x150: {  	v2 =	vshrl.u32 v2, $0x10;
	[tilespmem:$0x2880] =	vst v3  }
0x151: {  	[tilespmem:$0x2980] =	vst v2  }
0x152: {  	v2 =	vld [tilespmem:s8+$0x90];
	_ =	sdelay $0x4  }
0x153: {  	v3 =	vand.u32 $0xFFFF, v2  }
0x154: {  	v2 =	vshrl.u32 v2, $0x10;
	[tilespmem:$0x2890] =	vst v3  }
0x155: {  	[tilespmem:$0x2990] =	vst v2  }
0x156: {  	v2 =	vld [tilespmem:s8+$0xA0];
	_ =	sdelay $0x4  }
0x157: {  	v3 =	vand.u32 $0xFFFF, v2  }
0x158: {  	v2 =	vshrl.u32 v2, $0x10;
	[tilespmem:$0x28A0] =	vst v3  }
0x159: {  	[tilespmem:$0x29A0] =	vst v2  }
0x15a: {  	v2 =	vld [tilespmem:s8+$0xB0];
	_ =	sdelay $0x4  }
0x15b: {  	v3 =	vand.u32 $0xFFFF, v2  }
0x15c: {  	v2 =	vshrl.u32 v2, $0x10;
	[tilespmem:$0x28B0] =	vst v3  }
0x15d: {  	[tilespmem:$0x29B0] =	vst v2  }
0x15e: {  	v2 =	vld [tilespmem:s8+$0xC0];
	_ =	sdelay $0x4  }
0x15f: {  	v3 =	vand.u32 $0xFFFF, v2  }
0x160: {  	v2 =	vshrl.u32 v2, $0x10;
	[tilespmem:$0x28C0] =	vst v3  }
0x161: {  	[tilespmem:$0x29C0] =	vst v2  }
0x162: {  	v2 =	vld [tilespmem:s8+$0xD0];
	_ =	sdelay $0x4  }
0x163: {  	v3 =	vand.u32 $0xFFFF, v2  }
0x164: {  	v2 =	vshrl.u32 v2, $0x10;
	[tilespmem:$0x28D0] =	vst v3  }
0x165: {  	[tilespmem:$0x29D0] =	vst v2  }
0x166: {  	v2 =	vld [tilespmem:s8+$0xE0];
	_ =	sdelay $0x4  }
0x167: {  	v3 =	vand.u32 $0xFFFF, v2  }
0x168: {  	v2 =	vshrl.u32 v2, $0x10;
	[tilespmem:$0x28E0] =	vst v3  }
0x169: {  	[tilespmem:$0x29E0] =	vst v2  }
0x16a: {  	v2 =	vld [tilespmem:s8+$0xF0];
	_ =	sdelay $0x4  }
0x16b: {  	v3 =	vand.u32 $0xFFFF, v2  }
0x16c: {  	v2 =	vshrl.u32 v2, $0x10;
	[tilespmem:$0x28F0] =	vst v3  }
0x16d: {  	[tilespmem:$0x29F0] =	vst v2  }
0x16e: {  	[tilespmem:s28], [sflag:$0x1] =	stream.indirect.gather [hbm4b:s1+s24], $0x80, s31, s24, $0xb8;
	[tilespmem:$0x1FA00] =	vst v63  }
0x16f: {  	_ =	swait.ge [sflag:s23], $0x4000  }
0x170: {  	p0 =	seq.s32 s2, $0x9C00;
	[sflag:s23] =	ssyncset.done $0x0  }
.Ltmp9:
0x171: {  	[sflag:s23] =	ssyncadd.s32 $0xFFFFC000;
	(pc) =	sbr.rel @p0 .LBB2_18-.Ltmp9, $4  }
0x172: {  	_ =	swait.ge [sflag:s29], $0x4000  }
0x173: {  	[sflag:s29] =	ssyncset.done $0x0  }
0x174: {  	[sflag:s29] =	ssyncadd.s32 $0xFFFFC000  }
0x175: {  	[spmem:s3] =	stream.indirect.scatter.add.f32 [tilespmem:s28], [sflag:$0x2], $0x80, s26, s24, $0xb8;
	[tilespmem:$0x1FA00] =	vst v63  }
0x176: {  	v2 =	vld [tilespmem:s8+$0x100];
	_ =	sdelay $0x4  }
0x177: {  	v3 =	vand.u32 $0xFFFF, v2  }
0x178: {  	v2 =	vshrl.u32 v2, $0x10;
	[tilespmem:$0x2800] =	vst v3  }
0x179: {  	[tilespmem:$0x2900] =	vst v2  }
0x17a: {  	v2 =	vld [tilespmem:s8+$0x110];
	_ =	sdelay $0x4  }
0x17b: {  	v3 =	vand.u32 $0xFFFF, v2  }
0x17c: {  	v2 =	vshrl.u32 v2, $0x10;
	[tilespmem:$0x2810] =	vst v3  }
0x17d: {  	[tilespmem:$0x2910] =	vst v2  }
0x17e: {  	v2 =	vld [tilespmem:s8+$0x120];
	_ =	sdelay $0x4  }
0x17f: {  	v3 =	vand.u32 $0xFFFF, v2  }
0x180: {  	v2 =	vshrl.u32 v2, $0x10;
	[tilespmem:$0x2820] =	vst v3  }
0x181: {  	[tilespmem:$0x2920] =	vst v2  }
0x182: {  	v2 =	vld [tilespmem:s8+$0x130];
	_ =	sdelay $0x4  }
0x183: {  	v3 =	vand.u32 $0xFFFF, v2  }
0x184: {  	v2 =	vshrl.u32 v2, $0x10;
	[tilespmem:$0x2830] =	vst v3  }
0x185: {  	[tilespmem:$0x2930] =	vst v2  }
0x186: {  	v2 =	vld [tilespmem:s8+$0x140];
	_ =	sdelay $0x4  }
0x187: {  	v3 =	vand.u32 $0xFFFF, v2  }
0x188: {  	v2 =	vshrl.u32 v2, $0x10;
	[tilespmem:$0x2840] =	vst v3  }
0x189: {  	[tilespmem:$0x2940] =	vst v2  }
0x18a: {  	v2 =	vld [tilespmem:s8+$0x150];
	_ =	sdelay $0x4  }
0x18b: {  	v3 =	vand.u32 $0xFFFF, v2  }
0x18c: {  	v2 =	vshrl.u32 v2, $0x10;
	[tilespmem:$0x2850] =	vst v3  }
0x18d: {  	[tilespmem:$0x2950] =	vst v2  }
0x18e: {  	v2 =	vld [tilespmem:s8+$0x160];
	_ =	sdelay $0x4  }
0x18f: {  	v3 =	vand.u32 $0xFFFF, v2  }
0x190: {  	v2 =	vshrl.u32 v2, $0x10;
	[tilespmem:$0x2860] =	vst v3  }
0x191: {  	[tilespmem:$0x2960] =	vst v2  }
0x192: {  	v2 =	vld [tilespmem:s8+$0x170];
	_ =	sdelay $0x3  }
.Ltmp10:
0x193: {  	_ = 	snop;
	(pc) =	sbr.rel .LBB2_16-.Ltmp10, $4  }
0x194: {  	v3 =	vand.u32 $0xFFFF, v2  }
0x195: {  	v2 =	vshrl.u32 v2, $0x10;
	[tilespmem:$0x2870] =	vst v3  }
0x196: {  	s2 =	sadd.s32 $0x400, s2;
	[tilespmem:$0x2970] =	vst v2  }
0x197: {  	[tilespmem:s21], [sflag:$0x1] =	stream.indirect.gather [hbm4b:s1+s24], $0x80, s30, s24, $0xb8;
	[tilespmem:$0x1FA00] =	vst v63  }
.LBB2_19:
0x198: {  	_ =	sfence.sel $0x180000  }
0x199: {  	[bflag:$0x0] =	sbarrier.arrive $0xFFFF  }
0x19a: {  	_ =	strace $0x90000047  }
0x19b: {  	s0 =	stileid.u32;
	[bflag:$0x2] =	sbarrier.arrive $0xFFFF  }
0x19c: {  	p0 =	sne.s32 s0, $0x0;
	s0 =	rddreg [dreg:$0x3]  }
0x19d: {  	s0 =	sadd.s32 @!p0 $0x100000, s0  }
0x19e: {  	[sflag:s0] =	ssyncadd.tile.s32 @!p0 $0x1;
	_ =	shalt  }
.Lfunc_end2:
_tile_overlayer_lowered:
.L_overlay_start_2:
0x19f: {  	(tag) =	ssettag $0x2  }
0x1a0: {  	s0 =	rddreg [dreg:$0x0];
	s2 =	stileid.u32  }
0x1a1: {  	s1 =	rddreg [dreg:$0x1];
	p0 =	sne.s32 s2, $0x0  }
0x1a2: {  	s3 =	rddreg [dreg:$0x2];
	[bflag:$0x3] =	sbarrier.arrive $0xFFFF;
	s2 =	simm.s32 @!p0 $0x1C03  }
0x1a3: {  	[timem:s3], [sflag:s2] =	dma.local @!p0 [hbm:s0], s1  }
0x1a4: {  	s0 =	simm.s32 @!p0 $0x3  }
0x1a5: {  	_ =	swait.ge @!p0 [sflag:s0], s1  }
0x1a6: {  	s1 =	ssub.s32 @!p0 $0x0, s1;
	[sflag:s0] =	ssyncset.done @!p0 $0x0  }
0x1a7: {  	[sflag:s0] =	ssyncadd.s32 @!p0 s1  }
0x1a8: {  	[bflag:$0x3] =	sbarrier.arrive $0xFFFF  }
0x1a9: {  	_ =	shalt  }

</sc_bundles>
